<compile_context>
chip_gen: v7x
topology: tpu7x:2x2x1
jax: 0.10.2.dev20260603
libtpu: 0.0.44.dev20260713+nightly
codegen_flags: <defaults>
</compile_context>

<pallas_src>
import functools

import jax
import jax.numpy as jnp
import numpy as np
from jax import lax
from jax.experimental import pallas as pl
from jax.experimental.pallas import tpu as pltpu
from jax.experimental.pallas import tpu_sc as plsc

VOCAB = 1000000
D = 32
BATCH = 16384
FIELDS = 26
B_TOT = BATCH * FIELDS
NC = 2
NS = 16
NW = NC * NS
PER_W = B_TOT // NW
BLK = 1024
NBLK = PER_W // BLK
CH = 128

_MAGIC = np.float32(2.0 ** 112)
_MASK = np.int32(0x8FFFE000 - (1 << 32))
_DNUMS = lax.GatherDimensionNumbers(
    offset_dims=(), collapsed_slice_dims=(0,), start_index_map=(0,))

_mesh = plsc.VectorSubcoreMesh(core_axis_name="c", subcore_axis_name="s")


@functools.partial(
    pl.kernel,
    mesh=_mesh,
    compiler_params=pltpu.CompilerParams(
        use_tc_tiling_on_sc=False, needs_layout_passes=False),
    out_type=jax.ShapeDtypeStruct((B_TOT, D), jnp.float32),
    scratch_types=[
        pltpu.VMEM((PER_W,), jnp.int32),
        pltpu.VMEM((BLK, D), jnp.float16),
        pltpu.VMEM((BLK, D), jnp.float16),
        pltpu.VMEM((BLK, D), jnp.float32),
        pltpu.VMEM((BLK, D), jnp.float32),
        pltpu.SemaphoreType.DMA,
        pltpu.SemaphoreType.DMA,
        pltpu.SemaphoreType.DMA,
        pltpu.SemaphoreType.DMA,
    ],
)
def _emb_kernel(idx_hbm, table_hbm, out_hbm,
                idx_v, g0, g1, o0, o1, gs0, gs1, os0, os1):
    c = lax.axis_index("c")
    s = lax.axis_index("s")
    wid = s * NC + c
    base = wid * PER_W
    pltpu.sync_copy(idx_hbm.at[pl.ds(base, PER_W)], idx_v)

    gbufs = (g0, g1)
    obufs = (o0, o1)
    gsems = (gs0, gs1)
    osems = (os0, os1)

    lane = lax.iota(jnp.int32, 16)
    even = (lane & 1) == 0
    perm_lo = lane >> 1
    perm_hi = perm_lo + 8

    def widen(v):
        return lax.bitcast_convert_type(((v << 16) >> 3) & _MASK,
                                        jnp.float32) * _MAGIC

    def convert_block(gbuf, obuf):
        @plsc.parallel_loop(0, BLK, unroll=4)
        def _row(r):
            w16 = lax.bitcast_convert_type(gbuf[r], jnp.int16)
            a, b = plsc.unpack(w16, format=plsc.PackFormat.INTERLEAVED)
            fa = widen(a)
            fb = widen(b)
            for col, perm in ((0, perm_lo), (16, perm_hi)):
                ga = lax.gather(fa, perm[:, None], _DNUMS, slice_sizes=(1,),
                                mode=lax.GatherScatterMode.PROMISE_IN_BOUNDS)
                gb = lax.gather(fb, perm[:, None], _DNUMS, slice_sizes=(1,),
                                mode=lax.GatherScatterMode.PROMISE_IN_BOUNDS)
                obuf[r, pl.ds(col, 16)] = jnp.where(even, ga, gb)

    def gather_copy(b, buf, sem):
        return [
            pltpu.make_async_copy(
                table_hbm.at[idx_v.at[pl.ds(b * BLK + j * CH, CH)]],
                buf.at[pl.ds(j * CH, CH)], sem)
            for j in range(BLK // CH)
        ]

    def out_copy(b, buf, sem):
        return pltpu.make_async_copy(
            buf, out_hbm.at[pl.ds(base + b * BLK, BLK)], sem)

    gcopies = [None, None]
    ocopies = [None, None]
    gcopies[0] = gather_copy(0, gbufs[0], gsems[0])
    for cp in gcopies[0]:
        cp.start()
    for b in range(NBLK):
        cur = b & 1
        nxt = 1 - cur
        if b + 1 < NBLK:
            gcopies[nxt] = gather_copy(b + 1, gbufs[nxt], gsems[nxt])
            for cp in gcopies[nxt]:
                cp.start()
        for cp in gcopies[cur]:
            cp.wait()
        if b >= 2:
            ocopies[cur].wait()
        convert_block(gbufs[cur], obufs[cur])
        ocopies[cur] = out_copy(b, obufs[cur], osems[cur])
        ocopies[cur].start()
    ocopies[0].wait()
    ocopies[1].wait()


def kernel(x, weight):
    idx = x.reshape(-1)
    out = _emb_kernel(idx, weight)
    return out.reshape(BATCH, FIELDS, D)

# --- scband reference (transcript-rebuilt; emitter-appended) ---
"""Pipeline reference for scband-ptqemb-fp16-84241488543758 (READ-ONLY COPY).

The authoritative reference and input builder live on the scoring server;
editing this copy changes nothing except your own understanding.
"""

import jax, jax.numpy as jnp
import numpy as np

VOCAB = 1000000
EMBED_DIM = 32
BATCH = 16384
FIELDS = 26

def setup_inputs(seed: int = 0) -> dict:
    key = jax.random.key(seed)
    k1, k2 = jax.random.split(key)
    x = jax.random.randint(k1, (BATCH, FIELDS), 0, VOCAB, dtype=jnp.int32)
    # fp16 embedding table buffer (post-training quantized to float16)
    weight = (jax.random.normal(k2, (VOCAB, EMBED_DIM), dtype=jnp.float32) * 0.01).astype(jnp.float16)
    return {"x": x, "weight": weight}

def reference(x, weight):
    # F.embedding(x, weight) -> gather rows; then cast to float32
    out = jnp.take(weight, x, axis=0)
    return out.astype(jnp.float32)

if __name__ == "__main__":
    import jax
    _d = setup_inputs()
    print(jax.jit(kernel)(*tuple(_d.values())))

</pallas_src>

<mosaic_0001>
#map = affine_map<(d0, d1) -> (0)>
#map1 = affine_map<(d0, d1) -> (0, 0)>
module attributes {stable_mosaic.version = 14 : i64} {
  func.func @_emb_kernel(%arg0: i32, %arg1: i32, %arg2: memref<425984xi32, #tpu.memory_space<hbm>>, %arg3: memref<1000000x32xf16, #tpu.memory_space<hbm>>, %arg4: memref<425984x32xf32, #tpu.memory_space<hbm>>, %arg5: memref<13312xi32, #tpu.memory_space<vmem>>, %arg6: memref<1024x32xf16, #tpu.memory_space<vmem>>, %arg7: memref<1024x32xf16, #tpu.memory_space<vmem>>, %arg8: memref<1024x32xf32, #tpu.memory_space<vmem>>, %arg9: memref<1024x32xf32, #tpu.memory_space<vmem>>, %arg10: memref<!tpu.dma_semaphore, #tpu.memory_space<semaphore_mem>>, %arg11: memref<!tpu.dma_semaphore, #tpu.memory_space<semaphore_mem>>, %arg12: memref<!tpu.dma_semaphore, #tpu.memory_space<semaphore_mem>>, %arg13: memref<!tpu.dma_semaphore, #tpu.memory_space<semaphore_mem>>) attributes {dimension_semantics = [#tpu.dimension_semantics<core_parallel>, #tpu.dimension_semantics<subcore_parallel>], iteration_bounds = array<i64: 2, 16>, scalar_prefetch = 0 : i64, scratch_operands = 9 : i64, tpu.core_type = #tpu.core_type<sc_vector_subcore>, window_params = [{transform_indices = #map}, {transform_indices = #map1}, {transform_indices = #map1}]} {
    %mul3A = arith.constant 2 : i32
    %mul3A_0 = arith.muli %arg1, %mul3A : i32
    %add3A = arith.addi %mul3A_0, %arg0 : i32
    %mul3A_1 = arith.constant 13312 : i32
    %mul3A_2 = arith.muli %add3A, %mul3A_1 : i32
    "tpu.region"() ({
      %run_scoped3A = tpu.sem_alloc : memref<!tpu.dma_semaphore, #tpu.memory_space<semaphore_mem>>
      %dma_start3A_1842 = tpu.memref_slice %arg2[%mul3A_2] : memref<425984xi32, #tpu.memory_space<hbm>> -> memref<13312xi32, #tpu.memory_space<hbm>>
      %dma_start3A_1843 = tpu.memref_slice %arg2[%mul3A_2] : memref<425984xi32, #tpu.memory_space<hbm>> -> memref<13312xi32, #tpu.memory_space<hbm>>
      tpu.enqueue_dma source(%dma_start3A_1843 : memref<13312xi32, #tpu.memory_space<hbm>>) target(%arg5 : memref<13312xi32, #tpu.memory_space<vmem>>) target_semaphore(%run_scoped3A : memref<!tpu.dma_semaphore, #tpu.memory_space<semaphore_mem>>)
      %dma_wait3A_1844 = tpu.memref_slice %arg2[%mul3A_2] : memref<425984xi32, #tpu.memory_space<hbm>> -> memref<13312xi32, #tpu.memory_space<hbm>>
      %dma_wait3A_1845 = tpu.memref_slice %arg2[%mul3A_2] : memref<425984xi32, #tpu.memory_space<hbm>> -> memref<13312xi32, #tpu.memory_space<hbm>>
      tpu.wait_dma2 semaphore(%run_scoped3A : memref<!tpu.dma_semaphore, #tpu.memory_space<semaphore_mem>>) src(%dma_wait3A_1845 : memref<13312xi32, #tpu.memory_space<hbm>>) dst(%arg5 : memref<13312xi32, #tpu.memory_space<vmem>>)
      tpu.yield
    }) : () -> ()
    %iota3A = tpu.iota {dimensions = array<i32: 0>} : vector<16xi32>
    %and3A = arith.constant 1 : i32
    %and3A_3 = vector.broadcast %and3A : i32 to vector<16xi32>
    %and3A_4 = arith.andi %iota3A, %and3A_3 : vector<16xi32>
    %eq3A = arith.constant 0 : i32
    %eq3A_5 = vector.broadcast %eq3A : i32 to vector<16xi32>
    %eq3A_6 = arith.cmpi eq, %and3A_4, %eq3A_5 : vector<16xi32>
    %shift_right_arithmetic3A = arith.constant 1 : i32
    %shift_right_arithmetic3A_7 = vector.broadcast %shift_right_arithmetic3A : i32 to vector<16xi32>
    %shift_right_arithmetic3A_8 = arith.shrsi %iota3A, %shift_right_arithmetic3A_7 : vector<16xi32>
    %add3A_9 = arith.constant 8 : i32
    %add3A_10 = vector.broadcast %add3A_9 : i32 to vector<16xi32>
    %add3A_11 = arith.addi %shift_right_arithmetic3A_8, %add3A_10 : vector<16xi32>
    %dma_start3A = arith.constant 0 : i32
    %dma_start3A_12 = arith.constant 0 : i32
    %dma_start3A_13 = tpu.memref_slice %arg6[%dma_start3A, %dma_start3A_12] : memref<1024x32xf16, #tpu.memory_space<vmem>> -> memref<128x32xf16, #tpu.memory_space<vmem>>
    %dma_start3A_14 = arith.constant 0 : i32
    %dma_start3A_15 = tpu.memref_slice %arg5[%dma_start3A_14] : memref<13312xi32, #tpu.memory_space<vmem>> -> memref<128xi32, #tpu.memory_space<vmem>>
    %dma_start3A_16 = arith.constant 0 : i32
    %dma_start3A_17 = arith.constant 0 : i32
    %dma_start3A_18 = tpu.memref_slice %arg3[%dma_start3A_16, %dma_start3A_17] : memref<1000000x32xf16, #tpu.memory_space<hbm>> -> memref<1000000x32xf16, #tpu.memory_space<hbm>>
    tpu.enqueue_indirect_dma source(%dma_start3A_18 : memref<1000000x32xf16, #tpu.memory_space<hbm>>) target(%dma_start3A_13 : memref<128x32xf16, #tpu.memory_space<vmem>>) offsets(%dma_start3A_15 : memref<128xi32, #tpu.memory_space<vmem>>) semaphore(%arg10 : memref<!tpu.dma_semaphore, #tpu.memory_space<semaphore_mem>>)
    %dma_start3A_19 = arith.constant 128 : i32
    %dma_start3A_20 = arith.constant 0 : i32
    %dma_start3A_21 = tpu.memref_slice %arg6[%dma_start3A_19, %dma_start3A_20] : memref<1024x32xf16, #tpu.memory_space<vmem>> -> memref<128x32xf16, #tpu.memory_space<vmem>>
    %dma_start3A_22 = arith.constant 128 : i32
    %dma_start3A_23 = tpu.memref_slice %arg5[%dma_start3A_22] : memref<13312xi32, #tpu.memory_space<vmem>> -> memref<128xi32, #tpu.memory_space<vmem>>
    %dma_start3A_24 = arith.constant 0 : i32
    %dma_start3A_25 = arith.constant 0 : i32
    %dma_start3A_26 = tpu.memref_slice %arg3[%dma_start3A_24, %dma_start3A_25] : memref<1000000x32xf16, #tpu.memory_space<hbm>> -> memref<1000000x32xf16, #tpu.memory_space<hbm>>
    tpu.enqueue_indirect_dma source(%dma_start3A_26 : memref<1000000x32xf16, #tpu.memory_space<hbm>>) target(%dma_start3A_21 : memref<128x32xf16, #tpu.memory_space<vmem>>) offsets(%dma_start3A_23 : memref<128xi32, #tpu.memory_space<vmem>>) semaphore(%arg10 : memref<!tpu.dma_semaphore, #tpu.memory_space<semaphore_mem>>)
    %dma_start3A_27 = arith.constant 256 : i32
    %dma_start3A_28 = arith.constant 0 : i32
    %dma_start3A_29 = tpu.memref_slice %arg6[%dma_start3A_27, %dma_start3A_28] : memref<1024x32xf16, #tpu.memory_space<vmem>> -> memref<128x32xf16, #tpu.memory_space<vmem>>
    %dma_start3A_30 = arith.constant 256 : i32
    %dma_start3A_31 = tpu.memref_slice %arg5[%dma_start3A_30] : memref<13312xi32, #tpu.memory_space<vmem>> -> memref<128xi32, #tpu.memory_space<vmem>>
    %dma_start3A_32 = arith.constant 0 : i32
    %dma_start3A_33 = arith.constant 0 : i32
    %dma_start3A_34 = tpu.memref_slice %arg3[%dma_start3A_32, %dma_start3A_33] : memref<1000000x32xf16, #tpu.memory_space<hbm>> -> memref<1000000x32xf16, #tpu.memory_space<hbm>>
    tpu.enqueue_indirect_dma source(%dma_start3A_34 : memref<1000000x32xf16, #tpu.memory_space<hbm>>) target(%dma_start3A_29 : memref<128x32xf16, #tpu.memory_space<vmem>>) offsets(%dma_start3A_31 : memref<128xi32, #tpu.memory_space<vmem>>) semaphore(%arg10 : memref<!tpu.dma_semaphore, #tpu.memory_space<semaphore_mem>>)
    %dma_start3A_35 = arith.constant 384 : i32
    %dma_start3A_36 = arith.constant 0 : i32
    %dma_start3A_37 = tpu.memref_slice %arg6[%dma_start3A_35, %dma_start3A_36] : memref<1024x32xf16, #tpu.memory_space<vmem>> -> memref<128x32xf16, #tpu.memory_space<vmem>>
    %dma_start3A_38 = arith.constant 384 : i32
    %dma_start3A_39 = tpu.memref_slice %arg5[%dma_start3A_38] : memref<13312xi32, #tpu.memory_space<vmem>> -> memref<128xi32, #tpu.memory_space<vmem>>
    %dma_start3A_40 = arith.constant 0 : i32
    %dma_start3A_41 = arith.constant 0 : i32
    %dma_start3A_42 = tpu.memref_slice %arg3[%dma_start3A_40, %dma_start3A_41] : memref<1000000x32xf16, #tpu.memory_space<hbm>> -> memref<1000000x32xf16, #tpu.memory_space<hbm>>
    tpu.enqueue_indirect_dma source(%dma_start3A_42 : memref<1000000x32xf16, #tpu.memory_space<hbm>>) target(%dma_start3A_37 : memref<128x32xf16, #tpu.memory_space<vmem>>) offsets(%dma_start3A_39 : memref<128xi32, #tpu.memory_space<vmem>>) semaphore(%arg10 : memref<!tpu.dma_semaphore, #tpu.memory_space<semaphore_mem>>)
    %dma_start3A_43 = arith.constant 512 : i32
    %dma_start3A_44 = arith.constant 0 : i32
    %dma_start3A_45 = tpu.memref_slice %arg6[%dma_start3A_43, %dma_start3A_44] : memref<1024x32xf16, #tpu.memory_space<vmem>> -> memref<128x32xf16, #tpu.memory_space<vmem>>
    %dma_start3A_46 = arith.constant 512 : i32
    %dma_start3A_47 = tpu.memref_slice %arg5[%dma_start3A_46] : memref<13312xi32, #tpu.memory_space<vmem>> -> memref<128xi32, #tpu.memory_space<vmem>>
    %dma_start3A_48 = arith.constant 0 : i32
    %dma_start3A_49 = arith.constant 0 : i32
    %dma_start3A_50 = tpu.memref_slice %arg3[%dma_start3A_48, %dma_start3A_49] : memref<1000000x32xf16, #tpu.memory_space<hbm>> -> memref<1000000x32xf16, #tpu.memory_space<hbm>>
    tpu.enqueue_indirect_dma source(%dma_start3A_50 : memref<1000000x32xf16, #tpu.memory_space<hbm>>) target(%dma_start3A_45 : memref<128x32xf16, #tpu.memory_space<vmem>>) offsets(%dma_start3A_47 : memref<128xi32, #tpu.memory_space<vmem>>) semaphore(%arg10 : memref<!tpu.dma_semaphore, #tpu.memory_space<semaphore_mem>>)
    %dma_start3A_51 = arith.constant 640 : i32
    %dma_start3A_52 = arith.constant 0 : i32
    %dma_start3A_53 = tpu.memref_slice %arg6[%dma_start3A_51, %dma_start3A_52] : memref<1024x32xf16, #tpu.memory_space<vmem>> -> memref<128x32xf16, #tpu.memory_space<vmem>>
    %dma_start3A_54 = arith.constant 640 : i32
    %dma_start3A_55 = tpu.memref_slice %arg5[%dma_start3A_54] : memref<13312xi32, #tpu.memory_space<vmem>> -> memref<128xi32, #tpu.memory_space<vmem>>
    %dma_start3A_56 = arith.constant 0 : i32
    %dma_start3A_57 = arith.constant 0 : i32
    %dma_start3A_58 = tpu.memref_slice %arg3[%dma_start3A_56, %dma_start3A_57] : memref<1000000x32xf16, #tpu.memory_space<hbm>> -> memref<1000000x32xf16, #tpu.memory_space<hbm>>
    tpu.enqueue_indirect_dma source(%dma_start3A_58 : memref<1000000x32xf16, #tpu.memory_space<hbm>>) target(%dma_start3A_53 : memref<128x32xf16, #tpu.memory_space<vmem>>) offsets(%dma_start3A_55 : memref<128xi32, #tpu.memory_space<vmem>>) semaphore(%arg10 : memref<!tpu.dma_semaphore, #tpu.memory_space<semaphore_mem>>)
    %dma_start3A_59 = arith.constant 768 : i32
    %dma_start3A_60 = arith.constant 0 : i32
    %dma_start3A_61 = tpu.memref_slice %arg6[%dma_start3A_59, %dma_start3A_60] : memref<1024x32xf16, #tpu.memory_space<vmem>> -> memref<128x32xf16, #tpu.memory_space<vmem>>
    %dma_start3A_62 = arith.constant 768 : i32
    %dma_start3A_63 = tpu.memref_slice %arg5[%dma_start3A_62] : memref<13312xi32, #tpu.memory_space<vmem>> -> memref<128xi32, #tpu.memory_space<vmem>>
    %dma_start3A_64 = arith.constant 0 : i32
    %dma_start3A_65 = arith.constant 0 : i32
    %dma_start3A_66 = tpu.memref_slice %arg3[%dma_start3A_64, %dma_start3A_65] : memref<1000000x32xf16, #tpu.memory_space<hbm>> -> memref<1000000x32xf16, #tpu.memory_space<hbm>>
    tpu.enqueue_indirect_dma source(%dma_start3A_66 : memref<1000000x32xf16, #tpu.memory_space<hbm>>) target(%dma_start3A_61 : memref<128x32xf16, #tpu.memory_space<vmem>>) offsets(%dma_start3A_63 : memref<128xi32, #tpu.memory_space<vmem>>) semaphore(%arg10 : memref<!tpu.dma_semaphore, #tpu.memory_space<semaphore_mem>>)
    %dma_start3A_67 = arith.constant 896 : i32
    %dma_start3A_68 = arith.constant 0 : i32
    %dma_start3A_69 = tpu.memref_slice %arg6[%dma_start3A_67, %dma_start3A_68] : memref<1024x32xf16, #tpu.memory_space<vmem>> -> memref<128x32xf16, #tpu.memory_space<vmem>>
    %dma_start3A_70 = arith.constant 896 : i32
    %dma_start3A_71 = tpu.memref_slice %arg5[%dma_start3A_70] : memref<13312xi32, #tpu.memory_space<vmem>> -> memref<128xi32, #tpu.memory_space<vmem>>
    %dma_start3A_72 = arith.constant 0 : i32
    %dma_start3A_73 = arith.constant 0 : i32
    %dma_start3A_74 = tpu.memref_slice %arg3[%dma_start3A_72, %dma_start3A_73] : memref<1000000x32xf16, #tpu.memory_space<hbm>> -> memref<1000000x32xf16, #tpu.memory_space<hbm>>
    tpu.enqueue_indirect_dma source(%dma_start3A_74 : memref<1000000x32xf16, #tpu.memory_space<hbm>>) target(%dma_start3A_69 : memref<128x32xf16, #tpu.memory_space<vmem>>) offsets(%dma_start3A_71 : memref<128xi32, #tpu.memory_space<vmem>>) semaphore(%arg10 : memref<!tpu.dma_semaphore, #tpu.memory_space<semaphore_mem>>)
    %dma_start3A_75 = arith.constant 0 : i32
    %dma_start3A_76 = arith.constant 0 : i32
    %dma_start3A_77 = tpu.memref_slice %arg7[%dma_start3A_75, %dma_start3A_76] : memref<1024x32xf16, #tpu.memory_space<vmem>> -> memref<128x32xf16, #tpu.memory_space<vmem>>
    %dma_start3A_78 = arith.constant 1024 : i32
    %dma_start3A_79 = tpu.memref_slice %arg5[%dma_start3A_78] : memref<13312xi32, #tpu.memory_space<vmem>> -> memref<128xi32, #tpu.memory_space<vmem>>
    %dma_start3A_80 = arith.constant 0 : i32
    %dma_start3A_81 = arith.constant 0 : i32
    %dma_start3A_82 = tpu.memref_slice %arg3[%dma_start3A_80, %dma_start3A_81] : memref<1000000x32xf16, #tpu.memory_space<hbm>> -> memref<1000000x32xf16, #tpu.memory_space<hbm>>
    tpu.enqueue_indirect_dma source(%dma_start3A_82 : memref<1000000x32xf16, #tpu.memory_space<hbm>>) target(%dma_start3A_77 : memref<128x32xf16, #tpu.memory_space<vmem>>) offsets(%dma_start3A_79 : memref<128xi32, #tpu.memory_space<vmem>>) semaphore(%arg11 : memref<!tpu.dma_semaphore, #tpu.memory_space<semaphore_mem>>)
    %dma_start3A_83 = arith.constant 128 : i32
    %dma_start3A_84 = arith.constant 0 : i32
    %dma_start3A_85 = tpu.memref_slice %arg7[%dma_start3A_83, %dma_start3A_84] : memref<1024x32xf16, #tpu.memory_space<vmem>> -> memref<128x32xf16, #tpu.memory_space<vmem>>
    %dma_start3A_86 = arith.constant 1152 : i32
    %dma_start3A_87 = tpu.memref_slice %arg5[%dma_start3A_86] : memref<13312xi32, #tpu.memory_space<vmem>> -> memref<128xi32, #tpu.memory_space<vmem>>
    %dma_start3A_88 = arith.constant 0 : i32
    %dma_start3A_89 = arith.constant 0 : i32
    %dma_start3A_90 = tpu.memref_slice %arg3[%dma_start3A_88, %dma_start3A_89] : memref<1000000x32xf16, #tpu.memory_space<hbm>> -> memref<1000000x32xf16, #tpu.memory_space<hbm>>
    tpu.enqueue_indirect_dma source(%dma_start3A_90 : memref<1000000x32xf16, #tpu.memory_space<hbm>>) target(%dma_start3A_85 : memref<128x32xf16, #tpu.memory_space<vmem>>) offsets(%dma_start3A_87 : memref<128xi32, #tpu.memory_space<vmem>>) semaphore(%arg11 : memref<!tpu.dma_semaphore, #tpu.memory_space<semaphore_mem>>)
    %dma_start3A_91 = arith.constant 256 : i32
    %dma_start3A_92 = arith.constant 0 : i32
    %dma_start3A_93 = tpu.memref_slice %arg7[%dma_start3A_91, %dma_start3A_92] : memref<1024x32xf16, #tpu.memory_space<vmem>> -> memref<128x32xf16, #tpu.memory_space<vmem>>
    %dma_start3A_94 = arith.constant 1280 : i32
    %dma_start3A_95 = tpu.memref_slice %arg5[%dma_start3A_94] : memref<13312xi32, #tpu.memory_space<vmem>> -> memref<128xi32, #tpu.memory_space<vmem>>
    %dma_start3A_96 = arith.constant 0 : i32
    %dma_start3A_97 = arith.constant 0 : i32
    %dma_start3A_98 = tpu.memref_slice %arg3[%dma_start3A_96, %dma_start3A_97] : memref<1000000x32xf16, #tpu.memory_space<hbm>> -> memref<1000000x32xf16, #tpu.memory_space<hbm>>
    tpu.enqueue_indirect_dma source(%dma_start3A_98 : memref<1000000x32xf16, #tpu.memory_space<hbm>>) target(%dma_start3A_93 : memref<128x32xf16, #tpu.memory_space<vmem>>) offsets(%dma_start3A_95 : memref<128xi32, #tpu.memory_space<vmem>>) semaphore(%arg11 : memref<!tpu.dma_semaphore, #tpu.memory_space<semaphore_mem>>)
    %dma_start3A_99 = arith.constant 384 : i32
    %dma_start3A_100 = arith.constant 0 : i32
    %dma_start3A_101 = tpu.memref_slice %arg7[%dma_start3A_99, %dma_start3A_100] : memref<1024x32xf16, #tpu.memory_space<vmem>> -> memref<128x32xf16, #tpu.memory_space<vmem>>
    %dma_start3A_102 = arith.constant 1408 : i32
    %dma_start3A_103 = tpu.memref_slice %arg5[%dma_start3A_102] : memref<13312xi32, #tpu.memory_space<vmem>> -> memref<128xi32, #tpu.memory_space<vmem>>
    %dma_start3A_104 = arith.constant 0 : i32
    %dma_start3A_105 = arith.constant 0 : i32
    %dma_start3A_106 = tpu.memref_slice %arg3[%dma_start3A_104, %dma_start3A_105] : memref<1000000x32xf16, #tpu.memory_space<hbm>> -> memref<1000000x32xf16, #tpu.memory_space<hbm>>
    tpu.enqueue_indirect_dma source(%dma_start3A_106 : memref<1000000x32xf16, #tpu.memory_space<hbm>>) target(%dma_start3A_101 : memref<128x32xf16, #tpu.memory_space<vmem>>) offsets(%dma_start3A_103 : memref<128xi32, #tpu.memory_space<vmem>>) semaphore(%arg11 : memref<!tpu.dma_semaphore, #tpu.memory_space<semaphore_mem>>)
    %dma_start3A_107 = arith.constant 512 : i32
    %dma_start3A_108 = arith.constant 0 : i32
    %dma_start3A_109 = tpu.memref_slice %arg7[%dma_start3A_107, %dma_start3A_108] : memref<1024x32xf16, #tpu.memory_space<vmem>> -> memref<128x32xf16, #tpu.memory_space<vmem>>
    %dma_start3A_110 = arith.constant 1536 : i32
    %dma_start3A_111 = tpu.memref_slice %arg5[%dma_start3A_110] : memref<13312xi32, #tpu.memory_space<vmem>> -> memref<128xi32, #tpu.memory_space<vmem>>
    %dma_start3A_112 = arith.constant 0 : i32
    %dma_start3A_113 = arith.constant 0 : i32
    %dma_start3A_114 = tpu.memref_slice %arg3[%dma_start3A_112, %dma_start3A_113] : memref<1000000x32xf16, #tpu.memory_space<hbm>> -> memref<1000000x32xf16, #tpu.memory_space<hbm>>
    tpu.enqueue_indirect_dma source(%dma_start3A_114 : memref<1000000x32xf16, #tpu.memory_space<hbm>>) target(%dma_start3A_109 : memref<128x32xf16, #tpu.memory_space<vmem>>) offsets(%dma_start3A_111 : memref<128xi32, #tpu.memory_space<vmem>>) semaphore(%arg11 : memref<!tpu.dma_semaphore, #tpu.memory_space<semaphore_mem>>)
    %dma_start3A_115 = arith.constant 640 : i32
    %dma_start3A_116 = arith.constant 0 : i32
    %dma_start3A_117 = tpu.memref_slice %arg7[%dma_start3A_115, %dma_start3A_116] : memref<1024x32xf16, #tpu.memory_space<vmem>> -> memref<128x32xf16, #tpu.memory_space<vmem>>
    %dma_start3A_118 = arith.constant 1664 : i32
    %dma_start3A_119 = tpu.memref_slice %arg5[%dma_start3A_118] : memref<13312xi32, #tpu.memory_space<vmem>> -> memref<128xi32, #tpu.memory_space<vmem>>
    %dma_start3A_120 = arith.constant 0 : i32
    %dma_start3A_121 = arith.constant 0 : i32
    %dma_start3A_122 = tpu.memref_slice %arg3[%dma_start3A_120, %dma_start3A_121] : memref<1000000x32xf16, #tpu.memory_space<hbm>> -> memref<1000000x32xf16, #tpu.memory_space<hbm>>
    tpu.enqueue_indirect_dma source(%dma_start3A_122 : memref<1000000x32xf16, #tpu.memory_space<hbm>>) target(%dma_start3A_117 : memref<128x32xf16, #tpu.memory_space<vmem>>) offsets(%dma_start3A_119 : memref<128xi32, #tpu.memory_space<vmem>>) semaphore(%arg11 : memref<!tpu.dma_semaphore, #tpu.memory_space<semaphore_mem>>)
    %dma_start3A_123 = arith.constant 768 : i32
    %dma_start3A_124 = arith.constant 0 : i32
    %dma_start3A_125 = tpu.memref_slice %arg7[%dma_start3A_123, %dma_start3A_124] : memref<1024x32xf16, #tpu.memory_space<vmem>> -> memref<128x32xf16, #tpu.memory_space<vmem>>
    %dma_start3A_126 = arith.constant 1792 : i32
    %dma_start3A_127 = tpu.memref_slice %arg5[%dma_start3A_126] : memref<13312xi32, #tpu.memory_space<vmem>> -> memref<128xi32, #tpu.memory_space<vmem>>
    %dma_start3A_128 = arith.constant 0 : i32
    %dma_start3A_129 = arith.constant 0 : i32
    %dma_start3A_130 = tpu.memref_slice %arg3[%dma_start3A_128, %dma_start3A_129] : memref<1000000x32xf16, #tpu.memory_space<hbm>> -> memref<1000000x32xf16, #tpu.memory_space<hbm>>
    tpu.enqueue_indirect_dma source(%dma_start3A_130 : memref<1000000x32xf16, #tpu.memory_space<hbm>>) target(%dma_start3A_125 : memref<128x32xf16, #tpu.memory_space<vmem>>) offsets(%dma_start3A_127 : memref<128xi32, #tpu.memory_space<vmem>>) semaphore(%arg11 : memref<!tpu.dma_semaphore, #tpu.memory_space<semaphore_mem>>)
    %dma_start3A_131 = arith.constant 896 : i32
    %dma_start3A_132 = arith.constant 0 : i32
    %dma_start3A_133 = tpu.memref_slice %arg7[%dma_start3A_131, %dma_start3A_132] : memref<1024x32xf16, #tpu.memory_space<vmem>> -> memref<128x32xf16, #tpu.memory_space<vmem>>
    %dma_start3A_134 = arith.constant 1920 : i32
    %dma_start3A_135 = tpu.memref_slice %arg5[%dma_start3A_134] : memref<13312xi32, #tpu.memory_space<vmem>> -> memref<128xi32, #tpu.memory_space<vmem>>
    %dma_start3A_136 = arith.constant 0 : i32
    %dma_start3A_137 = arith.constant 0 : i32
    %dma_start3A_138 = tpu.memref_slice %arg3[%dma_start3A_136, %dma_start3A_137] : memref<1000000x32xf16, #tpu.memory_space<hbm>> -> memref<1000000x32xf16, #tpu.memory_space<hbm>>
    tpu.enqueue_indirect_dma source(%dma_start3A_138 : memref<1000000x32xf16, #tpu.memory_space<hbm>>) target(%dma_start3A_133 : memref<128x32xf16, #tpu.memory_space<vmem>>) offsets(%dma_start3A_135 : memref<128xi32, #tpu.memory_space<vmem>>) semaphore(%arg11 : memref<!tpu.dma_semaphore, #tpu.memory_space<semaphore_mem>>)
    %dma_wait3A = arith.constant 0 : i32
    %dma_wait3A_139 = arith.constant 0 : i32
    %dma_wait3A_140 = tpu.memref_slice %arg6[%dma_wait3A, %dma_wait3A_139] : memref<1024x32xf16, #tpu.memory_space<vmem>> -> memref<128x32xf16, #tpu.memory_space<vmem>>
    %dma_wait3A_141 = arith.constant 0 : i32
    %dma_wait3A_142 = tpu.memref_slice %arg5[%dma_wait3A_141] : memref<13312xi32, #tpu.memory_space<vmem>> -> memref<128xi32, #tpu.memory_space<vmem>>
    %dma_wait3A_143 = arith.constant 0 : i32
    %dma_wait3A_144 = arith.constant 0 : i32
    %dma_wait3A_145 = tpu.memref_slice %arg3[%dma_wait3A_143, %dma_wait3A_144] : memref<1000000x32xf16, #tpu.memory_space<hbm>> -> memref<1000000x32xf16, #tpu.memory_space<hbm>>
    tpu.wait_indirect_dma semaphore(%arg10 : memref<!tpu.dma_semaphore, #tpu.memory_space<semaphore_mem>>) src(%dma_wait3A_145 : memref<1000000x32xf16, #tpu.memory_space<hbm>>) dst(%dma_wait3A_140 : memref<128x32xf16, #tpu.memory_space<vmem>>)
    %dma_wait3A_146 = arith.constant 128 : i32
    %dma_wait3A_147 = arith.constant 0 : i32
    %dma_wait3A_148 = tpu.memref_slice %arg6[%dma_wait3A_146, %dma_wait3A_147] : memref<1024x32xf16, #tpu.memory_space<vmem>> -> memref<128x32xf16, #tpu.memory_space<vmem>>
    %dma_wait3A_149 = arith.constant 128 : i32
    %dma_wait3A_150 = tpu.memref_slice %arg5[%dma_wait3A_149] : memref<13312xi32, #tpu.memory_space<vmem>> -> memref<128xi32, #tpu.memory_space<vmem>>
    %dma_wait3A_151 = arith.constant 0 : i32
    %dma_wait3A_152 = arith.constant 0 : i32
    %dma_wait3A_153 = tpu.memref_slice %arg3[%dma_wait3A_151, %dma_wait3A_152] : memref<1000000x32xf16, #tpu.memory_space<hbm>> -> memref<1000000x32xf16, #tpu.memory_space<hbm>>
    tpu.wait_indirect_dma semaphore(%arg10 : memref<!tpu.dma_semaphore, #tpu.memory_space<semaphore_mem>>) src(%dma_wait3A_153 : memref<1000000x32xf16, #tpu.memory_space<hbm>>) dst(%dma_wait3A_148 : memref<128x32xf16, #tpu.memory_space<vmem>>)
    %dma_wait3A_154 = arith.constant 256 : i32
    %dma_wait3A_155 = arith.constant 0 : i32
    %dma_wait3A_156 = tpu.memref_slice %arg6[%dma_wait3A_154, %dma_wait3A_155] : memref<1024x32xf16, #tpu.memory_space<vmem>> -> memref<128x32xf16, #tpu.memory_space<vmem>>
    %dma_wait3A_157 = arith.constant 256 : i32
    %dma_wait3A_158 = tpu.memref_slice %arg5[%dma_wait3A_157] : memref<13312xi32, #tpu.memory_space<vmem>> -> memref<128xi32, #tpu.memory_space<vmem>>
    %dma_wait3A_159 = arith.constant 0 : i32
    %dma_wait3A_160 = arith.constant 0 : i32
    %dma_wait3A_161 = tpu.memref_slice %arg3[%dma_wait3A_159, %dma_wait3A_160] : memref<1000000x32xf16, #tpu.memory_space<hbm>> -> memref<1000000x32xf16, #tpu.memory_space<hbm>>
    tpu.wait_indirect_dma semaphore(%arg10 : memref<!tpu.dma_semaphore, #tpu.memory_space<semaphore_mem>>) src(%dma_wait3A_161 : memref<1000000x32xf16, #tpu.memory_space<hbm>>) dst(%dma_wait3A_156 : memref<128x32xf16, #tpu.memory_space<vmem>>)
    %dma_wait3A_162 = arith.constant 384 : i32
    %dma_wait3A_163 = arith.constant 0 : i32
    %dma_wait3A_164 = tpu.memref_slice %arg6[%dma_wait3A_162, %dma_wait3A_163] : memref<1024x32xf16, #tpu.memory_space<vmem>> -> memref<128x32xf16, #tpu.memory_space<vmem>>
    %dma_wait3A_165 = arith.constant 384 : i32
    %dma_wait3A_166 = tpu.memref_slice %arg5[%dma_wait3A_165] : memref<13312xi32, #tpu.memory_space<vmem>> -> memref<128xi32, #tpu.memory_space<vmem>>
    %dma_wait3A_167 = arith.constant 0 : i32
    %dma_wait3A_168 = arith.constant 0 : i32
    %dma_wait3A_169 = tpu.memref_slice %arg3[%dma_wait3A_167, %dma_wait3A_168] : memref<1000000x32xf16, #tpu.memory_space<hbm>> -> memref<1000000x32xf16, #tpu.memory_space<hbm>>
    tpu.wait_indirect_dma semaphore(%arg10 : memref<!tpu.dma_semaphore, #tpu.memory_space<semaphore_mem>>) src(%dma_wait3A_169 : memref<1000000x32xf16, #tpu.memory_space<hbm>>) dst(%dma_wait3A_164 : memref<128x32xf16, #tpu.memory_space<vmem>>)
    %dma_wait3A_170 = arith.constant 512 : i32
    %dma_wait3A_171 = arith.constant 0 : i32
    %dma_wait3A_172 = tpu.memref_slice %arg6[%dma_wait3A_170, %dma_wait3A_171] : memref<1024x32xf16, #tpu.memory_space<vmem>> -> memref<128x32xf16, #tpu.memory_space<vmem>>
    %dma_wait3A_173 = arith.constant 512 : i32
    %dma_wait3A_174 = tpu.memref_slice %arg5[%dma_wait3A_173] : memref<13312xi32, #tpu.memory_space<vmem>> -> memref<128xi32, #tpu.memory_space<vmem>>
    %dma_wait3A_175 = arith.constant 0 : i32
    %dma_wait3A_176 = arith.constant 0 : i32
    %dma_wait3A_177 = tpu.memref_slice %arg3[%dma_wait3A_175, %dma_wait3A_176] : memref<1000000x32xf16, #tpu.memory_space<hbm>> -> memref<1000000x32xf16, #tpu.memory_space<hbm>>
    tpu.wait_indirect_dma semaphore(%arg10 : memref<!tpu.dma_semaphore, #tpu.memory_space<semaphore_mem>>) src(%dma_wait3A_177 : memref<1000000x32xf16, #tpu.memory_space<hbm>>) dst(%dma_wait3A_172 : memref<128x32xf16, #tpu.memory_space<vmem>>)
    %dma_wait3A_178 = arith.constant 640 : i32
    %dma_wait3A_179 = arith.constant 0 : i32
    %dma_wait3A_180 = tpu.memref_slice %arg6[%dma_wait3A_178, %dma_wait3A_179] : memref<1024x32xf16, #tpu.memory_space<vmem>> -> memref<128x32xf16, #tpu.memory_space<vmem>>
    %dma_wait3A_181 = arith.constant 640 : i32
    %dma_wait3A_182 = tpu.memref_slice %arg5[%dma_wait3A_181] : memref<13312xi32, #tpu.memory_space<vmem>> -> memref<128xi32, #tpu.memory_space<vmem>>
    %dma_wait3A_183 = arith.constant 0 : i32
    %dma_wait3A_184 = arith.constant 0 : i32
    %dma_wait3A_185 = tpu.memref_slice %arg3[%dma_wait3A_183, %dma_wait3A_184] : memref<1000000x32xf16, #tpu.memory_space<hbm>> -> memref<1000000x32xf16, #tpu.memory_space<hbm>>
    tpu.wait_indirect_dma semaphore(%arg10 : memref<!tpu.dma_semaphore, #tpu.memory_space<semaphore_mem>>) src(%dma_wait3A_185 : memref<1000000x32xf16, #tpu.memory_space<hbm>>) dst(%dma_wait3A_180 : memref<128x32xf16, #tpu.memory_space<vmem>>)
    %dma_wait3A_186 = arith.constant 768 : i32
    %dma_wait3A_187 = arith.constant 0 : i32
    %dma_wait3A_188 = tpu.memref_slice %arg6[%dma_wait3A_186, %dma_wait3A_187] : memref<1024x32xf16, #tpu.memory_space<vmem>> -> memref<128x32xf16, #tpu.memory_space<vmem>>
    %dma_wait3A_189 = arith.constant 768 : i32
    %dma_wait3A_190 = tpu.memref_slice %arg5[%dma_wait3A_189] : memref<13312xi32, #tpu.memory_space<vmem>> -> memref<128xi32, #tpu.memory_space<vmem>>
    %dma_wait3A_191 = arith.constant 0 : i32
    %dma_wait3A_192 = arith.constant 0 : i32
    %dma_wait3A_193 = tpu.memref_slice %arg3[%dma_wait3A_191, %dma_wait3A_192] : memref<1000000x32xf16, #tpu.memory_space<hbm>> -> memref<1000000x32xf16, #tpu.memory_space<hbm>>
    tpu.wait_indirect_dma semaphore(%arg10 : memref<!tpu.dma_semaphore, #tpu.memory_space<semaphore_mem>>) src(%dma_wait3A_193 : memref<1000000x32xf16, #tpu.memory_space<hbm>>) dst(%dma_wait3A_188 : memref<128x32xf16, #tpu.memory_space<vmem>>)
    %dma_wait3A_194 = arith.constant 896 : i32
    %dma_wait3A_195 = arith.constant 0 : i32
    %dma_wait3A_196 = tpu.memref_slice %arg6[%dma_wait3A_194, %dma_wait3A_195] : memref<1024x32xf16, #tpu.memory_space<vmem>> -> memref<128x32xf16, #tpu.memory_space<vmem>>
    %dma_wait3A_197 = arith.constant 896 : i32
    %dma_wait3A_198 = tpu.memref_slice %arg5[%dma_wait3A_197] : memref<13312xi32, #tpu.memory_space<vmem>> -> memref<128xi32, #tpu.memory_space<vmem>>
    %dma_wait3A_199 = arith.constant 0 : i32
    %dma_wait3A_200 = arith.constant 0 : i32
    %dma_wait3A_201 = tpu.memref_slice %arg3[%dma_wait3A_199, %dma_wait3A_200] : memref<1000000x32xf16, #tpu.memory_space<hbm>> -> memref<1000000x32xf16, #tpu.memory_space<hbm>>
    tpu.wait_indirect_dma semaphore(%arg10 : memref<!tpu.dma_semaphore, #tpu.memory_space<semaphore_mem>>) src(%dma_wait3A_201 : memref<1000000x32xf16, #tpu.memory_space<hbm>>) dst(%dma_wait3A_196 : memref<128x32xf16, #tpu.memory_space<vmem>>)
    %parallel_loop3A = arith.constant 0 : i32
    %parallel_loop3A_202 = arith.constant 1024 : i32
    %parallel_loop3A_203 = arith.constant 1 : i32
    scf.for %parallel_loop3A_1842 = %parallel_loop3A to %parallel_loop3A_202 step %parallel_loop3A_203  : i32 {
      %parallel_loop3A_1843 = arith.index_cast %parallel_loop3A_1842 : i32 to index
      %parallel_loop3A_1844 = arith.constant 0 : index
      %parallel_loop3A_1845 = tpu.vector_load %arg6[%parallel_loop3A_1843, %parallel_loop3A_1844] {strides = array<i32>} : memref<1024x32xf16, #tpu.memory_space<vmem>>, vector<32xf16>,
      %parallel_loop3A_1846 = tpu.bitcast %parallel_loop3A_1845 : vector<32xf16> -> vector<32xi16>
      %parallel_loop3A_1847 = tpu.unpack_subelements %parallel_loop3A_1846, 0 {pack_format = #tpu.pack_format<interleaved>} : vector<32xi16> -> vector<16xi32>
      %parallel_loop3A_1848 = tpu.unpack_subelements %parallel_loop3A_1846, 1 {pack_format = #tpu.pack_format<interleaved>} : vector<32xi16> -> vector<16xi32>
      %parallel_loop3A_1849 = arith.constant 16 : i32
      %parallel_loop3A_1850 = vector.broadcast %parallel_loop3A_1849 : i32 to vector<16xi32>
      %parallel_loop3A_1851 = arith.shli %parallel_loop3A_1847, %parallel_loop3A_1850 : vector<16xi32>
      %parallel_loop3A_1852 = arith.constant 3 : i32
      %parallel_loop3A_1853 = vector.broadcast %parallel_loop3A_1852 : i32 to vector<16xi32>
      %parallel_loop3A_1854 = arith.shrsi %parallel_loop3A_1851, %parallel_loop3A_1853 : vector<16xi32>
      %parallel_loop3A_1855 = arith.constant -1879056384 : i32
      %parallel_loop3A_1856 = vector.broadcast %parallel_loop3A_1855 : i32 to vector<16xi32>
      %parallel_loop3A_1857 = arith.andi %parallel_loop3A_1854, %parallel_loop3A_1856 : vector<16xi32>
      %parallel_loop3A_1858 = tpu.bitcast %parallel_loop3A_1857 : vector<16xi32> -> vector<16xf32>
      %parallel_loop3A_1859 = arith.constant 5.19229686E+33 : f32
      %parallel_loop3A_1860 = vector.broadcast %parallel_loop3A_1859 : f32 to vector<16xf32>
      %parallel_loop3A_1861 = arith.mulf %parallel_loop3A_1858, %parallel_loop3A_1860 : vector<16xf32>
      %parallel_loop3A_1862 = arith.constant 16 : i32
      %parallel_loop3A_1863 = vector.broadcast %parallel_loop3A_1862 : i32 to vector<16xi32>
      %parallel_loop3A_1864 = arith.shli %parallel_loop3A_1848, %parallel_loop3A_1863 : vector<16xi32>
      %parallel_loop3A_1865 = arith.constant 3 : i32
      %parallel_loop3A_1866 = vector.broadcast %parallel_loop3A_1865 : i32 to vector<16xi32>
      %parallel_loop3A_1867 = arith.shrsi %parallel_loop3A_1864, %parallel_loop3A_1866 : vector<16xi32>
      %parallel_loop3A_1868 = arith.constant -1879056384 : i32
      %parallel_loop3A_1869 = vector.broadcast %parallel_loop3A_1868 : i32 to vector<16xi32>
      %parallel_loop3A_1870 = arith.andi %parallel_loop3A_1867, %parallel_loop3A_1869 : vector<16xi32>
      %parallel_loop3A_1871 = tpu.bitcast %parallel_loop3A_1870 : vector<16xi32> -> vector<16xf32>
      %parallel_loop3A_1872 = arith.constant 5.19229686E+33 : f32
      %parallel_loop3A_1873 = vector.broadcast %parallel_loop3A_1872 : f32 to vector<16xf32>
      %parallel_loop3A_1874 = arith.mulf %parallel_loop3A_1871, %parallel_loop3A_1873 : vector<16xf32>
      %parallel_loop3A_1875 = vector.shape_cast %shift_right_arithmetic3A_8 : vector<16xi32> to vector<16x1xi32>
      %parallel_loop3A_1876 = vector.shape_cast %parallel_loop3A_1875 : vector<16x1xi32> to vector<16xi32>
      %parallel_loop3A_1877 = tpu.dynamic_gather %parallel_loop3A_1861[%parallel_loop3A_1876] in [0] : vector<16xf32>, vector<16xi32> -> vector<16xf32>
      %parallel_loop3A_1878 = vector.shape_cast %shift_right_arithmetic3A_8 : vector<16xi32> to vector<16x1xi32>
      %parallel_loop3A_1879 = vector.shape_cast %parallel_loop3A_1878 : vector<16x1xi32> to vector<16xi32>
      %parallel_loop3A_1880 = tpu.dynamic_gather %parallel_loop3A_1874[%parallel_loop3A_1879] in [0] : vector<16xf32>, vector<16xi32> -> vector<16xf32>
      %parallel_loop3A_1881 = arith.select %eq3A_6, %parallel_loop3A_1877, %parallel_loop3A_1880 : vector<16xi1>, vector<16xf32>
      %parallel_loop3A_1882 = arith.index_cast %parallel_loop3A_1842 : i32 to index
      %parallel_loop3A_1883 = arith.constant 0 : index
      %parallel_loop3A_1884 = tpu.vector_load %arg8[%parallel_loop3A_1882, %parallel_loop3A_1883] {strides = array<i32>} : memref<1024x32xf32, #tpu.memory_space<vmem>>, vector<16xf32>,
      tpu.vector_store %arg8[%parallel_loop3A_1882, %parallel_loop3A_1883], %parallel_loop3A_1881 {strides = array<i32>} : memref<1024x32xf32, #tpu.memory_space<vmem>>, vector<16xf32>,
      %parallel_loop3A_1885 = vector.shape_cast %add3A_11 : vector<16xi32> to vector<16x1xi32>
      %parallel_loop3A_1886 = vector.shape_cast %parallel_loop3A_1885 : vector<16x1xi32> to vector<16xi32>
      %parallel_loop3A_1887 = tpu.dynamic_gather %parallel_loop3A_1861[%parallel_loop3A_1886] in [0] : vector<16xf32>, vector<16xi32> -> vector<16xf32>
      %parallel_loop3A_1888 = vector.shape_cast %add3A_11 : vector<16xi32> to vector<16x1xi32>
      %parallel_loop3A_1889 = vector.shape_cast %parallel_loop3A_1888 : vector<16x1xi32> to vector<16xi32>
      %parallel_loop3A_1890 = tpu.dynamic_gather %parallel_loop3A_1874[%parallel_loop3A_1889] in [0] : vector<16xf32>, vector<16xi32> -> vector<16xf32>
      %parallel_loop3A_1891 = arith.select %eq3A_6, %parallel_loop3A_1887, %parallel_loop3A_1890 : vector<16xi1>, vector<16xf32>
      %parallel_loop3A_1892 = arith.index_cast %parallel_loop3A_1842 : i32 to index
      %parallel_loop3A_1893 = arith.constant 16 : index
      %parallel_loop3A_1894 = tpu.vector_load %arg8[%parallel_loop3A_1892, %parallel_loop3A_1893] {strides = array<i32>} : memref<1024x32xf32, #tpu.memory_space<vmem>>, vector<16xf32>,
      tpu.vector_store %arg8[%parallel_loop3A_1892, %parallel_loop3A_1893], %parallel_loop3A_1891 {strides = array<i32>} : memref<1024x32xf32, #tpu.memory_space<vmem>>, vector<16xf32>,
    } {sc.loop_unroll_factor = 4 : i64, sc.parallel_access}
    %add3A_204 = arith.constant 0 : i32
    %add3A_205 = arith.addi %mul3A_2, %add3A_204 : i32
    %dma_start3A_206 = arith.constant 0 : i32
    %dma_start3A_207 = tpu.memref_slice %arg4[%add3A_205, %dma_start3A_206] : memref<425984x32xf32, #tpu.memory_space<hbm>> -> memref<1024x32xf32, #tpu.memory_space<hbm>>
    %dma_start3A_208 = arith.constant 0 : i32
    %dma_start3A_209 = tpu.memref_slice %arg4[%add3A_205, %dma_start3A_208] : memref<425984x32xf32, #tpu.memory_space<hbm>> -> memref<1024x32xf32, #tpu.memory_space<hbm>>
    tpu.enqueue_dma source(%arg8 : memref<1024x32xf32, #tpu.memory_space<vmem>>) target(%dma_start3A_209 : memref<1024x32xf32, #tpu.memory_space<hbm>>) target_semaphore(%arg12 : memref<!tpu.dma_semaphore, #tpu.memory_space<semaphore_mem>>)
    %dma_start3A_210 = arith.constant 0 : i32
    %dma_start3A_211 = arith.constant 0 : i32
    %dma_start3A_212 = tpu.memref_slice %arg6[%dma_start3A_210, %dma_start3A_211] : memref<1024x32xf16, #tpu.memory_space<vmem>> -> memref<128x32xf16, #tpu.memory_space<vmem>>
    %dma_start3A_213 = arith.constant 2048 : i32
    %dma_start3A_214 = tpu.memref_slice %arg5[%dma_start3A_213] : memref<13312xi32, #tpu.memory_space<vmem>> -> memref<128xi32, #tpu.memory_space<vmem>>
    %dma_start3A_215 = arith.constant 0 : i32
    %dma_start3A_216 = arith.constant 0 : i32
    %dma_start3A_217 = tpu.memref_slice %arg3[%dma_start3A_215, %dma_start3A_216] : memref<1000000x32xf16, #tpu.memory_space<hbm>> -> memref<1000000x32xf16, #tpu.memory_space<hbm>>
    tpu.enqueue_indirect_dma source(%dma_start3A_217 : memref<1000000x32xf16, #tpu.memory_space<hbm>>) target(%dma_start3A_212 : memref<128x32xf16, #tpu.memory_space<vmem>>) offsets(%dma_start3A_214 : memref<128xi32, #tpu.memory_space<vmem>>) semaphore(%arg10 : memref<!tpu.dma_semaphore, #tpu.memory_space<semaphore_mem>>)
    %dma_start3A_218 = arith.constant 128 : i32
    %dma_start3A_219 = arith.constant 0 : i32
    %dma_start3A_220 = tpu.memref_slice %arg6[%dma_start3A_218, %dma_start3A_219] : memref<1024x32xf16, #tpu.memory_space<vmem>> -> memref<128x32xf16, #tpu.memory_space<vmem>>
    %dma_start3A_221 = arith.constant 2176 : i32
    %dma_start3A_222 = tpu.memref_slice %arg5[%dma_start3A_221] : memref<13312xi32, #tpu.memory_space<vmem>> -> memref<128xi32, #tpu.memory_space<vmem>>
    %dma_start3A_223 = arith.constant 0 : i32
    %dma_start3A_224 = arith.constant 0 : i32
    %dma_start3A_225 = tpu.memref_slice %arg3[%dma_start3A_223, %dma_start3A_224] : memref<1000000x32xf16, #tpu.memory_space<hbm>> -> memref<1000000x32xf16, #tpu.memory_space<hbm>>
    tpu.enqueue_indirect_dma source(%dma_start3A_225 : memref<1000000x32xf16, #tpu.memory_space<hbm>>) target(%dma_start3A_220 : memref<128x32xf16, #tpu.memory_space<vmem>>) offsets(%dma_start3A_222 : memref<128xi32, #tpu.memory_space<vmem>>) semaphore(%arg10 : memref<!tpu.dma_semaphore, #tpu.memory_space<semaphore_mem>>)
    %dma_start3A_226 = arith.constant 256 : i32
    %dma_start3A_227 = arith.constant 0 : i32
    %dma_start3A_228 = tpu.memref_slice %arg6[%dma_start3A_226, %dma_start3A_227] : memref<1024x32xf16, #tpu.memory_space<vmem>> -> memref<128x32xf16, #tpu.memory_space<vmem>>
    %dma_start3A_229 = arith.constant 2304 : i32
    %dma_start3A_230 = tpu.memref_slice %arg5[%dma_start3A_229] : memref<13312xi32, #tpu.memory_space<vmem>> -> memref<128xi32, #tpu.memory_space<vmem>>
    %dma_start3A_231 = arith.constant 0 : i32
    %dma_start3A_232 = arith.constant 0 : i32
    %dma_start3A_233 = tpu.memref_slice %arg3[%dma_start3A_231, %dma_start3A_232] : memref<1000000x32xf16, #tpu.memory_space<hbm>> -> memref<1000000x32xf16, #tpu.memory_space<hbm>>
    tpu.enqueue_indirect_dma source(%dma_start3A_233 : memref<1000000x32xf16, #tpu.memory_space<hbm>>) target(%dma_start3A_228 : memref<128x32xf16, #tpu.memory_space<vmem>>) offsets(%dma_start3A_230 : memref<128xi32, #tpu.memory_space<vmem>>) semaphore(%arg10 : memref<!tpu.dma_semaphore, #tpu.memory_space<semaphore_mem>>)
    %dma_start3A_234 = arith.constant 384 : i32
    %dma_start3A_235 = arith.constant 0 : i32
    %dma_start3A_236 = tpu.memref_slice %arg6[%dma_start3A_234, %dma_start3A_235] : memref<1024x32xf16, #tpu.memory_space<vmem>> -> memref<128x32xf16, #tpu.memory_space<vmem>>
    %dma_start3A_237 = arith.constant 2432 : i32
    %dma_start3A_238 = tpu.memref_slice %arg5[%dma_start3A_237] : memref<13312xi32, #tpu.memory_space<vmem>> -> memref<128xi32, #tpu.memory_space<vmem>>
    %dma_start3A_239 = arith.constant 0 : i32
    %dma_start3A_240 = arith.constant 0 : i32
    %dma_start3A_241 = tpu.memref_slice %arg3[%dma_start3A_239, %dma_start3A_240] : memref<1000000x32xf16, #tpu.memory_space<hbm>> -> memref<1000000x32xf16, #tpu.memory_space<hbm>>
    tpu.enqueue_indirect_dma source(%dma_start3A_241 : memref<1000000x32xf16, #tpu.memory_space<hbm>>) target(%dma_start3A_236 : memref<128x32xf16, #tpu.memory_space<vmem>>) offsets(%dma_start3A_238 : memref<128xi32, #tpu.memory_space<vmem>>) semaphore(%arg10 : memref<!tpu.dma_semaphore, #tpu.memory_space<semaphore_mem>>)
    %dma_start3A_242 = arith.constant 512 : i32
    %dma_start3A_243 = arith.constant 0 : i32
    %dma_start3A_244 = tpu.memref_slice %arg6[%dma_start3A_242, %dma_start3A_243] : memref<1024x32xf16, #tpu.memory_space<vmem>> -> memref<128x32xf16, #tpu.memory_space<vmem>>
    %dma_start3A_245 = arith.constant 2560 : i32
    %dma_start3A_246 = tpu.memref_slice %arg5[%dma_start3A_245] : memref<13312xi32, #tpu.memory_space<vmem>> -> memref<128xi32, #tpu.memory_space<vmem>>
    %dma_start3A_247 = arith.constant 0 : i32
    %dma_start3A_248 = arith.constant 0 : i32
    %dma_start3A_249 = tpu.memref_slice %arg3[%dma_start3A_247, %dma_start3A_248] : memref<1000000x32xf16, #tpu.memory_space<hbm>> -> memref<1000000x32xf16, #tpu.memory_space<hbm>>
    tpu.enqueue_indirect_dma source(%dma_start3A_249 : memref<1000000x32xf16, #tpu.memory_space<hbm>>) target(%dma_start3A_244 : memref<128x32xf16, #tpu.memory_space<vmem>>) offsets(%dma_start3A_246 : memref<128xi32, #tpu.memory_space<vmem>>) semaphore(%arg10 : memref<!tpu.dma_semaphore, #tpu.memory_space<semaphore_mem>>)
    %dma_start3A_250 = arith.constant 640 : i32
    %dma_start3A_251 = arith.constant 0 : i32
    %dma_start3A_252 = tpu.memref_slice %arg6[%dma_start3A_250, %dma_start3A_251] : memref<1024x32xf16, #tpu.memory_space<vmem>> -> memref<128x32xf16, #tpu.memory_space<vmem>>
    %dma_start3A_253 = arith.constant 2688 : i32
    %dma_start3A_254 = tpu.memref_slice %arg5[%dma_start3A_253] : memref<13312xi32, #tpu.memory_space<vmem>> -> memref<128xi32, #tpu.memory_space<vmem>>
    %dma_start3A_255 = arith.constant 0 : i32
    %dma_start3A_256 = arith.constant 0 : i32
    %dma_start3A_257 = tpu.memref_slice %arg3[%dma_start3A_255, %dma_start3A_256] : memref<1000000x32xf16, #tpu.memory_space<hbm>> -> memref<1000000x32xf16, #tpu.memory_space<hbm>>
    tpu.enqueue_indirect_dma source(%dma_start3A_257 : memref<1000000x32xf16, #tpu.memory_space<hbm>>) target(%dma_start3A_252 : memref<128x32xf16, #tpu.memory_space<vmem>>) offsets(%dma_start3A_254 : memref<128xi32, #tpu.memory_space<vmem>>) semaphore(%arg10 : memref<!tpu.dma_semaphore, #tpu.memory_space<semaphore_mem>>)
    %dma_start3A_258 = arith.constant 768 : i32
    %dma_start3A_259 = arith.constant 0 : i32
    %dma_start3A_260 = tpu.memref_slice %arg6[%dma_start3A_258, %dma_start3A_259] : memref<1024x32xf16, #tpu.memory_space<vmem>> -> memref<128x32xf16, #tpu.memory_space<vmem>>
    %dma_start3A_261 = arith.constant 2816 : i32
    %dma_start3A_262 = tpu.memref_slice %arg5[%dma_start3A_261] : memref<13312xi32, #tpu.memory_space<vmem>> -> memref<128xi32, #tpu.memory_space<vmem>>
    %dma_start3A_263 = arith.constant 0 : i32
    %dma_start3A_264 = arith.constant 0 : i32
    %dma_start3A_265 = tpu.memref_slice %arg3[%dma_start3A_263, %dma_start3A_264] : memref<1000000x32xf16, #tpu.memory_space<hbm>> -> memref<1000000x32xf16, #tpu.memory_space<hbm>>
    tpu.enqueue_indirect_dma source(%dma_start3A_265 : memref<1000000x32xf16, #tpu.memory_space<hbm>>) target(%dma_start3A_260 : memref<128x32xf16, #tpu.memory_space<vmem>>) offsets(%dma_start3A_262 : memref<128xi32, #tpu.memory_space<vmem>>) semaphore(%arg10 : memref<!tpu.dma_semaphore, #tpu.memory_space<semaphore_mem>>)
    %dma_start3A_266 = arith.constant 896 : i32
    %dma_start3A_267 = arith.constant 0 : i32
    %dma_start3A_268 = tpu.memref_slice %arg6[%dma_start3A_266, %dma_start3A_267] : memref<1024x32xf16, #tpu.memory_space<vmem>> -> memref<128x32xf16, #tpu.memory_space<vmem>>
    %dma_start3A_269 = arith.constant 2944 : i32
    %dma_start3A_270 = tpu.memref_slice %arg5[%dma_start3A_269] : memref<13312xi32, #tpu.memory_space<vmem>> -> memref<128xi32, #tpu.memory_space<vmem>>
    %dma_start3A_271 = arith.constant 0 : i32
    %dma_start3A_272 = arith.constant 0 : i32
    %dma_start3A_273 = tpu.memref_slice %arg3[%dma_start3A_271, %dma_start3A_272] : memref<1000000x32xf16, #tpu.memory_space<hbm>> -> memref<1000000x32xf16, #tpu.memory_space<hbm>>
    tpu.enqueue_indirect_dma source(%dma_start3A_273 : memref<1000000x32xf16, #tpu.memory_space<hbm>>) target(%dma_start3A_268 : memref<128x32xf16, #tpu.memory_space<vmem>>) offsets(%dma_start3A_270 : memref<128xi32, #tpu.memory_space<vmem>>) semaphore(%arg10 : memref<!tpu.dma_semaphore, #tpu.memory_space<semaphore_mem>>)
    %dma_wait3A_274 = arith.constant 0 : i32
    %dma_wait3A_275 = arith.constant 0 : i32
    %dma_wait3A_276 = tpu.memref_slice %arg7[%dma_wait3A_274, %dma_wait3A_275] : memref<1024x32xf16, #tpu.memory_space<vmem>> -> memref<128x32xf16, #tpu.memory_space<vmem>>
    %dma_wait3A_277 = arith.constant 1024 : i32
    %dma_wait3A_278 = tpu.memref_slice %arg5[%dma_wait3A_277] : memref<13312xi32, #tpu.memory_space<vmem>> -> memref<128xi32, #tpu.memory_space<vmem>>
    %dma_wait3A_279 = arith.constant 0 : i32
    %dma_wait3A_280 = arith.constant 0 : i32
    %dma_wait3A_281 = tpu.memref_slice %arg3[%dma_wait3A_279, %dma_wait3A_280] : memref<1000000x32xf16, #tpu.memory_space<hbm>> -> memref<1000000x32xf16, #tpu.memory_space<hbm>>
    tpu.wait_indirect_dma semaphore(%arg11 : memref<!tpu.dma_semaphore, #tpu.memory_space<semaphore_mem>>) src(%dma_wait3A_281 : memref<1000000x32xf16, #tpu.memory_space<hbm>>) dst(%dma_wait3A_276 : memref<128x32xf16, #tpu.memory_space<vmem>>)
    %dma_wait3A_282 = arith.constant 128 : i32
    %dma_wait3A_283 = arith.constant 0 : i32
    %dma_wait3A_284 = tpu.memref_slice %arg7[%dma_wait3A_282, %dma_wait3A_283] : memref<1024x32xf16, #tpu.memory_space<vmem>> -> memref<128x32xf16, #tpu.memory_space<vmem>>
    %dma_wait3A_285 = arith.constant 1152 : i32
    %dma_wait3A_286 = tpu.memref_slice %arg5[%dma_wait3A_285] : memref<13312xi32, #tpu.memory_space<vmem>> -> memref<128xi32, #tpu.memory_space<vmem>>
    %dma_wait3A_287 = arith.constant 0 : i32
    %dma_wait3A_288 = arith.constant 0 : i32
    %dma_wait3A_289 = tpu.memref_slice %arg3[%dma_wait3A_287, %dma_wait3A_288] : memref<1000000x32xf16, #tpu.memory_space<hbm>> -> memref<1000000x32xf16, #tpu.memory_space<hbm>>
    tpu.wait_indirect_dma semaphore(%arg11 : memref<!tpu.dma_semaphore, #tpu.memory_space<semaphore_mem>>) src(%dma_wait3A_289 : memref<1000000x32xf16, #tpu.memory_space<hbm>>) dst(%dma_wait3A_284 : memref<128x32xf16, #tpu.memory_space<vmem>>)
    %dma_wait3A_290 = arith.constant 256 : i32
    %dma_wait3A_291 = arith.constant 0 : i32
    %dma_wait3A_292 = tpu.memref_slice %arg7[%dma_wait3A_290, %dma_wait3A_291] : memref<1024x32xf16, #tpu.memory_space<vmem>> -> memref<128x32xf16, #tpu.memory_space<vmem>>
    %dma_wait3A_293 = arith.constant 1280 : i32
    %dma_wait3A_294 = tpu.memref_slice %arg5[%dma_wait3A_293] : memref<13312xi32, #tpu.memory_space<vmem>> -> memref<128xi32, #tpu.memory_space<vmem>>
    %dma_wait3A_295 = arith.constant 0 : i32
    %dma_wait3A_296 = arith.constant 0 : i32
    %dma_wait3A_297 = tpu.memref_slice %arg3[%dma_wait3A_295, %dma_wait3A_296] : memref<1000000x32xf16, #tpu.memory_space<hbm>> -> memref<1000000x32xf16, #tpu.memory_space<hbm>>
    tpu.wait_indirect_dma semaphore(%arg11 : memref<!tpu.dma_semaphore, #tpu.memory_space<semaphore_mem>>) src(%dma_wait3A_297 : memref<1000000x32xf16, #tpu.memory_space<hbm>>) dst(%dma_wait3A_292 : memref<128x32xf16, #tpu.memory_space<vmem>>)
    %dma_wait3A_298 = arith.constant 384 : i32
    %dma_wait3A_299 = arith.constant 0 : i32
    %dma_wait3A_300 = tpu.memref_slice %arg7[%dma_wait3A_298, %dma_wait3A_299] : memref<1024x32xf16, #tpu.memory_space<vmem>> -> memref<128x32xf16, #tpu.memory_space<vmem>>
    %dma_wait3A_301 = arith.constant 1408 : i32
    %dma_wait3A_302 = tpu.memref_slice %arg5[%dma_wait3A_301] : memref<13312xi32, #tpu.memory_space<vmem>> -> memref<128xi32, #tpu.memory_space<vmem>>
    %dma_wait3A_303 = arith.constant 0 : i32
    %dma_wait3A_304 = arith.constant 0 : i32
    %dma_wait3A_305 = tpu.memref_slice %arg3[%dma_wait3A_303, %dma_wait3A_304] : memref<1000000x32xf16, #tpu.memory_space<hbm>> -> memref<1000000x32xf16, #tpu.memory_space<hbm>>
    tpu.wait_indirect_dma semaphore(%arg11 : memref<!tpu.dma_semaphore, #tpu.memory_space<semaphore_mem>>) src(%dma_wait3A_305 : memref<1000000x32xf16, #tpu.memory_space<hbm>>) dst(%dma_wait3A_300 : memref<128x32xf16, #tpu.memory_space<vmem>>)
    %dma_wait3A_306 = arith.constant 512 : i32
    %dma_wait3A_307 = arith.constant 0 : i32
    %dma_wait3A_308 = tpu.memref_slice %arg7[%dma_wait3A_306, %dma_wait3A_307] : memref<1024x32xf16, #tpu.memory_space<vmem>> -> memref<128x32xf16, #tpu.memory_space<vmem>>
    %dma_wait3A_309 = arith.constant 1536 : i32
    %dma_wait3A_310 = tpu.memref_slice %arg5[%dma_wait3A_309] : memref<13312xi32, #tpu.memory_space<vmem>> -> memref<128xi32, #tpu.memory_space<vmem>>
    %dma_wait3A_311 = arith.constant 0 : i32
    %dma_wait3A_312 = arith.constant 0 : i32
    %dma_wait3A_313 = tpu.memref_slice %arg3[%dma_wait3A_311, %dma_wait3A_312] : memref<1000000x32xf16, #tpu.memory_space<hbm>> -> memref<1000000x32xf16, #tpu.memory_space<hbm>>
    tpu.wait_indirect_dma semaphore(%arg11 : memref<!tpu.dma_semaphore, #tpu.memory_space<semaphore_mem>>) src(%dma_wait3A_313 : memref<1000000x32xf16, #tpu.memory_space<hbm>>) dst(%dma_wait3A_308 : memref<128x32xf16, #tpu.memory_space<vmem>>)
    %dma_wait3A_314 = arith.constant 640 : i32
    %dma_wait3A_315 = arith.constant 0 : i32
    %dma_wait3A_316 = tpu.memref_slice %arg7[%dma_wait3A_314, %dma_wait3A_315] : memref<1024x32xf16, #tpu.memory_space<vmem>> -> memref<128x32xf16, #tpu.memory_space<vmem>>
    %dma_wait3A_317 = arith.constant 1664 : i32
    %dma_wait3A_318 = tpu.memref_slice %arg5[%dma_wait3A_317] : memref<13312xi32, #tpu.memory_space<vmem>> -> memref<128xi32, #tpu.memory_space<vmem>>
    %dma_wait3A_319 = arith.constant 0 : i32
    %dma_wait3A_320 = arith.constant 0 : i32
    %dma_wait3A_321 = tpu.memref_slice %arg3[%dma_wait3A_319, %dma_wait3A_320] : memref<1000000x32xf16, #tpu.memory_space<hbm>> -> memref<1000000x32xf16, #tpu.memory_space<hbm>>
    tpu.wait_indirect_dma semaphore(%arg11 : memref<!tpu.dma_semaphore, #tpu.memory_space<semaphore_mem>>) src(%dma_wait3A_321 : memref<1000000x32xf16, #tpu.memory_space<hbm>>) dst(%dma_wait3A_316 : memref<128x32xf16, #tpu.memory_space<vmem>>)
    %dma_wait3A_322 = arith.constant 768 : i32
    %dma_wait3A_323 = arith.constant 0 : i32
    %dma_wait3A_324 = tpu.memref_slice %arg7[%dma_wait3A_322, %dma_wait3A_323] : memref<1024x32xf16, #tpu.memory_space<vmem>> -> memref<128x32xf16, #tpu.memory_space<vmem>>
    %dma_wait3A_325 = arith.constant 1792 : i32
    %dma_wait3A_326 = tpu.memref_slice %arg5[%dma_wait3A_325] : memref<13312xi32, #tpu.memory_space<vmem>> -> memref<128xi32, #tpu.memory_space<vmem>>
    %dma_wait3A_327 = arith.constant 0 : i32
    %dma_wait3A_328 = arith.constant 0 : i32
    %dma_wait3A_329 = tpu.memref_slice %arg3[%dma_wait3A_327, %dma_wait3A_328] : memref<1000000x32xf16, #tpu.memory_space<hbm>> -> memref<1000000x32xf16, #tpu.memory_space<hbm>>
    tpu.wait_indirect_dma semaphore(%arg11 : memref<!tpu.dma_semaphore, #tpu.memory_space<semaphore_mem>>) src(%dma_wait3A_329 : memref<1000000x32xf16, #tpu.memory_space<hbm>>) dst(%dma_wait3A_324 : memref<128x32xf16, #tpu.memory_space<vmem>>)
    %dma_wait3A_330 = arith.constant 896 : i32
    %dma_wait3A_331 = arith.constant 0 : i32
    %dma_wait3A_332 = tpu.memref_slice %arg7[%dma_wait3A_330, %dma_wait3A_331] : memref<1024x32xf16, #tpu.memory_space<vmem>> -> memref<128x32xf16, #tpu.memory_space<vmem>>
    %dma_wait3A_333 = arith.constant 1920 : i32
    %dma_wait3A_334 = tpu.memref_slice %arg5[%dma_wait3A_333] : memref<13312xi32, #tpu.memory_space<vmem>> -> memref<128xi32, #tpu.memory_space<vmem>>
    %dma_wait3A_335 = arith.constant 0 : i32
    %dma_wait3A_336 = arith.constant 0 : i32
    %dma_wait3A_337 = tpu.memref_slice %arg3[%dma_wait3A_335, %dma_wait3A_336] : memref<1000000x32xf16, #tpu.memory_space<hbm>> -> memref<1000000x32xf16, #tpu.memory_space<hbm>>
    tpu.wait_indirect_dma semaphore(%arg11 : memref<!tpu.dma_semaphore, #tpu.memory_space<semaphore_mem>>) src(%dma_wait3A_337 : memref<1000000x32xf16, #tpu.memory_space<hbm>>) dst(%dma_wait3A_332 : memref<128x32xf16, #tpu.memory_space<vmem>>)
    %parallel_loop3A_338 = arith.constant 0 : i32
    %parallel_loop3A_339 = arith.constant 1024 : i32
    %parallel_loop3A_340 = arith.constant 1 : i32
    scf.for %parallel_loop3A_1842 = %parallel_loop3A_338 to %parallel_loop3A_339 step %parallel_loop3A_340  : i32 {
      %parallel_loop3A_1843 = arith.index_cast %parallel_loop3A_1842 : i32 to index
      %parallel_loop3A_1844 = arith.constant 0 : index
      %parallel_loop3A_1845 = tpu.vector_load %arg7[%parallel_loop3A_1843, %parallel_loop3A_1844] {strides = array<i32>} : memref<1024x32xf16, #tpu.memory_space<vmem>>, vector<32xf16>,
      %parallel_loop3A_1846 = tpu.bitcast %parallel_loop3A_1845 : vector<32xf16> -> vector<32xi16>
      %parallel_loop3A_1847 = tpu.unpack_subelements %parallel_loop3A_1846, 0 {pack_format = #tpu.pack_format<interleaved>} : vector<32xi16> -> vector<16xi32>
      %parallel_loop3A_1848 = tpu.unpack_subelements %parallel_loop3A_1846, 1 {pack_format = #tpu.pack_format<interleaved>} : vector<32xi16> -> vector<16xi32>
      %parallel_loop3A_1849 = arith.constant 16 : i32
      %parallel_loop3A_1850 = vector.broadcast %parallel_loop3A_1849 : i32 to vector<16xi32>
      %parallel_loop3A_1851 = arith.shli %parallel_loop3A_1847, %parallel_loop3A_1850 : vector<16xi32>
      %parallel_loop3A_1852 = arith.constant 3 : i32
      %parallel_loop3A_1853 = vector.broadcast %parallel_loop3A_1852 : i32 to vector<16xi32>
      %parallel_loop3A_1854 = arith.shrsi %parallel_loop3A_1851, %parallel_loop3A_1853 : vector<16xi32>
      %parallel_loop3A_1855 = arith.constant -1879056384 : i32
      %parallel_loop3A_1856 = vector.broadcast %parallel_loop3A_1855 : i32 to vector<16xi32>
      %parallel_loop3A_1857 = arith.andi %parallel_loop3A_1854, %parallel_loop3A_1856 : vector<16xi32>
      %parallel_loop3A_1858 = tpu.bitcast %parallel_loop3A_1857 : vector<16xi32> -> vector<16xf32>
      %parallel_loop3A_1859 = arith.constant 5.19229686E+33 : f32
      %parallel_loop3A_1860 = vector.broadcast %parallel_loop3A_1859 : f32 to vector<16xf32>
      %parallel_loop3A_1861 = arith.mulf %parallel_loop3A_1858, %parallel_loop3A_1860 : vector<16xf32>
      %parallel_loop3A_1862 = arith.constant 16 : i32
      %parallel_loop3A_1863 = vector.broadcast %parallel_loop3A_1862 : i32 to vector<16xi32>
      %parallel_loop3A_1864 = arith.shli %parallel_loop3A_1848, %parallel_loop3A_1863 : vector<16xi32>
      %parallel_loop3A_1865 = arith.constant 3 : i32
      %parallel_loop3A_1866 = vector.broadcast %parallel_loop3A_1865 : i32 to vector<16xi32>
      %parallel_loop3A_1867 = arith.shrsi %parallel_loop3A_1864, %parallel_loop3A_1866 : vector<16xi32>
      %parallel_loop3A_1868 = arith.constant -1879056384 : i32
      %parallel_loop3A_1869 = vector.broadcast %parallel_loop3A_1868 : i32 to vector<16xi32>
      %parallel_loop3A_1870 = arith.andi %parallel_loop3A_1867, %parallel_loop3A_1869 : vector<16xi32>
      %parallel_loop3A_1871 = tpu.bitcast %parallel_loop3A_1870 : vector<16xi32> -> vector<16xf32>
      %parallel_loop3A_1872 = arith.constant 5.19229686E+33 : f32
      %parallel_loop3A_1873 = vector.broadcast %parallel_loop3A_1872 : f32 to vector<16xf32>
      %parallel_loop3A_1874 = arith.mulf %parallel_loop3A_1871, %parallel_loop3A_1873 : vector<16xf32>
      %parallel_loop3A_1875 = vector.shape_cast %shift_right_arithmetic3A_8 : vector<16xi32> to vector<16x1xi32>
      %parallel_loop3A_1876 = vector.shape_cast %parallel_loop3A_1875 : vector<16x1xi32> to vector<16xi32>
      %parallel_loop3A_1877 = tpu.dynamic_gather %parallel_loop3A_1861[%parallel_loop3A_1876] in [0] : vector<16xf32>, vector<16xi32> -> vector<16xf32>
      %parallel_loop3A_1878 = vector.shape_cast %shift_right_arithmetic3A_8 : vector<16xi32> to vector<16x1xi32>
      %parallel_loop3A_1879 = vector.shape_cast %parallel_loop3A_1878 : vector<16x1xi32> to vector<16xi32>
      %parallel_loop3A_1880 = tpu.dynamic_gather %parallel_loop3A_1874[%parallel_loop3A_1879] in [0] : vector<16xf32>, vector<16xi32> -> vector<16xf32>
      %parallel_loop3A_1881 = arith.select %eq3A_6, %parallel_loop3A_1877, %parallel_loop3A_1880 : vector<16xi1>, vector<16xf32>
      %parallel_loop3A_1882 = arith.index_cast %parallel_loop3A_1842 : i32 to index
      %parallel_loop3A_1883 = arith.constant 0 : index
      %parallel_loop3A_1884 = tpu.vector_load %arg9[%parallel_loop3A_1882, %parallel_loop3A_1883] {strides = array<i32>} : memref<1024x32xf32, #tpu.memory_space<vmem>>, vector<16xf32>,
      tpu.vector_store %arg9[%parallel_loop3A_1882, %parallel_loop3A_1883], %parallel_loop3A_1881 {strides = array<i32>} : memref<1024x32xf32, #tpu.memory_space<vmem>>, vector<16xf32>,
      %parallel_loop3A_1885 = vector.shape_cast %add3A_11 : vector<16xi32> to vector<16x1xi32>
      %parallel_loop3A_1886 = vector.shape_cast %parallel_loop3A_1885 : vector<16x1xi32> to vector<16xi32>
      %parallel_loop3A_1887 = tpu.dynamic_gather %parallel_loop3A_1861[%parallel_loop3A_1886] in [0] : vector<16xf32>, vector<16xi32> -> vector<16xf32>
      %parallel_loop3A_1888 = vector.shape_cast %add3A_11 : vector<16xi32> to vector<16x1xi32>
      %parallel_loop3A_1889 = vector.shape_cast %parallel_loop3A_1888 : vector<16x1xi32> to vector<16xi32>
      %parallel_loop3A_1890 = tpu.dynamic_gather %parallel_loop3A_1874[%parallel_loop3A_1889] in [0] : vector<16xf32>, vector<16xi32> -> vector<16xf32>
      %parallel_loop3A_1891 = arith.select %eq3A_6, %parallel_loop3A_1887, %parallel_loop3A_1890 : vector<16xi1>, vector<16xf32>
      %parallel_loop3A_1892 = arith.index_cast %parallel_loop3A_1842 : i32 to index
      %parallel_loop3A_1893 = arith.constant 16 : index
      %parallel_loop3A_1894 = tpu.vector_load %arg9[%parallel_loop3A_1892, %parallel_loop3A_1893] {strides = array<i32>} : memref<1024x32xf32, #tpu.memory_space<vmem>>, vector<16xf32>,
      tpu.vector_store %arg9[%parallel_loop3A_1892, %parallel_loop3A_1893], %parallel_loop3A_1891 {strides = array<i32>} : memref<1024x32xf32, #tpu.memory_space<vmem>>, vector<16xf32>,
    } {sc.loop_unroll_factor = 4 : i64, sc.parallel_access}
    %add3A_341 = arith.constant 1024 : i32
    %add3A_342 = arith.addi %mul3A_2, %add3A_341 : i32
    %dma_start3A_343 = arith.constant 0 : i32
    %dma_start3A_344 = tpu.memref_slice %arg4[%add3A_342, %dma_start3A_343] : memref<425984x32xf32, #tpu.memory_space<hbm>> -> memref<1024x32xf32, #tpu.memory_space<hbm>>
    %dma_start3A_345 = arith.constant 0 : i32
    %dma_start3A_346 = tpu.memref_slice %arg4[%add3A_342, %dma_start3A_345] : memref<425984x32xf32, #tpu.memory_space<hbm>> -> memref<1024x32xf32, #tpu.memory_space<hbm>>
    tpu.enqueue_dma source(%arg9 : memref<1024x32xf32, #tpu.memory_space<vmem>>) target(%dma_start3A_346 : memref<1024x32xf32, #tpu.memory_space<hbm>>) target_semaphore(%arg13 : memref<!tpu.dma_semaphore, #tpu.memory_space<semaphore_mem>>)
    %dma_start3A_347 = arith.constant 0 : i32
    %dma_start3A_348 = arith.constant 0 : i32
    %dma_start3A_349 = tpu.memref_slice %arg7[%dma_start3A_347, %dma_start3A_348] : memref<1024x32xf16, #tpu.memory_space<vmem>> -> memref<128x32xf16, #tpu.memory_space<vmem>>
    %dma_start3A_350 = arith.constant 3072 : i32
    %dma_start3A_351 = tpu.memref_slice %arg5[%dma_start3A_350] : memref<13312xi32, #tpu.memory_space<vmem>> -> memref<128xi32, #tpu.memory_space<vmem>>
    %dma_start3A_352 = arith.constant 0 : i32
    %dma_start3A_353 = arith.constant 0 : i32
    %dma_start3A_354 = tpu.memref_slice %arg3[%dma_start3A_352, %dma_start3A_353] : memref<1000000x32xf16, #tpu.memory_space<hbm>> -> memref<1000000x32xf16, #tpu.memory_space<hbm>>
    tpu.enqueue_indirect_dma source(%dma_start3A_354 : memref<1000000x32xf16, #tpu.memory_space<hbm>>) target(%dma_start3A_349 : memref<128x32xf16, #tpu.memory_space<vmem>>) offsets(%dma_start3A_351 : memref<128xi32, #tpu.memory_space<vmem>>) semaphore(%arg11 : memref<!tpu.dma_semaphore, #tpu.memory_space<semaphore_mem>>)
    %dma_start3A_355 = arith.constant 128 : i32
    %dma_start3A_356 = arith.constant 0 : i32
    %dma_start3A_357 = tpu.memref_slice %arg7[%dma_start3A_355, %dma_start3A_356] : memref<1024x32xf16, #tpu.memory_space<vmem>> -> memref<128x32xf16, #tpu.memory_space<vmem>>
    %dma_start3A_358 = arith.constant 3200 : i32
    %dma_start3A_359 = tpu.memref_slice %arg5[%dma_start3A_358] : memref<13312xi32, #tpu.memory_space<vmem>> -> memref<128xi32, #tpu.memory_space<vmem>>
    %dma_start3A_360 = arith.constant 0 : i32
    %dma_start3A_361 = arith.constant 0 : i32
    %dma_start3A_362 = tpu.memref_slice %arg3[%dma_start3A_360, %dma_start3A_361] : memref<1000000x32xf16, #tpu.memory_space<hbm>> -> memref<1000000x32xf16, #tpu.memory_space<hbm>>
    tpu.enqueue_indirect_dma source(%dma_start3A_362 : memref<1000000x32xf16, #tpu.memory_space<hbm>>) target(%dma_start3A_357 : memref<128x32xf16, #tpu.memory_space<vmem>>) offsets(%dma_start3A_359 : memref<128xi32, #tpu.memory_space<vmem>>) semaphore(%arg11 : memref<!tpu.dma_semaphore, #tpu.memory_space<semaphore_mem>>)
    %dma_start3A_363 = arith.constant 256 : i32
    %dma_start3A_364 = arith.constant 0 : i32
    %dma_start3A_365 = tpu.memref_slice %arg7[%dma_start3A_363, %dma_start3A_364] : memref<1024x32xf16, #tpu.memory_space<vmem>> -> memref<128x32xf16, #tpu.memory_space<vmem>>
    %dma_start3A_366 = arith.constant 3328 : i32
    %dma_start3A_367 = tpu.memref_slice %arg5[%dma_start3A_366] : memref<13312xi32, #tpu.memory_space<vmem>> -> memref<128xi32, #tpu.memory_space<vmem>>
    %dma_start3A_368 = arith.constant 0 : i32
    %dma_start3A_369 = arith.constant 0 : i32
    %dma_start3A_370 = tpu.memref_slice %arg3[%dma_start3A_368, %dma_start3A_369] : memref<1000000x32xf16, #tpu.memory_space<hbm>> -> memref<1000000x32xf16, #tpu.memory_space<hbm>>
    tpu.enqueue_indirect_dma source(%dma_start3A_370 : memref<1000000x32xf16, #tpu.memory_space<hbm>>) target(%dma_start3A_365 : memref<128x32xf16, #tpu.memory_space<vmem>>) offsets(%dma_start3A_367 : memref<128xi32, #tpu.memory_space<vmem>>) semaphore(%arg11 : memref<!tpu.dma_semaphore, #tpu.memory_space<semaphore_mem>>)
    %dma_start3A_371 = arith.constant 384 : i32
    %dma_start3A_372 = arith.constant 0 : i32
    %dma_start3A_373 = tpu.memref_slice %arg7[%dma_start3A_371, %dma_start3A_372] : memref<1024x32xf16, #tpu.memory_space<vmem>> -> memref<128x32xf16, #tpu.memory_space<vmem>>
    %dma_start3A_374 = arith.constant 3456 : i32
    %dma_start3A_375 = tpu.memref_slice %arg5[%dma_start3A_374] : memref<13312xi32, #tpu.memory_space<vmem>> -> memref<128xi32, #tpu.memory_space<vmem>>
    %dma_start3A_376 = arith.constant 0 : i32
    %dma_start3A_377 = arith.constant 0 : i32
    %dma_start3A_378 = tpu.memref_slice %arg3[%dma_start3A_376, %dma_start3A_377] : memref<1000000x32xf16, #tpu.memory_space<hbm>> -> memref<1000000x32xf16, #tpu.memory_space<hbm>>
    tpu.enqueue_indirect_dma source(%dma_start3A_378 : memref<1000000x32xf16, #tpu.memory_space<hbm>>) target(%dma_start3A_373 : memref<128x32xf16, #tpu.memory_space<vmem>>) offsets(%dma_start3A_375 : memref<128xi32, #tpu.memory_space<vmem>>) semaphore(%arg11 : memref<!tpu.dma_semaphore, #tpu.memory_space<semaphore_mem>>)
    %dma_start3A_379 = arith.constant 512 : i32
    %dma_start3A_380 = arith.constant 0 : i32
    %dma_start3A_381 = tpu.memref_slice %arg7[%dma_start3A_379, %dma_start3A_380] : memref<1024x32xf16, #tpu.memory_space<vmem>> -> memref<128x32xf16, #tpu.memory_space<vmem>>
    %dma_start3A_382 = arith.constant 3584 : i32
    %dma_start3A_383 = tpu.memref_slice %arg5[%dma_start3A_382] : memref<13312xi32, #tpu.memory_space<vmem>> -> memref<128xi32, #tpu.memory_space<vmem>>
    %dma_start3A_384 = arith.constant 0 : i32
    %dma_start3A_385 = arith.constant 0 : i32
    %dma_start3A_386 = tpu.memref_slice %arg3[%dma_start3A_384, %dma_start3A_385] : memref<1000000x32xf16, #tpu.memory_space<hbm>> -> memref<1000000x32xf16, #tpu.memory_space<hbm>>
    tpu.enqueue_indirect_dma source(%dma_start3A_386 : memref<1000000x32xf16, #tpu.memory_space<hbm>>) target(%dma_start3A_381 : memref<128x32xf16, #tpu.memory_space<vmem>>) offsets(%dma_start3A_383 : memref<128xi32, #tpu.memory_space<vmem>>) semaphore(%arg11 : memref<!tpu.dma_semaphore, #tpu.memory_space<semaphore_mem>>)
    %dma_start3A_387 = arith.constant 640 : i32
    %dma_start3A_388 = arith.constant 0 : i32
    %dma_start3A_389 = tpu.memref_slice %arg7[%dma_start3A_387, %dma_start3A_388] : memref<1024x32xf16, #tpu.memory_space<vmem>> -> memref<128x32xf16, #tpu.memory_space<vmem>>
    %dma_start3A_390 = arith.constant 3712 : i32
    %dma_start3A_391 = tpu.memref_slice %arg5[%dma_start3A_390] : memref<13312xi32, #tpu.memory_space<vmem>> -> memref<128xi32, #tpu.memory_space<vmem>>
    %dma_start3A_392 = arith.constant 0 : i32
    %dma_start3A_393 = arith.constant 0 : i32
    %dma_start3A_394 = tpu.memref_slice %arg3[%dma_start3A_392, %dma_start3A_393] : memref<1000000x32xf16, #tpu.memory_space<hbm>> -> memref<1000000x32xf16, #tpu.memory_space<hbm>>
    tpu.enqueue_indirect_dma source(%dma_start3A_394 : memref<1000000x32xf16, #tpu.memory_space<hbm>>) target(%dma_start3A_389 : memref<128x32xf16, #tpu.memory_space<vmem>>) offsets(%dma_start3A_391 : memref<128xi32, #tpu.memory_space<vmem>>) semaphore(%arg11 : memref<!tpu.dma_semaphore, #tpu.memory_space<semaphore_mem>>)
    %dma_start3A_395 = arith.constant 768 : i32
    %dma_start3A_396 = arith.constant 0 : i32
    %dma_start3A_397 = tpu.memref_slice %arg7[%dma_start3A_395, %dma_start3A_396] : memref<1024x32xf16, #tpu.memory_space<vmem>> -> memref<128x32xf16, #tpu.memory_space<vmem>>
    %dma_start3A_398 = arith.constant 3840 : i32
    %dma_start3A_399 = tpu.memref_slice %arg5[%dma_start3A_398] : memref<13312xi32, #tpu.memory_space<vmem>> -> memref<128xi32, #tpu.memory_space<vmem>>
    %dma_start3A_400 = arith.constant 0 : i32
    %dma_start3A_401 = arith.constant 0 : i32
    %dma_start3A_402 = tpu.memref_slice %arg3[%dma_start3A_400, %dma_start3A_401] : memref<1000000x32xf16, #tpu.memory_space<hbm>> -> memref<1000000x32xf16, #tpu.memory_space<hbm>>
    tpu.enqueue_indirect_dma source(%dma_start3A_402 : memref<1000000x32xf16, #tpu.memory_space<hbm>>) target(%dma_start3A_397 : memref<128x32xf16, #tpu.memory_space<vmem>>) offsets(%dma_start3A_399 : memref<128xi32, #tpu.memory_space<vmem>>) semaphore(%arg11 : memref<!tpu.dma_semaphore, #tpu.memory_space<semaphore_mem>>)
    %dma_start3A_403 = arith.constant 896 : i32
    %dma_start3A_404 = arith.constant 0 : i32
    %dma_start3A_405 = tpu.memref_slice %arg7[%dma_start3A_403, %dma_start3A_404] : memref<1024x32xf16, #tpu.memory_space<vmem>> -> memref<128x32xf16, #tpu.memory_space<vmem>>
    %dma_start3A_406 = arith.constant 3968 : i32
    %dma_start3A_407 = tpu.memref_slice %arg5[%dma_start3A_406] : memref<13312xi32, #tpu.memory_space<vmem>> -> memref<128xi32, #tpu.memory_space<vmem>>
    %dma_start3A_408 = arith.constant 0 : i32
    %dma_start3A_409 = arith.constant 0 : i32
    %dma_start3A_410 = tpu.memref_slice %arg3[%dma_start3A_408, %dma_start3A_409] : memref<1000000x32xf16, #tpu.memory_space<hbm>> -> memref<1000000x32xf16, #tpu.memory_space<hbm>>
    tpu.enqueue_indirect_dma source(%dma_start3A_410 : memref<1000000x32xf16, #tpu.memory_space<hbm>>) target(%dma_start3A_405 : memref<128x32xf16, #tpu.memory_space<vmem>>) offsets(%dma_start3A_407 : memref<128xi32, #tpu.memory_space<vmem>>) semaphore(%arg11 : memref<!tpu.dma_semaphore, #tpu.memory_space<semaphore_mem>>)
    %dma_wait3A_411 = arith.constant 0 : i32
    %dma_wait3A_412 = arith.constant 0 : i32
    %dma_wait3A_413 = tpu.memref_slice %arg6[%dma_wait3A_411, %dma_wait3A_412] : memref<1024x32xf16, #tpu.memory_space<vmem>> -> memref<128x32xf16, #tpu.memory_space<vmem>>
    %dma_wait3A_414 = arith.constant 2048 : i32
    %dma_wait3A_415 = tpu.memref_slice %arg5[%dma_wait3A_414] : memref<13312xi32, #tpu.memory_space<vmem>> -> memref<128xi32, #tpu.memory_space<vmem>>
    %dma_wait3A_416 = arith.constant 0 : i32
    %dma_wait3A_417 = arith.constant 0 : i32
    %dma_wait3A_418 = tpu.memref_slice %arg3[%dma_wait3A_416, %dma_wait3A_417] : memref<1000000x32xf16, #tpu.memory_space<hbm>> -> memref<1000000x32xf16, #tpu.memory_space<hbm>>
    tpu.wait_indirect_dma semaphore(%arg10 : memref<!tpu.dma_semaphore, #tpu.memory_space<semaphore_mem>>) src(%dma_wait3A_418 : memref<1000000x32xf16, #tpu.memory_space<hbm>>) dst(%dma_wait3A_413 : memref<128x32xf16, #tpu.memory_space<vmem>>)
    %dma_wait3A_419 = arith.constant 128 : i32
    %dma_wait3A_420 = arith.constant 0 : i32
    %dma_wait3A_421 = tpu.memref_slice %arg6[%dma_wait3A_419, %dma_wait3A_420] : memref<1024x32xf16, #tpu.memory_space<vmem>> -> memref<128x32xf16, #tpu.memory_space<vmem>>
    %dma_wait3A_422 = arith.constant 2176 : i32
    %dma_wait3A_423 = tpu.memref_slice %arg5[%dma_wait3A_422] : memref<13312xi32, #tpu.memory_space<vmem>> -> memref<128xi32, #tpu.memory_space<vmem>>
    %dma_wait3A_424 = arith.constant 0 : i32
    %dma_wait3A_425 = arith.constant 0 : i32
    %dma_wait3A_426 = tpu.memref_slice %arg3[%dma_wait3A_424, %dma_wait3A_425] : memref<1000000x32xf16, #tpu.memory_space<hbm>> -> memref<1000000x32xf16, #tpu.memory_space<hbm>>
    tpu.wait_indirect_dma semaphore(%arg10 : memref<!tpu.dma_semaphore, #tpu.memory_space<semaphore_mem>>) src(%dma_wait3A_426 : memref<1000000x32xf16, #tpu.memory_space<hbm>>) dst(%dma_wait3A_421 : memref<128x32xf16, #tpu.memory_space<vmem>>)
    %dma_wait3A_427 = arith.constant 256 : i32
    %dma_wait3A_428 = arith.constant 0 : i32
    %dma_wait3A_429 = tpu.memref_slice %arg6[%dma_wait3A_427, %dma_wait3A_428] : memref<1024x32xf16, #tpu.memory_space<vmem>> -> memref<128x32xf16, #tpu.memory_space<vmem>>
    %dma_wait3A_430 = arith.constant 2304 : i32
    %dma_wait3A_431 = tpu.memref_slice %arg5[%dma_wait3A_430] : memref<13312xi32, #tpu.memory_space<vmem>> -> memref<128xi32, #tpu.memory_space<vmem>>
    %dma_wait3A_432 = arith.constant 0 : i32
    %dma_wait3A_433 = arith.constant 0 : i32
    %dma_wait3A_434 = tpu.memref_slice %arg3[%dma_wait3A_432, %dma_wait3A_433] : memref<1000000x32xf16, #tpu.memory_space<hbm>> -> memref<1000000x32xf16, #tpu.memory_space<hbm>>
    tpu.wait_indirect_dma semaphore(%arg10 : memref<!tpu.dma_semaphore, #tpu.memory_space<semaphore_mem>>) src(%dma_wait3A_434 : memref<1000000x32xf16, #tpu.memory_space<hbm>>) dst(%dma_wait3A_429 : memref<128x32xf16, #tpu.memory_space<vmem>>)
    %dma_wait3A_435 = arith.constant 384 : i32
    %dma_wait3A_436 = arith.constant 0 : i32
    %dma_wait3A_437 = tpu.memref_slice %arg6[%dma_wait3A_435, %dma_wait3A_436] : memref<1024x32xf16, #tpu.memory_space<vmem>> -> memref<128x32xf16, #tpu.memory_space<vmem>>
    %dma_wait3A_438 = arith.constant 2432 : i32
    %dma_wait3A_439 = tpu.memref_slice %arg5[%dma_wait3A_438] : memref<13312xi32, #tpu.memory_space<vmem>> -> memref<128xi32, #tpu.memory_space<vmem>>
    %dma_wait3A_440 = arith.constant 0 : i32
    %dma_wait3A_441 = arith.constant 0 : i32
    %dma_wait3A_442 = tpu.memref_slice %arg3[%dma_wait3A_440, %dma_wait3A_441] : memref<1000000x32xf16, #tpu.memory_space<hbm>> -> memref<1000000x32xf16, #tpu.memory_space<hbm>>
    tpu.wait_indirect_dma semaphore(%arg10 : memref<!tpu.dma_semaphore, #tpu.memory_space<semaphore_mem>>) src(%dma_wait3A_442 : memref<1000000x32xf16, #tpu.memory_space<hbm>>) dst(%dma_wait3A_437 : memref<128x32xf16, #tpu.memory_space<vmem>>)
    %dma_wait3A_443 = arith.constant 512 : i32
    %dma_wait3A_444 = arith.constant 0 : i32
    %dma_wait3A_445 = tpu.memref_slice %arg6[%dma_wait3A_443, %dma_wait3A_444] : memref<1024x32xf16, #tpu.memory_space<vmem>> -> memref<128x32xf16, #tpu.memory_space<vmem>>
    %dma_wait3A_446 = arith.constant 2560 : i32
    %dma_wait3A_447 = tpu.memref_slice %arg5[%dma_wait3A_446] : memref<13312xi32, #tpu.memory_space<vmem>> -> memref<128xi32, #tpu.memory_space<vmem>>
    %dma_wait3A_448 = arith.constant 0 : i32
    %dma_wait3A_449 = arith.constant 0 : i32
    %dma_wait3A_450 = tpu.memref_slice %arg3[%dma_wait3A_448, %dma_wait3A_449] : memref<1000000x32xf16, #tpu.memory_space<hbm>> -> memref<1000000x32xf16, #tpu.memory_space<hbm>>
    tpu.wait_indirect_dma semaphore(%arg10 : memref<!tpu.dma_semaphore, #tpu.memory_space<semaphore_mem>>) src(%dma_wait3A_450 : memref<1000000x32xf16, #tpu.memory_space<hbm>>) dst(%dma_wait3A_445 : memref<128x32xf16, #tpu.memory_space<vmem>>)
    %dma_wait3A_451 = arith.constant 640 : i32
    %dma_wait3A_452 = arith.constant 0 : i32
    %dma_wait3A_453 = tpu.memref_slice %arg6[%dma_wait3A_451, %dma_wait3A_452] : memref<1024x32xf16, #tpu.memory_space<vmem>> -> memref<128x32xf16, #tpu.memory_space<vmem>>
    %dma_wait3A_454 = arith.constant 2688 : i32
    %dma_wait3A_455 = tpu.memref_slice %arg5[%dma_wait3A_454] : memref<13312xi32, #tpu.memory_space<vmem>> -> memref<128xi32, #tpu.memory_space<vmem>>
    %dma_wait3A_456 = arith.constant 0 : i32
    %dma_wait3A_457 = arith.constant 0 : i32
    %dma_wait3A_458 = tpu.memref_slice %arg3[%dma_wait3A_456, %dma_wait3A_457] : memref<1000000x32xf16, #tpu.memory_space<hbm>> -> memref<1000000x32xf16, #tpu.memory_space<hbm>>
    tpu.wait_indirect_dma semaphore(%arg10 : memref<!tpu.dma_semaphore, #tpu.memory_space<semaphore_mem>>) src(%dma_wait3A_458 : memref<1000000x32xf16, #tpu.memory_space<hbm>>) dst(%dma_wait3A_453 : memref<128x32xf16, #tpu.memory_space<vmem>>)
    %dma_wait3A_459 = arith.constant 768 : i32
    %dma_wait3A_460 = arith.constant 0 : i32
    %dma_wait3A_461 = tpu.memref_slice %arg6[%dma_wait3A_459, %dma_wait3A_460] : memref<1024x32xf16, #tpu.memory_space<vmem>> -> memref<128x32xf16, #tpu.memory_space<vmem>>
    %dma_wait3A_462 = arith.constant 2816 : i32
    %dma_wait3A_463 = tpu.memref_slice %arg5[%dma_wait3A_462] : memref<13312xi32, #tpu.memory_space<vmem>> -> memref<128xi32, #tpu.memory_space<vmem>>
    %dma_wait3A_464 = arith.constant 0 : i32
    %dma_wait3A_465 = arith.constant 0 : i32
    %dma_wait3A_466 = tpu.memref_slice %arg3[%dma_wait3A_464, %dma_wait3A_465] : memref<1000000x32xf16, #tpu.memory_space<hbm>> -> memref<1000000x32xf16, #tpu.memory_space<hbm>>
    tpu.wait_indirect_dma semaphore(%arg10 : memref<!tpu.dma_semaphore, #tpu.memory_space<semaphore_mem>>) src(%dma_wait3A_466 : memref<1000000x32xf16, #tpu.memory_space<hbm>>) dst(%dma_wait3A_461 : memref<128x32xf16, #tpu.memory_space<vmem>>)
    %dma_wait3A_467 = arith.constant 896 : i32
    %dma_wait3A_468 = arith.constant 0 : i32
    %dma_wait3A_469 = tpu.memref_slice %arg6[%dma_wait3A_467, %dma_wait3A_468] : memref<1024x32xf16, #tpu.memory_space<vmem>> -> memref<128x32xf16, #tpu.memory_space<vmem>>
    %dma_wait3A_470 = arith.constant 2944 : i32
    %dma_wait3A_471 = tpu.memref_slice %arg5[%dma_wait3A_470] : memref<13312xi32, #tpu.memory_space<vmem>> -> memref<128xi32, #tpu.memory_space<vmem>>
    %dma_wait3A_472 = arith.constant 0 : i32
    %dma_wait3A_473 = arith.constant 0 : i32
    %dma_wait3A_474 = tpu.memref_slice %arg3[%dma_wait3A_472, %dma_wait3A_473] : memref<1000000x32xf16, #tpu.memory_space<hbm>> -> memref<1000000x32xf16, #tpu.memory_space<hbm>>
    tpu.wait_indirect_dma semaphore(%arg10 : memref<!tpu.dma_semaphore, #tpu.memory_space<semaphore_mem>>) src(%dma_wait3A_474 : memref<1000000x32xf16, #tpu.memory_space<hbm>>) dst(%dma_wait3A_469 : memref<128x32xf16, #tpu.memory_space<vmem>>)
    %dma_wait3A_475 = arith.constant 0 : i32
    %dma_wait3A_476 = tpu.memref_slice %arg4[%add3A_205, %dma_wait3A_475] : memref<425984x32xf32, #tpu.memory_space<hbm>> -> memref<1024x32xf32, #tpu.memory_space<hbm>>
    %dma_wait3A_477 = arith.constant 0 : i32
    %dma_wait3A_478 = tpu.memref_slice %arg4[%add3A_205, %dma_wait3A_477] : memref<425984x32xf32, #tpu.memory_space<hbm>> -> memref<1024x32xf32, #tpu.memory_space<hbm>>
    tpu.wait_dma2 semaphore(%arg12 : memref<!tpu.dma_semaphore, #tpu.memory_space<semaphore_mem>>) src(%arg8 : memref<1024x32xf32, #tpu.memory_space<vmem>>) dst(%dma_wait3A_478 : memref<1024x32xf32, #tpu.memory_space<hbm>>)
    %parallel_loop3A_479 = arith.constant 0 : i32
    %parallel_loop3A_480 = arith.constant 1024 : i32
    %parallel_loop3A_481 = arith.constant 1 : i32
    scf.for %parallel_loop3A_1842 = %parallel_loop3A_479 to %parallel_loop3A_480 step %parallel_loop3A_481  : i32 {
      %parallel_loop3A_1843 = arith.index_cast %parallel_loop3A_1842 : i32 to index
      %parallel_loop3A_1844 = arith.constant 0 : index
      %parallel_loop3A_1845 = tpu.vector_load %arg6[%parallel_loop3A_1843, %parallel_loop3A_1844] {strides = array<i32>} : memref<1024x32xf16, #tpu.memory_space<vmem>>, vector<32xf16>,
      %parallel_loop3A_1846 = tpu.bitcast %parallel_loop3A_1845 : vector<32xf16> -> vector<32xi16>
      %parallel_loop3A_1847 = tpu.unpack_subelements %parallel_loop3A_1846, 0 {pack_format = #tpu.pack_format<interleaved>} : vector<32xi16> -> vector<16xi32>
      %parallel_loop3A_1848 = tpu.unpack_subelements %parallel_loop3A_1846, 1 {pack_format = #tpu.pack_format<interleaved>} : vector<32xi16> -> vector<16xi32>
      %parallel_loop3A_1849 = arith.constant 16 : i32
      %parallel_loop3A_1850 = vector.broadcast %parallel_loop3A_1849 : i32 to vector<16xi32>
      %parallel_loop3A_1851 = arith.shli %parallel_loop3A_1847, %parallel_loop3A_1850 : vector<16xi32>
      %parallel_loop3A_1852 = arith.constant 3 : i32
      %parallel_loop3A_1853 = vector.broadcast %parallel_loop3A_1852 : i32 to vector<16xi32>
      %parallel_loop3A_1854 = arith.shrsi %parallel_loop3A_1851, %parallel_loop3A_1853 : vector<16xi32>
      %parallel_loop3A_1855 = arith.constant -1879056384 : i32
      %parallel_loop3A_1856 = vector.broadcast %parallel_loop3A_1855 : i32 to vector<16xi32>
      %parallel_loop3A_1857 = arith.andi %parallel_loop3A_1854, %parallel_loop3A_1856 : vector<16xi32>
      %parallel_loop3A_1858 = tpu.bitcast %parallel_loop3A_1857 : vector<16xi32> -> vector<16xf32>
      %parallel_loop3A_1859 = arith.constant 5.19229686E+33 : f32
      %parallel_loop3A_1860 = vector.broadcast %parallel_loop3A_1859 : f32 to vector<16xf32>
      %parallel_loop3A_1861 = arith.mulf %parallel_loop3A_1858, %parallel_loop3A_1860 : vector<16xf32>
      %parallel_loop3A_1862 = arith.constant 16 : i32
      %parallel_loop3A_1863 = vector.broadcast %parallel_loop3A_1862 : i32 to vector<16xi32>
      %parallel_loop3A_1864 = arith.shli %parallel_loop3A_1848, %parallel_loop3A_1863 : vector<16xi32>
      %parallel_loop3A_1865 = arith.constant 3 : i32
      %parallel_loop3A_1866 = vector.broadcast %parallel_loop3A_1865 : i32 to vector<16xi32>
      %parallel_loop3A_1867 = arith.shrsi %parallel_loop3A_1864, %parallel_loop3A_1866 : vector<16xi32>
      %parallel_loop3A_1868 = arith.constant -1879056384 : i32
      %parallel_loop3A_1869 = vector.broadcast %parallel_loop3A_1868 : i32 to vector<16xi32>
      %parallel_loop3A_1870 = arith.andi %parallel_loop3A_1867, %parallel_loop3A_1869 : vector<16xi32>
      %parallel_loop3A_1871 = tpu.bitcast %parallel_loop3A_1870 : vector<16xi32> -> vector<16xf32>
      %parallel_loop3A_1872 = arith.constant 5.19229686E+33 : f32
      %parallel_loop3A_1873 = vector.broadcast %parallel_loop3A_1872 : f32 to vector<16xf32>
      %parallel_loop3A_1874 = arith.mulf %parallel_loop3A_1871, %parallel_loop3A_1873 : vector<16xf32>
      %parallel_loop3A_1875 = vector.shape_cast %shift_right_arithmetic3A_8 : vector<16xi32> to vector<16x1xi32>
      %parallel_loop3A_1876 = vector.shape_cast %parallel_loop3A_1875 : vector<16x1xi32> to vector<16xi32>
      %parallel_loop3A_1877 = tpu.dynamic_gather %parallel_loop3A_1861[%parallel_loop3A_1876] in [0] : vector<16xf32>, vector<16xi32> -> vector<16xf32>
      %parallel_loop3A_1878 = vector.shape_cast %shift_right_arithmetic3A_8 : vector<16xi32> to vector<16x1xi32>
      %parallel_loop3A_1879 = vector.shape_cast %parallel_loop3A_1878 : vector<16x1xi32> to vector<16xi32>
      %parallel_loop3A_1880 = tpu.dynamic_gather %parallel_loop3A_1874[%parallel_loop3A_1879] in [0] : vector<16xf32>, vector<16xi32> -> vector<16xf32>
      %parallel_loop3A_1881 = arith.select %eq3A_6, %parallel_loop3A_1877, %parallel_loop3A_1880 : vector<16xi1>, vector<16xf32>
      %parallel_loop3A_1882 = arith.index_cast %parallel_loop3A_1842 : i32 to index
      %parallel_loop3A_1883 = arith.constant 0 : index
      %parallel_loop3A_1884 = tpu.vector_load %arg8[%parallel_loop3A_1882, %parallel_loop3A_1883] {strides = array<i32>} : memref<1024x32xf32, #tpu.memory_space<vmem>>, vector<16xf32>,
      tpu.vector_store %arg8[%parallel_loop3A_1882, %parallel_loop3A_1883], %parallel_loop3A_1881 {strides = array<i32>} : memref<1024x32xf32, #tpu.memory_space<vmem>>, vector<16xf32>,
      %parallel_loop3A_1885 = vector.shape_cast %add3A_11 : vector<16xi32> to vector<16x1xi32>
      %parallel_loop3A_1886 = vector.shape_cast %parallel_loop3A_1885 : vector<16x1xi32> to vector<16xi32>
      %parallel_loop3A_1887 = tpu.dynamic_gather %parallel_loop3A_1861[%parallel_loop3A_1886] in [0] : vector<16xf32>, vector<16xi32> -> vector<16xf32>
      %parallel_loop3A_1888 = vector.shape_cast %add3A_11 : vector<16xi32> to vector<16x1xi32>
      %parallel_loop3A_1889 = vector.shape_cast %parallel_loop3A_1888 : vector<16x1xi32> to vector<16xi32>
      %parallel_loop3A_1890 = tpu.dynamic_gather %parallel_loop3A_1874[%parallel_loop3A_1889] in [0] : vector<16xf32>, vector<16xi32> -> vector<16xf32>
      %parallel_loop3A_1891 = arith.select %eq3A_6, %parallel_loop3A_1887, %parallel_loop3A_1890 : vector<16xi1>, vector<16xf32>
      %parallel_loop3A_1892 = arith.index_cast %parallel_loop3A_1842 : i32 to index
      %parallel_loop3A_1893 = arith.constant 16 : index
      %parallel_loop3A_1894 = tpu.vector_load %arg8[%parallel_loop3A_1892, %parallel_loop3A_1893] {strides = array<i32>} : memref<1024x32xf32, #tpu.memory_space<vmem>>, vector<16xf32>,
      tpu.vector_store %arg8[%parallel_loop3A_1892, %parallel_loop3A_1893], %parallel_loop3A_1891 {strides = array<i32>} : memref<1024x32xf32, #tpu.memory_space<vmem>>, vector<16xf32>,
    } {sc.loop_unroll_factor = 4 : i64, sc.parallel_access}
    %add3A_482 = arith.constant 2048 : i32
    %add3A_483 = arith.addi %mul3A_2, %add3A_482 : i32
    %dma_start3A_484 = arith.constant 0 : i32
    %dma_start3A_485 = tpu.memref_slice %arg4[%add3A_483, %dma_start3A_484] : memref<425984x32xf32, #tpu.memory_space<hbm>> -> memref<1024x32xf32, #tpu.memory_space<hbm>>
    %dma_start3A_486 = arith.constant 0 : i32
    %dma_start3A_487 = tpu.memref_slice %arg4[%add3A_483, %dma_start3A_486] : memref<425984x32xf32, #tpu.memory_space<hbm>> -> memref<1024x32xf32, #tpu.memory_space<hbm>>
    tpu.enqueue_dma source(%arg8 : memref<1024x32xf32, #tpu.memory_space<vmem>>) target(%dma_start3A_487 : memref<1024x32xf32, #tpu.memory_space<hbm>>) target_semaphore(%arg12 : memref<!tpu.dma_semaphore, #tpu.memory_space<semaphore_mem>>)
    %dma_start3A_488 = arith.constant 0 : i32
    %dma_start3A_489 = arith.constant 0 : i32
    %dma_start3A_490 = tpu.memref_slice %arg6[%dma_start3A_488, %dma_start3A_489] : memref<1024x32xf16, #tpu.memory_space<vmem>> -> memref<128x32xf16, #tpu.memory_space<vmem>>
    %dma_start3A_491 = arith.constant 4096 : i32
    %dma_start3A_492 = tpu.memref_slice %arg5[%dma_start3A_491] : memref<13312xi32, #tpu.memory_space<vmem>> -> memref<128xi32, #tpu.memory_space<vmem>>
    %dma_start3A_493 = arith.constant 0 : i32
    %dma_start3A_494 = arith.constant 0 : i32
    %dma_start3A_495 = tpu.memref_slice %arg3[%dma_start3A_493, %dma_start3A_494] : memref<1000000x32xf16, #tpu.memory_space<hbm>> -> memref<1000000x32xf16, #tpu.memory_space<hbm>>
    tpu.enqueue_indirect_dma source(%dma_start3A_495 : memref<1000000x32xf16, #tpu.memory_space<hbm>>) target(%dma_start3A_490 : memref<128x32xf16, #tpu.memory_space<vmem>>) offsets(%dma_start3A_492 : memref<128xi32, #tpu.memory_space<vmem>>) semaphore(%arg10 : memref<!tpu.dma_semaphore, #tpu.memory_space<semaphore_mem>>)
    %dma_start3A_496 = arith.constant 128 : i32
    %dma_start3A_497 = arith.constant 0 : i32
    %dma_start3A_498 = tpu.memref_slice %arg6[%dma_start3A_496, %dma_start3A_497] : memref<1024x32xf16, #tpu.memory_space<vmem>> -> memref<128x32xf16, #tpu.memory_space<vmem>>
    %dma_start3A_499 = arith.constant 4224 : i32
    %dma_start3A_500 = tpu.memref_slice %arg5[%dma_start3A_499] : memref<13312xi32, #tpu.memory_space<vmem>> -> memref<128xi32, #tpu.memory_space<vmem>>
    %dma_start3A_501 = arith.constant 0 : i32
    %dma_start3A_502 = arith.constant 0 : i32
    %dma_start3A_503 = tpu.memref_slice %arg3[%dma_start3A_501, %dma_start3A_502] : memref<1000000x32xf16, #tpu.memory_space<hbm>> -> memref<1000000x32xf16, #tpu.memory_space<hbm>>
    tpu.enqueue_indirect_dma source(%dma_start3A_503 : memref<1000000x32xf16, #tpu.memory_space<hbm>>) target(%dma_start3A_498 : memref<128x32xf16, #tpu.memory_space<vmem>>) offsets(%dma_start3A_500 : memref<128xi32, #tpu.memory_space<vmem>>) semaphore(%arg10 : memref<!tpu.dma_semaphore, #tpu.memory_space<semaphore_mem>>)
    %dma_start3A_504 = arith.constant 256 : i32
    %dma_start3A_505 = arith.constant 0 : i32
    %dma_start3A_506 = tpu.memref_slice %arg6[%dma_start3A_504, %dma_start3A_505] : memref<1024x32xf16, #tpu.memory_space<vmem>> -> memref<128x32xf16, #tpu.memory_space<vmem>>
    %dma_start3A_507 = arith.constant 4352 : i32
    %dma_start3A_508 = tpu.memref_slice %arg5[%dma_start3A_507] : memref<13312xi32, #tpu.memory_space<vmem>> -> memref<128xi32, #tpu.memory_space<vmem>>
    %dma_start3A_509 = arith.constant 0 : i32
    %dma_start3A_510 = arith.constant 0 : i32
    %dma_start3A_511 = tpu.memref_slice %arg3[%dma_start3A_509, %dma_start3A_510] : memref<1000000x32xf16, #tpu.memory_space<hbm>> -> memref<1000000x32xf16, #tpu.memory_space<hbm>>
    tpu.enqueue_indirect_dma source(%dma_start3A_511 : memref<1000000x32xf16, #tpu.memory_space<hbm>>) target(%dma_start3A_506 : memref<128x32xf16, #tpu.memory_space<vmem>>) offsets(%dma_start3A_508 : memref<128xi32, #tpu.memory_space<vmem>>) semaphore(%arg10 : memref<!tpu.dma_semaphore, #tpu.memory_space<semaphore_mem>>)
    %dma_start3A_512 = arith.constant 384 : i32
    %dma_start3A_513 = arith.constant 0 : i32
    %dma_start3A_514 = tpu.memref_slice %arg6[%dma_start3A_512, %dma_start3A_513] : memref<1024x32xf16, #tpu.memory_space<vmem>> -> memref<128x32xf16, #tpu.memory_space<vmem>>
    %dma_start3A_515 = arith.constant 4480 : i32
    %dma_start3A_516 = tpu.memref_slice %arg5[%dma_start3A_515] : memref<13312xi32, #tpu.memory_space<vmem>> -> memref<128xi32, #tpu.memory_space<vmem>>
    %dma_start3A_517 = arith.constant 0 : i32
    %dma_start3A_518 = arith.constant 0 : i32
    %dma_start3A_519 = tpu.memref_slice %arg3[%dma_start3A_517, %dma_start3A_518] : memref<1000000x32xf16, #tpu.memory_space<hbm>> -> memref<1000000x32xf16, #tpu.memory_space<hbm>>
    tpu.enqueue_indirect_dma source(%dma_start3A_519 : memref<1000000x32xf16, #tpu.memory_space<hbm>>) target(%dma_start3A_514 : memref<128x32xf16, #tpu.memory_space<vmem>>) offsets(%dma_start3A_516 : memref<128xi32, #tpu.memory_space<vmem>>) semaphore(%arg10 : memref<!tpu.dma_semaphore, #tpu.memory_space<semaphore_mem>>)
    %dma_start3A_520 = arith.constant 512 : i32
    %dma_start3A_521 = arith.constant 0 : i32
    %dma_start3A_522 = tpu.memref_slice %arg6[%dma_start3A_520, %dma_start3A_521] : memref<1024x32xf16, #tpu.memory_space<vmem>> -> memref<128x32xf16, #tpu.memory_space<vmem>>
    %dma_start3A_523 = arith.constant 4608 : i32
    %dma_start3A_524 = tpu.memref_slice %arg5[%dma_start3A_523] : memref<13312xi32, #tpu.memory_space<vmem>> -> memref<128xi32, #tpu.memory_space<vmem>>
    %dma_start3A_525 = arith.constant 0 : i32
    %dma_start3A_526 = arith.constant 0 : i32
    %dma_start3A_527 = tpu.memref_slice %arg3[%dma_start3A_525, %dma_start3A_526] : memref<1000000x32xf16, #tpu.memory_space<hbm>> -> memref<1000000x32xf16, #tpu.memory_space<hbm>>
    tpu.enqueue_indirect_dma source(%dma_start3A_527 : memref<1000000x32xf16, #tpu.memory_space<hbm>>) target(%dma_start3A_522 : memref<128x32xf16, #tpu.memory_space<vmem>>) offsets(%dma_start3A_524 : memref<128xi32, #tpu.memory_space<vmem>>) semaphore(%arg10 : memref<!tpu.dma_semaphore, #tpu.memory_space<semaphore_mem>>)
    %dma_start3A_528 = arith.constant 640 : i32
    %dma_start3A_529 = arith.constant 0 : i32
    %dma_start3A_530 = tpu.memref_slice %arg6[%dma_start3A_528, %dma_start3A_529] : memref<1024x32xf16, #tpu.memory_space<vmem>> -> memref<128x32xf16, #tpu.memory_space<vmem>>
    %dma_start3A_531 = arith.constant 4736 : i32
    %dma_start3A_532 = tpu.memref_slice %arg5[%dma_start3A_531] : memref<13312xi32, #tpu.memory_space<vmem>> -> memref<128xi32, #tpu.memory_space<vmem>>
    %dma_start3A_533 = arith.constant 0 : i32
    %dma_start3A_534 = arith.constant 0 : i32
    %dma_start3A_535 = tpu.memref_slice %arg3[%dma_start3A_533, %dma_start3A_534] : memref<1000000x32xf16, #tpu.memory_space<hbm>> -> memref<1000000x32xf16, #tpu.memory_space<hbm>>
    tpu.enqueue_indirect_dma source(%dma_start3A_535 : memref<1000000x32xf16, #tpu.memory_space<hbm>>) target(%dma_start3A_530 : memref<128x32xf16, #tpu.memory_space<vmem>>) offsets(%dma_start3A_532 : memref<128xi32, #tpu.memory_space<vmem>>) semaphore(%arg10 : memref<!tpu.dma_semaphore, #tpu.memory_space<semaphore_mem>>)
    %dma_start3A_536 = arith.constant 768 : i32
    %dma_start3A_537 = arith.constant 0 : i32
    %dma_start3A_538 = tpu.memref_slice %arg6[%dma_start3A_536, %dma_start3A_537] : memref<1024x32xf16, #tpu.memory_space<vmem>> -> memref<128x32xf16, #tpu.memory_space<vmem>>
    %dma_start3A_539 = arith.constant 4864 : i32
    %dma_start3A_540 = tpu.memref_slice %arg5[%dma_start3A_539] : memref<13312xi32, #tpu.memory_space<vmem>> -> memref<128xi32, #tpu.memory_space<vmem>>
    %dma_start3A_541 = arith.constant 0 : i32
    %dma_start3A_542 = arith.constant 0 : i32
    %dma_start3A_543 = tpu.memref_slice %arg3[%dma_start3A_541, %dma_start3A_542] : memref<1000000x32xf16, #tpu.memory_space<hbm>> -> memref<1000000x32xf16, #tpu.memory_space<hbm>>
    tpu.enqueue_indirect_dma source(%dma_start3A_543 : memref<1000000x32xf16, #tpu.memory_space<hbm>>) target(%dma_start3A_538 : memref<128x32xf16, #tpu.memory_space<vmem>>) offsets(%dma_start3A_540 : memref<128xi32, #tpu.memory_space<vmem>>) semaphore(%arg10 : memref<!tpu.dma_semaphore, #tpu.memory_space<semaphore_mem>>)
    %dma_start3A_544 = arith.constant 896 : i32
    %dma_start3A_545 = arith.constant 0 : i32
    %dma_start3A_546 = tpu.memref_slice %arg6[%dma_start3A_544, %dma_start3A_545] : memref<1024x32xf16, #tpu.memory_space<vmem>> -> memref<128x32xf16, #tpu.memory_space<vmem>>
    %dma_start3A_547 = arith.constant 4992 : i32
    %dma_start3A_548 = tpu.memref_slice %arg5[%dma_start3A_547] : memref<13312xi32, #tpu.memory_space<vmem>> -> memref<128xi32, #tpu.memory_space<vmem>>
    %dma_start3A_549 = arith.constant 0 : i32
    %dma_start3A_550 = arith.constant 0 : i32
    %dma_start3A_551 = tpu.memref_slice %arg3[%dma_start3A_549, %dma_start3A_550] : memref<1000000x32xf16, #tpu.memory_space<hbm>> -> memref<1000000x32xf16, #tpu.memory_space<hbm>>
    tpu.enqueue_indirect_dma source(%dma_start3A_551 : memref<1000000x32xf16, #tpu.memory_space<hbm>>) target(%dma_start3A_546 : memref<128x32xf16, #tpu.memory_space<vmem>>) offsets(%dma_start3A_548 : memref<128xi32, #tpu.memory_space<vmem>>) semaphore(%arg10 : memref<!tpu.dma_semaphore, #tpu.memory_space<semaphore_mem>>)
    %dma_wait3A_552 = arith.constant 0 : i32
    %dma_wait3A_553 = arith.constant 0 : i32
    %dma_wait3A_554 = tpu.memref_slice %arg7[%dma_wait3A_552, %dma_wait3A_553] : memref<1024x32xf16, #tpu.memory_space<vmem>> -> memref<128x32xf16, #tpu.memory_space<vmem>>
    %dma_wait3A_555 = arith.constant 3072 : i32
    %dma_wait3A_556 = tpu.memref_slice %arg5[%dma_wait3A_555] : memref<13312xi32, #tpu.memory_space<vmem>> -> memref<128xi32, #tpu.memory_space<vmem>>
    %dma_wait3A_557 = arith.constant 0 : i32
    %dma_wait3A_558 = arith.constant 0 : i32
    %dma_wait3A_559 = tpu.memref_slice %arg3[%dma_wait3A_557, %dma_wait3A_558] : memref<1000000x32xf16, #tpu.memory_space<hbm>> -> memref<1000000x32xf16, #tpu.memory_space<hbm>>
    tpu.wait_indirect_dma semaphore(%arg11 : memref<!tpu.dma_semaphore, #tpu.memory_space<semaphore_mem>>) src(%dma_wait3A_559 : memref<1000000x32xf16, #tpu.memory_space<hbm>>) dst(%dma_wait3A_554 : memref<128x32xf16, #tpu.memory_space<vmem>>)
    %dma_wait3A_560 = arith.constant 128 : i32
    %dma_wait3A_561 = arith.constant 0 : i32
    %dma_wait3A_562 = tpu.memref_slice %arg7[%dma_wait3A_560, %dma_wait3A_561] : memref<1024x32xf16, #tpu.memory_space<vmem>> -> memref<128x32xf16, #tpu.memory_space<vmem>>
    %dma_wait3A_563 = arith.constant 3200 : i32
    %dma_wait3A_564 = tpu.memref_slice %arg5[%dma_wait3A_563] : memref<13312xi32, #tpu.memory_space<vmem>> -> memref<128xi32, #tpu.memory_space<vmem>>
    %dma_wait3A_565 = arith.constant 0 : i32
    %dma_wait3A_566 = arith.constant 0 : i32
    %dma_wait3A_567 = tpu.memref_slice %arg3[%dma_wait3A_565, %dma_wait3A_566] : memref<1000000x32xf16, #tpu.memory_space<hbm>> -> memref<1000000x32xf16, #tpu.memory_space<hbm>>
    tpu.wait_indirect_dma semaphore(%arg11 : memref<!tpu.dma_semaphore, #tpu.memory_space<semaphore_mem>>) src(%dma_wait3A_567 : memref<1000000x32xf16, #tpu.memory_space<hbm>>) dst(%dma_wait3A_562 : memref<128x32xf16, #tpu.memory_space<vmem>>)
    %dma_wait3A_568 = arith.constant 256 : i32
    %dma_wait3A_569 = arith.constant 0 : i32
    %dma_wait3A_570 = tpu.memref_slice %arg7[%dma_wait3A_568, %dma_wait3A_569] : memref<1024x32xf16, #tpu.memory_space<vmem>> -> memref<128x32xf16, #tpu.memory_space<vmem>>
    %dma_wait3A_571 = arith.constant 3328 : i32
    %dma_wait3A_572 = tpu.memref_slice %arg5[%dma_wait3A_571] : memref<13312xi32, #tpu.memory_space<vmem>> -> memref<128xi32, #tpu.memory_space<vmem>>
    %dma_wait3A_573 = arith.constant 0 : i32
    %dma_wait3A_574 = arith.constant 0 : i32
    %dma_wait3A_575 = tpu.memref_slice %arg3[%dma_wait3A_573, %dma_wait3A_574] : memref<1000000x32xf16, #tpu.memory_space<hbm>> -> memref<1000000x32xf16, #tpu.memory_space<hbm>>
    tpu.wait_indirect_dma semaphore(%arg11 : memref<!tpu.dma_semaphore, #tpu.memory_space<semaphore_mem>>) src(%dma_wait3A_575 : memref<1000000x32xf16, #tpu.memory_space<hbm>>) dst(%dma_wait3A_570 : memref<128x32xf16, #tpu.memory_space<vmem>>)
    %dma_wait3A_576 = arith.constant 384 : i32
    %dma_wait3A_577 = arith.constant 0 : i32
    %dma_wait3A_578 = tpu.memref_slice %arg7[%dma_wait3A_576, %dma_wait3A_577] : memref<1024x32xf16, #tpu.memory_space<vmem>> -> memref<128x32xf16, #tpu.memory_space<vmem>>
    %dma_wait3A_579 = arith.constant 3456 : i32
    %dma_wait3A_580 = tpu.memref_slice %arg5[%dma_wait3A_579] : memref<13312xi32, #tpu.memory_space<vmem>> -> memref<128xi32, #tpu.memory_space<vmem>>
    %dma_wait3A_581 = arith.constant 0 : i32
    %dma_wait3A_582 = arith.constant 0 : i32
    %dma_wait3A_583 = tpu.memref_slice %arg3[%dma_wait3A_581, %dma_wait3A_582] : memref<1000000x32xf16, #tpu.memory_space<hbm>> -> memref<1000000x32xf16, #tpu.memory_space<hbm>>
    tpu.wait_indirect_dma semaphore(%arg11 : memref<!tpu.dma_semaphore, #tpu.memory_space<semaphore_mem>>) src(%dma_wait3A_583 : memref<1000000x32xf16, #tpu.memory_space<hbm>>) dst(%dma_wait3A_578 : memref<128x32xf16, #tpu.memory_space<vmem>>)
    %dma_wait3A_584 = arith.constant 512 : i32
    %dma_wait3A_585 = arith.constant 0 : i32
    %dma_wait3A_586 = tpu.memref_slice %arg7[%dma_wait3A_584, %dma_wait3A_585] : memref<1024x32xf16, #tpu.memory_space<vmem>> -> memref<128x32xf16, #tpu.memory_space<vmem>>
    %dma_wait3A_587 = arith.constant 3584 : i32
    %dma_wait3A_588 = tpu.memref_slice %arg5[%dma_wait3A_587] : memref<13312xi32, #tpu.memory_space<vmem>> -> memref<128xi32, #tpu.memory_space<vmem>>
    %dma_wait3A_589 = arith.constant 0 : i32
    %dma_wait3A_590 = arith.constant 0 : i32
    %dma_wait3A_591 = tpu.memref_slice %arg3[%dma_wait3A_589, %dma_wait3A_590] : memref<1000000x32xf16, #tpu.memory_space<hbm>> -> memref<1000000x32xf16, #tpu.memory_space<hbm>>
    tpu.wait_indirect_dma semaphore(%arg11 : memref<!tpu.dma_semaphore, #tpu.memory_space<semaphore_mem>>) src(%dma_wait3A_591 : memref<1000000x32xf16, #tpu.memory_space<hbm>>) dst(%dma_wait3A_586 : memref<128x32xf16, #tpu.memory_space<vmem>>)
    %dma_wait3A_592 = arith.constant 640 : i32
    %dma_wait3A_593 = arith.constant 0 : i32
    %dma_wait3A_594 = tpu.memref_slice %arg7[%dma_wait3A_592, %dma_wait3A_593] : memref<1024x32xf16, #tpu.memory_space<vmem>> -> memref<128x32xf16, #tpu.memory_space<vmem>>
    %dma_wait3A_595 = arith.constant 3712 : i32
    %dma_wait3A_596 = tpu.memref_slice %arg5[%dma_wait3A_595] : memref<13312xi32, #tpu.memory_space<vmem>> -> memref<128xi32, #tpu.memory_space<vmem>>
    %dma_wait3A_597 = arith.constant 0 : i32
    %dma_wait3A_598 = arith.constant 0 : i32
    %dma_wait3A_599 = tpu.memref_slice %arg3[%dma_wait3A_597, %dma_wait3A_598] : memref<1000000x32xf16, #tpu.memory_space<hbm>> -> memref<1000000x32xf16, #tpu.memory_space<hbm>>
    tpu.wait_indirect_dma semaphore(%arg11 : memref<!tpu.dma_semaphore, #tpu.memory_space<semaphore_mem>>) src(%dma_wait3A_599 : memref<1000000x32xf16, #tpu.memory_space<hbm>>) dst(%dma_wait3A_594 : memref<128x32xf16, #tpu.memory_space<vmem>>)
    %dma_wait3A_600 = arith.constant 768 : i32
    %dma_wait3A_601 = arith.constant 0 : i32
    %dma_wait3A_602 = tpu.memref_slice %arg7[%dma_wait3A_600, %dma_wait3A_601] : memref<1024x32xf16, #tpu.memory_space<vmem>> -> memref<128x32xf16, #tpu.memory_space<vmem>>
    %dma_wait3A_603 = arith.constant 3840 : i32
    %dma_wait3A_604 = tpu.memref_slice %arg5[%dma_wait3A_603] : memref<13312xi32, #tpu.memory_space<vmem>> -> memref<128xi32, #tpu.memory_space<vmem>>
    %dma_wait3A_605 = arith.constant 0 : i32
    %dma_wait3A_606 = arith.constant 0 : i32
    %dma_wait3A_607 = tpu.memref_slice %arg3[%dma_wait3A_605, %dma_wait3A_606] : memref<1000000x32xf16, #tpu.memory_space<hbm>> -> memref<1000000x32xf16, #tpu.memory_space<hbm>>
    tpu.wait_indirect_dma semaphore(%arg11 : memref<!tpu.dma_semaphore, #tpu.memory_space<semaphore_mem>>) src(%dma_wait3A_607 : memref<1000000x32xf16, #tpu.memory_space<hbm>>) dst(%dma_wait3A_602 : memref<128x32xf16, #tpu.memory_space<vmem>>)
    %dma_wait3A_608 = arith.constant 896 : i32
    %dma_wait3A_609 = arith.constant 0 : i32
    %dma_wait3A_610 = tpu.memref_slice %arg7[%dma_wait3A_608, %dma_wait3A_609] : memref<1024x32xf16, #tpu.memory_space<vmem>> -> memref<128x32xf16, #tpu.memory_space<vmem>>
    %dma_wait3A_611 = arith.constant 3968 : i32
    %dma_wait3A_612 = tpu.memref_slice %arg5[%dma_wait3A_611] : memref<13312xi32, #tpu.memory_space<vmem>> -> memref<128xi32, #tpu.memory_space<vmem>>
    %dma_wait3A_613 = arith.constant 0 : i32
    %dma_wait3A_614 = arith.constant 0 : i32
    %dma_wait3A_615 = tpu.memref_slice %arg3[%dma_wait3A_613, %dma_wait3A_614] : memref<1000000x32xf16, #tpu.memory_space<hbm>> -> memref<1000000x32xf16, #tpu.memory_space<hbm>>
    tpu.wait_indirect_dma semaphore(%arg11 : memref<!tpu.dma_semaphore, #tpu.memory_space<semaphore_mem>>) src(%dma_wait3A_615 : memref<1000000x32xf16, #tpu.memory_space<hbm>>) dst(%dma_wait3A_610 : memref<128x32xf16, #tpu.memory_space<vmem>>)
    %dma_wait3A_616 = arith.constant 0 : i32
    %dma_wait3A_617 = tpu.memref_slice %arg4[%add3A_342, %dma_wait3A_616] : memref<425984x32xf32, #tpu.memory_space<hbm>> -> memref<1024x32xf32, #tpu.memory_space<hbm>>
    %dma_wait3A_618 = arith.constant 0 : i32
    %dma_wait3A_619 = tpu.memref_slice %arg4[%add3A_342, %dma_wait3A_618] : memref<425984x32xf32, #tpu.memory_space<hbm>> -> memref<1024x32xf32, #tpu.memory_space<hbm>>
    tpu.wait_dma2 semaphore(%arg13 : memref<!tpu.dma_semaphore, #tpu.memory_space<semaphore_mem>>) src(%arg9 : memref<1024x32xf32, #tpu.memory_space<vmem>>) dst(%dma_wait3A_619 : memref<1024x32xf32, #tpu.memory_space<hbm>>)
    %parallel_loop3A_620 = arith.constant 0 : i32
    %parallel_loop3A_621 = arith.constant 1024 : i32
    %parallel_loop3A_622 = arith.constant 1 : i32
    scf.for %parallel_loop3A_1842 = %parallel_loop3A_620 to %parallel_loop3A_621 step %parallel_loop3A_622  : i32 {
      %parallel_loop3A_1843 = arith.index_cast %parallel_loop3A_1842 : i32 to index
      %parallel_loop3A_1844 = arith.constant 0 : index
      %parallel_loop3A_1845 = tpu.vector_load %arg7[%parallel_loop3A_1843, %parallel_loop3A_1844] {strides = array<i32>} : memref<1024x32xf16, #tpu.memory_space<vmem>>, vector<32xf16>,
      %parallel_loop3A_1846 = tpu.bitcast %parallel_loop3A_1845 : vector<32xf16> -> vector<32xi16>
      %parallel_loop3A_1847 = tpu.unpack_subelements %parallel_loop3A_1846, 0 {pack_format = #tpu.pack_format<interleaved>} : vector<32xi16> -> vector<16xi32>
      %parallel_loop3A_1848 = tpu.unpack_subelements %parallel_loop3A_1846, 1 {pack_format = #tpu.pack_format<interleaved>} : vector<32xi16> -> vector<16xi32>
      %parallel_loop3A_1849 = arith.constant 16 : i32
      %parallel_loop3A_1850 = vector.broadcast %parallel_loop3A_1849 : i32 to vector<16xi32>
      %parallel_loop3A_1851 = arith.shli %parallel_loop3A_1847, %parallel_loop3A_1850 : vector<16xi32>
      %parallel_loop3A_1852 = arith.constant 3 : i32
      %parallel_loop3A_1853 = vector.broadcast %parallel_loop3A_1852 : i32 to vector<16xi32>
      %parallel_loop3A_1854 = arith.shrsi %parallel_loop3A_1851, %parallel_loop3A_1853 : vector<16xi32>
      %parallel_loop3A_1855 = arith.constant -1879056384 : i32
      %parallel_loop3A_1856 = vector.broadcast %parallel_loop3A_1855 : i32 to vector<16xi32>
      %parallel_loop3A_1857 = arith.andi %parallel_loop3A_1854, %parallel_loop3A_1856 : vector<16xi32>
      %parallel_loop3A_1858 = tpu.bitcast %parallel_loop3A_1857 : vector<16xi32> -> vector<16xf32>
      %parallel_loop3A_1859 = arith.constant 5.19229686E+33 : f32
      %parallel_loop3A_1860 = vector.broadcast %parallel_loop3A_1859 : f32 to vector<16xf32>
      %parallel_loop3A_1861 = arith.mulf %parallel_loop3A_1858, %parallel_loop3A_1860 : vector<16xf32>
      %parallel_loop3A_1862 = arith.constant 16 : i32
      %parallel_loop3A_1863 = vector.broadcast %parallel_loop3A_1862 : i32 to vector<16xi32>
      %parallel_loop3A_1864 = arith.shli %parallel_loop3A_1848, %parallel_loop3A_1863 : vector<16xi32>
      %parallel_loop3A_1865 = arith.constant 3 : i32
      %parallel_loop3A_1866 = vector.broadcast %parallel_loop3A_1865 : i32 to vector<16xi32>
      %parallel_loop3A_1867 = arith.shrsi %parallel_loop3A_1864, %parallel_loop3A_1866 : vector<16xi32>
      %parallel_loop3A_1868 = arith.constant -1879056384 : i32
      %parallel_loop3A_1869 = vector.broadcast %parallel_loop3A_1868 : i32 to vector<16xi32>
      %parallel_loop3A_1870 = arith.andi %parallel_loop3A_1867, %parallel_loop3A_1869 : vector<16xi32>
      %parallel_loop3A_1871 = tpu.bitcast %parallel_loop3A_1870 : vector<16xi32> -> vector<16xf32>
      %parallel_loop3A_1872 = arith.constant 5.19229686E+33 : f32
      %parallel_loop3A_1873 = vector.broadcast %parallel_loop3A_1872 : f32 to vector<16xf32>
      %parallel_loop3A_1874 = arith.mulf %parallel_loop3A_1871, %parallel_loop3A_1873 : vector<16xf32>
      %parallel_loop3A_1875 = vector.shape_cast %shift_right_arithmetic3A_8 : vector<16xi32> to vector<16x1xi32>
      %parallel_loop3A_1876 = vector.shape_cast %parallel_loop3A_1875 : vector<16x1xi32> to vector<16xi32>
      %parallel_loop3A_1877 = tpu.dynamic_gather %parallel_loop3A_1861[%parallel_loop3A_1876] in [0] : vector<16xf32>, vector<16xi32> -> vector<16xf32>
      %parallel_loop3A_1878 = vector.shape_cast %shift_right_arithmetic3A_8 : vector<16xi32> to vector<16x1xi32>
      %parallel_loop3A_1879 = vector.shape_cast %parallel_loop3A_1878 : vector<16x1xi32> to vector<16xi32>
      %parallel_loop3A_1880 = tpu.dynamic_gather %parallel_loop3A_1874[%parallel_loop3A_1879] in [0] : vector<16xf32>, vector<16xi32> -> vector<16xf32>
      %parallel_loop3A_1881 = arith.select %eq3A_6, %parallel_loop3A_1877, %parallel_loop3A_1880 : vector<16xi1>, vector<16xf32>
      %parallel_loop3A_1882 = arith.index_cast %parallel_loop3A_1842 : i32 to index
      %parallel_loop3A_1883 = arith.constant 0 : index
      %parallel_loop3A_1884 = tpu.vector_load %arg9[%parallel_loop3A_1882, %parallel_loop3A_1883] {strides = array<i32>} : memref<1024x32xf32, #tpu.memory_space<vmem>>, vector<16xf32>,
      tpu.vector_store %arg9[%parallel_loop3A_1882, %parallel_loop3A_1883], %parallel_loop3A_1881 {strides = array<i32>} : memref<1024x32xf32, #tpu.memory_space<vmem>>, vector<16xf32>,
      %parallel_loop3A_1885 = vector.shape_cast %add3A_11 : vector<16xi32> to vector<16x1xi32>
      %parallel_loop3A_1886 = vector.shape_cast %parallel_loop3A_1885 : vector<16x1xi32> to vector<16xi32>
      %parallel_loop3A_1887 = tpu.dynamic_gather %parallel_loop3A_1861[%parallel_loop3A_1886] in [0] : vector<16xf32>, vector<16xi32> -> vector<16xf32>
      %parallel_loop3A_1888 = vector.shape_cast %add3A_11 : vector<16xi32> to vector<16x1xi32>
      %parallel_loop3A_1889 = vector.shape_cast %parallel_loop3A_1888 : vector<16x1xi32> to vector<16xi32>
      %parallel_loop3A_1890 = tpu.dynamic_gather %parallel_loop3A_1874[%parallel_loop3A_1889] in [0] : vector<16xf32>, vector<16xi32> -> vector<16xf32>
      %parallel_loop3A_1891 = arith.select %eq3A_6, %parallel_loop3A_1887, %parallel_loop3A_1890 : vector<16xi1>, vector<16xf32>
      %parallel_loop3A_1892 = arith.index_cast %parallel_loop3A_1842 : i32 to index
      %parallel_loop3A_1893 = arith.constant 16 : index
      %parallel_loop3A_1894 = tpu.vector_load %arg9[%parallel_loop3A_1892, %parallel_loop3A_1893] {strides = array<i32>} : memref<1024x32xf32, #tpu.memory_space<vmem>>, vector<16xf32>,
      tpu.vector_store %arg9[%parallel_loop3A_1892, %parallel_loop3A_1893], %parallel_loop3A_1891 {strides = array<i32>} : memref<1024x32xf32, #tpu.memory_space<vmem>>, vector<16xf32>,
    } {sc.loop_unroll_factor = 4 : i64, sc.parallel_access}
    %add3A_623 = arith.constant 3072 : i32
    %add3A_624 = arith.addi %mul3A_2, %add3A_623 : i32
    %dma_start3A_625 = arith.constant 0 : i32
    %dma_start3A_626 = tpu.memref_slice %arg4[%add3A_624, %dma_start3A_625] : memref<425984x32xf32, #tpu.memory_space<hbm>> -> memref<1024x32xf32, #tpu.memory_space<hbm>>
    %dma_start3A_627 = arith.constant 0 : i32
    %dma_start3A_628 = tpu.memref_slice %arg4[%add3A_624, %dma_start3A_627] : memref<425984x32xf32, #tpu.memory_space<hbm>> -> memref<1024x32xf32, #tpu.memory_space<hbm>>
    tpu.enqueue_dma source(%arg9 : memref<1024x32xf32, #tpu.memory_space<vmem>>) target(%dma_start3A_628 : memref<1024x32xf32, #tpu.memory_space<hbm>>) target_semaphore(%arg13 : memref<!tpu.dma_semaphore, #tpu.memory_space<semaphore_mem>>)
    %dma_start3A_629 = arith.constant 0 : i32
    %dma_start3A_630 = arith.constant 0 : i32
    %dma_start3A_631 = tpu.memref_slice %arg7[%dma_start3A_629, %dma_start3A_630] : memref<1024x32xf16, #tpu.memory_space<vmem>> -> memref<128x32xf16, #tpu.memory_space<vmem>>
    %dma_start3A_632 = arith.constant 5120 : i32
    %dma_start3A_633 = tpu.memref_slice %arg5[%dma_start3A_632] : memref<13312xi32, #tpu.memory_space<vmem>> -> memref<128xi32, #tpu.memory_space<vmem>>
    %dma_start3A_634 = arith.constant 0 : i32
    %dma_start3A_635 = arith.constant 0 : i32
    %dma_start3A_636 = tpu.memref_slice %arg3[%dma_start3A_634, %dma_start3A_635] : memref<1000000x32xf16, #tpu.memory_space<hbm>> -> memref<1000000x32xf16, #tpu.memory_space<hbm>>
    tpu.enqueue_indirect_dma source(%dma_start3A_636 : memref<1000000x32xf16, #tpu.memory_space<hbm>>) target(%dma_start3A_631 : memref<128x32xf16, #tpu.memory_space<vmem>>) offsets(%dma_start3A_633 : memref<128xi32, #tpu.memory_space<vmem>>) semaphore(%arg11 : memref<!tpu.dma_semaphore, #tpu.memory_space<semaphore_mem>>)
    %dma_start3A_637 = arith.constant 128 : i32
    %dma_start3A_638 = arith.constant 0 : i32
    %dma_start3A_639 = tpu.memref_slice %arg7[%dma_start3A_637, %dma_start3A_638] : memref<1024x32xf16, #tpu.memory_space<vmem>> -> memref<128x32xf16, #tpu.memory_space<vmem>>
    %dma_start3A_640 = arith.constant 5248 : i32
    %dma_start3A_641 = tpu.memref_slice %arg5[%dma_start3A_640] : memref<13312xi32, #tpu.memory_space<vmem>> -> memref<128xi32, #tpu.memory_space<vmem>>
    %dma_start3A_642 = arith.constant 0 : i32
    %dma_start3A_643 = arith.constant 0 : i32
    %dma_start3A_644 = tpu.memref_slice %arg3[%dma_start3A_642, %dma_start3A_643] : memref<1000000x32xf16, #tpu.memory_space<hbm>> -> memref<1000000x32xf16, #tpu.memory_space<hbm>>
    tpu.enqueue_indirect_dma source(%dma_start3A_644 : memref<1000000x32xf16, #tpu.memory_space<hbm>>) target(%dma_start3A_639 : memref<128x32xf16, #tpu.memory_space<vmem>>) offsets(%dma_start3A_641 : memref<128xi32, #tpu.memory_space<vmem>>) semaphore(%arg11 : memref<!tpu.dma_semaphore, #tpu.memory_space<semaphore_mem>>)
    %dma_start3A_645 = arith.constant 256 : i32
    %dma_start3A_646 = arith.constant 0 : i32
    %dma_start3A_647 = tpu.memref_slice %arg7[%dma_start3A_645, %dma_start3A_646] : memref<1024x32xf16, #tpu.memory_space<vmem>> -> memref<128x32xf16, #tpu.memory_space<vmem>>
    %dma_start3A_648 = arith.constant 5376 : i32
    %dma_start3A_649 = tpu.memref_slice %arg5[%dma_start3A_648] : memref<13312xi32, #tpu.memory_space<vmem>> -> memref<128xi32, #tpu.memory_space<vmem>>
    %dma_start3A_650 = arith.constant 0 : i32
    %dma_start3A_651 = arith.constant 0 : i32
    %dma_start3A_652 = tpu.memref_slice %arg3[%dma_start3A_650, %dma_start3A_651] : memref<1000000x32xf16, #tpu.memory_space<hbm>> -> memref<1000000x32xf16, #tpu.memory_space<hbm>>
    tpu.enqueue_indirect_dma source(%dma_start3A_652 : memref<1000000x32xf16, #tpu.memory_space<hbm>>) target(%dma_start3A_647 : memref<128x32xf16, #tpu.memory_space<vmem>>) offsets(%dma_start3A_649 : memref<128xi32, #tpu.memory_space<vmem>>) semaphore(%arg11 : memref<!tpu.dma_semaphore, #tpu.memory_space<semaphore_mem>>)
    %dma_start3A_653 = arith.constant 384 : i32
    %dma_start3A_654 = arith.constant 0 : i32
    %dma_start3A_655 = tpu.memref_slice %arg7[%dma_start3A_653, %dma_start3A_654] : memref<1024x32xf16, #tpu.memory_space<vmem>> -> memref<128x32xf16, #tpu.memory_space<vmem>>
    %dma_start3A_656 = arith.constant 5504 : i32
    %dma_start3A_657 = tpu.memref_slice %arg5[%dma_start3A_656] : memref<13312xi32, #tpu.memory_space<vmem>> -> memref<128xi32, #tpu.memory_space<vmem>>
    %dma_start3A_658 = arith.constant 0 : i32
    %dma_start3A_659 = arith.constant 0 : i32
    %dma_start3A_660 = tpu.memref_slice %arg3[%dma_start3A_658, %dma_start3A_659] : memref<1000000x32xf16, #tpu.memory_space<hbm>> -> memref<1000000x32xf16, #tpu.memory_space<hbm>>
    tpu.enqueue_indirect_dma source(%dma_start3A_660 : memref<1000000x32xf16, #tpu.memory_space<hbm>>) target(%dma_start3A_655 : memref<128x32xf16, #tpu.memory_space<vmem>>) offsets(%dma_start3A_657 : memref<128xi32, #tpu.memory_space<vmem>>) semaphore(%arg11 : memref<!tpu.dma_semaphore, #tpu.memory_space<semaphore_mem>>)
    %dma_start3A_661 = arith.constant 512 : i32
    %dma_start3A_662 = arith.constant 0 : i32
    %dma_start3A_663 = tpu.memref_slice %arg7[%dma_start3A_661, %dma_start3A_662] : memref<1024x32xf16, #tpu.memory_space<vmem>> -> memref<128x32xf16, #tpu.memory_space<vmem>>
    %dma_start3A_664 = arith.constant 5632 : i32
    %dma_start3A_665 = tpu.memref_slice %arg5[%dma_start3A_664] : memref<13312xi32, #tpu.memory_space<vmem>> -> memref<128xi32, #tpu.memory_space<vmem>>
    %dma_start3A_666 = arith.constant 0 : i32
    %dma_start3A_667 = arith.constant 0 : i32
    %dma_start3A_668 = tpu.memref_slice %arg3[%dma_start3A_666, %dma_start3A_667] : memref<1000000x32xf16, #tpu.memory_space<hbm>> -> memref<1000000x32xf16, #tpu.memory_space<hbm>>
    tpu.enqueue_indirect_dma source(%dma_start3A_668 : memref<1000000x32xf16, #tpu.memory_space<hbm>>) target(%dma_start3A_663 : memref<128x32xf16, #tpu.memory_space<vmem>>) offsets(%dma_start3A_665 : memref<128xi32, #tpu.memory_space<vmem>>) semaphore(%arg11 : memref<!tpu.dma_semaphore, #tpu.memory_space<semaphore_mem>>)
    %dma_start3A_669 = arith.constant 640 : i32
    %dma_start3A_670 = arith.constant 0 : i32
    %dma_start3A_671 = tpu.memref_slice %arg7[%dma_start3A_669, %dma_start3A_670] : memref<1024x32xf16, #tpu.memory_space<vmem>> -> memref<128x32xf16, #tpu.memory_space<vmem>>
    %dma_start3A_672 = arith.constant 5760 : i32
    %dma_start3A_673 = tpu.memref_slice %arg5[%dma_start3A_672] : memref<13312xi32, #tpu.memory_space<vmem>> -> memref<128xi32, #tpu.memory_space<vmem>>
    %dma_start3A_674 = arith.constant 0 : i32
    %dma_start3A_675 = arith.constant 0 : i32
    %dma_start3A_676 = tpu.memref_slice %arg3[%dma_start3A_674, %dma_start3A_675] : memref<1000000x32xf16, #tpu.memory_space<hbm>> -> memref<1000000x32xf16, #tpu.memory_space<hbm>>
    tpu.enqueue_indirect_dma source(%dma_start3A_676 : memref<1000000x32xf16, #tpu.memory_space<hbm>>) target(%dma_start3A_671 : memref<128x32xf16, #tpu.memory_space<vmem>>) offsets(%dma_start3A_673 : memref<128xi32, #tpu.memory_space<vmem>>) semaphore(%arg11 : memref<!tpu.dma_semaphore, #tpu.memory_space<semaphore_mem>>)
    %dma_start3A_677 = arith.constant 768 : i32
    %dma_start3A_678 = arith.constant 0 : i32
    %dma_start3A_679 = tpu.memref_slice %arg7[%dma_start3A_677, %dma_start3A_678] : memref<1024x32xf16, #tpu.memory_space<vmem>> -> memref<128x32xf16, #tpu.memory_space<vmem>>
    %dma_start3A_680 = arith.constant 5888 : i32
    %dma_start3A_681 = tpu.memref_slice %arg5[%dma_start3A_680] : memref<13312xi32, #tpu.memory_space<vmem>> -> memref<128xi32, #tpu.memory_space<vmem>>
    %dma_start3A_682 = arith.constant 0 : i32
    %dma_start3A_683 = arith.constant 0 : i32
    %dma_start3A_684 = tpu.memref_slice %arg3[%dma_start3A_682, %dma_start3A_683] : memref<1000000x32xf16, #tpu.memory_space<hbm>> -> memref<1000000x32xf16, #tpu.memory_space<hbm>>
    tpu.enqueue_indirect_dma source(%dma_start3A_684 : memref<1000000x32xf16, #tpu.memory_space<hbm>>) target(%dma_start3A_679 : memref<128x32xf16, #tpu.memory_space<vmem>>) offsets(%dma_start3A_681 : memref<128xi32, #tpu.memory_space<vmem>>) semaphore(%arg11 : memref<!tpu.dma_semaphore, #tpu.memory_space<semaphore_mem>>)
    %dma_start3A_685 = arith.constant 896 : i32
    %dma_start3A_686 = arith.constant 0 : i32
    %dma_start3A_687 = tpu.memref_slice %arg7[%dma_start3A_685, %dma_start3A_686] : memref<1024x32xf16, #tpu.memory_space<vmem>> -> memref<128x32xf16, #tpu.memory_space<vmem>>
    %dma_start3A_688 = arith.constant 6016 : i32
    %dma_start3A_689 = tpu.memref_slice %arg5[%dma_start3A_688] : memref<13312xi32, #tpu.memory_space<vmem>> -> memref<128xi32, #tpu.memory_space<vmem>>
    %dma_start3A_690 = arith.constant 0 : i32
    %dma_start3A_691 = arith.constant 0 : i32
    %dma_start3A_692 = tpu.memref_slice %arg3[%dma_start3A_690, %dma_start3A_691] : memref<1000000x32xf16, #tpu.memory_space<hbm>> -> memref<1000000x32xf16, #tpu.memory_space<hbm>>
    tpu.enqueue_indirect_dma source(%dma_start3A_692 : memref<1000000x32xf16, #tpu.memory_space<hbm>>) target(%dma_start3A_687 : memref<128x32xf16, #tpu.memory_space<vmem>>) offsets(%dma_start3A_689 : memref<128xi32, #tpu.memory_space<vmem>>) semaphore(%arg11 : memref<!tpu.dma_semaphore, #tpu.memory_space<semaphore_mem>>)
    %dma_wait3A_693 = arith.constant 0 : i32
    %dma_wait3A_694 = arith.constant 0 : i32
    %dma_wait3A_695 = tpu.memref_slice %arg6[%dma_wait3A_693, %dma_wait3A_694] : memref<1024x32xf16, #tpu.memory_space<vmem>> -> memref<128x32xf16, #tpu.memory_space<vmem>>
    %dma_wait3A_696 = arith.constant 4096 : i32
    %dma_wait3A_697 = tpu.memref_slice %arg5[%dma_wait3A_696] : memref<13312xi32, #tpu.memory_space<vmem>> -> memref<128xi32, #tpu.memory_space<vmem>>
    %dma_wait3A_698 = arith.constant 0 : i32
    %dma_wait3A_699 = arith.constant 0 : i32
    %dma_wait3A_700 = tpu.memref_slice %arg3[%dma_wait3A_698, %dma_wait3A_699] : memref<1000000x32xf16, #tpu.memory_space<hbm>> -> memref<1000000x32xf16, #tpu.memory_space<hbm>>
    tpu.wait_indirect_dma semaphore(%arg10 : memref<!tpu.dma_semaphore, #tpu.memory_space<semaphore_mem>>) src(%dma_wait3A_700 : memref<1000000x32xf16, #tpu.memory_space<hbm>>) dst(%dma_wait3A_695 : memref<128x32xf16, #tpu.memory_space<vmem>>)
    %dma_wait3A_701 = arith.constant 128 : i32
    %dma_wait3A_702 = arith.constant 0 : i32
    %dma_wait3A_703 = tpu.memref_slice %arg6[%dma_wait3A_701, %dma_wait3A_702] : memref<1024x32xf16, #tpu.memory_space<vmem>> -> memref<128x32xf16, #tpu.memory_space<vmem>>
    %dma_wait3A_704 = arith.constant 4224 : i32
    %dma_wait3A_705 = tpu.memref_slice %arg5[%dma_wait3A_704] : memref<13312xi32, #tpu.memory_space<vmem>> -> memref<128xi32, #tpu.memory_space<vmem>>
    %dma_wait3A_706 = arith.constant 0 : i32
    %dma_wait3A_707 = arith.constant 0 : i32
    %dma_wait3A_708 = tpu.memref_slice %arg3[%dma_wait3A_706, %dma_wait3A_707] : memref<1000000x32xf16, #tpu.memory_space<hbm>> -> memref<1000000x32xf16, #tpu.memory_space<hbm>>
    tpu.wait_indirect_dma semaphore(%arg10 : memref<!tpu.dma_semaphore, #tpu.memory_space<semaphore_mem>>) src(%dma_wait3A_708 : memref<1000000x32xf16, #tpu.memory_space<hbm>>) dst(%dma_wait3A_703 : memref<128x32xf16, #tpu.memory_space<vmem>>)
    %dma_wait3A_709 = arith.constant 256 : i32
    %dma_wait3A_710 = arith.constant 0 : i32
    %dma_wait3A_711 = tpu.memref_slice %arg6[%dma_wait3A_709, %dma_wait3A_710] : memref<1024x32xf16, #tpu.memory_space<vmem>> -> memref<128x32xf16, #tpu.memory_space<vmem>>
    %dma_wait3A_712 = arith.constant 4352 : i32
    %dma_wait3A_713 = tpu.memref_slice %arg5[%dma_wait3A_712] : memref<13312xi32, #tpu.memory_space<vmem>> -> memref<128xi32, #tpu.memory_space<vmem>>
    %dma_wait3A_714 = arith.constant 0 : i32
    %dma_wait3A_715 = arith.constant 0 : i32
    %dma_wait3A_716 = tpu.memref_slice %arg3[%dma_wait3A_714, %dma_wait3A_715] : memref<1000000x32xf16, #tpu.memory_space<hbm>> -> memref<1000000x32xf16, #tpu.memory_space<hbm>>
    tpu.wait_indirect_dma semaphore(%arg10 : memref<!tpu.dma_semaphore, #tpu.memory_space<semaphore_mem>>) src(%dma_wait3A_716 : memref<1000000x32xf16, #tpu.memory_space<hbm>>) dst(%dma_wait3A_711 : memref<128x32xf16, #tpu.memory_space<vmem>>)
    %dma_wait3A_717 = arith.constant 384 : i32
    %dma_wait3A_718 = arith.constant 0 : i32
    %dma_wait3A_719 = tpu.memref_slice %arg6[%dma_wait3A_717, %dma_wait3A_718] : memref<1024x32xf16, #tpu.memory_space<vmem>> -> memref<128x32xf16, #tpu.memory_space<vmem>>
    %dma_wait3A_720 = arith.constant 4480 : i32
    %dma_wait3A_721 = tpu.memref_slice %arg5[%dma_wait3A_720] : memref<13312xi32, #tpu.memory_space<vmem>> -> memref<128xi32, #tpu.memory_space<vmem>>
    %dma_wait3A_722 = arith.constant 0 : i32
    %dma_wait3A_723 = arith.constant 0 : i32
    %dma_wait3A_724 = tpu.memref_slice %arg3[%dma_wait3A_722, %dma_wait3A_723] : memref<1000000x32xf16, #tpu.memory_space<hbm>> -> memref<1000000x32xf16, #tpu.memory_space<hbm>>
    tpu.wait_indirect_dma semaphore(%arg10 : memref<!tpu.dma_semaphore, #tpu.memory_space<semaphore_mem>>) src(%dma_wait3A_724 : memref<1000000x32xf16, #tpu.memory_space<hbm>>) dst(%dma_wait3A_719 : memref<128x32xf16, #tpu.memory_space<vmem>>)
    %dma_wait3A_725 = arith.constant 512 : i32
    %dma_wait3A_726 = arith.constant 0 : i32
    %dma_wait3A_727 = tpu.memref_slice %arg6[%dma_wait3A_725, %dma_wait3A_726] : memref<1024x32xf16, #tpu.memory_space<vmem>> -> memref<128x32xf16, #tpu.memory_space<vmem>>
    %dma_wait3A_728 = arith.constant 4608 : i32
    %dma_wait3A_729 = tpu.memref_slice %arg5[%dma_wait3A_728] : memref<13312xi32, #tpu.memory_space<vmem>> -> memref<128xi32, #tpu.memory_space<vmem>>
    %dma_wait3A_730 = arith.constant 0 : i32
    %dma_wait3A_731 = arith.constant 0 : i32
    %dma_wait3A_732 = tpu.memref_slice %arg3[%dma_wait3A_730, %dma_wait3A_731] : memref<1000000x32xf16, #tpu.memory_space<hbm>> -> memref<1000000x32xf16, #tpu.memory_space<hbm>>
    tpu.wait_indirect_dma semaphore(%arg10 : memref<!tpu.dma_semaphore, #tpu.memory_space<semaphore_mem>>) src(%dma_wait3A_732 : memref<1000000x32xf16, #tpu.memory_space<hbm>>) dst(%dma_wait3A_727 : memref<128x32xf16, #tpu.memory_space<vmem>>)
    %dma_wait3A_733 = arith.constant 640 : i32
    %dma_wait3A_734 = arith.constant 0 : i32
    %dma_wait3A_735 = tpu.memref_slice %arg6[%dma_wait3A_733, %dma_wait3A_734] : memref<1024x32xf16, #tpu.memory_space<vmem>> -> memref<128x32xf16, #tpu.memory_space<vmem>>
    %dma_wait3A_736 = arith.constant 4736 : i32
    %dma_wait3A_737 = tpu.memref_slice %arg5[%dma_wait3A_736] : memref<13312xi32, #tpu.memory_space<vmem>> -> memref<128xi32, #tpu.memory_space<vmem>>
    %dma_wait3A_738 = arith.constant 0 : i32
    %dma_wait3A_739 = arith.constant 0 : i32
    %dma_wait3A_740 = tpu.memref_slice %arg3[%dma_wait3A_738, %dma_wait3A_739] : memref<1000000x32xf16, #tpu.memory_space<hbm>> -> memref<1000000x32xf16, #tpu.memory_space<hbm>>
    tpu.wait_indirect_dma semaphore(%arg10 : memref<!tpu.dma_semaphore, #tpu.memory_space<semaphore_mem>>) src(%dma_wait3A_740 : memref<1000000x32xf16, #tpu.memory_space<hbm>>) dst(%dma_wait3A_735 : memref<128x32xf16, #tpu.memory_space<vmem>>)
    %dma_wait3A_741 = arith.constant 768 : i32
    %dma_wait3A_742 = arith.constant 0 : i32
    %dma_wait3A_743 = tpu.memref_slice %arg6[%dma_wait3A_741, %dma_wait3A_742] : memref<1024x32xf16, #tpu.memory_space<vmem>> -> memref<128x32xf16, #tpu.memory_space<vmem>>
    %dma_wait3A_744 = arith.constant 4864 : i32
    %dma_wait3A_745 = tpu.memref_slice %arg5[%dma_wait3A_744] : memref<13312xi32, #tpu.memory_space<vmem>> -> memref<128xi32, #tpu.memory_space<vmem>>
    %dma_wait3A_746 = arith.constant 0 : i32
    %dma_wait3A_747 = arith.constant 0 : i32
    %dma_wait3A_748 = tpu.memref_slice %arg3[%dma_wait3A_746, %dma_wait3A_747] : memref<1000000x32xf16, #tpu.memory_space<hbm>> -> memref<1000000x32xf16, #tpu.memory_space<hbm>>
    tpu.wait_indirect_dma semaphore(%arg10 : memref<!tpu.dma_semaphore, #tpu.memory_space<semaphore_mem>>) src(%dma_wait3A_748 : memref<1000000x32xf16, #tpu.memory_space<hbm>>) dst(%dma_wait3A_743 : memref<128x32xf16, #tpu.memory_space<vmem>>)
    %dma_wait3A_749 = arith.constant 896 : i32
    %dma_wait3A_750 = arith.constant 0 : i32
    %dma_wait3A_751 = tpu.memref_slice %arg6[%dma_wait3A_749, %dma_wait3A_750] : memref<1024x32xf16, #tpu.memory_space<vmem>> -> memref<128x32xf16, #tpu.memory_space<vmem>>
    %dma_wait3A_752 = arith.constant 4992 : i32
    %dma_wait3A_753 = tpu.memref_slice %arg5[%dma_wait3A_752] : memref<13312xi32, #tpu.memory_space<vmem>> -> memref<128xi32, #tpu.memory_space<vmem>>
    %dma_wait3A_754 = arith.constant 0 : i32
    %dma_wait3A_755 = arith.constant 0 : i32
    %dma_wait3A_756 = tpu.memref_slice %arg3[%dma_wait3A_754, %dma_wait3A_755] : memref<1000000x32xf16, #tpu.memory_space<hbm>> -> memref<1000000x32xf16, #tpu.memory_space<hbm>>
    tpu.wait_indirect_dma semaphore(%arg10 : memref<!tpu.dma_semaphore, #tpu.memory_space<semaphore_mem>>) src(%dma_wait3A_756 : memref<1000000x32xf16, #tpu.memory_space<hbm>>) dst(%dma_wait3A_751 : memref<128x32xf16, #tpu.memory_space<vmem>>)
    %dma_wait3A_757 = arith.constant 0 : i32
    %dma_wait3A_758 = tpu.memref_slice %arg4[%add3A_483, %dma_wait3A_757] : memref<425984x32xf32, #tpu.memory_space<hbm>> -> memref<1024x32xf32, #tpu.memory_space<hbm>>
    %dma_wait3A_759 = arith.constant 0 : i32
    %dma_wait3A_760 = tpu.memref_slice %arg4[%add3A_483, %dma_wait3A_759] : memref<425984x32xf32, #tpu.memory_space<hbm>> -> memref<1024x32xf32, #tpu.memory_space<hbm>>
    tpu.wait_dma2 semaphore(%arg12 : memref<!tpu.dma_semaphore, #tpu.memory_space<semaphore_mem>>) src(%arg8 : memref<1024x32xf32, #tpu.memory_space<vmem>>) dst(%dma_wait3A_760 : memref<1024x32xf32, #tpu.memory_space<hbm>>)
    %parallel_loop3A_761 = arith.constant 0 : i32
    %parallel_loop3A_762 = arith.constant 1024 : i32
    %parallel_loop3A_763 = arith.constant 1 : i32
    scf.for %parallel_loop3A_1842 = %parallel_loop3A_761 to %parallel_loop3A_762 step %parallel_loop3A_763  : i32 {
      %parallel_loop3A_1843 = arith.index_cast %parallel_loop3A_1842 : i32 to index
      %parallel_loop3A_1844 = arith.constant 0 : index
      %parallel_loop3A_1845 = tpu.vector_load %arg6[%parallel_loop3A_1843, %parallel_loop3A_1844] {strides = array<i32>} : memref<1024x32xf16, #tpu.memory_space<vmem>>, vector<32xf16>,
      %parallel_loop3A_1846 = tpu.bitcast %parallel_loop3A_1845 : vector<32xf16> -> vector<32xi16>
      %parallel_loop3A_1847 = tpu.unpack_subelements %parallel_loop3A_1846, 0 {pack_format = #tpu.pack_format<interleaved>} : vector<32xi16> -> vector<16xi32>
      %parallel_loop3A_1848 = tpu.unpack_subelements %parallel_loop3A_1846, 1 {pack_format = #tpu.pack_format<interleaved>} : vector<32xi16> -> vector<16xi32>
      %parallel_loop3A_1849 = arith.constant 16 : i32
      %parallel_loop3A_1850 = vector.broadcast %parallel_loop3A_1849 : i32 to vector<16xi32>
      %parallel_loop3A_1851 = arith.shli %parallel_loop3A_1847, %parallel_loop3A_1850 : vector<16xi32>
      %parallel_loop3A_1852 = arith.constant 3 : i32
      %parallel_loop3A_1853 = vector.broadcast %parallel_loop3A_1852 : i32 to vector<16xi32>
      %parallel_loop3A_1854 = arith.shrsi %parallel_loop3A_1851, %parallel_loop3A_1853 : vector<16xi32>
      %parallel_loop3A_1855 = arith.constant -1879056384 : i32
      %parallel_loop3A_1856 = vector.broadcast %parallel_loop3A_1855 : i32 to vector<16xi32>
      %parallel_loop3A_1857 = arith.andi %parallel_loop3A_1854, %parallel_loop3A_1856 : vector<16xi32>
      %parallel_loop3A_1858 = tpu.bitcast %parallel_loop3A_1857 : vector<16xi32> -> vector<16xf32>
      %parallel_loop3A_1859 = arith.constant 5.19229686E+33 : f32
      %parallel_loop3A_1860 = vector.broadcast %parallel_loop3A_1859 : f32 to vector<16xf32>
      %parallel_loop3A_1861 = arith.mulf %parallel_loop3A_1858, %parallel_loop3A_1860 : vector<16xf32>
      %parallel_loop3A_1862 = arith.constant 16 : i32
      %parallel_loop3A_1863 = vector.broadcast %parallel_loop3A_1862 : i32 to vector<16xi32>
      %parallel_loop3A_1864 = arith.shli %parallel_loop3A_1848, %parallel_loop3A_1863 : vector<16xi32>
      %parallel_loop3A_1865 = arith.constant 3 : i32
      %parallel_loop3A_1866 = vector.broadcast %parallel_loop3A_1865 : i32 to vector<16xi32>
      %parallel_loop3A_1867 = arith.shrsi %parallel_loop3A_1864, %parallel_loop3A_1866 : vector<16xi32>
      %parallel_loop3A_1868 = arith.constant -1879056384 : i32
      %parallel_loop3A_1869 = vector.broadcast %parallel_loop3A_1868 : i32 to vector<16xi32>
      %parallel_loop3A_1870 = arith.andi %parallel_loop3A_1867, %parallel_loop3A_1869 : vector<16xi32>
      %parallel_loop3A_1871 = tpu.bitcast %parallel_loop3A_1870 : vector<16xi32> -> vector<16xf32>
      %parallel_loop3A_1872 = arith.constant 5.19229686E+33 : f32
      %parallel_loop3A_1873 = vector.broadcast %parallel_loop3A_1872 : f32 to vector<16xf32>
      %parallel_loop3A_1874 = arith.mulf %parallel_loop3A_1871, %parallel_loop3A_1873 : vector<16xf32>
      %parallel_loop3A_1875 = vector.shape_cast %shift_right_arithmetic3A_8 : vector<16xi32> to vector<16x1xi32>
      %parallel_loop3A_1876 = vector.shape_cast %parallel_loop3A_1875 : vector<16x1xi32> to vector<16xi32>
      %parallel_loop3A_1877 = tpu.dynamic_gather %parallel_loop3A_1861[%parallel_loop3A_1876] in [0] : vector<16xf32>, vector<16xi32> -> vector<16xf32>
      %parallel_loop3A_1878 = vector.shape_cast %shift_right_arithmetic3A_8 : vector<16xi32> to vector<16x1xi32>
      %parallel_loop3A_1879 = vector.shape_cast %parallel_loop3A_1878 : vector<16x1xi32> to vector<16xi32>
      %parallel_loop3A_1880 = tpu.dynamic_gather %parallel_loop3A_1874[%parallel_loop3A_1879] in [0] : vector<16xf32>, vector<16xi32> -> vector<16xf32>
      %parallel_loop3A_1881 = arith.select %eq3A_6, %parallel_loop3A_1877, %parallel_loop3A_1880 : vector<16xi1>, vector<16xf32>
      %parallel_loop3A_1882 = arith.index_cast %parallel_loop3A_1842 : i32 to index
      %parallel_loop3A_1883 = arith.constant 0 : index
      %parallel_loop3A_1884 = tpu.vector_load %arg8[%parallel_loop3A_1882, %parallel_loop3A_1883] {strides = array<i32>} : memref<1024x32xf32, #tpu.memory_space<vmem>>, vector<16xf32>,
      tpu.vector_store %arg8[%parallel_loop3A_1882, %parallel_loop3A_1883], %parallel_loop3A_1881 {strides = array<i32>} : memref<1024x32xf32, #tpu.memory_space<vmem>>, vector<16xf32>,
      %parallel_loop3A_1885 = vector.shape_cast %add3A_11 : vector<16xi32> to vector<16x1xi32>
      %parallel_loop3A_1886 = vector.shape_cast %parallel_loop3A_1885 : vector<16x1xi32> to vector<16xi32>
      %parallel_loop3A_1887 = tpu.dynamic_gather %parallel_loop3A_1861[%parallel_loop3A_1886] in [0] : vector<16xf32>, vector<16xi32> -> vector<16xf32>
      %parallel_loop3A_1888 = vector.shape_cast %add3A_11 : vector<16xi32> to vector<16x1xi32>
      %parallel_loop3A_1889 = vector.shape_cast %parallel_loop3A_1888 : vector<16x1xi32> to vector<16xi32>
      %parallel_loop3A_1890 = tpu.dynamic_gather %parallel_loop3A_1874[%parallel_loop3A_1889] in [0] : vector<16xf32>, vector<16xi32> -> vector<16xf32>
      %parallel_loop3A_1891 = arith.select %eq3A_6, %parallel_loop3A_1887, %parallel_loop3A_1890 : vector<16xi1>, vector<16xf32>
      %parallel_loop3A_1892 = arith.index_cast %parallel_loop3A_1842 : i32 to index
      %parallel_loop3A_1893 = arith.constant 16 : index
      %parallel_loop3A_1894 = tpu.vector_load %arg8[%parallel_loop3A_1892, %parallel_loop3A_1893] {strides = array<i32>} : memref<1024x32xf32, #tpu.memory_space<vmem>>, vector<16xf32>,
      tpu.vector_store %arg8[%parallel_loop3A_1892, %parallel_loop3A_1893], %parallel_loop3A_1891 {strides = array<i32>} : memref<1024x32xf32, #tpu.memory_space<vmem>>, vector<16xf32>,
    } {sc.loop_unroll_factor = 4 : i64, sc.parallel_access}
    %add3A_764 = arith.constant 4096 : i32
    %add3A_765 = arith.addi %mul3A_2, %add3A_764 : i32
    %dma_start3A_766 = arith.constant 0 : i32
    %dma_start3A_767 = tpu.memref_slice %arg4[%add3A_765, %dma_start3A_766] : memref<425984x32xf32, #tpu.memory_space<hbm>> -> memref<1024x32xf32, #tpu.memory_space<hbm>>
    %dma_start3A_768 = arith.constant 0 : i32
    %dma_start3A_769 = tpu.memref_slice %arg4[%add3A_765, %dma_start3A_768] : memref<425984x32xf32, #tpu.memory_space<hbm>> -> memref<1024x32xf32, #tpu.memory_space<hbm>>
    tpu.enqueue_dma source(%arg8 : memref<1024x32xf32, #tpu.memory_space<vmem>>) target(%dma_start3A_769 : memref<1024x32xf32, #tpu.memory_space<hbm>>) target_semaphore(%arg12 : memref<!tpu.dma_semaphore, #tpu.memory_space<semaphore_mem>>)
    %dma_start3A_770 = arith.constant 0 : i32
    %dma_start3A_771 = arith.constant 0 : i32
    %dma_start3A_772 = tpu.memref_slice %arg6[%dma_start3A_770, %dma_start3A_771] : memref<1024x32xf16, #tpu.memory_space<vmem>> -> memref<128x32xf16, #tpu.memory_space<vmem>>
    %dma_start3A_773 = arith.constant 6144 : i32
    %dma_start3A_774 = tpu.memref_slice %arg5[%dma_start3A_773] : memref<13312xi32, #tpu.memory_space<vmem>> -> memref<128xi32, #tpu.memory_space<vmem>>
    %dma_start3A_775 = arith.constant 0 : i32
    %dma_start3A_776 = arith.constant 0 : i32
    %dma_start3A_777 = tpu.memref_slice %arg3[%dma_start3A_775, %dma_start3A_776] : memref<1000000x32xf16, #tpu.memory_space<hbm>> -> memref<1000000x32xf16, #tpu.memory_space<hbm>>
    tpu.enqueue_indirect_dma source(%dma_start3A_777 : memref<1000000x32xf16, #tpu.memory_space<hbm>>) target(%dma_start3A_772 : memref<128x32xf16, #tpu.memory_space<vmem>>) offsets(%dma_start3A_774 : memref<128xi32, #tpu.memory_space<vmem>>) semaphore(%arg10 : memref<!tpu.dma_semaphore, #tpu.memory_space<semaphore_mem>>)
    %dma_start3A_778 = arith.constant 128 : i32
    %dma_start3A_779 = arith.constant 0 : i32
    %dma_start3A_780 = tpu.memref_slice %arg6[%dma_start3A_778, %dma_start3A_779] : memref<1024x32xf16, #tpu.memory_space<vmem>> -> memref<128x32xf16, #tpu.memory_space<vmem>>
    %dma_start3A_781 = arith.constant 6272 : i32
    %dma_start3A_782 = tpu.memref_slice %arg5[%dma_start3A_781] : memref<13312xi32, #tpu.memory_space<vmem>> -> memref<128xi32, #tpu.memory_space<vmem>>
    %dma_start3A_783 = arith.constant 0 : i32
    %dma_start3A_784 = arith.constant 0 : i32
    %dma_start3A_785 = tpu.memref_slice %arg3[%dma_start3A_783, %dma_start3A_784] : memref<1000000x32xf16, #tpu.memory_space<hbm>> -> memref<1000000x32xf16, #tpu.memory_space<hbm>>
    tpu.enqueue_indirect_dma source(%dma_start3A_785 : memref<1000000x32xf16, #tpu.memory_space<hbm>>) target(%dma_start3A_780 : memref<128x32xf16, #tpu.memory_space<vmem>>) offsets(%dma_start3A_782 : memref<128xi32, #tpu.memory_space<vmem>>) semaphore(%arg10 : memref<!tpu.dma_semaphore, #tpu.memory_space<semaphore_mem>>)
    %dma_start3A_786 = arith.constant 256 : i32
    %dma_start3A_787 = arith.constant 0 : i32
    %dma_start3A_788 = tpu.memref_slice %arg6[%dma_start3A_786, %dma_start3A_787] : memref<1024x32xf16, #tpu.memory_space<vmem>> -> memref<128x32xf16, #tpu.memory_space<vmem>>
    %dma_start3A_789 = arith.constant 6400 : i32
    %dma_start3A_790 = tpu.memref_slice %arg5[%dma_start3A_789] : memref<13312xi32, #tpu.memory_space<vmem>> -> memref<128xi32, #tpu.memory_space<vmem>>
    %dma_start3A_791 = arith.constant 0 : i32
    %dma_start3A_792 = arith.constant 0 : i32
    %dma_start3A_793 = tpu.memref_slice %arg3[%dma_start3A_791, %dma_start3A_792] : memref<1000000x32xf16, #tpu.memory_space<hbm>> -> memref<1000000x32xf16, #tpu.memory_space<hbm>>
    tpu.enqueue_indirect_dma source(%dma_start3A_793 : memref<1000000x32xf16, #tpu.memory_space<hbm>>) target(%dma_start3A_788 : memref<128x32xf16, #tpu.memory_space<vmem>>) offsets(%dma_start3A_790 : memref<128xi32, #tpu.memory_space<vmem>>) semaphore(%arg10 : memref<!tpu.dma_semaphore, #tpu.memory_space<semaphore_mem>>)
    %dma_start3A_794 = arith.constant 384 : i32
    %dma_start3A_795 = arith.constant 0 : i32
    %dma_start3A_796 = tpu.memref_slice %arg6[%dma_start3A_794, %dma_start3A_795] : memref<1024x32xf16, #tpu.memory_space<vmem>> -> memref<128x32xf16, #tpu.memory_space<vmem>>
    %dma_start3A_797 = arith.constant 6528 : i32
    %dma_start3A_798 = tpu.memref_slice %arg5[%dma_start3A_797] : memref<13312xi32, #tpu.memory_space<vmem>> -> memref<128xi32, #tpu.memory_space<vmem>>
    %dma_start3A_799 = arith.constant 0 : i32
    %dma_start3A_800 = arith.constant 0 : i32
    %dma_start3A_801 = tpu.memref_slice %arg3[%dma_start3A_799, %dma_start3A_800] : memref<1000000x32xf16, #tpu.memory_space<hbm>> -> memref<1000000x32xf16, #tpu.memory_space<hbm>>
    tpu.enqueue_indirect_dma source(%dma_start3A_801 : memref<1000000x32xf16, #tpu.memory_space<hbm>>) target(%dma_start3A_796 : memref<128x32xf16, #tpu.memory_space<vmem>>) offsets(%dma_start3A_798 : memref<128xi32, #tpu.memory_space<vmem>>) semaphore(%arg10 : memref<!tpu.dma_semaphore, #tpu.memory_space<semaphore_mem>>)
    %dma_start3A_802 = arith.constant 512 : i32
    %dma_start3A_803 = arith.constant 0 : i32
    %dma_start3A_804 = tpu.memref_slice %arg6[%dma_start3A_802, %dma_start3A_803] : memref<1024x32xf16, #tpu.memory_space<vmem>> -> memref<128x32xf16, #tpu.memory_space<vmem>>
    %dma_start3A_805 = arith.constant 6656 : i32
    %dma_start3A_806 = tpu.memref_slice %arg5[%dma_start3A_805] : memref<13312xi32, #tpu.memory_space<vmem>> -> memref<128xi32, #tpu.memory_space<vmem>>
    %dma_start3A_807 = arith.constant 0 : i32
    %dma_start3A_808 = arith.constant 0 : i32
    %dma_start3A_809 = tpu.memref_slice %arg3[%dma_start3A_807, %dma_start3A_808] : memref<1000000x32xf16, #tpu.memory_space<hbm>> -> memref<1000000x32xf16, #tpu.memory_space<hbm>>
    tpu.enqueue_indirect_dma source(%dma_start3A_809 : memref<1000000x32xf16, #tpu.memory_space<hbm>>) target(%dma_start3A_804 : memref<128x32xf16, #tpu.memory_space<vmem>>) offsets(%dma_start3A_806 : memref<128xi32, #tpu.memory_space<vmem>>) semaphore(%arg10 : memref<!tpu.dma_semaphore, #tpu.memory_space<semaphore_mem>>)
    %dma_start3A_810 = arith.constant 640 : i32
    %dma_start3A_811 = arith.constant 0 : i32
    %dma_start3A_812 = tpu.memref_slice %arg6[%dma_start3A_810, %dma_start3A_811] : memref<1024x32xf16, #tpu.memory_space<vmem>> -> memref<128x32xf16, #tpu.memory_space<vmem>>
    %dma_start3A_813 = arith.constant 6784 : i32
    %dma_start3A_814 = tpu.memref_slice %arg5[%dma_start3A_813] : memref<13312xi32, #tpu.memory_space<vmem>> -> memref<128xi32, #tpu.memory_space<vmem>>
    %dma_start3A_815 = arith.constant 0 : i32
    %dma_start3A_816 = arith.constant 0 : i32
    %dma_start3A_817 = tpu.memref_slice %arg3[%dma_start3A_815, %dma_start3A_816] : memref<1000000x32xf16, #tpu.memory_space<hbm>> -> memref<1000000x32xf16, #tpu.memory_space<hbm>>
    tpu.enqueue_indirect_dma source(%dma_start3A_817 : memref<1000000x32xf16, #tpu.memory_space<hbm>>) target(%dma_start3A_812 : memref<128x32xf16, #tpu.memory_space<vmem>>) offsets(%dma_start3A_814 : memref<128xi32, #tpu.memory_space<vmem>>) semaphore(%arg10 : memref<!tpu.dma_semaphore, #tpu.memory_space<semaphore_mem>>)
    %dma_start3A_818 = arith.constant 768 : i32
    %dma_start3A_819 = arith.constant 0 : i32
    %dma_start3A_820 = tpu.memref_slice %arg6[%dma_start3A_818, %dma_start3A_819] : memref<1024x32xf16, #tpu.memory_space<vmem>> -> memref<128x32xf16, #tpu.memory_space<vmem>>
    %dma_start3A_821 = arith.constant 6912 : i32
    %dma_start3A_822 = tpu.memref_slice %arg5[%dma_start3A_821] : memref<13312xi32, #tpu.memory_space<vmem>> -> memref<128xi32, #tpu.memory_space<vmem>>
    %dma_start3A_823 = arith.constant 0 : i32
    %dma_start3A_824 = arith.constant 0 : i32
    %dma_start3A_825 = tpu.memref_slice %arg3[%dma_start3A_823, %dma_start3A_824] : memref<1000000x32xf16, #tpu.memory_space<hbm>> -> memref<1000000x32xf16, #tpu.memory_space<hbm>>
    tpu.enqueue_indirect_dma source(%dma_start3A_825 : memref<1000000x32xf16, #tpu.memory_space<hbm>>) target(%dma_start3A_820 : memref<128x32xf16, #tpu.memory_space<vmem>>) offsets(%dma_start3A_822 : memref<128xi32, #tpu.memory_space<vmem>>) semaphore(%arg10 : memref<!tpu.dma_semaphore, #tpu.memory_space<semaphore_mem>>)
    %dma_start3A_826 = arith.constant 896 : i32
    %dma_start3A_827 = arith.constant 0 : i32
    %dma_start3A_828 = tpu.memref_slice %arg6[%dma_start3A_826, %dma_start3A_827] : memref<1024x32xf16, #tpu.memory_space<vmem>> -> memref<128x32xf16, #tpu.memory_space<vmem>>
    %dma_start3A_829 = arith.constant 7040 : i32
    %dma_start3A_830 = tpu.memref_slice %arg5[%dma_start3A_829] : memref<13312xi32, #tpu.memory_space<vmem>> -> memref<128xi32, #tpu.memory_space<vmem>>
    %dma_start3A_831 = arith.constant 0 : i32
    %dma_start3A_832 = arith.constant 0 : i32
    %dma_start3A_833 = tpu.memref_slice %arg3[%dma_start3A_831, %dma_start3A_832] : memref<1000000x32xf16, #tpu.memory_space<hbm>> -> memref<1000000x32xf16, #tpu.memory_space<hbm>>
    tpu.enqueue_indirect_dma source(%dma_start3A_833 : memref<1000000x32xf16, #tpu.memory_space<hbm>>) target(%dma_start3A_828 : memref<128x32xf16, #tpu.memory_space<vmem>>) offsets(%dma_start3A_830 : memref<128xi32, #tpu.memory_space<vmem>>) semaphore(%arg10 : memref<!tpu.dma_semaphore, #tpu.memory_space<semaphore_mem>>)
    %dma_wait3A_834 = arith.constant 0 : i32
    %dma_wait3A_835 = arith.constant 0 : i32
    %dma_wait3A_836 = tpu.memref_slice %arg7[%dma_wait3A_834, %dma_wait3A_835] : memref<1024x32xf16, #tpu.memory_space<vmem>> -> memref<128x32xf16, #tpu.memory_space<vmem>>
    %dma_wait3A_837 = arith.constant 5120 : i32
    %dma_wait3A_838 = tpu.memref_slice %arg5[%dma_wait3A_837] : memref<13312xi32, #tpu.memory_space<vmem>> -> memref<128xi32, #tpu.memory_space<vmem>>
    %dma_wait3A_839 = arith.constant 0 : i32
    %dma_wait3A_840 = arith.constant 0 : i32
    %dma_wait3A_841 = tpu.memref_slice %arg3[%dma_wait3A_839, %dma_wait3A_840] : memref<1000000x32xf16, #tpu.memory_space<hbm>> -> memref<1000000x32xf16, #tpu.memory_space<hbm>>
    tpu.wait_indirect_dma semaphore(%arg11 : memref<!tpu.dma_semaphore, #tpu.memory_space<semaphore_mem>>) src(%dma_wait3A_841 : memref<1000000x32xf16, #tpu.memory_space<hbm>>) dst(%dma_wait3A_836 : memref<128x32xf16, #tpu.memory_space<vmem>>)
    %dma_wait3A_842 = arith.constant 128 : i32
    %dma_wait3A_843 = arith.constant 0 : i32
    %dma_wait3A_844 = tpu.memref_slice %arg7[%dma_wait3A_842, %dma_wait3A_843] : memref<1024x32xf16, #tpu.memory_space<vmem>> -> memref<128x32xf16, #tpu.memory_space<vmem>>
    %dma_wait3A_845 = arith.constant 5248 : i32
    %dma_wait3A_846 = tpu.memref_slice %arg5[%dma_wait3A_845] : memref<13312xi32, #tpu.memory_space<vmem>> -> memref<128xi32, #tpu.memory_space<vmem>>
    %dma_wait3A_847 = arith.constant 0 : i32
    %dma_wait3A_848 = arith.constant 0 : i32
    %dma_wait3A_849 = tpu.memref_slice %arg3[%dma_wait3A_847, %dma_wait3A_848] : memref<1000000x32xf16, #tpu.memory_space<hbm>> -> memref<1000000x32xf16, #tpu.memory_space<hbm>>
    tpu.wait_indirect_dma semaphore(%arg11 : memref<!tpu.dma_semaphore, #tpu.memory_space<semaphore_mem>>) src(%dma_wait3A_849 : memref<1000000x32xf16, #tpu.memory_space<hbm>>) dst(%dma_wait3A_844 : memref<128x32xf16, #tpu.memory_space<vmem>>)
    %dma_wait3A_850 = arith.constant 256 : i32
    %dma_wait3A_851 = arith.constant 0 : i32
    %dma_wait3A_852 = tpu.memref_slice %arg7[%dma_wait3A_850, %dma_wait3A_851] : memref<1024x32xf16, #tpu.memory_space<vmem>> -> memref<128x32xf16, #tpu.memory_space<vmem>>
    %dma_wait3A_853 = arith.constant 5376 : i32
    %dma_wait3A_854 = tpu.memref_slice %arg5[%dma_wait3A_853] : memref<13312xi32, #tpu.memory_space<vmem>> -> memref<128xi32, #tpu.memory_space<vmem>>
    %dma_wait3A_855 = arith.constant 0 : i32
    %dma_wait3A_856 = arith.constant 0 : i32
    %dma_wait3A_857 = tpu.memref_slice %arg3[%dma_wait3A_855, %dma_wait3A_856] : memref<1000000x32xf16, #tpu.memory_space<hbm>> -> memref<1000000x32xf16, #tpu.memory_space<hbm>>
    tpu.wait_indirect_dma semaphore(%arg11 : memref<!tpu.dma_semaphore, #tpu.memory_space<semaphore_mem>>) src(%dma_wait3A_857 : memref<1000000x32xf16, #tpu.memory_space<hbm>>) dst(%dma_wait3A_852 : memref<128x32xf16, #tpu.memory_space<vmem>>)
    %dma_wait3A_858 = arith.constant 384 : i32
    %dma_wait3A_859 = arith.constant 0 : i32
    %dma_wait3A_860 = tpu.memref_slice %arg7[%dma_wait3A_858, %dma_wait3A_859] : memref<1024x32xf16, #tpu.memory_space<vmem>> -> memref<128x32xf16, #tpu.memory_space<vmem>>
    %dma_wait3A_861 = arith.constant 5504 : i32
    %dma_wait3A_862 = tpu.memref_slice %arg5[%dma_wait3A_861] : memref<13312xi32, #tpu.memory_space<vmem>> -> memref<128xi32, #tpu.memory_space<vmem>>
    %dma_wait3A_863 = arith.constant 0 : i32
    %dma_wait3A_864 = arith.constant 0 : i32
    %dma_wait3A_865 = tpu.memref_slice %arg3[%dma_wait3A_863, %dma_wait3A_864] : memref<1000000x32xf16, #tpu.memory_space<hbm>> -> memref<1000000x32xf16, #tpu.memory_space<hbm>>
    tpu.wait_indirect_dma semaphore(%arg11 : memref<!tpu.dma_semaphore, #tpu.memory_space<semaphore_mem>>) src(%dma_wait3A_865 : memref<1000000x32xf16, #tpu.memory_space<hbm>>) dst(%dma_wait3A_860 : memref<128x32xf16, #tpu.memory_space<vmem>>)
    %dma_wait3A_866 = arith.constant 512 : i32
    %dma_wait3A_867 = arith.constant 0 : i32
    %dma_wait3A_868 = tpu.memref_slice %arg7[%dma_wait3A_866, %dma_wait3A_867] : memref<1024x32xf16, #tpu.memory_space<vmem>> -> memref<128x32xf16, #tpu.memory_space<vmem>>
    %dma_wait3A_869 = arith.constant 5632 : i32
    %dma_wait3A_870 = tpu.memref_slice %arg5[%dma_wait3A_869] : memref<13312xi32, #tpu.memory_space<vmem>> -> memref<128xi32, #tpu.memory_space<vmem>>
    %dma_wait3A_871 = arith.constant 0 : i32
    %dma_wait3A_872 = arith.constant 0 : i32
    %dma_wait3A_873 = tpu.memref_slice %arg3[%dma_wait3A_871, %dma_wait3A_872] : memref<1000000x32xf16, #tpu.memory_space<hbm>> -> memref<1000000x32xf16, #tpu.memory_space<hbm>>
    tpu.wait_indirect_dma semaphore(%arg11 : memref<!tpu.dma_semaphore, #tpu.memory_space<semaphore_mem>>) src(%dma_wait3A_873 : memref<1000000x32xf16, #tpu.memory_space<hbm>>) dst(%dma_wait3A_868 : memref<128x32xf16, #tpu.memory_space<vmem>>)
    %dma_wait3A_874 = arith.constant 640 : i32
    %dma_wait3A_875 = arith.constant 0 : i32
    %dma_wait3A_876 = tpu.memref_slice %arg7[%dma_wait3A_874, %dma_wait3A_875] : memref<1024x32xf16, #tpu.memory_space<vmem>> -> memref<128x32xf16, #tpu.memory_space<vmem>>
    %dma_wait3A_877 = arith.constant 5760 : i32
    %dma_wait3A_878 = tpu.memref_slice %arg5[%dma_wait3A_877] : memref<13312xi32, #tpu.memory_space<vmem>> -> memref<128xi32, #tpu.memory_space<vmem>>
    %dma_wait3A_879 = arith.constant 0 : i32
    %dma_wait3A_880 = arith.constant 0 : i32
    %dma_wait3A_881 = tpu.memref_slice %arg3[%dma_wait3A_879, %dma_wait3A_880] : memref<1000000x32xf16, #tpu.memory_space<hbm>> -> memref<1000000x32xf16, #tpu.memory_space<hbm>>
    tpu.wait_indirect_dma semaphore(%arg11 : memref<!tpu.dma_semaphore, #tpu.memory_space<semaphore_mem>>) src(%dma_wait3A_881 : memref<1000000x32xf16, #tpu.memory_space<hbm>>) dst(%dma_wait3A_876 : memref<128x32xf16, #tpu.memory_space<vmem>>)
    %dma_wait3A_882 = arith.constant 768 : i32
    %dma_wait3A_883 = arith.constant 0 : i32
    %dma_wait3A_884 = tpu.memref_slice %arg7[%dma_wait3A_882, %dma_wait3A_883] : memref<1024x32xf16, #tpu.memory_space<vmem>> -> memref<128x32xf16, #tpu.memory_space<vmem>>
    %dma_wait3A_885 = arith.constant 5888 : i32
    %dma_wait3A_886 = tpu.memref_slice %arg5[%dma_wait3A_885] : memref<13312xi32, #tpu.memory_space<vmem>> -> memref<128xi32, #tpu.memory_space<vmem>>
    %dma_wait3A_887 = arith.constant 0 : i32
    %dma_wait3A_888 = arith.constant 0 : i32
    %dma_wait3A_889 = tpu.memref_slice %arg3[%dma_wait3A_887, %dma_wait3A_888] : memref<1000000x32xf16, #tpu.memory_space<hbm>> -> memref<1000000x32xf16, #tpu.memory_space<hbm>>
    tpu.wait_indirect_dma semaphore(%arg11 : memref<!tpu.dma_semaphore, #tpu.memory_space<semaphore_mem>>) src(%dma_wait3A_889 : memref<1000000x32xf16, #tpu.memory_space<hbm>>) dst(%dma_wait3A_884 : memref<128x32xf16, #tpu.memory_space<vmem>>)
    %dma_wait3A_890 = arith.constant 896 : i32
    %dma_wait3A_891 = arith.constant 0 : i32
    %dma_wait3A_892 = tpu.memref_slice %arg7[%dma_wait3A_890, %dma_wait3A_891] : memref<1024x32xf16, #tpu.memory_space<vmem>> -> memref<128x32xf16, #tpu.memory_space<vmem>>
    %dma_wait3A_893 = arith.constant 6016 : i32
    %dma_wait3A_894 = tpu.memref_slice %arg5[%dma_wait3A_893] : memref<13312xi32, #tpu.memory_space<vmem>> -> memref<128xi32, #tpu.memory_space<vmem>>
    %dma_wait3A_895 = arith.constant 0 : i32
    %dma_wait3A_896 = arith.constant 0 : i32
    %dma_wait3A_897 = tpu.memref_slice %arg3[%dma_wait3A_895, %dma_wait3A_896] : memref<1000000x32xf16, #tpu.memory_space<hbm>> -> memref<1000000x32xf16, #tpu.memory_space<hbm>>
    tpu.wait_indirect_dma semaphore(%arg11 : memref<!tpu.dma_semaphore, #tpu.memory_space<semaphore_mem>>) src(%dma_wait3A_897 : memref<1000000x32xf16, #tpu.memory_space<hbm>>) dst(%dma_wait3A_892 : memref<128x32xf16, #tpu.memory_space<vmem>>)
    %dma_wait3A_898 = arith.constant 0 : i32
    %dma_wait3A_899 = tpu.memref_slice %arg4[%add3A_624, %dma_wait3A_898] : memref<425984x32xf32, #tpu.memory_space<hbm>> -> memref<1024x32xf32, #tpu.memory_space<hbm>>
    %dma_wait3A_900 = arith.constant 0 : i32
    %dma_wait3A_901 = tpu.memref_slice %arg4[%add3A_624, %dma_wait3A_900] : memref<425984x32xf32, #tpu.memory_space<hbm>> -> memref<1024x32xf32, #tpu.memory_space<hbm>>
    tpu.wait_dma2 semaphore(%arg13 : memref<!tpu.dma_semaphore, #tpu.memory_space<semaphore_mem>>) src(%arg9 : memref<1024x32xf32, #tpu.memory_space<vmem>>) dst(%dma_wait3A_901 : memref<1024x32xf32, #tpu.memory_space<hbm>>)
    %parallel_loop3A_902 = arith.constant 0 : i32
    %parallel_loop3A_903 = arith.constant 1024 : i32
    %parallel_loop3A_904 = arith.constant 1 : i32
    scf.for %parallel_loop3A_1842 = %parallel_loop3A_902 to %parallel_loop3A_903 step %parallel_loop3A_904  : i32 {
      %parallel_loop3A_1843 = arith.index_cast %parallel_loop3A_1842 : i32 to index
      %parallel_loop3A_1844 = arith.constant 0 : index
      %parallel_loop3A_1845 = tpu.vector_load %arg7[%parallel_loop3A_1843, %parallel_loop3A_1844] {strides = array<i32>} : memref<1024x32xf16, #tpu.memory_space<vmem>>, vector<32xf16>,
      %parallel_loop3A_1846 = tpu.bitcast %parallel_loop3A_1845 : vector<32xf16> -> vector<32xi16>
      %parallel_loop3A_1847 = tpu.unpack_subelements %parallel_loop3A_1846, 0 {pack_format = #tpu.pack_format<interleaved>} : vector<32xi16> -> vector<16xi32>
      %parallel_loop3A_1848 = tpu.unpack_subelements %parallel_loop3A_1846, 1 {pack_format = #tpu.pack_format<interleaved>} : vector<32xi16> -> vector<16xi32>
      %parallel_loop3A_1849 = arith.constant 16 : i32
      %parallel_loop3A_1850 = vector.broadcast %parallel_loop3A_1849 : i32 to vector<16xi32>
      %parallel_loop3A_1851 = arith.shli %parallel_loop3A_1847, %parallel_loop3A_1850 : vector<16xi32>
      %parallel_loop3A_1852 = arith.constant 3 : i32
      %parallel_loop3A_1853 = vector.broadcast %parallel_loop3A_1852 : i32 to vector<16xi32>
      %parallel_loop3A_1854 = arith.shrsi %parallel_loop3A_1851, %parallel_loop3A_1853 : vector<16xi32>
      %parallel_loop3A_1855 = arith.constant -1879056384 : i32
      %parallel_loop3A_1856 = vector.broadcast %parallel_loop3A_1855 : i32 to vector<16xi32>
      %parallel_loop3A_1857 = arith.andi %parallel_loop3A_1854, %parallel_loop3A_1856 : vector<16xi32>
      %parallel_loop3A_1858 = tpu.bitcast %parallel_loop3A_1857 : vector<16xi32> -> vector<16xf32>
      %parallel_loop3A_1859 = arith.constant 5.19229686E+33 : f32
      %parallel_loop3A_1860 = vector.broadcast %parallel_loop3A_1859 : f32 to vector<16xf32>
      %parallel_loop3A_1861 = arith.mulf %parallel_loop3A_1858, %parallel_loop3A_1860 : vector<16xf32>
      %parallel_loop3A_1862 = arith.constant 16 : i32
      %parallel_loop3A_1863 = vector.broadcast %parallel_loop3A_1862 : i32 to vector<16xi32>
      %parallel_loop3A_1864 = arith.shli %parallel_loop3A_1848, %parallel_loop3A_1863 : vector<16xi32>
      %parallel_loop3A_1865 = arith.constant 3 : i32
      %parallel_loop3A_1866 = vector.broadcast %parallel_loop3A_1865 : i32 to vector<16xi32>
      %parallel_loop3A_1867 = arith.shrsi %parallel_loop3A_1864, %parallel_loop3A_1866 : vector<16xi32>
      %parallel_loop3A_1868 = arith.constant -1879056384 : i32
      %parallel_loop3A_1869 = vector.broadcast %parallel_loop3A_1868 : i32 to vector<16xi32>
      %parallel_loop3A_1870 = arith.andi %parallel_loop3A_1867, %parallel_loop3A_1869 : vector<16xi32>
      %parallel_loop3A_1871 = tpu.bitcast %parallel_loop3A_1870 : vector<16xi32> -> vector<16xf32>
      %parallel_loop3A_1872 = arith.constant 5.19229686E+33 : f32
      %parallel_loop3A_1873 = vector.broadcast %parallel_loop3A_1872 : f32 to vector<16xf32>
      %parallel_loop3A_1874 = arith.mulf %parallel_loop3A_1871, %parallel_loop3A_1873 : vector<16xf32>
      %parallel_loop3A_1875 = vector.shape_cast %shift_right_arithmetic3A_8 : vector<16xi32> to vector<16x1xi32>
      %parallel_loop3A_1876 = vector.shape_cast %parallel_loop3A_1875 : vector<16x1xi32> to vector<16xi32>
      %parallel_loop3A_1877 = tpu.dynamic_gather %parallel_loop3A_1861[%parallel_loop3A_1876] in [0] : vector<16xf32>, vector<16xi32> -> vector<16xf32>
      %parallel_loop3A_1878 = vector.shape_cast %shift_right_arithmetic3A_8 : vector<16xi32> to vector<16x1xi32>
      %parallel_loop3A_1879 = vector.shape_cast %parallel_loop3A_1878 : vector<16x1xi32> to vector<16xi32>
      %parallel_loop3A_1880 = tpu.dynamic_gather %parallel_loop3A_1874[%parallel_loop3A_1879] in [0] : vector<16xf32>, vector<16xi32> -> vector<16xf32>
      %parallel_loop3A_1881 = arith.select %eq3A_6, %parallel_loop3A_1877, %parallel_loop3A_1880 : vector<16xi1>, vector<16xf32>
      %parallel_loop3A_1882 = arith.index_cast %parallel_loop3A_1842 : i32 to index
      %parallel_loop3A_1883 = arith.constant 0 : index
      %parallel_loop3A_1884 = tpu.vector_load %arg9[%parallel_loop3A_1882, %parallel_loop3A_1883] {strides = array<i32>} : memref<1024x32xf32, #tpu.memory_space<vmem>>, vector<16xf32>,
      tpu.vector_store %arg9[%parallel_loop3A_1882, %parallel_loop3A_1883], %parallel_loop3A_1881 {strides = array<i32>} : memref<1024x32xf32, #tpu.memory_space<vmem>>, vector<16xf32>,
      %parallel_loop3A_1885 = vector.shape_cast %add3A_11 : vector<16xi32> to vector<16x1xi32>
      %parallel_loop3A_1886 = vector.shape_cast %parallel_loop3A_1885 : vector<16x1xi32> to vector<16xi32>
      %parallel_loop3A_1887 = tpu.dynamic_gather %parallel_loop3A_1861[%parallel_loop3A_1886] in [0] : vector<16xf32>, vector<16xi32> -> vector<16xf32>
      %parallel_loop3A_1888 = vector.shape_cast %add3A_11 : vector<16xi32> to vector<16x1xi32>
      %parallel_loop3A_1889 = vector.shape_cast %parallel_loop3A_1888 : vector<16x1xi32> to vector<16xi32>
      %parallel_loop3A_1890 = tpu.dynamic_gather %parallel_loop3A_1874[%parallel_loop3A_1889] in [0] : vector<16xf32>, vector<16xi32> -> vector<16xf32>
      %parallel_loop3A_1891 = arith.select %eq3A_6, %parallel_loop3A_1887, %parallel_loop3A_1890 : vector<16xi1>, vector<16xf32>
      %parallel_loop3A_1892 = arith.index_cast %parallel_loop3A_1842 : i32 to index
      %parallel_loop3A_1893 = arith.constant 16 : index
      %parallel_loop3A_1894 = tpu.vector_load %arg9[%parallel_loop3A_1892, %parallel_loop3A_1893] {strides = array<i32>} : memref<1024x32xf32, #tpu.memory_space<vmem>>, vector<16xf32>,
      tpu.vector_store %arg9[%parallel_loop3A_1892, %parallel_loop3A_1893], %parallel_loop3A_1891 {strides = array<i32>} : memref<1024x32xf32, #tpu.memory_space<vmem>>, vector<16xf32>,
    } {sc.loop_unroll_factor = 4 : i64, sc.parallel_access}
    %add3A_905 = arith.constant 5120 : i32
    %add3A_906 = arith.addi %mul3A_2, %add3A_905 : i32
    %dma_start3A_907 = arith.constant 0 : i32
    %dma_start3A_908 = tpu.memref_slice %arg4[%add3A_906, %dma_start3A_907] : memref<425984x32xf32, #tpu.memory_space<hbm>> -> memref<1024x32xf32, #tpu.memory_space<hbm>>
    %dma_start3A_909 = arith.constant 0 : i32
    %dma_start3A_910 = tpu.memref_slice %arg4[%add3A_906, %dma_start3A_909] : memref<425984x32xf32, #tpu.memory_space<hbm>> -> memref<1024x32xf32, #tpu.memory_space<hbm>>
    tpu.enqueue_dma source(%arg9 : memref<1024x32xf32, #tpu.memory_space<vmem>>) target(%dma_start3A_910 : memref<1024x32xf32, #tpu.memory_space<hbm>>) target_semaphore(%arg13 : memref<!tpu.dma_semaphore, #tpu.memory_space<semaphore_mem>>)
    %dma_start3A_911 = arith.constant 0 : i32
    %dma_start3A_912 = arith.constant 0 : i32
    %dma_start3A_913 = tpu.memref_slice %arg7[%dma_start3A_911, %dma_start3A_912] : memref<1024x32xf16, #tpu.memory_space<vmem>> -> memref<128x32xf16, #tpu.memory_space<vmem>>
    %dma_start3A_914 = arith.constant 7168 : i32
    %dma_start3A_915 = tpu.memref_slice %arg5[%dma_start3A_914] : memref<13312xi32, #tpu.memory_space<vmem>> -> memref<128xi32, #tpu.memory_space<vmem>>
    %dma_start3A_916 = arith.constant 0 : i32
    %dma_start3A_917 = arith.constant 0 : i32
    %dma_start3A_918 = tpu.memref_slice %arg3[%dma_start3A_916, %dma_start3A_917] : memref<1000000x32xf16, #tpu.memory_space<hbm>> -> memref<1000000x32xf16, #tpu.memory_space<hbm>>
    tpu.enqueue_indirect_dma source(%dma_start3A_918 : memref<1000000x32xf16, #tpu.memory_space<hbm>>) target(%dma_start3A_913 : memref<128x32xf16, #tpu.memory_space<vmem>>) offsets(%dma_start3A_915 : memref<128xi32, #tpu.memory_space<vmem>>) semaphore(%arg11 : memref<!tpu.dma_semaphore, #tpu.memory_space<semaphore_mem>>)
    %dma_start3A_919 = arith.constant 128 : i32
    %dma_start3A_920 = arith.constant 0 : i32
    %dma_start3A_921 = tpu.memref_slice %arg7[%dma_start3A_919, %dma_start3A_920] : memref<1024x32xf16, #tpu.memory_space<vmem>> -> memref<128x32xf16, #tpu.memory_space<vmem>>
    %dma_start3A_922 = arith.constant 7296 : i32
    %dma_start3A_923 = tpu.memref_slice %arg5[%dma_start3A_922] : memref<13312xi32, #tpu.memory_space<vmem>> -> memref<128xi32, #tpu.memory_space<vmem>>
    %dma_start3A_924 = arith.constant 0 : i32
    %dma_start3A_925 = arith.constant 0 : i32
    %dma_start3A_926 = tpu.memref_slice %arg3[%dma_start3A_924, %dma_start3A_925] : memref<1000000x32xf16, #tpu.memory_space<hbm>> -> memref<1000000x32xf16, #tpu.memory_space<hbm>>
    tpu.enqueue_indirect_dma source(%dma_start3A_926 : memref<1000000x32xf16, #tpu.memory_space<hbm>>) target(%dma_start3A_921 : memref<128x32xf16, #tpu.memory_space<vmem>>) offsets(%dma_start3A_923 : memref<128xi32, #tpu.memory_space<vmem>>) semaphore(%arg11 : memref<!tpu.dma_semaphore, #tpu.memory_space<semaphore_mem>>)
    %dma_start3A_927 = arith.constant 256 : i32
    %dma_start3A_928 = arith.constant 0 : i32
    %dma_start3A_929 = tpu.memref_slice %arg7[%dma_start3A_927, %dma_start3A_928] : memref<1024x32xf16, #tpu.memory_space<vmem>> -> memref<128x32xf16, #tpu.memory_space<vmem>>
    %dma_start3A_930 = arith.constant 7424 : i32
    %dma_start3A_931 = tpu.memref_slice %arg5[%dma_start3A_930] : memref<13312xi32, #tpu.memory_space<vmem>> -> memref<128xi32, #tpu.memory_space<vmem>>
    %dma_start3A_932 = arith.constant 0 : i32
    %dma_start3A_933 = arith.constant 0 : i32
    %dma_start3A_934 = tpu.memref_slice %arg3[%dma_start3A_932, %dma_start3A_933] : memref<1000000x32xf16, #tpu.memory_space<hbm>> -> memref<1000000x32xf16, #tpu.memory_space<hbm>>
    tpu.enqueue_indirect_dma source(%dma_start3A_934 : memref<1000000x32xf16, #tpu.memory_space<hbm>>) target(%dma_start3A_929 : memref<128x32xf16, #tpu.memory_space<vmem>>) offsets(%dma_start3A_931 : memref<128xi32, #tpu.memory_space<vmem>>) semaphore(%arg11 : memref<!tpu.dma_semaphore, #tpu.memory_space<semaphore_mem>>)
    %dma_start3A_935 = arith.constant 384 : i32
    %dma_start3A_936 = arith.constant 0 : i32
    %dma_start3A_937 = tpu.memref_slice %arg7[%dma_start3A_935, %dma_start3A_936] : memref<1024x32xf16, #tpu.memory_space<vmem>> -> memref<128x32xf16, #tpu.memory_space<vmem>>
    %dma_start3A_938 = arith.constant 7552 : i32
    %dma_start3A_939 = tpu.memref_slice %arg5[%dma_start3A_938] : memref<13312xi32, #tpu.memory_space<vmem>> -> memref<128xi32, #tpu.memory_space<vmem>>
    %dma_start3A_940 = arith.constant 0 : i32
    %dma_start3A_941 = arith.constant 0 : i32
    %dma_start3A_942 = tpu.memref_slice %arg3[%dma_start3A_940, %dma_start3A_941] : memref<1000000x32xf16, #tpu.memory_space<hbm>> -> memref<1000000x32xf16, #tpu.memory_space<hbm>>
    tpu.enqueue_indirect_dma source(%dma_start3A_942 : memref<1000000x32xf16, #tpu.memory_space<hbm>>) target(%dma_start3A_937 : memref<128x32xf16, #tpu.memory_space<vmem>>) offsets(%dma_start3A_939 : memref<128xi32, #tpu.memory_space<vmem>>) semaphore(%arg11 : memref<!tpu.dma_semaphore, #tpu.memory_space<semaphore_mem>>)
    %dma_start3A_943 = arith.constant 512 : i32
    %dma_start3A_944 = arith.constant 0 : i32
    %dma_start3A_945 = tpu.memref_slice %arg7[%dma_start3A_943, %dma_start3A_944] : memref<1024x32xf16, #tpu.memory_space<vmem>> -> memref<128x32xf16, #tpu.memory_space<vmem>>
    %dma_start3A_946 = arith.constant 7680 : i32
    %dma_start3A_947 = tpu.memref_slice %arg5[%dma_start3A_946] : memref<13312xi32, #tpu.memory_space<vmem>> -> memref<128xi32, #tpu.memory_space<vmem>>
    %dma_start3A_948 = arith.constant 0 : i32
    %dma_start3A_949 = arith.constant 0 : i32
    %dma_start3A_950 = tpu.memref_slice %arg3[%dma_start3A_948, %dma_start3A_949] : memref<1000000x32xf16, #tpu.memory_space<hbm>> -> memref<1000000x32xf16, #tpu.memory_space<hbm>>
    tpu.enqueue_indirect_dma source(%dma_start3A_950 : memref<1000000x32xf16, #tpu.memory_space<hbm>>) target(%dma_start3A_945 : memref<128x32xf16, #tpu.memory_space<vmem>>) offsets(%dma_start3A_947 : memref<128xi32, #tpu.memory_space<vmem>>) semaphore(%arg11 : memref<!tpu.dma_semaphore, #tpu.memory_space<semaphore_mem>>)
    %dma_start3A_951 = arith.constant 640 : i32
    %dma_start3A_952 = arith.constant 0 : i32
    %dma_start3A_953 = tpu.memref_slice %arg7[%dma_start3A_951, %dma_start3A_952] : memref<1024x32xf16, #tpu.memory_space<vmem>> -> memref<128x32xf16, #tpu.memory_space<vmem>>
    %dma_start3A_954 = arith.constant 7808 : i32
    %dma_start3A_955 = tpu.memref_slice %arg5[%dma_start3A_954] : memref<13312xi32, #tpu.memory_space<vmem>> -> memref<128xi32, #tpu.memory_space<vmem>>
    %dma_start3A_956 = arith.constant 0 : i32
    %dma_start3A_957 = arith.constant 0 : i32
    %dma_start3A_958 = tpu.memref_slice %arg3[%dma_start3A_956, %dma_start3A_957] : memref<1000000x32xf16, #tpu.memory_space<hbm>> -> memref<1000000x32xf16, #tpu.memory_space<hbm>>
    tpu.enqueue_indirect_dma source(%dma_start3A_958 : memref<1000000x32xf16, #tpu.memory_space<hbm>>) target(%dma_start3A_953 : memref<128x32xf16, #tpu.memory_space<vmem>>) offsets(%dma_start3A_955 : memref<128xi32, #tpu.memory_space<vmem>>) semaphore(%arg11 : memref<!tpu.dma_semaphore, #tpu.memory_space<semaphore_mem>>)
    %dma_start3A_959 = arith.constant 768 : i32
    %dma_start3A_960 = arith.constant 0 : i32
    %dma_start3A_961 = tpu.memref_slice %arg7[%dma_start3A_959, %dma_start3A_960] : memref<1024x32xf16, #tpu.memory_space<vmem>> -> memref<128x32xf16, #tpu.memory_space<vmem>>
    %dma_start3A_962 = arith.constant 7936 : i32
    %dma_start3A_963 = tpu.memref_slice %arg5[%dma_start3A_962] : memref<13312xi32, #tpu.memory_space<vmem>> -> memref<128xi32, #tpu.memory_space<vmem>>
    %dma_start3A_964 = arith.constant 0 : i32
    %dma_start3A_965 = arith.constant 0 : i32
    %dma_start3A_966 = tpu.memref_slice %arg3[%dma_start3A_964, %dma_start3A_965] : memref<1000000x32xf16, #tpu.memory_space<hbm>> -> memref<1000000x32xf16, #tpu.memory_space<hbm>>
    tpu.enqueue_indirect_dma source(%dma_start3A_966 : memref<1000000x32xf16, #tpu.memory_space<hbm>>) target(%dma_start3A_961 : memref<128x32xf16, #tpu.memory_space<vmem>>) offsets(%dma_start3A_963 : memref<128xi32, #tpu.memory_space<vmem>>) semaphore(%arg11 : memref<!tpu.dma_semaphore, #tpu.memory_space<semaphore_mem>>)
    %dma_start3A_967 = arith.constant 896 : i32
    %dma_start3A_968 = arith.constant 0 : i32
    %dma_start3A_969 = tpu.memref_slice %arg7[%dma_start3A_967, %dma_start3A_968] : memref<1024x32xf16, #tpu.memory_space<vmem>> -> memref<128x32xf16, #tpu.memory_space<vmem>>
    %dma_start3A_970 = arith.constant 8064 : i32
    %dma_start3A_971 = tpu.memref_slice %arg5[%dma_start3A_970] : memref<13312xi32, #tpu.memory_space<vmem>> -> memref<128xi32, #tpu.memory_space<vmem>>
    %dma_start3A_972 = arith.constant 0 : i32
    %dma_start3A_973 = arith.constant 0 : i32
    %dma_start3A_974 = tpu.memref_slice %arg3[%dma_start3A_972, %dma_start3A_973] : memref<1000000x32xf16, #tpu.memory_space<hbm>> -> memref<1000000x32xf16, #tpu.memory_space<hbm>>
    tpu.enqueue_indirect_dma source(%dma_start3A_974 : memref<1000000x32xf16, #tpu.memory_space<hbm>>) target(%dma_start3A_969 : memref<128x32xf16, #tpu.memory_space<vmem>>) offsets(%dma_start3A_971 : memref<128xi32, #tpu.memory_space<vmem>>) semaphore(%arg11 : memref<!tpu.dma_semaphore, #tpu.memory_space<semaphore_mem>>)
    %dma_wait3A_975 = arith.constant 0 : i32
    %dma_wait3A_976 = arith.constant 0 : i32
    %dma_wait3A_977 = tpu.memref_slice %arg6[%dma_wait3A_975, %dma_wait3A_976] : memref<1024x32xf16, #tpu.memory_space<vmem>> -> memref<128x32xf16, #tpu.memory_space<vmem>>
    %dma_wait3A_978 = arith.constant 6144 : i32
    %dma_wait3A_979 = tpu.memref_slice %arg5[%dma_wait3A_978] : memref<13312xi32, #tpu.memory_space<vmem>> -> memref<128xi32, #tpu.memory_space<vmem>>
    %dma_wait3A_980 = arith.constant 0 : i32
    %dma_wait3A_981 = arith.constant 0 : i32
    %dma_wait3A_982 = tpu.memref_slice %arg3[%dma_wait3A_980, %dma_wait3A_981] : memref<1000000x32xf16, #tpu.memory_space<hbm>> -> memref<1000000x32xf16, #tpu.memory_space<hbm>>
    tpu.wait_indirect_dma semaphore(%arg10 : memref<!tpu.dma_semaphore, #tpu.memory_space<semaphore_mem>>) src(%dma_wait3A_982 : memref<1000000x32xf16, #tpu.memory_space<hbm>>) dst(%dma_wait3A_977 : memref<128x32xf16, #tpu.memory_space<vmem>>)
    %dma_wait3A_983 = arith.constant 128 : i32
    %dma_wait3A_984 = arith.constant 0 : i32
    %dma_wait3A_985 = tpu.memref_slice %arg6[%dma_wait3A_983, %dma_wait3A_984] : memref<1024x32xf16, #tpu.memory_space<vmem>> -> memref<128x32xf16, #tpu.memory_space<vmem>>
    %dma_wait3A_986 = arith.constant 6272 : i32
    %dma_wait3A_987 = tpu.memref_slice %arg5[%dma_wait3A_986] : memref<13312xi32, #tpu.memory_space<vmem>> -> memref<128xi32, #tpu.memory_space<vmem>>
    %dma_wait3A_988 = arith.constant 0 : i32
    %dma_wait3A_989 = arith.constant 0 : i32
    %dma_wait3A_990 = tpu.memref_slice %arg3[%dma_wait3A_988, %dma_wait3A_989] : memref<1000000x32xf16, #tpu.memory_space<hbm>> -> memref<1000000x32xf16, #tpu.memory_space<hbm>>
    tpu.wait_indirect_dma semaphore(%arg10 : memref<!tpu.dma_semaphore, #tpu.memory_space<semaphore_mem>>) src(%dma_wait3A_990 : memref<1000000x32xf16, #tpu.memory_space<hbm>>) dst(%dma_wait3A_985 : memref<128x32xf16, #tpu.memory_space<vmem>>)
    %dma_wait3A_991 = arith.constant 256 : i32
    %dma_wait3A_992 = arith.constant 0 : i32
    %dma_wait3A_993 = tpu.memref_slice %arg6[%dma_wait3A_991, %dma_wait3A_992] : memref<1024x32xf16, #tpu.memory_space<vmem>> -> memref<128x32xf16, #tpu.memory_space<vmem>>
    %dma_wait3A_994 = arith.constant 6400 : i32
    %dma_wait3A_995 = tpu.memref_slice %arg5[%dma_wait3A_994] : memref<13312xi32, #tpu.memory_space<vmem>> -> memref<128xi32, #tpu.memory_space<vmem>>
    %dma_wait3A_996 = arith.constant 0 : i32
    %dma_wait3A_997 = arith.constant 0 : i32
    %dma_wait3A_998 = tpu.memref_slice %arg3[%dma_wait3A_996, %dma_wait3A_997] : memref<1000000x32xf16, #tpu.memory_space<hbm>> -> memref<1000000x32xf16, #tpu.memory_space<hbm>>
    tpu.wait_indirect_dma semaphore(%arg10 : memref<!tpu.dma_semaphore, #tpu.memory_space<semaphore_mem>>) src(%dma_wait3A_998 : memref<1000000x32xf16, #tpu.memory_space<hbm>>) dst(%dma_wait3A_993 : memref<128x32xf16, #tpu.memory_space<vmem>>)
    %dma_wait3A_999 = arith.constant 384 : i32
    %dma_wait3A_1000 = arith.constant 0 : i32
    %dma_wait3A_1001 = tpu.memref_slice %arg6[%dma_wait3A_999, %dma_wait3A_1000] : memref<1024x32xf16, #tpu.memory_space<vmem>> -> memref<128x32xf16, #tpu.memory_space<vmem>>
    %dma_wait3A_1002 = arith.constant 6528 : i32
    %dma_wait3A_1003 = tpu.memref_slice %arg5[%dma_wait3A_1002] : memref<13312xi32, #tpu.memory_space<vmem>> -> memref<128xi32, #tpu.memory_space<vmem>>
    %dma_wait3A_1004 = arith.constant 0 : i32
    %dma_wait3A_1005 = arith.constant 0 : i32
    %dma_wait3A_1006 = tpu.memref_slice %arg3[%dma_wait3A_1004, %dma_wait3A_1005] : memref<1000000x32xf16, #tpu.memory_space<hbm>> -> memref<1000000x32xf16, #tpu.memory_space<hbm>>
    tpu.wait_indirect_dma semaphore(%arg10 : memref<!tpu.dma_semaphore, #tpu.memory_space<semaphore_mem>>) src(%dma_wait3A_1006 : memref<1000000x32xf16, #tpu.memory_space<hbm>>) dst(%dma_wait3A_1001 : memref<128x32xf16, #tpu.memory_space<vmem>>)
    %dma_wait3A_1007 = arith.constant 512 : i32
    %dma_wait3A_1008 = arith.constant 0 : i32
    %dma_wait3A_1009 = tpu.memref_slice %arg6[%dma_wait3A_1007, %dma_wait3A_1008] : memref<1024x32xf16, #tpu.memory_space<vmem>> -> memref<128x32xf16, #tpu.memory_space<vmem>>
    %dma_wait3A_1010 = arith.constant 6656 : i32
    %dma_wait3A_1011 = tpu.memref_slice %arg5[%dma_wait3A_1010] : memref<13312xi32, #tpu.memory_space<vmem>> -> memref<128xi32, #tpu.memory_space<vmem>>
    %dma_wait3A_1012 = arith.constant 0 : i32
    %dma_wait3A_1013 = arith.constant 0 : i32
    %dma_wait3A_1014 = tpu.memref_slice %arg3[%dma_wait3A_1012, %dma_wait3A_1013] : memref<1000000x32xf16, #tpu.memory_space<hbm>> -> memref<1000000x32xf16, #tpu.memory_space<hbm>>
    tpu.wait_indirect_dma semaphore(%arg10 : memref<!tpu.dma_semaphore, #tpu.memory_space<semaphore_mem>>) src(%dma_wait3A_1014 : memref<1000000x32xf16, #tpu.memory_space<hbm>>) dst(%dma_wait3A_1009 : memref<128x32xf16, #tpu.memory_space<vmem>>)
    %dma_wait3A_1015 = arith.constant 640 : i32
    %dma_wait3A_1016 = arith.constant 0 : i32
    %dma_wait3A_1017 = tpu.memref_slice %arg6[%dma_wait3A_1015, %dma_wait3A_1016] : memref<1024x32xf16, #tpu.memory_space<vmem>> -> memref<128x32xf16, #tpu.memory_space<vmem>>
    %dma_wait3A_1018 = arith.constant 6784 : i32
    %dma_wait3A_1019 = tpu.memref_slice %arg5[%dma_wait3A_1018] : memref<13312xi32, #tpu.memory_space<vmem>> -> memref<128xi32, #tpu.memory_space<vmem>>
    %dma_wait3A_1020 = arith.constant 0 : i32
    %dma_wait3A_1021 = arith.constant 0 : i32
    %dma_wait3A_1022 = tpu.memref_slice %arg3[%dma_wait3A_1020, %dma_wait3A_1021] : memref<1000000x32xf16, #tpu.memory_space<hbm>> -> memref<1000000x32xf16, #tpu.memory_space<hbm>>
    tpu.wait_indirect_dma semaphore(%arg10 : memref<!tpu.dma_semaphore, #tpu.memory_space<semaphore_mem>>) src(%dma_wait3A_1022 : memref<1000000x32xf16, #tpu.memory_space<hbm>>) dst(%dma_wait3A_1017 : memref<128x32xf16, #tpu.memory_space<vmem>>)
    %dma_wait3A_1023 = arith.constant 768 : i32
    %dma_wait3A_1024 = arith.constant 0 : i32
    %dma_wait3A_1025 = tpu.memref_slice %arg6[%dma_wait3A_1023, %dma_wait3A_1024] : memref<1024x32xf16, #tpu.memory_space<vmem>> -> memref<128x32xf16, #tpu.memory_space<vmem>>
    %dma_wait3A_1026 = arith.constant 6912 : i32
    %dma_wait3A_1027 = tpu.memref_slice %arg5[%dma_wait3A_1026] : memref<13312xi32, #tpu.memory_space<vmem>> -> memref<128xi32, #tpu.memory_space<vmem>>
    %dma_wait3A_1028 = arith.constant 0 : i32
    %dma_wait3A_1029 = arith.constant 0 : i32
    %dma_wait3A_1030 = tpu.memref_slice %arg3[%dma_wait3A_1028, %dma_wait3A_1029] : memref<1000000x32xf16, #tpu.memory_space<hbm>> -> memref<1000000x32xf16, #tpu.memory_space<hbm>>
    tpu.wait_indirect_dma semaphore(%arg10 : memref<!tpu.dma_semaphore, #tpu.memory_space<semaphore_mem>>) src(%dma_wait3A_1030 : memref<1000000x32xf16, #tpu.memory_space<hbm>>) dst(%dma_wait3A_1025 : memref<128x32xf16, #tpu.memory_space<vmem>>)
    %dma_wait3A_1031 = arith.constant 896 : i32
    %dma_wait3A_1032 = arith.constant 0 : i32
    %dma_wait3A_1033 = tpu.memref_slice %arg6[%dma_wait3A_1031, %dma_wait3A_1032] : memref<1024x32xf16, #tpu.memory_space<vmem>> -> memref<128x32xf16, #tpu.memory_space<vmem>>
    %dma_wait3A_1034 = arith.constant 7040 : i32
    %dma_wait3A_1035 = tpu.memref_slice %arg5[%dma_wait3A_1034] : memref<13312xi32, #tpu.memory_space<vmem>> -> memref<128xi32, #tpu.memory_space<vmem>>
    %dma_wait3A_1036 = arith.constant 0 : i32
    %dma_wait3A_1037 = arith.constant 0 : i32
    %dma_wait3A_1038 = tpu.memref_slice %arg3[%dma_wait3A_1036, %dma_wait3A_1037] : memref<1000000x32xf16, #tpu.memory_space<hbm>> -> memref<1000000x32xf16, #tpu.memory_space<hbm>>
    tpu.wait_indirect_dma semaphore(%arg10 : memref<!tpu.dma_semaphore, #tpu.memory_space<semaphore_mem>>) src(%dma_wait3A_1038 : memref<1000000x32xf16, #tpu.memory_space<hbm>>) dst(%dma_wait3A_1033 : memref<128x32xf16, #tpu.memory_space<vmem>>)
    %dma_wait3A_1039 = arith.constant 0 : i32
    %dma_wait3A_1040 = tpu.memref_slice %arg4[%add3A_765, %dma_wait3A_1039] : memref<425984x32xf32, #tpu.memory_space<hbm>> -> memref<1024x32xf32, #tpu.memory_space<hbm>>
    %dma_wait3A_1041 = arith.constant 0 : i32
    %dma_wait3A_1042 = tpu.memref_slice %arg4[%add3A_765, %dma_wait3A_1041] : memref<425984x32xf32, #tpu.memory_space<hbm>> -> memref<1024x32xf32, #tpu.memory_space<hbm>>
    tpu.wait_dma2 semaphore(%arg12 : memref<!tpu.dma_semaphore, #tpu.memory_space<semaphore_mem>>) src(%arg8 : memref<1024x32xf32, #tpu.memory_space<vmem>>) dst(%dma_wait3A_1042 : memref<1024x32xf32, #tpu.memory_space<hbm>>)
    %parallel_loop3A_1043 = arith.constant 0 : i32
    %parallel_loop3A_1044 = arith.constant 1024 : i32
    %parallel_loop3A_1045 = arith.constant 1 : i32
    scf.for %parallel_loop3A_1842 = %parallel_loop3A_1043 to %parallel_loop3A_1044 step %parallel_loop3A_1045  : i32 {
      %parallel_loop3A_1843 = arith.index_cast %parallel_loop3A_1842 : i32 to index
      %parallel_loop3A_1844 = arith.constant 0 : index
      %parallel_loop3A_1845 = tpu.vector_load %arg6[%parallel_loop3A_1843, %parallel_loop3A_1844] {strides = array<i32>} : memref<1024x32xf16, #tpu.memory_space<vmem>>, vector<32xf16>,
      %parallel_loop3A_1846 = tpu.bitcast %parallel_loop3A_1845 : vector<32xf16> -> vector<32xi16>
      %parallel_loop3A_1847 = tpu.unpack_subelements %parallel_loop3A_1846, 0 {pack_format = #tpu.pack_format<interleaved>} : vector<32xi16> -> vector<16xi32>
      %parallel_loop3A_1848 = tpu.unpack_subelements %parallel_loop3A_1846, 1 {pack_format = #tpu.pack_format<interleaved>} : vector<32xi16> -> vector<16xi32>
      %parallel_loop3A_1849 = arith.constant 16 : i32
      %parallel_loop3A_1850 = vector.broadcast %parallel_loop3A_1849 : i32 to vector<16xi32>
      %parallel_loop3A_1851 = arith.shli %parallel_loop3A_1847, %parallel_loop3A_1850 : vector<16xi32>
      %parallel_loop3A_1852 = arith.constant 3 : i32
      %parallel_loop3A_1853 = vector.broadcast %parallel_loop3A_1852 : i32 to vector<16xi32>
      %parallel_loop3A_1854 = arith.shrsi %parallel_loop3A_1851, %parallel_loop3A_1853 : vector<16xi32>
      %parallel_loop3A_1855 = arith.constant -1879056384 : i32
      %parallel_loop3A_1856 = vector.broadcast %parallel_loop3A_1855 : i32 to vector<16xi32>
      %parallel_loop3A_1857 = arith.andi %parallel_loop3A_1854, %parallel_loop3A_1856 : vector<16xi32>
      %parallel_loop3A_1858 = tpu.bitcast %parallel_loop3A_1857 : vector<16xi32> -> vector<16xf32>
      %parallel_loop3A_1859 = arith.constant 5.19229686E+33 : f32
      %parallel_loop3A_1860 = vector.broadcast %parallel_loop3A_1859 : f32 to vector<16xf32>
      %parallel_loop3A_1861 = arith.mulf %parallel_loop3A_1858, %parallel_loop3A_1860 : vector<16xf32>
      %parallel_loop3A_1862 = arith.constant 16 : i32
      %parallel_loop3A_1863 = vector.broadcast %parallel_loop3A_1862 : i32 to vector<16xi32>
      %parallel_loop3A_1864 = arith.shli %parallel_loop3A_1848, %parallel_loop3A_1863 : vector<16xi32>
      %parallel_loop3A_1865 = arith.constant 3 : i32
      %parallel_loop3A_1866 = vector.broadcast %parallel_loop3A_1865 : i32 to vector<16xi32>
      %parallel_loop3A_1867 = arith.shrsi %parallel_loop3A_1864, %parallel_loop3A_1866 : vector<16xi32>
      %parallel_loop3A_1868 = arith.constant -1879056384 : i32
      %parallel_loop3A_1869 = vector.broadcast %parallel_loop3A_1868 : i32 to vector<16xi32>
      %parallel_loop3A_1870 = arith.andi %parallel_loop3A_1867, %parallel_loop3A_1869 : vector<16xi32>
      %parallel_loop3A_1871 = tpu.bitcast %parallel_loop3A_1870 : vector<16xi32> -> vector<16xf32>
      %parallel_loop3A_1872 = arith.constant 5.19229686E+33 : f32
      %parallel_loop3A_1873 = vector.broadcast %parallel_loop3A_1872 : f32 to vector<16xf32>
      %parallel_loop3A_1874 = arith.mulf %parallel_loop3A_1871, %parallel_loop3A_1873 : vector<16xf32>
      %parallel_loop3A_1875 = vector.shape_cast %shift_right_arithmetic3A_8 : vector<16xi32> to vector<16x1xi32>
      %parallel_loop3A_1876 = vector.shape_cast %parallel_loop3A_1875 : vector<16x1xi32> to vector<16xi32>
      %parallel_loop3A_1877 = tpu.dynamic_gather %parallel_loop3A_1861[%parallel_loop3A_1876] in [0] : vector<16xf32>, vector<16xi32> -> vector<16xf32>
      %parallel_loop3A_1878 = vector.shape_cast %shift_right_arithmetic3A_8 : vector<16xi32> to vector<16x1xi32>
      %parallel_loop3A_1879 = vector.shape_cast %parallel_loop3A_1878 : vector<16x1xi32> to vector<16xi32>
      %parallel_loop3A_1880 = tpu.dynamic_gather %parallel_loop3A_1874[%parallel_loop3A_1879] in [0] : vector<16xf32>, vector<16xi32> -> vector<16xf32>
      %parallel_loop3A_1881 = arith.select %eq3A_6, %parallel_loop3A_1877, %parallel_loop3A_1880 : vector<16xi1>, vector<16xf32>
      %parallel_loop3A_1882 = arith.index_cast %parallel_loop3A_1842 : i32 to index
      %parallel_loop3A_1883 = arith.constant 0 : index
      %parallel_loop3A_1884 = tpu.vector_load %arg8[%parallel_loop3A_1882, %parallel_loop3A_1883] {strides = array<i32>} : memref<1024x32xf32, #tpu.memory_space<vmem>>, vector<16xf32>,
      tpu.vector_store %arg8[%parallel_loop3A_1882, %parallel_loop3A_1883], %parallel_loop3A_1881 {strides = array<i32>} : memref<1024x32xf32, #tpu.memory_space<vmem>>, vector<16xf32>,
      %parallel_loop3A_1885 = vector.shape_cast %add3A_11 : vector<16xi32> to vector<16x1xi32>
      %parallel_loop3A_1886 = vector.shape_cast %parallel_loop3A_1885 : vector<16x1xi32> to vector<16xi32>
      %parallel_loop3A_1887 = tpu.dynamic_gather %parallel_loop3A_1861[%parallel_loop3A_1886] in [0] : vector<16xf32>, vector<16xi32> -> vector<16xf32>
      %parallel_loop3A_1888 = vector.shape_cast %add3A_11 : vector<16xi32> to vector<16x1xi32>
      %parallel_loop3A_1889 = vector.shape_cast %parallel_loop3A_1888 : vector<16x1xi32> to vector<16xi32>
      %parallel_loop3A_1890 = tpu.dynamic_gather %parallel_loop3A_1874[%parallel_loop3A_1889] in [0] : vector<16xf32>, vector<16xi32> -> vector<16xf32>
      %parallel_loop3A_1891 = arith.select %eq3A_6, %parallel_loop3A_1887, %parallel_loop3A_1890 : vector<16xi1>, vector<16xf32>
      %parallel_loop3A_1892 = arith.index_cast %parallel_loop3A_1842 : i32 to index
      %parallel_loop3A_1893 = arith.constant 16 : index
      %parallel_loop3A_1894 = tpu.vector_load %arg8[%parallel_loop3A_1892, %parallel_loop3A_1893] {strides = array<i32>} : memref<1024x32xf32, #tpu.memory_space<vmem>>, vector<16xf32>,
      tpu.vector_store %arg8[%parallel_loop3A_1892, %parallel_loop3A_1893], %parallel_loop3A_1891 {strides = array<i32>} : memref<1024x32xf32, #tpu.memory_space<vmem>>, vector<16xf32>,
    } {sc.loop_unroll_factor = 4 : i64, sc.parallel_access}
    %add3A_1046 = arith.constant 6144 : i32
    %add3A_1047 = arith.addi %mul3A_2, %add3A_1046 : i32
    %dma_start3A_1048 = arith.constant 0 : i32
    %dma_start3A_1049 = tpu.memref_slice %arg4[%add3A_1047, %dma_start3A_1048] : memref<425984x32xf32, #tpu.memory_space<hbm>> -> memref<1024x32xf32, #tpu.memory_space<hbm>>
    %dma_start3A_1050 = arith.constant 0 : i32
    %dma_start3A_1051 = tpu.memref_slice %arg4[%add3A_1047, %dma_start3A_1050] : memref<425984x32xf32, #tpu.memory_space<hbm>> -> memref<1024x32xf32, #tpu.memory_space<hbm>>
    tpu.enqueue_dma source(%arg8 : memref<1024x32xf32, #tpu.memory_space<vmem>>) target(%dma_start3A_1051 : memref<1024x32xf32, #tpu.memory_space<hbm>>) target_semaphore(%arg12 : memref<!tpu.dma_semaphore, #tpu.memory_space<semaphore_mem>>)
    %dma_start3A_1052 = arith.constant 0 : i32
    %dma_start3A_1053 = arith.constant 0 : i32
    %dma_start3A_1054 = tpu.memref_slice %arg6[%dma_start3A_1052, %dma_start3A_1053] : memref<1024x32xf16, #tpu.memory_space<vmem>> -> memref<128x32xf16, #tpu.memory_space<vmem>>
    %dma_start3A_1055 = arith.constant 8192 : i32
    %dma_start3A_1056 = tpu.memref_slice %arg5[%dma_start3A_1055] : memref<13312xi32, #tpu.memory_space<vmem>> -> memref<128xi32, #tpu.memory_space<vmem>>
    %dma_start3A_1057 = arith.constant 0 : i32
    %dma_start3A_1058 = arith.constant 0 : i32
    %dma_start3A_1059 = tpu.memref_slice %arg3[%dma_start3A_1057, %dma_start3A_1058] : memref<1000000x32xf16, #tpu.memory_space<hbm>> -> memref<1000000x32xf16, #tpu.memory_space<hbm>>
    tpu.enqueue_indirect_dma source(%dma_start3A_1059 : memref<1000000x32xf16, #tpu.memory_space<hbm>>) target(%dma_start3A_1054 : memref<128x32xf16, #tpu.memory_space<vmem>>) offsets(%dma_start3A_1056 : memref<128xi32, #tpu.memory_space<vmem>>) semaphore(%arg10 : memref<!tpu.dma_semaphore, #tpu.memory_space<semaphore_mem>>)
    %dma_start3A_1060 = arith.constant 128 : i32
    %dma_start3A_1061 = arith.constant 0 : i32
    %dma_start3A_1062 = tpu.memref_slice %arg6[%dma_start3A_1060, %dma_start3A_1061] : memref<1024x32xf16, #tpu.memory_space<vmem>> -> memref<128x32xf16, #tpu.memory_space<vmem>>
    %dma_start3A_1063 = arith.constant 8320 : i32
    %dma_start3A_1064 = tpu.memref_slice %arg5[%dma_start3A_1063] : memref<13312xi32, #tpu.memory_space<vmem>> -> memref<128xi32, #tpu.memory_space<vmem>>
    %dma_start3A_1065 = arith.constant 0 : i32
    %dma_start3A_1066 = arith.constant 0 : i32
    %dma_start3A_1067 = tpu.memref_slice %arg3[%dma_start3A_1065, %dma_start3A_1066] : memref<1000000x32xf16, #tpu.memory_space<hbm>> -> memref<1000000x32xf16, #tpu.memory_space<hbm>>
    tpu.enqueue_indirect_dma source(%dma_start3A_1067 : memref<1000000x32xf16, #tpu.memory_space<hbm>>) target(%dma_start3A_1062 : memref<128x32xf16, #tpu.memory_space<vmem>>) offsets(%dma_start3A_1064 : memref<128xi32, #tpu.memory_space<vmem>>) semaphore(%arg10 : memref<!tpu.dma_semaphore, #tpu.memory_space<semaphore_mem>>)
    %dma_start3A_1068 = arith.constant 256 : i32
    %dma_start3A_1069 = arith.constant 0 : i32
    %dma_start3A_1070 = tpu.memref_slice %arg6[%dma_start3A_1068, %dma_start3A_1069] : memref<1024x32xf16, #tpu.memory_space<vmem>> -> memref<128x32xf16, #tpu.memory_space<vmem>>
    %dma_start3A_1071 = arith.constant 8448 : i32
    %dma_start3A_1072 = tpu.memref_slice %arg5[%dma_start3A_1071] : memref<13312xi32, #tpu.memory_space<vmem>> -> memref<128xi32, #tpu.memory_space<vmem>>
    %dma_start3A_1073 = arith.constant 0 : i32
    %dma_start3A_1074 = arith.constant 0 : i32
    %dma_start3A_1075 = tpu.memref_slice %arg3[%dma_start3A_1073, %dma_start3A_1074] : memref<1000000x32xf16, #tpu.memory_space<hbm>> -> memref<1000000x32xf16, #tpu.memory_space<hbm>>
    tpu.enqueue_indirect_dma source(%dma_start3A_1075 : memref<1000000x32xf16, #tpu.memory_space<hbm>>) target(%dma_start3A_1070 : memref<128x32xf16, #tpu.memory_space<vmem>>) offsets(%dma_start3A_1072 : memref<128xi32, #tpu.memory_space<vmem>>) semaphore(%arg10 : memref<!tpu.dma_semaphore, #tpu.memory_space<semaphore_mem>>)
    %dma_start3A_1076 = arith.constant 384 : i32
    %dma_start3A_1077 = arith.constant 0 : i32
    %dma_start3A_1078 = tpu.memref_slice %arg6[%dma_start3A_1076, %dma_start3A_1077] : memref<1024x32xf16, #tpu.memory_space<vmem>> -> memref<128x32xf16, #tpu.memory_space<vmem>>
    %dma_start3A_1079 = arith.constant 8576 : i32
    %dma_start3A_1080 = tpu.memref_slice %arg5[%dma_start3A_1079] : memref<13312xi32, #tpu.memory_space<vmem>> -> memref<128xi32, #tpu.memory_space<vmem>>
    %dma_start3A_1081 = arith.constant 0 : i32
    %dma_start3A_1082 = arith.constant 0 : i32
    %dma_start3A_1083 = tpu.memref_slice %arg3[%dma_start3A_1081, %dma_start3A_1082] : memref<1000000x32xf16, #tpu.memory_space<hbm>> -> memref<1000000x32xf16, #tpu.memory_space<hbm>>
    tpu.enqueue_indirect_dma source(%dma_start3A_1083 : memref<1000000x32xf16, #tpu.memory_space<hbm>>) target(%dma_start3A_1078 : memref<128x32xf16, #tpu.memory_space<vmem>>) offsets(%dma_start3A_1080 : memref<128xi32, #tpu.memory_space<vmem>>) semaphore(%arg10 : memref<!tpu.dma_semaphore, #tpu.memory_space<semaphore_mem>>)
    %dma_start3A_1084 = arith.constant 512 : i32
    %dma_start3A_1085 = arith.constant 0 : i32
    %dma_start3A_1086 = tpu.memref_slice %arg6[%dma_start3A_1084, %dma_start3A_1085] : memref<1024x32xf16, #tpu.memory_space<vmem>> -> memref<128x32xf16, #tpu.memory_space<vmem>>
    %dma_start3A_1087 = arith.constant 8704 : i32
    %dma_start3A_1088 = tpu.memref_slice %arg5[%dma_start3A_1087] : memref<13312xi32, #tpu.memory_space<vmem>> -> memref<128xi32, #tpu.memory_space<vmem>>
    %dma_start3A_1089 = arith.constant 0 : i32
    %dma_start3A_1090 = arith.constant 0 : i32
    %dma_start3A_1091 = tpu.memref_slice %arg3[%dma_start3A_1089, %dma_start3A_1090] : memref<1000000x32xf16, #tpu.memory_space<hbm>> -> memref<1000000x32xf16, #tpu.memory_space<hbm>>
    tpu.enqueue_indirect_dma source(%dma_start3A_1091 : memref<1000000x32xf16, #tpu.memory_space<hbm>>) target(%dma_start3A_1086 : memref<128x32xf16, #tpu.memory_space<vmem>>) offsets(%dma_start3A_1088 : memref<128xi32, #tpu.memory_space<vmem>>) semaphore(%arg10 : memref<!tpu.dma_semaphore, #tpu.memory_space<semaphore_mem>>)
    %dma_start3A_1092 = arith.constant 640 : i32
    %dma_start3A_1093 = arith.constant 0 : i32
    %dma_start3A_1094 = tpu.memref_slice %arg6[%dma_start3A_1092, %dma_start3A_1093] : memref<1024x32xf16, #tpu.memory_space<vmem>> -> memref<128x32xf16, #tpu.memory_space<vmem>>
    %dma_start3A_1095 = arith.constant 8832 : i32
    %dma_start3A_1096 = tpu.memref_slice %arg5[%dma_start3A_1095] : memref<13312xi32, #tpu.memory_space<vmem>> -> memref<128xi32, #tpu.memory_space<vmem>>
    %dma_start3A_1097 = arith.constant 0 : i32
    %dma_start3A_1098 = arith.constant 0 : i32
    %dma_start3A_1099 = tpu.memref_slice %arg3[%dma_start3A_1097, %dma_start3A_1098] : memref<1000000x32xf16, #tpu.memory_space<hbm>> -> memref<1000000x32xf16, #tpu.memory_space<hbm>>
    tpu.enqueue_indirect_dma source(%dma_start3A_1099 : memref<1000000x32xf16, #tpu.memory_space<hbm>>) target(%dma_start3A_1094 : memref<128x32xf16, #tpu.memory_space<vmem>>) offsets(%dma_start3A_1096 : memref<128xi32, #tpu.memory_space<vmem>>) semaphore(%arg10 : memref<!tpu.dma_semaphore, #tpu.memory_space<semaphore_mem>>)
    %dma_start3A_1100 = arith.constant 768 : i32
    %dma_start3A_1101 = arith.constant 0 : i32
    %dma_start3A_1102 = tpu.memref_slice %arg6[%dma_start3A_1100, %dma_start3A_1101] : memref<1024x32xf16, #tpu.memory_space<vmem>> -> memref<128x32xf16, #tpu.memory_space<vmem>>
    %dma_start3A_1103 = arith.constant 8960 : i32
    %dma_start3A_1104 = tpu.memref_slice %arg5[%dma_start3A_1103] : memref<13312xi32, #tpu.memory_space<vmem>> -> memref<128xi32, #tpu.memory_space<vmem>>
    %dma_start3A_1105 = arith.constant 0 : i32
    %dma_start3A_1106 = arith.constant 0 : i32
    %dma_start3A_1107 = tpu.memref_slice %arg3[%dma_start3A_1105, %dma_start3A_1106] : memref<1000000x32xf16, #tpu.memory_space<hbm>> -> memref<1000000x32xf16, #tpu.memory_space<hbm>>
    tpu.enqueue_indirect_dma source(%dma_start3A_1107 : memref<1000000x32xf16, #tpu.memory_space<hbm>>) target(%dma_start3A_1102 : memref<128x32xf16, #tpu.memory_space<vmem>>) offsets(%dma_start3A_1104 : memref<128xi32, #tpu.memory_space<vmem>>) semaphore(%arg10 : memref<!tpu.dma_semaphore, #tpu.memory_space<semaphore_mem>>)
    %dma_start3A_1108 = arith.constant 896 : i32
    %dma_start3A_1109 = arith.constant 0 : i32
    %dma_start3A_1110 = tpu.memref_slice %arg6[%dma_start3A_1108, %dma_start3A_1109] : memref<1024x32xf16, #tpu.memory_space<vmem>> -> memref<128x32xf16, #tpu.memory_space<vmem>>
    %dma_start3A_1111 = arith.constant 9088 : i32
    %dma_start3A_1112 = tpu.memref_slice %arg5[%dma_start3A_1111] : memref<13312xi32, #tpu.memory_space<vmem>> -> memref<128xi32, #tpu.memory_space<vmem>>
    %dma_start3A_1113 = arith.constant 0 : i32
    %dma_start3A_1114 = arith.constant 0 : i32
    %dma_start3A_1115 = tpu.memref_slice %arg3[%dma_start3A_1113, %dma_start3A_1114] : memref<1000000x32xf16, #tpu.memory_space<hbm>> -> memref<1000000x32xf16, #tpu.memory_space<hbm>>
    tpu.enqueue_indirect_dma source(%dma_start3A_1115 : memref<1000000x32xf16, #tpu.memory_space<hbm>>) target(%dma_start3A_1110 : memref<128x32xf16, #tpu.memory_space<vmem>>) offsets(%dma_start3A_1112 : memref<128xi32, #tpu.memory_space<vmem>>) semaphore(%arg10 : memref<!tpu.dma_semaphore, #tpu.memory_space<semaphore_mem>>)
    %dma_wait3A_1116 = arith.constant 0 : i32
    %dma_wait3A_1117 = arith.constant 0 : i32
    %dma_wait3A_1118 = tpu.memref_slice %arg7[%dma_wait3A_1116, %dma_wait3A_1117] : memref<1024x32xf16, #tpu.memory_space<vmem>> -> memref<128x32xf16, #tpu.memory_space<vmem>>
    %dma_wait3A_1119 = arith.constant 7168 : i32
    %dma_wait3A_1120 = tpu.memref_slice %arg5[%dma_wait3A_1119] : memref<13312xi32, #tpu.memory_space<vmem>> -> memref<128xi32, #tpu.memory_space<vmem>>
    %dma_wait3A_1121 = arith.constant 0 : i32
    %dma_wait3A_1122 = arith.constant 0 : i32
    %dma_wait3A_1123 = tpu.memref_slice %arg3[%dma_wait3A_1121, %dma_wait3A_1122] : memref<1000000x32xf16, #tpu.memory_space<hbm>> -> memref<1000000x32xf16, #tpu.memory_space<hbm>>
    tpu.wait_indirect_dma semaphore(%arg11 : memref<!tpu.dma_semaphore, #tpu.memory_space<semaphore_mem>>) src(%dma_wait3A_1123 : memref<1000000x32xf16, #tpu.memory_space<hbm>>) dst(%dma_wait3A_1118 : memref<128x32xf16, #tpu.memory_space<vmem>>)
    %dma_wait3A_1124 = arith.constant 128 : i32
    %dma_wait3A_1125 = arith.constant 0 : i32
    %dma_wait3A_1126 = tpu.memref_slice %arg7[%dma_wait3A_1124, %dma_wait3A_1125] : memref<1024x32xf16, #tpu.memory_space<vmem>> -> memref<128x32xf16, #tpu.memory_space<vmem>>
    %dma_wait3A_1127 = arith.constant 7296 : i32
    %dma_wait3A_1128 = tpu.memref_slice %arg5[%dma_wait3A_1127] : memref<13312xi32, #tpu.memory_space<vmem>> -> memref<128xi32, #tpu.memory_space<vmem>>
    %dma_wait3A_1129 = arith.constant 0 : i32
    %dma_wait3A_1130 = arith.constant 0 : i32
    %dma_wait3A_1131 = tpu.memref_slice %arg3[%dma_wait3A_1129, %dma_wait3A_1130] : memref<1000000x32xf16, #tpu.memory_space<hbm>> -> memref<1000000x32xf16, #tpu.memory_space<hbm>>
    tpu.wait_indirect_dma semaphore(%arg11 : memref<!tpu.dma_semaphore, #tpu.memory_space<semaphore_mem>>) src(%dma_wait3A_1131 : memref<1000000x32xf16, #tpu.memory_space<hbm>>) dst(%dma_wait3A_1126 : memref<128x32xf16, #tpu.memory_space<vmem>>)
    %dma_wait3A_1132 = arith.constant 256 : i32
    %dma_wait3A_1133 = arith.constant 0 : i32
    %dma_wait3A_1134 = tpu.memref_slice %arg7[%dma_wait3A_1132, %dma_wait3A_1133] : memref<1024x32xf16, #tpu.memory_space<vmem>> -> memref<128x32xf16, #tpu.memory_space<vmem>>
    %dma_wait3A_1135 = arith.constant 7424 : i32
    %dma_wait3A_1136 = tpu.memref_slice %arg5[%dma_wait3A_1135] : memref<13312xi32, #tpu.memory_space<vmem>> -> memref<128xi32, #tpu.memory_space<vmem>>
    %dma_wait3A_1137 = arith.constant 0 : i32
    %dma_wait3A_1138 = arith.constant 0 : i32
    %dma_wait3A_1139 = tpu.memref_slice %arg3[%dma_wait3A_1137, %dma_wait3A_1138] : memref<1000000x32xf16, #tpu.memory_space<hbm>> -> memref<1000000x32xf16, #tpu.memory_space<hbm>>
    tpu.wait_indirect_dma semaphore(%arg11 : memref<!tpu.dma_semaphore, #tpu.memory_space<semaphore_mem>>) src(%dma_wait3A_1139 : memref<1000000x32xf16, #tpu.memory_space<hbm>>) dst(%dma_wait3A_1134 : memref<128x32xf16, #tpu.memory_space<vmem>>)
    %dma_wait3A_1140 = arith.constant 384 : i32
    %dma_wait3A_1141 = arith.constant 0 : i32
    %dma_wait3A_1142 = tpu.memref_slice %arg7[%dma_wait3A_1140, %dma_wait3A_1141] : memref<1024x32xf16, #tpu.memory_space<vmem>> -> memref<128x32xf16, #tpu.memory_space<vmem>>
    %dma_wait3A_1143 = arith.constant 7552 : i32
    %dma_wait3A_1144 = tpu.memref_slice %arg5[%dma_wait3A_1143] : memref<13312xi32, #tpu.memory_space<vmem>> -> memref<128xi32, #tpu.memory_space<vmem>>
    %dma_wait3A_1145 = arith.constant 0 : i32
    %dma_wait3A_1146 = arith.constant 0 : i32
    %dma_wait3A_1147 = tpu.memref_slice %arg3[%dma_wait3A_1145, %dma_wait3A_1146] : memref<1000000x32xf16, #tpu.memory_space<hbm>> -> memref<1000000x32xf16, #tpu.memory_space<hbm>>
    tpu.wait_indirect_dma semaphore(%arg11 : memref<!tpu.dma_semaphore, #tpu.memory_space<semaphore_mem>>) src(%dma_wait3A_1147 : memref<1000000x32xf16, #tpu.memory_space<hbm>>) dst(%dma_wait3A_1142 : memref<128x32xf16, #tpu.memory_space<vmem>>)
    %dma_wait3A_1148 = arith.constant 512 : i32
    %dma_wait3A_1149 = arith.constant 0 : i32
    %dma_wait3A_1150 = tpu.memref_slice %arg7[%dma_wait3A_1148, %dma_wait3A_1149] : memref<1024x32xf16, #tpu.memory_space<vmem>> -> memref<128x32xf16, #tpu.memory_space<vmem>>
    %dma_wait3A_1151 = arith.constant 7680 : i32
    %dma_wait3A_1152 = tpu.memref_slice %arg5[%dma_wait3A_1151] : memref<13312xi32, #tpu.memory_space<vmem>> -> memref<128xi32, #tpu.memory_space<vmem>>
    %dma_wait3A_1153 = arith.constant 0 : i32
    %dma_wait3A_1154 = arith.constant 0 : i32
    %dma_wait3A_1155 = tpu.memref_slice %arg3[%dma_wait3A_1153, %dma_wait3A_1154] : memref<1000000x32xf16, #tpu.memory_space<hbm>> -> memref<1000000x32xf16, #tpu.memory_space<hbm>>
    tpu.wait_indirect_dma semaphore(%arg11 : memref<!tpu.dma_semaphore, #tpu.memory_space<semaphore_mem>>) src(%dma_wait3A_1155 : memref<1000000x32xf16, #tpu.memory_space<hbm>>) dst(%dma_wait3A_1150 : memref<128x32xf16, #tpu.memory_space<vmem>>)
    %dma_wait3A_1156 = arith.constant 640 : i32
    %dma_wait3A_1157 = arith.constant 0 : i32
    %dma_wait3A_1158 = tpu.memref_slice %arg7[%dma_wait3A_1156, %dma_wait3A_1157] : memref<1024x32xf16, #tpu.memory_space<vmem>> -> memref<128x32xf16, #tpu.memory_space<vmem>>
    %dma_wait3A_1159 = arith.constant 7808 : i32
    %dma_wait3A_1160 = tpu.memref_slice %arg5[%dma_wait3A_1159] : memref<13312xi32, #tpu.memory_space<vmem>> -> memref<128xi32, #tpu.memory_space<vmem>>
    %dma_wait3A_1161 = arith.constant 0 : i32
    %dma_wait3A_1162 = arith.constant 0 : i32
    %dma_wait3A_1163 = tpu.memref_slice %arg3[%dma_wait3A_1161, %dma_wait3A_1162] : memref<1000000x32xf16, #tpu.memory_space<hbm>> -> memref<1000000x32xf16, #tpu.memory_space<hbm>>
    tpu.wait_indirect_dma semaphore(%arg11 : memref<!tpu.dma_semaphore, #tpu.memory_space<semaphore_mem>>) src(%dma_wait3A_1163 : memref<1000000x32xf16, #tpu.memory_space<hbm>>) dst(%dma_wait3A_1158 : memref<128x32xf16, #tpu.memory_space<vmem>>)
    %dma_wait3A_1164 = arith.constant 768 : i32
    %dma_wait3A_1165 = arith.constant 0 : i32
    %dma_wait3A_1166 = tpu.memref_slice %arg7[%dma_wait3A_1164, %dma_wait3A_1165] : memref<1024x32xf16, #tpu.memory_space<vmem>> -> memref<128x32xf16, #tpu.memory_space<vmem>>
    %dma_wait3A_1167 = arith.constant 7936 : i32
    %dma_wait3A_1168 = tpu.memref_slice %arg5[%dma_wait3A_1167] : memref<13312xi32, #tpu.memory_space<vmem>> -> memref<128xi32, #tpu.memory_space<vmem>>
    %dma_wait3A_1169 = arith.constant 0 : i32
    %dma_wait3A_1170 = arith.constant 0 : i32
    %dma_wait3A_1171 = tpu.memref_slice %arg3[%dma_wait3A_1169, %dma_wait3A_1170] : memref<1000000x32xf16, #tpu.memory_space<hbm>> -> memref<1000000x32xf16, #tpu.memory_space<hbm>>
    tpu.wait_indirect_dma semaphore(%arg11 : memref<!tpu.dma_semaphore, #tpu.memory_space<semaphore_mem>>) src(%dma_wait3A_1171 : memref<1000000x32xf16, #tpu.memory_space<hbm>>) dst(%dma_wait3A_1166 : memref<128x32xf16, #tpu.memory_space<vmem>>)
    %dma_wait3A_1172 = arith.constant 896 : i32
    %dma_wait3A_1173 = arith.constant 0 : i32
    %dma_wait3A_1174 = tpu.memref_slice %arg7[%dma_wait3A_1172, %dma_wait3A_1173] : memref<1024x32xf16, #tpu.memory_space<vmem>> -> memref<128x32xf16, #tpu.memory_space<vmem>>
    %dma_wait3A_1175 = arith.constant 8064 : i32
    %dma_wait3A_1176 = tpu.memref_slice %arg5[%dma_wait3A_1175] : memref<13312xi32, #tpu.memory_space<vmem>> -> memref<128xi32, #tpu.memory_space<vmem>>
    %dma_wait3A_1177 = arith.constant 0 : i32
    %dma_wait3A_1178 = arith.constant 0 : i32
    %dma_wait3A_1179 = tpu.memref_slice %arg3[%dma_wait3A_1177, %dma_wait3A_1178] : memref<1000000x32xf16, #tpu.memory_space<hbm>> -> memref<1000000x32xf16, #tpu.memory_space<hbm>>
    tpu.wait_indirect_dma semaphore(%arg11 : memref<!tpu.dma_semaphore, #tpu.memory_space<semaphore_mem>>) src(%dma_wait3A_1179 : memref<1000000x32xf16, #tpu.memory_space<hbm>>) dst(%dma_wait3A_1174 : memref<128x32xf16, #tpu.memory_space<vmem>>)
    %dma_wait3A_1180 = arith.constant 0 : i32
    %dma_wait3A_1181 = tpu.memref_slice %arg4[%add3A_906, %dma_wait3A_1180] : memref<425984x32xf32, #tpu.memory_space<hbm>> -> memref<1024x32xf32, #tpu.memory_space<hbm>>
    %dma_wait3A_1182 = arith.constant 0 : i32
    %dma_wait3A_1183 = tpu.memref_slice %arg4[%add3A_906, %dma_wait3A_1182] : memref<425984x32xf32, #tpu.memory_space<hbm>> -> memref<1024x32xf32, #tpu.memory_space<hbm>>
    tpu.wait_dma2 semaphore(%arg13 : memref<!tpu.dma_semaphore, #tpu.memory_space<semaphore_mem>>) src(%arg9 : memref<1024x32xf32, #tpu.memory_space<vmem>>) dst(%dma_wait3A_1183 : memref<1024x32xf32, #tpu.memory_space<hbm>>)
    %parallel_loop3A_1184 = arith.constant 0 : i32
    %parallel_loop3A_1185 = arith.constant 1024 : i32
    %parallel_loop3A_1186 = arith.constant 1 : i32
    scf.for %parallel_loop3A_1842 = %parallel_loop3A_1184 to %parallel_loop3A_1185 step %parallel_loop3A_1186  : i32 {
      %parallel_loop3A_1843 = arith.index_cast %parallel_loop3A_1842 : i32 to index
      %parallel_loop3A_1844 = arith.constant 0 : index
      %parallel_loop3A_1845 = tpu.vector_load %arg7[%parallel_loop3A_1843, %parallel_loop3A_1844] {strides = array<i32>} : memref<1024x32xf16, #tpu.memory_space<vmem>>, vector<32xf16>,
      %parallel_loop3A_1846 = tpu.bitcast %parallel_loop3A_1845 : vector<32xf16> -> vector<32xi16>
      %parallel_loop3A_1847 = tpu.unpack_subelements %parallel_loop3A_1846, 0 {pack_format = #tpu.pack_format<interleaved>} : vector<32xi16> -> vector<16xi32>
      %parallel_loop3A_1848 = tpu.unpack_subelements %parallel_loop3A_1846, 1 {pack_format = #tpu.pack_format<interleaved>} : vector<32xi16> -> vector<16xi32>
      %parallel_loop3A_1849 = arith.constant 16 : i32
      %parallel_loop3A_1850 = vector.broadcast %parallel_loop3A_1849 : i32 to vector<16xi32>
      %parallel_loop3A_1851 = arith.shli %parallel_loop3A_1847, %parallel_loop3A_1850 : vector<16xi32>
      %parallel_loop3A_1852 = arith.constant 3 : i32
      %parallel_loop3A_1853 = vector.broadcast %parallel_loop3A_1852 : i32 to vector<16xi32>
      %parallel_loop3A_1854 = arith.shrsi %parallel_loop3A_1851, %parallel_loop3A_1853 : vector<16xi32>
      %parallel_loop3A_1855 = arith.constant -1879056384 : i32
      %parallel_loop3A_1856 = vector.broadcast %parallel_loop3A_1855 : i32 to vector<16xi32>
      %parallel_loop3A_1857 = arith.andi %parallel_loop3A_1854, %parallel_loop3A_1856 : vector<16xi32>
      %parallel_loop3A_1858 = tpu.bitcast %parallel_loop3A_1857 : vector<16xi32> -> vector<16xf32>
      %parallel_loop3A_1859 = arith.constant 5.19229686E+33 : f32
      %parallel_loop3A_1860 = vector.broadcast %parallel_loop3A_1859 : f32 to vector<16xf32>
      %parallel_loop3A_1861 = arith.mulf %parallel_loop3A_1858, %parallel_loop3A_1860 : vector<16xf32>
      %parallel_loop3A_1862 = arith.constant 16 : i32
      %parallel_loop3A_1863 = vector.broadcast %parallel_loop3A_1862 : i32 to vector<16xi32>
      %parallel_loop3A_1864 = arith.shli %parallel_loop3A_1848, %parallel_loop3A_1863 : vector<16xi32>
      %parallel_loop3A_1865 = arith.constant 3 : i32
      %parallel_loop3A_1866 = vector.broadcast %parallel_loop3A_1865 : i32 to vector<16xi32>
      %parallel_loop3A_1867 = arith.shrsi %parallel_loop3A_1864, %parallel_loop3A_1866 : vector<16xi32>
      %parallel_loop3A_1868 = arith.constant -1879056384 : i32
      %parallel_loop3A_1869 = vector.broadcast %parallel_loop3A_1868 : i32 to vector<16xi32>
      %parallel_loop3A_1870 = arith.andi %parallel_loop3A_1867, %parallel_loop3A_1869 : vector<16xi32>
      %parallel_loop3A_1871 = tpu.bitcast %parallel_loop3A_1870 : vector<16xi32> -> vector<16xf32>
      %parallel_loop3A_1872 = arith.constant 5.19229686E+33 : f32
      %parallel_loop3A_1873 = vector.broadcast %parallel_loop3A_1872 : f32 to vector<16xf32>
      %parallel_loop3A_1874 = arith.mulf %parallel_loop3A_1871, %parallel_loop3A_1873 : vector<16xf32>
      %parallel_loop3A_1875 = vector.shape_cast %shift_right_arithmetic3A_8 : vector<16xi32> to vector<16x1xi32>
      %parallel_loop3A_1876 = vector.shape_cast %parallel_loop3A_1875 : vector<16x1xi32> to vector<16xi32>
      %parallel_loop3A_1877 = tpu.dynamic_gather %parallel_loop3A_1861[%parallel_loop3A_1876] in [0] : vector<16xf32>, vector<16xi32> -> vector<16xf32>
      %parallel_loop3A_1878 = vector.shape_cast %shift_right_arithmetic3A_8 : vector<16xi32> to vector<16x1xi32>
      %parallel_loop3A_1879 = vector.shape_cast %parallel_loop3A_1878 : vector<16x1xi32> to vector<16xi32>
      %parallel_loop3A_1880 = tpu.dynamic_gather %parallel_loop3A_1874[%parallel_loop3A_1879] in [0] : vector<16xf32>, vector<16xi32> -> vector<16xf32>
      %parallel_loop3A_1881 = arith.select %eq3A_6, %parallel_loop3A_1877, %parallel_loop3A_1880 : vector<16xi1>, vector<16xf32>
      %parallel_loop3A_1882 = arith.index_cast %parallel_loop3A_1842 : i32 to index
      %parallel_loop3A_1883 = arith.constant 0 : index
      %parallel_loop3A_1884 = tpu.vector_load %arg9[%parallel_loop3A_1882, %parallel_loop3A_1883] {strides = array<i32>} : memref<1024x32xf32, #tpu.memory_space<vmem>>, vector<16xf32>,
      tpu.vector_store %arg9[%parallel_loop3A_1882, %parallel_loop3A_1883], %parallel_loop3A_1881 {strides = array<i32>} : memref<1024x32xf32, #tpu.memory_space<vmem>>, vector<16xf32>,
      %parallel_loop3A_1885 = vector.shape_cast %add3A_11 : vector<16xi32> to vector<16x1xi32>
      %parallel_loop3A_1886 = vector.shape_cast %parallel_loop3A_1885 : vector<16x1xi32> to vector<16xi32>
      %parallel_loop3A_1887 = tpu.dynamic_gather %parallel_loop3A_1861[%parallel_loop3A_1886] in [0] : vector<16xf32>, vector<16xi32> -> vector<16xf32>
      %parallel_loop3A_1888 = vector.shape_cast %add3A_11 : vector<16xi32> to vector<16x1xi32>
      %parallel_loop3A_1889 = vector.shape_cast %parallel_loop3A_1888 : vector<16x1xi32> to vector<16xi32>
      %parallel_loop3A_1890 = tpu.dynamic_gather %parallel_loop3A_1874[%parallel_loop3A_1889] in [0] : vector<16xf32>, vector<16xi32> -> vector<16xf32>
      %parallel_loop3A_1891 = arith.select %eq3A_6, %parallel_loop3A_1887, %parallel_loop3A_1890 : vector<16xi1>, vector<16xf32>
      %parallel_loop3A_1892 = arith.index_cast %parallel_loop3A_1842 : i32 to index
      %parallel_loop3A_1893 = arith.constant 16 : index
      %parallel_loop3A_1894 = tpu.vector_load %arg9[%parallel_loop3A_1892, %parallel_loop3A_1893] {strides = array<i32>} : memref<1024x32xf32, #tpu.memory_space<vmem>>, vector<16xf32>,
      tpu.vector_store %arg9[%parallel_loop3A_1892, %parallel_loop3A_1893], %parallel_loop3A_1891 {strides = array<i32>} : memref<1024x32xf32, #tpu.memory_space<vmem>>, vector<16xf32>,
    } {sc.loop_unroll_factor = 4 : i64, sc.parallel_access}
    %add3A_1187 = arith.constant 7168 : i32
    %add3A_1188 = arith.addi %mul3A_2, %add3A_1187 : i32
    %dma_start3A_1189 = arith.constant 0 : i32
    %dma_start3A_1190 = tpu.memref_slice %arg4[%add3A_1188, %dma_start3A_1189] : memref<425984x32xf32, #tpu.memory_space<hbm>> -> memref<1024x32xf32, #tpu.memory_space<hbm>>
    %dma_start3A_1191 = arith.constant 0 : i32
    %dma_start3A_1192 = tpu.memref_slice %arg4[%add3A_1188, %dma_start3A_1191] : memref<425984x32xf32, #tpu.memory_space<hbm>> -> memref<1024x32xf32, #tpu.memory_space<hbm>>
    tpu.enqueue_dma source(%arg9 : memref<1024x32xf32, #tpu.memory_space<vmem>>) target(%dma_start3A_1192 : memref<1024x32xf32, #tpu.memory_space<hbm>>) target_semaphore(%arg13 : memref<!tpu.dma_semaphore, #tpu.memory_space<semaphore_mem>>)
    %dma_start3A_1193 = arith.constant 0 : i32
    %dma_start3A_1194 = arith.constant 0 : i32
    %dma_start3A_1195 = tpu.memref_slice %arg7[%dma_start3A_1193, %dma_start3A_1194] : memref<1024x32xf16, #tpu.memory_space<vmem>> -> memref<128x32xf16, #tpu.memory_space<vmem>>
    %dma_start3A_1196 = arith.constant 9216 : i32
    %dma_start3A_1197 = tpu.memref_slice %arg5[%dma_start3A_1196] : memref<13312xi32, #tpu.memory_space<vmem>> -> memref<128xi32, #tpu.memory_space<vmem>>
    %dma_start3A_1198 = arith.constant 0 : i32
    %dma_start3A_1199 = arith.constant 0 : i32
    %dma_start3A_1200 = tpu.memref_slice %arg3[%dma_start3A_1198, %dma_start3A_1199] : memref<1000000x32xf16, #tpu.memory_space<hbm>> -> memref<1000000x32xf16, #tpu.memory_space<hbm>>
    tpu.enqueue_indirect_dma source(%dma_start3A_1200 : memref<1000000x32xf16, #tpu.memory_space<hbm>>) target(%dma_start3A_1195 : memref<128x32xf16, #tpu.memory_space<vmem>>) offsets(%dma_start3A_1197 : memref<128xi32, #tpu.memory_space<vmem>>) semaphore(%arg11 : memref<!tpu.dma_semaphore, #tpu.memory_space<semaphore_mem>>)
    %dma_start3A_1201 = arith.constant 128 : i32
    %dma_start3A_1202 = arith.constant 0 : i32
    %dma_start3A_1203 = tpu.memref_slice %arg7[%dma_start3A_1201, %dma_start3A_1202] : memref<1024x32xf16, #tpu.memory_space<vmem>> -> memref<128x32xf16, #tpu.memory_space<vmem>>
    %dma_start3A_1204 = arith.constant 9344 : i32
    %dma_start3A_1205 = tpu.memref_slice %arg5[%dma_start3A_1204] : memref<13312xi32, #tpu.memory_space<vmem>> -> memref<128xi32, #tpu.memory_space<vmem>>
    %dma_start3A_1206 = arith.constant 0 : i32
    %dma_start3A_1207 = arith.constant 0 : i32
    %dma_start3A_1208 = tpu.memref_slice %arg3[%dma_start3A_1206, %dma_start3A_1207] : memref<1000000x32xf16, #tpu.memory_space<hbm>> -> memref<1000000x32xf16, #tpu.memory_space<hbm>>
    tpu.enqueue_indirect_dma source(%dma_start3A_1208 : memref<1000000x32xf16, #tpu.memory_space<hbm>>) target(%dma_start3A_1203 : memref<128x32xf16, #tpu.memory_space<vmem>>) offsets(%dma_start3A_1205 : memref<128xi32, #tpu.memory_space<vmem>>) semaphore(%arg11 : memref<!tpu.dma_semaphore, #tpu.memory_space<semaphore_mem>>)
    %dma_start3A_1209 = arith.constant 256 : i32
    %dma_start3A_1210 = arith.constant 0 : i32
    %dma_start3A_1211 = tpu.memref_slice %arg7[%dma_start3A_1209, %dma_start3A_1210] : memref<1024x32xf16, #tpu.memory_space<vmem>> -> memref<128x32xf16, #tpu.memory_space<vmem>>
    %dma_start3A_1212 = arith.constant 9472 : i32
    %dma_start3A_1213 = tpu.memref_slice %arg5[%dma_start3A_1212] : memref<13312xi32, #tpu.memory_space<vmem>> -> memref<128xi32, #tpu.memory_space<vmem>>
    %dma_start3A_1214 = arith.constant 0 : i32
    %dma_start3A_1215 = arith.constant 0 : i32
    %dma_start3A_1216 = tpu.memref_slice %arg3[%dma_start3A_1214, %dma_start3A_1215] : memref<1000000x32xf16, #tpu.memory_space<hbm>> -> memref<1000000x32xf16, #tpu.memory_space<hbm>>
    tpu.enqueue_indirect_dma source(%dma_start3A_1216 : memref<1000000x32xf16, #tpu.memory_space<hbm>>) target(%dma_start3A_1211 : memref<128x32xf16, #tpu.memory_space<vmem>>) offsets(%dma_start3A_1213 : memref<128xi32, #tpu.memory_space<vmem>>) semaphore(%arg11 : memref<!tpu.dma_semaphore, #tpu.memory_space<semaphore_mem>>)
    %dma_start3A_1217 = arith.constant 384 : i32
    %dma_start3A_1218 = arith.constant 0 : i32
    %dma_start3A_1219 = tpu.memref_slice %arg7[%dma_start3A_1217, %dma_start3A_1218] : memref<1024x32xf16, #tpu.memory_space<vmem>> -> memref<128x32xf16, #tpu.memory_space<vmem>>
    %dma_start3A_1220 = arith.constant 9600 : i32
    %dma_start3A_1221 = tpu.memref_slice %arg5[%dma_start3A_1220] : memref<13312xi32, #tpu.memory_space<vmem>> -> memref<128xi32, #tpu.memory_space<vmem>>
    %dma_start3A_1222 = arith.constant 0 : i32
    %dma_start3A_1223 = arith.constant 0 : i32
    %dma_start3A_1224 = tpu.memref_slice %arg3[%dma_start3A_1222, %dma_start3A_1223] : memref<1000000x32xf16, #tpu.memory_space<hbm>> -> memref<1000000x32xf16, #tpu.memory_space<hbm>>
    tpu.enqueue_indirect_dma source(%dma_start3A_1224 : memref<1000000x32xf16, #tpu.memory_space<hbm>>) target(%dma_start3A_1219 : memref<128x32xf16, #tpu.memory_space<vmem>>) offsets(%dma_start3A_1221 : memref<128xi32, #tpu.memory_space<vmem>>) semaphore(%arg11 : memref<!tpu.dma_semaphore, #tpu.memory_space<semaphore_mem>>)
    %dma_start3A_1225 = arith.constant 512 : i32
    %dma_start3A_1226 = arith.constant 0 : i32
    %dma_start3A_1227 = tpu.memref_slice %arg7[%dma_start3A_1225, %dma_start3A_1226] : memref<1024x32xf16, #tpu.memory_space<vmem>> -> memref<128x32xf16, #tpu.memory_space<vmem>>
    %dma_start3A_1228 = arith.constant 9728 : i32
    %dma_start3A_1229 = tpu.memref_slice %arg5[%dma_start3A_1228] : memref<13312xi32, #tpu.memory_space<vmem>> -> memref<128xi32, #tpu.memory_space<vmem>>
    %dma_start3A_1230 = arith.constant 0 : i32
    %dma_start3A_1231 = arith.constant 0 : i32
    %dma_start3A_1232 = tpu.memref_slice %arg3[%dma_start3A_1230, %dma_start3A_1231] : memref<1000000x32xf16, #tpu.memory_space<hbm>> -> memref<1000000x32xf16, #tpu.memory_space<hbm>>
    tpu.enqueue_indirect_dma source(%dma_start3A_1232 : memref<1000000x32xf16, #tpu.memory_space<hbm>>) target(%dma_start3A_1227 : memref<128x32xf16, #tpu.memory_space<vmem>>) offsets(%dma_start3A_1229 : memref<128xi32, #tpu.memory_space<vmem>>) semaphore(%arg11 : memref<!tpu.dma_semaphore, #tpu.memory_space<semaphore_mem>>)
    %dma_start3A_1233 = arith.constant 640 : i32
    %dma_start3A_1234 = arith.constant 0 : i32
    %dma_start3A_1235 = tpu.memref_slice %arg7[%dma_start3A_1233, %dma_start3A_1234] : memref<1024x32xf16, #tpu.memory_space<vmem>> -> memref<128x32xf16, #tpu.memory_space<vmem>>
    %dma_start3A_1236 = arith.constant 9856 : i32
    %dma_start3A_1237 = tpu.memref_slice %arg5[%dma_start3A_1236] : memref<13312xi32, #tpu.memory_space<vmem>> -> memref<128xi32, #tpu.memory_space<vmem>>
    %dma_start3A_1238 = arith.constant 0 : i32
    %dma_start3A_1239 = arith.constant 0 : i32
    %dma_start3A_1240 = tpu.memref_slice %arg3[%dma_start3A_1238, %dma_start3A_1239] : memref<1000000x32xf16, #tpu.memory_space<hbm>> -> memref<1000000x32xf16, #tpu.memory_space<hbm>>
    tpu.enqueue_indirect_dma source(%dma_start3A_1240 : memref<1000000x32xf16, #tpu.memory_space<hbm>>) target(%dma_start3A_1235 : memref<128x32xf16, #tpu.memory_space<vmem>>) offsets(%dma_start3A_1237 : memref<128xi32, #tpu.memory_space<vmem>>) semaphore(%arg11 : memref<!tpu.dma_semaphore, #tpu.memory_space<semaphore_mem>>)
    %dma_start3A_1241 = arith.constant 768 : i32
    %dma_start3A_1242 = arith.constant 0 : i32
    %dma_start3A_1243 = tpu.memref_slice %arg7[%dma_start3A_1241, %dma_start3A_1242] : memref<1024x32xf16, #tpu.memory_space<vmem>> -> memref<128x32xf16, #tpu.memory_space<vmem>>
    %dma_start3A_1244 = arith.constant 9984 : i32
    %dma_start3A_1245 = tpu.memref_slice %arg5[%dma_start3A_1244] : memref<13312xi32, #tpu.memory_space<vmem>> -> memref<128xi32, #tpu.memory_space<vmem>>
    %dma_start3A_1246 = arith.constant 0 : i32
    %dma_start3A_1247 = arith.constant 0 : i32
    %dma_start3A_1248 = tpu.memref_slice %arg3[%dma_start3A_1246, %dma_start3A_1247] : memref<1000000x32xf16, #tpu.memory_space<hbm>> -> memref<1000000x32xf16, #tpu.memory_space<hbm>>
    tpu.enqueue_indirect_dma source(%dma_start3A_1248 : memref<1000000x32xf16, #tpu.memory_space<hbm>>) target(%dma_start3A_1243 : memref<128x32xf16, #tpu.memory_space<vmem>>) offsets(%dma_start3A_1245 : memref<128xi32, #tpu.memory_space<vmem>>) semaphore(%arg11 : memref<!tpu.dma_semaphore, #tpu.memory_space<semaphore_mem>>)
    %dma_start3A_1249 = arith.constant 896 : i32
    %dma_start3A_1250 = arith.constant 0 : i32
    %dma_start3A_1251 = tpu.memref_slice %arg7[%dma_start3A_1249, %dma_start3A_1250] : memref<1024x32xf16, #tpu.memory_space<vmem>> -> memref<128x32xf16, #tpu.memory_space<vmem>>
    %dma_start3A_1252 = arith.constant 10112 : i32
    %dma_start3A_1253 = tpu.memref_slice %arg5[%dma_start3A_1252] : memref<13312xi32, #tpu.memory_space<vmem>> -> memref<128xi32, #tpu.memory_space<vmem>>
    %dma_start3A_1254 = arith.constant 0 : i32
    %dma_start3A_1255 = arith.constant 0 : i32
    %dma_start3A_1256 = tpu.memref_slice %arg3[%dma_start3A_1254, %dma_start3A_1255] : memref<1000000x32xf16, #tpu.memory_space<hbm>> -> memref<1000000x32xf16, #tpu.memory_space<hbm>>
    tpu.enqueue_indirect_dma source(%dma_start3A_1256 : memref<1000000x32xf16, #tpu.memory_space<hbm>>) target(%dma_start3A_1251 : memref<128x32xf16, #tpu.memory_space<vmem>>) offsets(%dma_start3A_1253 : memref<128xi32, #tpu.memory_space<vmem>>) semaphore(%arg11 : memref<!tpu.dma_semaphore, #tpu.memory_space<semaphore_mem>>)
    %dma_wait3A_1257 = arith.constant 0 : i32
    %dma_wait3A_1258 = arith.constant 0 : i32
    %dma_wait3A_1259 = tpu.memref_slice %arg6[%dma_wait3A_1257, %dma_wait3A_1258] : memref<1024x32xf16, #tpu.memory_space<vmem>> -> memref<128x32xf16, #tpu.memory_space<vmem>>
    %dma_wait3A_1260 = arith.constant 8192 : i32
    %dma_wait3A_1261 = tpu.memref_slice %arg5[%dma_wait3A_1260] : memref<13312xi32, #tpu.memory_space<vmem>> -> memref<128xi32, #tpu.memory_space<vmem>>
    %dma_wait3A_1262 = arith.constant 0 : i32
    %dma_wait3A_1263 = arith.constant 0 : i32
    %dma_wait3A_1264 = tpu.memref_slice %arg3[%dma_wait3A_1262, %dma_wait3A_1263] : memref<1000000x32xf16, #tpu.memory_space<hbm>> -> memref<1000000x32xf16, #tpu.memory_space<hbm>>
    tpu.wait_indirect_dma semaphore(%arg10 : memref<!tpu.dma_semaphore, #tpu.memory_space<semaphore_mem>>) src(%dma_wait3A_1264 : memref<1000000x32xf16, #tpu.memory_space<hbm>>) dst(%dma_wait3A_1259 : memref<128x32xf16, #tpu.memory_space<vmem>>)
    %dma_wait3A_1265 = arith.constant 128 : i32
    %dma_wait3A_1266 = arith.constant 0 : i32
    %dma_wait3A_1267 = tpu.memref_slice %arg6[%dma_wait3A_1265, %dma_wait3A_1266] : memref<1024x32xf16, #tpu.memory_space<vmem>> -> memref<128x32xf16, #tpu.memory_space<vmem>>
    %dma_wait3A_1268 = arith.constant 8320 : i32
    %dma_wait3A_1269 = tpu.memref_slice %arg5[%dma_wait3A_1268] : memref<13312xi32, #tpu.memory_space<vmem>> -> memref<128xi32, #tpu.memory_space<vmem>>
    %dma_wait3A_1270 = arith.constant 0 : i32
    %dma_wait3A_1271 = arith.constant 0 : i32
    %dma_wait3A_1272 = tpu.memref_slice %arg3[%dma_wait3A_1270, %dma_wait3A_1271] : memref<1000000x32xf16, #tpu.memory_space<hbm>> -> memref<1000000x32xf16, #tpu.memory_space<hbm>>
    tpu.wait_indirect_dma semaphore(%arg10 : memref<!tpu.dma_semaphore, #tpu.memory_space<semaphore_mem>>) src(%dma_wait3A_1272 : memref<1000000x32xf16, #tpu.memory_space<hbm>>) dst(%dma_wait3A_1267 : memref<128x32xf16, #tpu.memory_space<vmem>>)
    %dma_wait3A_1273 = arith.constant 256 : i32
    %dma_wait3A_1274 = arith.constant 0 : i32
    %dma_wait3A_1275 = tpu.memref_slice %arg6[%dma_wait3A_1273, %dma_wait3A_1274] : memref<1024x32xf16, #tpu.memory_space<vmem>> -> memref<128x32xf16, #tpu.memory_space<vmem>>
    %dma_wait3A_1276 = arith.constant 8448 : i32
    %dma_wait3A_1277 = tpu.memref_slice %arg5[%dma_wait3A_1276] : memref<13312xi32, #tpu.memory_space<vmem>> -> memref<128xi32, #tpu.memory_space<vmem>>
    %dma_wait3A_1278 = arith.constant 0 : i32
    %dma_wait3A_1279 = arith.constant 0 : i32
    %dma_wait3A_1280 = tpu.memref_slice %arg3[%dma_wait3A_1278, %dma_wait3A_1279] : memref<1000000x32xf16, #tpu.memory_space<hbm>> -> memref<1000000x32xf16, #tpu.memory_space<hbm>>
    tpu.wait_indirect_dma semaphore(%arg10 : memref<!tpu.dma_semaphore, #tpu.memory_space<semaphore_mem>>) src(%dma_wait3A_1280 : memref<1000000x32xf16, #tpu.memory_space<hbm>>) dst(%dma_wait3A_1275 : memref<128x32xf16, #tpu.memory_space<vmem>>)
    %dma_wait3A_1281 = arith.constant 384 : i32
    %dma_wait3A_1282 = arith.constant 0 : i32
    %dma_wait3A_1283 = tpu.memref_slice %arg6[%dma_wait3A_1281, %dma_wait3A_1282] : memref<1024x32xf16, #tpu.memory_space<vmem>> -> memref<128x32xf16, #tpu.memory_space<vmem>>
    %dma_wait3A_1284 = arith.constant 8576 : i32
    %dma_wait3A_1285 = tpu.memref_slice %arg5[%dma_wait3A_1284] : memref<13312xi32, #tpu.memory_space<vmem>> -> memref<128xi32, #tpu.memory_space<vmem>>
    %dma_wait3A_1286 = arith.constant 0 : i32
    %dma_wait3A_1287 = arith.constant 0 : i32
    %dma_wait3A_1288 = tpu.memref_slice %arg3[%dma_wait3A_1286, %dma_wait3A_1287] : memref<1000000x32xf16, #tpu.memory_space<hbm>> -> memref<1000000x32xf16, #tpu.memory_space<hbm>>
    tpu.wait_indirect_dma semaphore(%arg10 : memref<!tpu.dma_semaphore, #tpu.memory_space<semaphore_mem>>) src(%dma_wait3A_1288 : memref<1000000x32xf16, #tpu.memory_space<hbm>>) dst(%dma_wait3A_1283 : memref<128x32xf16, #tpu.memory_space<vmem>>)
    %dma_wait3A_1289 = arith.constant 512 : i32
    %dma_wait3A_1290 = arith.constant 0 : i32
    %dma_wait3A_1291 = tpu.memref_slice %arg6[%dma_wait3A_1289, %dma_wait3A_1290] : memref<1024x32xf16, #tpu.memory_space<vmem>> -> memref<128x32xf16, #tpu.memory_space<vmem>>
    %dma_wait3A_1292 = arith.constant 8704 : i32
    %dma_wait3A_1293 = tpu.memref_slice %arg5[%dma_wait3A_1292] : memref<13312xi32, #tpu.memory_space<vmem>> -> memref<128xi32, #tpu.memory_space<vmem>>
    %dma_wait3A_1294 = arith.constant 0 : i32
    %dma_wait3A_1295 = arith.constant 0 : i32
    %dma_wait3A_1296 = tpu.memref_slice %arg3[%dma_wait3A_1294, %dma_wait3A_1295] : memref<1000000x32xf16, #tpu.memory_space<hbm>> -> memref<1000000x32xf16, #tpu.memory_space<hbm>>
    tpu.wait_indirect_dma semaphore(%arg10 : memref<!tpu.dma_semaphore, #tpu.memory_space<semaphore_mem>>) src(%dma_wait3A_1296 : memref<1000000x32xf16, #tpu.memory_space<hbm>>) dst(%dma_wait3A_1291 : memref<128x32xf16, #tpu.memory_space<vmem>>)
    %dma_wait3A_1297 = arith.constant 640 : i32
    %dma_wait3A_1298 = arith.constant 0 : i32
    %dma_wait3A_1299 = tpu.memref_slice %arg6[%dma_wait3A_1297, %dma_wait3A_1298] : memref<1024x32xf16, #tpu.memory_space<vmem>> -> memref<128x32xf16, #tpu.memory_space<vmem>>
    %dma_wait3A_1300 = arith.constant 8832 : i32
    %dma_wait3A_1301 = tpu.memref_slice %arg5[%dma_wait3A_1300] : memref<13312xi32, #tpu.memory_space<vmem>> -> memref<128xi32, #tpu.memory_space<vmem>>
    %dma_wait3A_1302 = arith.constant 0 : i32
    %dma_wait3A_1303 = arith.constant 0 : i32
    %dma_wait3A_1304 = tpu.memref_slice %arg3[%dma_wait3A_1302, %dma_wait3A_1303] : memref<1000000x32xf16, #tpu.memory_space<hbm>> -> memref<1000000x32xf16, #tpu.memory_space<hbm>>
    tpu.wait_indirect_dma semaphore(%arg10 : memref<!tpu.dma_semaphore, #tpu.memory_space<semaphore_mem>>) src(%dma_wait3A_1304 : memref<1000000x32xf16, #tpu.memory_space<hbm>>) dst(%dma_wait3A_1299 : memref<128x32xf16, #tpu.memory_space<vmem>>)
    %dma_wait3A_1305 = arith.constant 768 : i32
    %dma_wait3A_1306 = arith.constant 0 : i32
    %dma_wait3A_1307 = tpu.memref_slice %arg6[%dma_wait3A_1305, %dma_wait3A_1306] : memref<1024x32xf16, #tpu.memory_space<vmem>> -> memref<128x32xf16, #tpu.memory_space<vmem>>
    %dma_wait3A_1308 = arith.constant 8960 : i32
    %dma_wait3A_1309 = tpu.memref_slice %arg5[%dma_wait3A_1308] : memref<13312xi32, #tpu.memory_space<vmem>> -> memref<128xi32, #tpu.memory_space<vmem>>
    %dma_wait3A_1310 = arith.constant 0 : i32
    %dma_wait3A_1311 = arith.constant 0 : i32
    %dma_wait3A_1312 = tpu.memref_slice %arg3[%dma_wait3A_1310, %dma_wait3A_1311] : memref<1000000x32xf16, #tpu.memory_space<hbm>> -> memref<1000000x32xf16, #tpu.memory_space<hbm>>
    tpu.wait_indirect_dma semaphore(%arg10 : memref<!tpu.dma_semaphore, #tpu.memory_space<semaphore_mem>>) src(%dma_wait3A_1312 : memref<1000000x32xf16, #tpu.memory_space<hbm>>) dst(%dma_wait3A_1307 : memref<128x32xf16, #tpu.memory_space<vmem>>)
    %dma_wait3A_1313 = arith.constant 896 : i32
    %dma_wait3A_1314 = arith.constant 0 : i32
    %dma_wait3A_1315 = tpu.memref_slice %arg6[%dma_wait3A_1313, %dma_wait3A_1314] : memref<1024x32xf16, #tpu.memory_space<vmem>> -> memref<128x32xf16, #tpu.memory_space<vmem>>
    %dma_wait3A_1316 = arith.constant 9088 : i32
    %dma_wait3A_1317 = tpu.memref_slice %arg5[%dma_wait3A_1316] : memref<13312xi32, #tpu.memory_space<vmem>> -> memref<128xi32, #tpu.memory_space<vmem>>
    %dma_wait3A_1318 = arith.constant 0 : i32
    %dma_wait3A_1319 = arith.constant 0 : i32
    %dma_wait3A_1320 = tpu.memref_slice %arg3[%dma_wait3A_1318, %dma_wait3A_1319] : memref<1000000x32xf16, #tpu.memory_space<hbm>> -> memref<1000000x32xf16, #tpu.memory_space<hbm>>
    tpu.wait_indirect_dma semaphore(%arg10 : memref<!tpu.dma_semaphore, #tpu.memory_space<semaphore_mem>>) src(%dma_wait3A_1320 : memref<1000000x32xf16, #tpu.memory_space<hbm>>) dst(%dma_wait3A_1315 : memref<128x32xf16, #tpu.memory_space<vmem>>)
    %dma_wait3A_1321 = arith.constant 0 : i32
    %dma_wait3A_1322 = tpu.memref_slice %arg4[%add3A_1047, %dma_wait3A_1321] : memref<425984x32xf32, #tpu.memory_space<hbm>> -> memref<1024x32xf32, #tpu.memory_space<hbm>>
    %dma_wait3A_1323 = arith.constant 0 : i32
    %dma_wait3A_1324 = tpu.memref_slice %arg4[%add3A_1047, %dma_wait3A_1323] : memref<425984x32xf32, #tpu.memory_space<hbm>> -> memref<1024x32xf32, #tpu.memory_space<hbm>>
    tpu.wait_dma2 semaphore(%arg12 : memref<!tpu.dma_semaphore, #tpu.memory_space<semaphore_mem>>) src(%arg8 : memref<1024x32xf32, #tpu.memory_space<vmem>>) dst(%dma_wait3A_1324 : memref<1024x32xf32, #tpu.memory_space<hbm>>)
    %parallel_loop3A_1325 = arith.constant 0 : i32
    %parallel_loop3A_1326 = arith.constant 1024 : i32
    %parallel_loop3A_1327 = arith.constant 1 : i32
    scf.for %parallel_loop3A_1842 = %parallel_loop3A_1325 to %parallel_loop3A_1326 step %parallel_loop3A_1327  : i32 {
      %parallel_loop3A_1843 = arith.index_cast %parallel_loop3A_1842 : i32 to index
      %parallel_loop3A_1844 = arith.constant 0 : index
      %parallel_loop3A_1845 = tpu.vector_load %arg6[%parallel_loop3A_1843, %parallel_loop3A_1844] {strides = array<i32>} : memref<1024x32xf16, #tpu.memory_space<vmem>>, vector<32xf16>,
      %parallel_loop3A_1846 = tpu.bitcast %parallel_loop3A_1845 : vector<32xf16> -> vector<32xi16>
      %parallel_loop3A_1847 = tpu.unpack_subelements %parallel_loop3A_1846, 0 {pack_format = #tpu.pack_format<interleaved>} : vector<32xi16> -> vector<16xi32>
      %parallel_loop3A_1848 = tpu.unpack_subelements %parallel_loop3A_1846, 1 {pack_format = #tpu.pack_format<interleaved>} : vector<32xi16> -> vector<16xi32>
      %parallel_loop3A_1849 = arith.constant 16 : i32
      %parallel_loop3A_1850 = vector.broadcast %parallel_loop3A_1849 : i32 to vector<16xi32>
      %parallel_loop3A_1851 = arith.shli %parallel_loop3A_1847, %parallel_loop3A_1850 : vector<16xi32>
      %parallel_loop3A_1852 = arith.constant 3 : i32
      %parallel_loop3A_1853 = vector.broadcast %parallel_loop3A_1852 : i32 to vector<16xi32>
      %parallel_loop3A_1854 = arith.shrsi %parallel_loop3A_1851, %parallel_loop3A_1853 : vector<16xi32>
      %parallel_loop3A_1855 = arith.constant -1879056384 : i32
      %parallel_loop3A_1856 = vector.broadcast %parallel_loop3A_1855 : i32 to vector<16xi32>
      %parallel_loop3A_1857 = arith.andi %parallel_loop3A_1854, %parallel_loop3A_1856 : vector<16xi32>
      %parallel_loop3A_1858 = tpu.bitcast %parallel_loop3A_1857 : vector<16xi32> -> vector<16xf32>
      %parallel_loop3A_1859 = arith.constant 5.19229686E+33 : f32
      %parallel_loop3A_1860 = vector.broadcast %parallel_loop3A_1859 : f32 to vector<16xf32>
      %parallel_loop3A_1861 = arith.mulf %parallel_loop3A_1858, %parallel_loop3A_1860 : vector<16xf32>
      %parallel_loop3A_1862 = arith.constant 16 : i32
      %parallel_loop3A_1863 = vector.broadcast %parallel_loop3A_1862 : i32 to vector<16xi32>
      %parallel_loop3A_1864 = arith.shli %parallel_loop3A_1848, %parallel_loop3A_1863 : vector<16xi32>
      %parallel_loop3A_1865 = arith.constant 3 : i32
      %parallel_loop3A_1866 = vector.broadcast %parallel_loop3A_1865 : i32 to vector<16xi32>
      %parallel_loop3A_1867 = arith.shrsi %parallel_loop3A_1864, %parallel_loop3A_1866 : vector<16xi32>
      %parallel_loop3A_1868 = arith.constant -1879056384 : i32
      %parallel_loop3A_1869 = vector.broadcast %parallel_loop3A_1868 : i32 to vector<16xi32>
      %parallel_loop3A_1870 = arith.andi %parallel_loop3A_1867, %parallel_loop3A_1869 : vector<16xi32>
      %parallel_loop3A_1871 = tpu.bitcast %parallel_loop3A_1870 : vector<16xi32> -> vector<16xf32>
      %parallel_loop3A_1872 = arith.constant 5.19229686E+33 : f32
      %parallel_loop3A_1873 = vector.broadcast %parallel_loop3A_1872 : f32 to vector<16xf32>
      %parallel_loop3A_1874 = arith.mulf %parallel_loop3A_1871, %parallel_loop3A_1873 : vector<16xf32>
      %parallel_loop3A_1875 = vector.shape_cast %shift_right_arithmetic3A_8 : vector<16xi32> to vector<16x1xi32>
      %parallel_loop3A_1876 = vector.shape_cast %parallel_loop3A_1875 : vector<16x1xi32> to vector<16xi32>
      %parallel_loop3A_1877 = tpu.dynamic_gather %parallel_loop3A_1861[%parallel_loop3A_1876] in [0] : vector<16xf32>, vector<16xi32> -> vector<16xf32>
      %parallel_loop3A_1878 = vector.shape_cast %shift_right_arithmetic3A_8 : vector<16xi32> to vector<16x1xi32>
      %parallel_loop3A_1879 = vector.shape_cast %parallel_loop3A_1878 : vector<16x1xi32> to vector<16xi32>
      %parallel_loop3A_1880 = tpu.dynamic_gather %parallel_loop3A_1874[%parallel_loop3A_1879] in [0] : vector<16xf32>, vector<16xi32> -> vector<16xf32>
      %parallel_loop3A_1881 = arith.select %eq3A_6, %parallel_loop3A_1877, %parallel_loop3A_1880 : vector<16xi1>, vector<16xf32>
      %parallel_loop3A_1882 = arith.index_cast %parallel_loop3A_1842 : i32 to index
      %parallel_loop3A_1883 = arith.constant 0 : index
      %parallel_loop3A_1884 = tpu.vector_load %arg8[%parallel_loop3A_1882, %parallel_loop3A_1883] {strides = array<i32>} : memref<1024x32xf32, #tpu.memory_space<vmem>>, vector<16xf32>,
      tpu.vector_store %arg8[%parallel_loop3A_1882, %parallel_loop3A_1883], %parallel_loop3A_1881 {strides = array<i32>} : memref<1024x32xf32, #tpu.memory_space<vmem>>, vector<16xf32>,
      %parallel_loop3A_1885 = vector.shape_cast %add3A_11 : vector<16xi32> to vector<16x1xi32>
      %parallel_loop3A_1886 = vector.shape_cast %parallel_loop3A_1885 : vector<16x1xi32> to vector<16xi32>
      %parallel_loop3A_1887 = tpu.dynamic_gather %parallel_loop3A_1861[%parallel_loop3A_1886] in [0] : vector<16xf32>, vector<16xi32> -> vector<16xf32>
      %parallel_loop3A_1888 = vector.shape_cast %add3A_11 : vector<16xi32> to vector<16x1xi32>
      %parallel_loop3A_1889 = vector.shape_cast %parallel_loop3A_1888 : vector<16x1xi32> to vector<16xi32>
      %parallel_loop3A_1890 = tpu.dynamic_gather %parallel_loop3A_1874[%parallel_loop3A_1889] in [0] : vector<16xf32>, vector<16xi32> -> vector<16xf32>
      %parallel_loop3A_1891 = arith.select %eq3A_6, %parallel_loop3A_1887, %parallel_loop3A_1890 : vector<16xi1>, vector<16xf32>
      %parallel_loop3A_1892 = arith.index_cast %parallel_loop3A_1842 : i32 to index
      %parallel_loop3A_1893 = arith.constant 16 : index
      %parallel_loop3A_1894 = tpu.vector_load %arg8[%parallel_loop3A_1892, %parallel_loop3A_1893] {strides = array<i32>} : memref<1024x32xf32, #tpu.memory_space<vmem>>, vector<16xf32>,
      tpu.vector_store %arg8[%parallel_loop3A_1892, %parallel_loop3A_1893], %parallel_loop3A_1891 {strides = array<i32>} : memref<1024x32xf32, #tpu.memory_space<vmem>>, vector<16xf32>,
    } {sc.loop_unroll_factor = 4 : i64, sc.parallel_access}
    %add3A_1328 = arith.constant 8192 : i32
    %add3A_1329 = arith.addi %mul3A_2, %add3A_1328 : i32
    %dma_start3A_1330 = arith.constant 0 : i32
    %dma_start3A_1331 = tpu.memref_slice %arg4[%add3A_1329, %dma_start3A_1330] : memref<425984x32xf32, #tpu.memory_space<hbm>> -> memref<1024x32xf32, #tpu.memory_space<hbm>>
    %dma_start3A_1332 = arith.constant 0 : i32
    %dma_start3A_1333 = tpu.memref_slice %arg4[%add3A_1329, %dma_start3A_1332] : memref<425984x32xf32, #tpu.memory_space<hbm>> -> memref<1024x32xf32, #tpu.memory_space<hbm>>
    tpu.enqueue_dma source(%arg8 : memref<1024x32xf32, #tpu.memory_space<vmem>>) target(%dma_start3A_1333 : memref<1024x32xf32, #tpu.memory_space<hbm>>) target_semaphore(%arg12 : memref<!tpu.dma_semaphore, #tpu.memory_space<semaphore_mem>>)
    %dma_start3A_1334 = arith.constant 0 : i32
    %dma_start3A_1335 = arith.constant 0 : i32
    %dma_start3A_1336 = tpu.memref_slice %arg6[%dma_start3A_1334, %dma_start3A_1335] : memref<1024x32xf16, #tpu.memory_space<vmem>> -> memref<128x32xf16, #tpu.memory_space<vmem>>
    %dma_start3A_1337 = arith.constant 10240 : i32
    %dma_start3A_1338 = tpu.memref_slice %arg5[%dma_start3A_1337] : memref<13312xi32, #tpu.memory_space<vmem>> -> memref<128xi32, #tpu.memory_space<vmem>>
    %dma_start3A_1339 = arith.constant 0 : i32
    %dma_start3A_1340 = arith.constant 0 : i32
    %dma_start3A_1341 = tpu.memref_slice %arg3[%dma_start3A_1339, %dma_start3A_1340] : memref<1000000x32xf16, #tpu.memory_space<hbm>> -> memref<1000000x32xf16, #tpu.memory_space<hbm>>
    tpu.enqueue_indirect_dma source(%dma_start3A_1341 : memref<1000000x32xf16, #tpu.memory_space<hbm>>) target(%dma_start3A_1336 : memref<128x32xf16, #tpu.memory_space<vmem>>) offsets(%dma_start3A_1338 : memref<128xi32, #tpu.memory_space<vmem>>) semaphore(%arg10 : memref<!tpu.dma_semaphore, #tpu.memory_space<semaphore_mem>>)
    %dma_start3A_1342 = arith.constant 128 : i32
    %dma_start3A_1343 = arith.constant 0 : i32
    %dma_start3A_1344 = tpu.memref_slice %arg6[%dma_start3A_1342, %dma_start3A_1343] : memref<1024x32xf16, #tpu.memory_space<vmem>> -> memref<128x32xf16, #tpu.memory_space<vmem>>
    %dma_start3A_1345 = arith.constant 10368 : i32
    %dma_start3A_1346 = tpu.memref_slice %arg5[%dma_start3A_1345] : memref<13312xi32, #tpu.memory_space<vmem>> -> memref<128xi32, #tpu.memory_space<vmem>>
    %dma_start3A_1347 = arith.constant 0 : i32
    %dma_start3A_1348 = arith.constant 0 : i32
    %dma_start3A_1349 = tpu.memref_slice %arg3[%dma_start3A_1347, %dma_start3A_1348] : memref<1000000x32xf16, #tpu.memory_space<hbm>> -> memref<1000000x32xf16, #tpu.memory_space<hbm>>
    tpu.enqueue_indirect_dma source(%dma_start3A_1349 : memref<1000000x32xf16, #tpu.memory_space<hbm>>) target(%dma_start3A_1344 : memref<128x32xf16, #tpu.memory_space<vmem>>) offsets(%dma_start3A_1346 : memref<128xi32, #tpu.memory_space<vmem>>) semaphore(%arg10 : memref<!tpu.dma_semaphore, #tpu.memory_space<semaphore_mem>>)
    %dma_start3A_1350 = arith.constant 256 : i32
    %dma_start3A_1351 = arith.constant 0 : i32
    %dma_start3A_1352 = tpu.memref_slice %arg6[%dma_start3A_1350, %dma_start3A_1351] : memref<1024x32xf16, #tpu.memory_space<vmem>> -> memref<128x32xf16, #tpu.memory_space<vmem>>
    %dma_start3A_1353 = arith.constant 10496 : i32
    %dma_start3A_1354 = tpu.memref_slice %arg5[%dma_start3A_1353] : memref<13312xi32, #tpu.memory_space<vmem>> -> memref<128xi32, #tpu.memory_space<vmem>>
    %dma_start3A_1355 = arith.constant 0 : i32
    %dma_start3A_1356 = arith.constant 0 : i32
    %dma_start3A_1357 = tpu.memref_slice %arg3[%dma_start3A_1355, %dma_start3A_1356] : memref<1000000x32xf16, #tpu.memory_space<hbm>> -> memref<1000000x32xf16, #tpu.memory_space<hbm>>
    tpu.enqueue_indirect_dma source(%dma_start3A_1357 : memref<1000000x32xf16, #tpu.memory_space<hbm>>) target(%dma_start3A_1352 : memref<128x32xf16, #tpu.memory_space<vmem>>) offsets(%dma_start3A_1354 : memref<128xi32, #tpu.memory_space<vmem>>) semaphore(%arg10 : memref<!tpu.dma_semaphore, #tpu.memory_space<semaphore_mem>>)
    %dma_start3A_1358 = arith.constant 384 : i32
    %dma_start3A_1359 = arith.constant 0 : i32
    %dma_start3A_1360 = tpu.memref_slice %arg6[%dma_start3A_1358, %dma_start3A_1359] : memref<1024x32xf16, #tpu.memory_space<vmem>> -> memref<128x32xf16, #tpu.memory_space<vmem>>
    %dma_start3A_1361 = arith.constant 10624 : i32
    %dma_start3A_1362 = tpu.memref_slice %arg5[%dma_start3A_1361] : memref<13312xi32, #tpu.memory_space<vmem>> -> memref<128xi32, #tpu.memory_space<vmem>>
    %dma_start3A_1363 = arith.constant 0 : i32
    %dma_start3A_1364 = arith.constant 0 : i32
    %dma_start3A_1365 = tpu.memref_slice %arg3[%dma_start3A_1363, %dma_start3A_1364] : memref<1000000x32xf16, #tpu.memory_space<hbm>> -> memref<1000000x32xf16, #tpu.memory_space<hbm>>
    tpu.enqueue_indirect_dma source(%dma_start3A_1365 : memref<1000000x32xf16, #tpu.memory_space<hbm>>) target(%dma_start3A_1360 : memref<128x32xf16, #tpu.memory_space<vmem>>) offsets(%dma_start3A_1362 : memref<128xi32, #tpu.memory_space<vmem>>) semaphore(%arg10 : memref<!tpu.dma_semaphore, #tpu.memory_space<semaphore_mem>>)
    %dma_start3A_1366 = arith.constant 512 : i32
    %dma_start3A_1367 = arith.constant 0 : i32
    %dma_start3A_1368 = tpu.memref_slice %arg6[%dma_start3A_1366, %dma_start3A_1367] : memref<1024x32xf16, #tpu.memory_space<vmem>> -> memref<128x32xf16, #tpu.memory_space<vmem>>
    %dma_start3A_1369 = arith.constant 10752 : i32
    %dma_start3A_1370 = tpu.memref_slice %arg5[%dma_start3A_1369] : memref<13312xi32, #tpu.memory_space<vmem>> -> memref<128xi32, #tpu.memory_space<vmem>>
    %dma_start3A_1371 = arith.constant 0 : i32
    %dma_start3A_1372 = arith.constant 0 : i32
    %dma_start3A_1373 = tpu.memref_slice %arg3[%dma_start3A_1371, %dma_start3A_1372] : memref<1000000x32xf16, #tpu.memory_space<hbm>> -> memref<1000000x32xf16, #tpu.memory_space<hbm>>
    tpu.enqueue_indirect_dma source(%dma_start3A_1373 : memref<1000000x32xf16, #tpu.memory_space<hbm>>) target(%dma_start3A_1368 : memref<128x32xf16, #tpu.memory_space<vmem>>) offsets(%dma_start3A_1370 : memref<128xi32, #tpu.memory_space<vmem>>) semaphore(%arg10 : memref<!tpu.dma_semaphore, #tpu.memory_space<semaphore_mem>>)
    %dma_start3A_1374 = arith.constant 640 : i32
    %dma_start3A_1375 = arith.constant 0 : i32
    %dma_start3A_1376 = tpu.memref_slice %arg6[%dma_start3A_1374, %dma_start3A_1375] : memref<1024x32xf16, #tpu.memory_space<vmem>> -> memref<128x32xf16, #tpu.memory_space<vmem>>
    %dma_start3A_1377 = arith.constant 10880 : i32
    %dma_start3A_1378 = tpu.memref_slice %arg5[%dma_start3A_1377] : memref<13312xi32, #tpu.memory_space<vmem>> -> memref<128xi32, #tpu.memory_space<vmem>>
    %dma_start3A_1379 = arith.constant 0 : i32
    %dma_start3A_1380 = arith.constant 0 : i32
    %dma_start3A_1381 = tpu.memref_slice %arg3[%dma_start3A_1379, %dma_start3A_1380] : memref<1000000x32xf16, #tpu.memory_space<hbm>> -> memref<1000000x32xf16, #tpu.memory_space<hbm>>
    tpu.enqueue_indirect_dma source(%dma_start3A_1381 : memref<1000000x32xf16, #tpu.memory_space<hbm>>) target(%dma_start3A_1376 : memref<128x32xf16, #tpu.memory_space<vmem>>) offsets(%dma_start3A_1378 : memref<128xi32, #tpu.memory_space<vmem>>) semaphore(%arg10 : memref<!tpu.dma_semaphore, #tpu.memory_space<semaphore_mem>>)
    %dma_start3A_1382 = arith.constant 768 : i32
    %dma_start3A_1383 = arith.constant 0 : i32
    %dma_start3A_1384 = tpu.memref_slice %arg6[%dma_start3A_1382, %dma_start3A_1383] : memref<1024x32xf16, #tpu.memory_space<vmem>> -> memref<128x32xf16, #tpu.memory_space<vmem>>
    %dma_start3A_1385 = arith.constant 11008 : i32
    %dma_start3A_1386 = tpu.memref_slice %arg5[%dma_start3A_1385] : memref<13312xi32, #tpu.memory_space<vmem>> -> memref<128xi32, #tpu.memory_space<vmem>>
    %dma_start3A_1387 = arith.constant 0 : i32
    %dma_start3A_1388 = arith.constant 0 : i32
    %dma_start3A_1389 = tpu.memref_slice %arg3[%dma_start3A_1387, %dma_start3A_1388] : memref<1000000x32xf16, #tpu.memory_space<hbm>> -> memref<1000000x32xf16, #tpu.memory_space<hbm>>
    tpu.enqueue_indirect_dma source(%dma_start3A_1389 : memref<1000000x32xf16, #tpu.memory_space<hbm>>) target(%dma_start3A_1384 : memref<128x32xf16, #tpu.memory_space<vmem>>) offsets(%dma_start3A_1386 : memref<128xi32, #tpu.memory_space<vmem>>) semaphore(%arg10 : memref<!tpu.dma_semaphore, #tpu.memory_space<semaphore_mem>>)
    %dma_start3A_1390 = arith.constant 896 : i32
    %dma_start3A_1391 = arith.constant 0 : i32
    %dma_start3A_1392 = tpu.memref_slice %arg6[%dma_start3A_1390, %dma_start3A_1391] : memref<1024x32xf16, #tpu.memory_space<vmem>> -> memref<128x32xf16, #tpu.memory_space<vmem>>
    %dma_start3A_1393 = arith.constant 11136 : i32
    %dma_start3A_1394 = tpu.memref_slice %arg5[%dma_start3A_1393] : memref<13312xi32, #tpu.memory_space<vmem>> -> memref<128xi32, #tpu.memory_space<vmem>>
    %dma_start3A_1395 = arith.constant 0 : i32
    %dma_start3A_1396 = arith.constant 0 : i32
    %dma_start3A_1397 = tpu.memref_slice %arg3[%dma_start3A_1395, %dma_start3A_1396] : memref<1000000x32xf16, #tpu.memory_space<hbm>> -> memref<1000000x32xf16, #tpu.memory_space<hbm>>
    tpu.enqueue_indirect_dma source(%dma_start3A_1397 : memref<1000000x32xf16, #tpu.memory_space<hbm>>) target(%dma_start3A_1392 : memref<128x32xf16, #tpu.memory_space<vmem>>) offsets(%dma_start3A_1394 : memref<128xi32, #tpu.memory_space<vmem>>) semaphore(%arg10 : memref<!tpu.dma_semaphore, #tpu.memory_space<semaphore_mem>>)
    %dma_wait3A_1398 = arith.constant 0 : i32
    %dma_wait3A_1399 = arith.constant 0 : i32
    %dma_wait3A_1400 = tpu.memref_slice %arg7[%dma_wait3A_1398, %dma_wait3A_1399] : memref<1024x32xf16, #tpu.memory_space<vmem>> -> memref<128x32xf16, #tpu.memory_space<vmem>>
    %dma_wait3A_1401 = arith.constant 9216 : i32
    %dma_wait3A_1402 = tpu.memref_slice %arg5[%dma_wait3A_1401] : memref<13312xi32, #tpu.memory_space<vmem>> -> memref<128xi32, #tpu.memory_space<vmem>>
    %dma_wait3A_1403 = arith.constant 0 : i32
    %dma_wait3A_1404 = arith.constant 0 : i32
    %dma_wait3A_1405 = tpu.memref_slice %arg3[%dma_wait3A_1403, %dma_wait3A_1404] : memref<1000000x32xf16, #tpu.memory_space<hbm>> -> memref<1000000x32xf16, #tpu.memory_space<hbm>>
    tpu.wait_indirect_dma semaphore(%arg11 : memref<!tpu.dma_semaphore, #tpu.memory_space<semaphore_mem>>) src(%dma_wait3A_1405 : memref<1000000x32xf16, #tpu.memory_space<hbm>>) dst(%dma_wait3A_1400 : memref<128x32xf16, #tpu.memory_space<vmem>>)
    %dma_wait3A_1406 = arith.constant 128 : i32
    %dma_wait3A_1407 = arith.constant 0 : i32
    %dma_wait3A_1408 = tpu.memref_slice %arg7[%dma_wait3A_1406, %dma_wait3A_1407] : memref<1024x32xf16, #tpu.memory_space<vmem>> -> memref<128x32xf16, #tpu.memory_space<vmem>>
    %dma_wait3A_1409 = arith.constant 9344 : i32
    %dma_wait3A_1410 = tpu.memref_slice %arg5[%dma_wait3A_1409] : memref<13312xi32, #tpu.memory_space<vmem>> -> memref<128xi32, #tpu.memory_space<vmem>>
    %dma_wait3A_1411 = arith.constant 0 : i32
    %dma_wait3A_1412 = arith.constant 0 : i32
    %dma_wait3A_1413 = tpu.memref_slice %arg3[%dma_wait3A_1411, %dma_wait3A_1412] : memref<1000000x32xf16, #tpu.memory_space<hbm>> -> memref<1000000x32xf16, #tpu.memory_space<hbm>>
    tpu.wait_indirect_dma semaphore(%arg11 : memref<!tpu.dma_semaphore, #tpu.memory_space<semaphore_mem>>) src(%dma_wait3A_1413 : memref<1000000x32xf16, #tpu.memory_space<hbm>>) dst(%dma_wait3A_1408 : memref<128x32xf16, #tpu.memory_space<vmem>>)
    %dma_wait3A_1414 = arith.constant 256 : i32
    %dma_wait3A_1415 = arith.constant 0 : i32
    %dma_wait3A_1416 = tpu.memref_slice %arg7[%dma_wait3A_1414, %dma_wait3A_1415] : memref<1024x32xf16, #tpu.memory_space<vmem>> -> memref<128x32xf16, #tpu.memory_space<vmem>>
    %dma_wait3A_1417 = arith.constant 9472 : i32
    %dma_wait3A_1418 = tpu.memref_slice %arg5[%dma_wait3A_1417] : memref<13312xi32, #tpu.memory_space<vmem>> -> memref<128xi32, #tpu.memory_space<vmem>>
    %dma_wait3A_1419 = arith.constant 0 : i32
    %dma_wait3A_1420 = arith.constant 0 : i32
    %dma_wait3A_1421 = tpu.memref_slice %arg3[%dma_wait3A_1419, %dma_wait3A_1420] : memref<1000000x32xf16, #tpu.memory_space<hbm>> -> memref<1000000x32xf16, #tpu.memory_space<hbm>>
    tpu.wait_indirect_dma semaphore(%arg11 : memref<!tpu.dma_semaphore, #tpu.memory_space<semaphore_mem>>) src(%dma_wait3A_1421 : memref<1000000x32xf16, #tpu.memory_space<hbm>>) dst(%dma_wait3A_1416 : memref<128x32xf16, #tpu.memory_space<vmem>>)
    %dma_wait3A_1422 = arith.constant 384 : i32
    %dma_wait3A_1423 = arith.constant 0 : i32
    %dma_wait3A_1424 = tpu.memref_slice %arg7[%dma_wait3A_1422, %dma_wait3A_1423] : memref<1024x32xf16, #tpu.memory_space<vmem>> -> memref<128x32xf16, #tpu.memory_space<vmem>>
    %dma_wait3A_1425 = arith.constant 9600 : i32
    %dma_wait3A_1426 = tpu.memref_slice %arg5[%dma_wait3A_1425] : memref<13312xi32, #tpu.memory_space<vmem>> -> memref<128xi32, #tpu.memory_space<vmem>>
    %dma_wait3A_1427 = arith.constant 0 : i32
    %dma_wait3A_1428 = arith.constant 0 : i32
    %dma_wait3A_1429 = tpu.memref_slice %arg3[%dma_wait3A_1427, %dma_wait3A_1428] : memref<1000000x32xf16, #tpu.memory_space<hbm>> -> memref<1000000x32xf16, #tpu.memory_space<hbm>>
    tpu.wait_indirect_dma semaphore(%arg11 : memref<!tpu.dma_semaphore, #tpu.memory_space<semaphore_mem>>) src(%dma_wait3A_1429 : memref<1000000x32xf16, #tpu.memory_space<hbm>>) dst(%dma_wait3A_1424 : memref<128x32xf16, #tpu.memory_space<vmem>>)
    %dma_wait3A_1430 = arith.constant 512 : i32
    %dma_wait3A_1431 = arith.constant 0 : i32
    %dma_wait3A_1432 = tpu.memref_slice %arg7[%dma_wait3A_1430, %dma_wait3A_1431] : memref<1024x32xf16, #tpu.memory_space<vmem>> -> memref<128x32xf16, #tpu.memory_space<vmem>>
    %dma_wait3A_1433 = arith.constant 9728 : i32
    %dma_wait3A_1434 = tpu.memref_slice %arg5[%dma_wait3A_1433] : memref<13312xi32, #tpu.memory_space<vmem>> -> memref<128xi32, #tpu.memory_space<vmem>>
    %dma_wait3A_1435 = arith.constant 0 : i32
    %dma_wait3A_1436 = arith.constant 0 : i32
    %dma_wait3A_1437 = tpu.memref_slice %arg3[%dma_wait3A_1435, %dma_wait3A_1436] : memref<1000000x32xf16, #tpu.memory_space<hbm>> -> memref<1000000x32xf16, #tpu.memory_space<hbm>>
    tpu.wait_indirect_dma semaphore(%arg11 : memref<!tpu.dma_semaphore, #tpu.memory_space<semaphore_mem>>) src(%dma_wait3A_1437 : memref<1000000x32xf16, #tpu.memory_space<hbm>>) dst(%dma_wait3A_1432 : memref<128x32xf16, #tpu.memory_space<vmem>>)
    %dma_wait3A_1438 = arith.constant 640 : i32
    %dma_wait3A_1439 = arith.constant 0 : i32
    %dma_wait3A_1440 = tpu.memref_slice %arg7[%dma_wait3A_1438, %dma_wait3A_1439] : memref<1024x32xf16, #tpu.memory_space<vmem>> -> memref<128x32xf16, #tpu.memory_space<vmem>>
    %dma_wait3A_1441 = arith.constant 9856 : i32
    %dma_wait3A_1442 = tpu.memref_slice %arg5[%dma_wait3A_1441] : memref<13312xi32, #tpu.memory_space<vmem>> -> memref<128xi32, #tpu.memory_space<vmem>>
    %dma_wait3A_1443 = arith.constant 0 : i32
    %dma_wait3A_1444 = arith.constant 0 : i32
    %dma_wait3A_1445 = tpu.memref_slice %arg3[%dma_wait3A_1443, %dma_wait3A_1444] : memref<1000000x32xf16, #tpu.memory_space<hbm>> -> memref<1000000x32xf16, #tpu.memory_space<hbm>>
    tpu.wait_indirect_dma semaphore(%arg11 : memref<!tpu.dma_semaphore, #tpu.memory_space<semaphore_mem>>) src(%dma_wait3A_1445 : memref<1000000x32xf16, #tpu.memory_space<hbm>>) dst(%dma_wait3A_1440 : memref<128x32xf16, #tpu.memory_space<vmem>>)
    %dma_wait3A_1446 = arith.constant 768 : i32
    %dma_wait3A_1447 = arith.constant 0 : i32
    %dma_wait3A_1448 = tpu.memref_slice %arg7[%dma_wait3A_1446, %dma_wait3A_1447] : memref<1024x32xf16, #tpu.memory_space<vmem>> -> memref<128x32xf16, #tpu.memory_space<vmem>>
    %dma_wait3A_1449 = arith.constant 9984 : i32
    %dma_wait3A_1450 = tpu.memref_slice %arg5[%dma_wait3A_1449] : memref<13312xi32, #tpu.memory_space<vmem>> -> memref<128xi32, #tpu.memory_space<vmem>>
    %dma_wait3A_1451 = arith.constant 0 : i32
    %dma_wait3A_1452 = arith.constant 0 : i32
    %dma_wait3A_1453 = tpu.memref_slice %arg3[%dma_wait3A_1451, %dma_wait3A_1452] : memref<1000000x32xf16, #tpu.memory_space<hbm>> -> memref<1000000x32xf16, #tpu.memory_space<hbm>>
    tpu.wait_indirect_dma semaphore(%arg11 : memref<!tpu.dma_semaphore, #tpu.memory_space<semaphore_mem>>) src(%dma_wait3A_1453 : memref<1000000x32xf16, #tpu.memory_space<hbm>>) dst(%dma_wait3A_1448 : memref<128x32xf16, #tpu.memory_space<vmem>>)
    %dma_wait3A_1454 = arith.constant 896 : i32
    %dma_wait3A_1455 = arith.constant 0 : i32
    %dma_wait3A_1456 = tpu.memref_slice %arg7[%dma_wait3A_1454, %dma_wait3A_1455] : memref<1024x32xf16, #tpu.memory_space<vmem>> -> memref<128x32xf16, #tpu.memory_space<vmem>>
    %dma_wait3A_1457 = arith.constant 10112 : i32
    %dma_wait3A_1458 = tpu.memref_slice %arg5[%dma_wait3A_1457] : memref<13312xi32, #tpu.memory_space<vmem>> -> memref<128xi32, #tpu.memory_space<vmem>>
    %dma_wait3A_1459 = arith.constant 0 : i32
    %dma_wait3A_1460 = arith.constant 0 : i32
    %dma_wait3A_1461 = tpu.memref_slice %arg3[%dma_wait3A_1459, %dma_wait3A_1460] : memref<1000000x32xf16, #tpu.memory_space<hbm>> -> memref<1000000x32xf16, #tpu.memory_space<hbm>>
    tpu.wait_indirect_dma semaphore(%arg11 : memref<!tpu.dma_semaphore, #tpu.memory_space<semaphore_mem>>) src(%dma_wait3A_1461 : memref<1000000x32xf16, #tpu.memory_space<hbm>>) dst(%dma_wait3A_1456 : memref<128x32xf16, #tpu.memory_space<vmem>>)
    %dma_wait3A_1462 = arith.constant 0 : i32
    %dma_wait3A_1463 = tpu.memref_slice %arg4[%add3A_1188, %dma_wait3A_1462] : memref<425984x32xf32, #tpu.memory_space<hbm>> -> memref<1024x32xf32, #tpu.memory_space<hbm>>
    %dma_wait3A_1464 = arith.constant 0 : i32
    %dma_wait3A_1465 = tpu.memref_slice %arg4[%add3A_1188, %dma_wait3A_1464] : memref<425984x32xf32, #tpu.memory_space<hbm>> -> memref<1024x32xf32, #tpu.memory_space<hbm>>
    tpu.wait_dma2 semaphore(%arg13 : memref<!tpu.dma_semaphore, #tpu.memory_space<semaphore_mem>>) src(%arg9 : memref<1024x32xf32, #tpu.memory_space<vmem>>) dst(%dma_wait3A_1465 : memref<1024x32xf32, #tpu.memory_space<hbm>>)
    %parallel_loop3A_1466 = arith.constant 0 : i32
    %parallel_loop3A_1467 = arith.constant 1024 : i32
    %parallel_loop3A_1468 = arith.constant 1 : i32
    scf.for %parallel_loop3A_1842 = %parallel_loop3A_1466 to %parallel_loop3A_1467 step %parallel_loop3A_1468  : i32 {
      %parallel_loop3A_1843 = arith.index_cast %parallel_loop3A_1842 : i32 to index
      %parallel_loop3A_1844 = arith.constant 0 : index
      %parallel_loop3A_1845 = tpu.vector_load %arg7[%parallel_loop3A_1843, %parallel_loop3A_1844] {strides = array<i32>} : memref<1024x32xf16, #tpu.memory_space<vmem>>, vector<32xf16>,
      %parallel_loop3A_1846 = tpu.bitcast %parallel_loop3A_1845 : vector<32xf16> -> vector<32xi16>
      %parallel_loop3A_1847 = tpu.unpack_subelements %parallel_loop3A_1846, 0 {pack_format = #tpu.pack_format<interleaved>} : vector<32xi16> -> vector<16xi32>
      %parallel_loop3A_1848 = tpu.unpack_subelements %parallel_loop3A_1846, 1 {pack_format = #tpu.pack_format<interleaved>} : vector<32xi16> -> vector<16xi32>
      %parallel_loop3A_1849 = arith.constant 16 : i32
      %parallel_loop3A_1850 = vector.broadcast %parallel_loop3A_1849 : i32 to vector<16xi32>
      %parallel_loop3A_1851 = arith.shli %parallel_loop3A_1847, %parallel_loop3A_1850 : vector<16xi32>
      %parallel_loop3A_1852 = arith.constant 3 : i32
      %parallel_loop3A_1853 = vector.broadcast %parallel_loop3A_1852 : i32 to vector<16xi32>
      %parallel_loop3A_1854 = arith.shrsi %parallel_loop3A_1851, %parallel_loop3A_1853 : vector<16xi32>
      %parallel_loop3A_1855 = arith.constant -1879056384 : i32
      %parallel_loop3A_1856 = vector.broadcast %parallel_loop3A_1855 : i32 to vector<16xi32>
      %parallel_loop3A_1857 = arith.andi %parallel_loop3A_1854, %parallel_loop3A_1856 : vector<16xi32>
      %parallel_loop3A_1858 = tpu.bitcast %parallel_loop3A_1857 : vector<16xi32> -> vector<16xf32>
      %parallel_loop3A_1859 = arith.constant 5.19229686E+33 : f32
      %parallel_loop3A_1860 = vector.broadcast %parallel_loop3A_1859 : f32 to vector<16xf32>
      %parallel_loop3A_1861 = arith.mulf %parallel_loop3A_1858, %parallel_loop3A_1860 : vector<16xf32>
      %parallel_loop3A_1862 = arith.constant 16 : i32
      %parallel_loop3A_1863 = vector.broadcast %parallel_loop3A_1862 : i32 to vector<16xi32>
      %parallel_loop3A_1864 = arith.shli %parallel_loop3A_1848, %parallel_loop3A_1863 : vector<16xi32>
      %parallel_loop3A_1865 = arith.constant 3 : i32
      %parallel_loop3A_1866 = vector.broadcast %parallel_loop3A_1865 : i32 to vector<16xi32>
      %parallel_loop3A_1867 = arith.shrsi %parallel_loop3A_1864, %parallel_loop3A_1866 : vector<16xi32>
      %parallel_loop3A_1868 = arith.constant -1879056384 : i32
      %parallel_loop3A_1869 = vector.broadcast %parallel_loop3A_1868 : i32 to vector<16xi32>
      %parallel_loop3A_1870 = arith.andi %parallel_loop3A_1867, %parallel_loop3A_1869 : vector<16xi32>
      %parallel_loop3A_1871 = tpu.bitcast %parallel_loop3A_1870 : vector<16xi32> -> vector<16xf32>
      %parallel_loop3A_1872 = arith.constant 5.19229686E+33 : f32
      %parallel_loop3A_1873 = vector.broadcast %parallel_loop3A_1872 : f32 to vector<16xf32>
      %parallel_loop3A_1874 = arith.mulf %parallel_loop3A_1871, %parallel_loop3A_1873 : vector<16xf32>
      %parallel_loop3A_1875 = vector.shape_cast %shift_right_arithmetic3A_8 : vector<16xi32> to vector<16x1xi32>
      %parallel_loop3A_1876 = vector.shape_cast %parallel_loop3A_1875 : vector<16x1xi32> to vector<16xi32>
      %parallel_loop3A_1877 = tpu.dynamic_gather %parallel_loop3A_1861[%parallel_loop3A_1876] in [0] : vector<16xf32>, vector<16xi32> -> vector<16xf32>
      %parallel_loop3A_1878 = vector.shape_cast %shift_right_arithmetic3A_8 : vector<16xi32> to vector<16x1xi32>
      %parallel_loop3A_1879 = vector.shape_cast %parallel_loop3A_1878 : vector<16x1xi32> to vector<16xi32>
      %parallel_loop3A_1880 = tpu.dynamic_gather %parallel_loop3A_1874[%parallel_loop3A_1879] in [0] : vector<16xf32>, vector<16xi32> -> vector<16xf32>
      %parallel_loop3A_1881 = arith.select %eq3A_6, %parallel_loop3A_1877, %parallel_loop3A_1880 : vector<16xi1>, vector<16xf32>
      %parallel_loop3A_1882 = arith.index_cast %parallel_loop3A_1842 : i32 to index
      %parallel_loop3A_1883 = arith.constant 0 : index
      %parallel_loop3A_1884 = tpu.vector_load %arg9[%parallel_loop3A_1882, %parallel_loop3A_1883] {strides = array<i32>} : memref<1024x32xf32, #tpu.memory_space<vmem>>, vector<16xf32>,
      tpu.vector_store %arg9[%parallel_loop3A_1882, %parallel_loop3A_1883], %parallel_loop3A_1881 {strides = array<i32>} : memref<1024x32xf32, #tpu.memory_space<vmem>>, vector<16xf32>,
      %parallel_loop3A_1885 = vector.shape_cast %add3A_11 : vector<16xi32> to vector<16x1xi32>
      %parallel_loop3A_1886 = vector.shape_cast %parallel_loop3A_1885 : vector<16x1xi32> to vector<16xi32>
      %parallel_loop3A_1887 = tpu.dynamic_gather %parallel_loop3A_1861[%parallel_loop3A_1886] in [0] : vector<16xf32>, vector<16xi32> -> vector<16xf32>
      %parallel_loop3A_1888 = vector.shape_cast %add3A_11 : vector<16xi32> to vector<16x1xi32>
      %parallel_loop3A_1889 = vector.shape_cast %parallel_loop3A_1888 : vector<16x1xi32> to vector<16xi32>
      %parallel_loop3A_1890 = tpu.dynamic_gather %parallel_loop3A_1874[%parallel_loop3A_1889] in [0] : vector<16xf32>, vector<16xi32> -> vector<16xf32>
      %parallel_loop3A_1891 = arith.select %eq3A_6, %parallel_loop3A_1887, %parallel_loop3A_1890 : vector<16xi1>, vector<16xf32>
      %parallel_loop3A_1892 = arith.index_cast %parallel_loop3A_1842 : i32 to index
      %parallel_loop3A_1893 = arith.constant 16 : index
      %parallel_loop3A_1894 = tpu.vector_load %arg9[%parallel_loop3A_1892, %parallel_loop3A_1893] {strides = array<i32>} : memref<1024x32xf32, #tpu.memory_space<vmem>>, vector<16xf32>,
      tpu.vector_store %arg9[%parallel_loop3A_1892, %parallel_loop3A_1893], %parallel_loop3A_1891 {strides = array<i32>} : memref<1024x32xf32, #tpu.memory_space<vmem>>, vector<16xf32>,
    } {sc.loop_unroll_factor = 4 : i64, sc.parallel_access}
    %add3A_1469 = arith.constant 9216 : i32
    %add3A_1470 = arith.addi %mul3A_2, %add3A_1469 : i32
    %dma_start3A_1471 = arith.constant 0 : i32
    %dma_start3A_1472 = tpu.memref_slice %arg4[%add3A_1470, %dma_start3A_1471] : memref<425984x32xf32, #tpu.memory_space<hbm>> -> memref<1024x32xf32, #tpu.memory_space<hbm>>
    %dma_start3A_1473 = arith.constant 0 : i32
    %dma_start3A_1474 = tpu.memref_slice %arg4[%add3A_1470, %dma_start3A_1473] : memref<425984x32xf32, #tpu.memory_space<hbm>> -> memref<1024x32xf32, #tpu.memory_space<hbm>>
    tpu.enqueue_dma source(%arg9 : memref<1024x32xf32, #tpu.memory_space<vmem>>) target(%dma_start3A_1474 : memref<1024x32xf32, #tpu.memory_space<hbm>>) target_semaphore(%arg13 : memref<!tpu.dma_semaphore, #tpu.memory_space<semaphore_mem>>)
    %dma_start3A_1475 = arith.constant 0 : i32
    %dma_start3A_1476 = arith.constant 0 : i32
    %dma_start3A_1477 = tpu.memref_slice %arg7[%dma_start3A_1475, %dma_start3A_1476] : memref<1024x32xf16, #tpu.memory_space<vmem>> -> memref<128x32xf16, #tpu.memory_space<vmem>>
    %dma_start3A_1478 = arith.constant 11264 : i32
    %dma_start3A_1479 = tpu.memref_slice %arg5[%dma_start3A_1478] : memref<13312xi32, #tpu.memory_space<vmem>> -> memref<128xi32, #tpu.memory_space<vmem>>
    %dma_start3A_1480 = arith.constant 0 : i32
    %dma_start3A_1481 = arith.constant 0 : i32
    %dma_start3A_1482 = tpu.memref_slice %arg3[%dma_start3A_1480, %dma_start3A_1481] : memref<1000000x32xf16, #tpu.memory_space<hbm>> -> memref<1000000x32xf16, #tpu.memory_space<hbm>>
    tpu.enqueue_indirect_dma source(%dma_start3A_1482 : memref<1000000x32xf16, #tpu.memory_space<hbm>>) target(%dma_start3A_1477 : memref<128x32xf16, #tpu.memory_space<vmem>>) offsets(%dma_start3A_1479 : memref<128xi32, #tpu.memory_space<vmem>>) semaphore(%arg11 : memref<!tpu.dma_semaphore, #tpu.memory_space<semaphore_mem>>)
    %dma_start3A_1483 = arith.constant 128 : i32
    %dma_start3A_1484 = arith.constant 0 : i32
    %dma_start3A_1485 = tpu.memref_slice %arg7[%dma_start3A_1483, %dma_start3A_1484] : memref<1024x32xf16, #tpu.memory_space<vmem>> -> memref<128x32xf16, #tpu.memory_space<vmem>>
    %dma_start3A_1486 = arith.constant 11392 : i32
    %dma_start3A_1487 = tpu.memref_slice %arg5[%dma_start3A_1486] : memref<13312xi32, #tpu.memory_space<vmem>> -> memref<128xi32, #tpu.memory_space<vmem>>
    %dma_start3A_1488 = arith.constant 0 : i32
    %dma_start3A_1489 = arith.constant 0 : i32
    %dma_start3A_1490 = tpu.memref_slice %arg3[%dma_start3A_1488, %dma_start3A_1489] : memref<1000000x32xf16, #tpu.memory_space<hbm>> -> memref<1000000x32xf16, #tpu.memory_space<hbm>>
    tpu.enqueue_indirect_dma source(%dma_start3A_1490 : memref<1000000x32xf16, #tpu.memory_space<hbm>>) target(%dma_start3A_1485 : memref<128x32xf16, #tpu.memory_space<vmem>>) offsets(%dma_start3A_1487 : memref<128xi32, #tpu.memory_space<vmem>>) semaphore(%arg11 : memref<!tpu.dma_semaphore, #tpu.memory_space<semaphore_mem>>)
    %dma_start3A_1491 = arith.constant 256 : i32
    %dma_start3A_1492 = arith.constant 0 : i32
    %dma_start3A_1493 = tpu.memref_slice %arg7[%dma_start3A_1491, %dma_start3A_1492] : memref<1024x32xf16, #tpu.memory_space<vmem>> -> memref<128x32xf16, #tpu.memory_space<vmem>>
    %dma_start3A_1494 = arith.constant 11520 : i32
    %dma_start3A_1495 = tpu.memref_slice %arg5[%dma_start3A_1494] : memref<13312xi32, #tpu.memory_space<vmem>> -> memref<128xi32, #tpu.memory_space<vmem>>
    %dma_start3A_1496 = arith.constant 0 : i32
    %dma_start3A_1497 = arith.constant 0 : i32
    %dma_start3A_1498 = tpu.memref_slice %arg3[%dma_start3A_1496, %dma_start3A_1497] : memref<1000000x32xf16, #tpu.memory_space<hbm>> -> memref<1000000x32xf16, #tpu.memory_space<hbm>>
    tpu.enqueue_indirect_dma source(%dma_start3A_1498 : memref<1000000x32xf16, #tpu.memory_space<hbm>>) target(%dma_start3A_1493 : memref<128x32xf16, #tpu.memory_space<vmem>>) offsets(%dma_start3A_1495 : memref<128xi32, #tpu.memory_space<vmem>>) semaphore(%arg11 : memref<!tpu.dma_semaphore, #tpu.memory_space<semaphore_mem>>)
    %dma_start3A_1499 = arith.constant 384 : i32
    %dma_start3A_1500 = arith.constant 0 : i32
    %dma_start3A_1501 = tpu.memref_slice %arg7[%dma_start3A_1499, %dma_start3A_1500] : memref<1024x32xf16, #tpu.memory_space<vmem>> -> memref<128x32xf16, #tpu.memory_space<vmem>>
    %dma_start3A_1502 = arith.constant 11648 : i32
    %dma_start3A_1503 = tpu.memref_slice %arg5[%dma_start3A_1502] : memref<13312xi32, #tpu.memory_space<vmem>> -> memref<128xi32, #tpu.memory_space<vmem>>
    %dma_start3A_1504 = arith.constant 0 : i32
    %dma_start3A_1505 = arith.constant 0 : i32
    %dma_start3A_1506 = tpu.memref_slice %arg3[%dma_start3A_1504, %dma_start3A_1505] : memref<1000000x32xf16, #tpu.memory_space<hbm>> -> memref<1000000x32xf16, #tpu.memory_space<hbm>>
    tpu.enqueue_indirect_dma source(%dma_start3A_1506 : memref<1000000x32xf16, #tpu.memory_space<hbm>>) target(%dma_start3A_1501 : memref<128x32xf16, #tpu.memory_space<vmem>>) offsets(%dma_start3A_1503 : memref<128xi32, #tpu.memory_space<vmem>>) semaphore(%arg11 : memref<!tpu.dma_semaphore, #tpu.memory_space<semaphore_mem>>)
    %dma_start3A_1507 = arith.constant 512 : i32
    %dma_start3A_1508 = arith.constant 0 : i32
    %dma_start3A_1509 = tpu.memref_slice %arg7[%dma_start3A_1507, %dma_start3A_1508] : memref<1024x32xf16, #tpu.memory_space<vmem>> -> memref<128x32xf16, #tpu.memory_space<vmem>>
    %dma_start3A_1510 = arith.constant 11776 : i32
    %dma_start3A_1511 = tpu.memref_slice %arg5[%dma_start3A_1510] : memref<13312xi32, #tpu.memory_space<vmem>> -> memref<128xi32, #tpu.memory_space<vmem>>
    %dma_start3A_1512 = arith.constant 0 : i32
    %dma_start3A_1513 = arith.constant 0 : i32
    %dma_start3A_1514 = tpu.memref_slice %arg3[%dma_start3A_1512, %dma_start3A_1513] : memref<1000000x32xf16, #tpu.memory_space<hbm>> -> memref<1000000x32xf16, #tpu.memory_space<hbm>>
    tpu.enqueue_indirect_dma source(%dma_start3A_1514 : memref<1000000x32xf16, #tpu.memory_space<hbm>>) target(%dma_start3A_1509 : memref<128x32xf16, #tpu.memory_space<vmem>>) offsets(%dma_start3A_1511 : memref<128xi32, #tpu.memory_space<vmem>>) semaphore(%arg11 : memref<!tpu.dma_semaphore, #tpu.memory_space<semaphore_mem>>)
    %dma_start3A_1515 = arith.constant 640 : i32
    %dma_start3A_1516 = arith.constant 0 : i32
    %dma_start3A_1517 = tpu.memref_slice %arg7[%dma_start3A_1515, %dma_start3A_1516] : memref<1024x32xf16, #tpu.memory_space<vmem>> -> memref<128x32xf16, #tpu.memory_space<vmem>>
    %dma_start3A_1518 = arith.constant 11904 : i32
    %dma_start3A_1519 = tpu.memref_slice %arg5[%dma_start3A_1518] : memref<13312xi32, #tpu.memory_space<vmem>> -> memref<128xi32, #tpu.memory_space<vmem>>
    %dma_start3A_1520 = arith.constant 0 : i32
    %dma_start3A_1521 = arith.constant 0 : i32
    %dma_start3A_1522 = tpu.memref_slice %arg3[%dma_start3A_1520, %dma_start3A_1521] : memref<1000000x32xf16, #tpu.memory_space<hbm>> -> memref<1000000x32xf16, #tpu.memory_space<hbm>>
    tpu.enqueue_indirect_dma source(%dma_start3A_1522 : memref<1000000x32xf16, #tpu.memory_space<hbm>>) target(%dma_start3A_1517 : memref<128x32xf16, #tpu.memory_space<vmem>>) offsets(%dma_start3A_1519 : memref<128xi32, #tpu.memory_space<vmem>>) semaphore(%arg11 : memref<!tpu.dma_semaphore, #tpu.memory_space<semaphore_mem>>)
    %dma_start3A_1523 = arith.constant 768 : i32
    %dma_start3A_1524 = arith.constant 0 : i32
    %dma_start3A_1525 = tpu.memref_slice %arg7[%dma_start3A_1523, %dma_start3A_1524] : memref<1024x32xf16, #tpu.memory_space<vmem>> -> memref<128x32xf16, #tpu.memory_space<vmem>>
    %dma_start3A_1526 = arith.constant 12032 : i32
    %dma_start3A_1527 = tpu.memref_slice %arg5[%dma_start3A_1526] : memref<13312xi32, #tpu.memory_space<vmem>> -> memref<128xi32, #tpu.memory_space<vmem>>
    %dma_start3A_1528 = arith.constant 0 : i32
    %dma_start3A_1529 = arith.constant 0 : i32
    %dma_start3A_1530 = tpu.memref_slice %arg3[%dma_start3A_1528, %dma_start3A_1529] : memref<1000000x32xf16, #tpu.memory_space<hbm>> -> memref<1000000x32xf16, #tpu.memory_space<hbm>>
    tpu.enqueue_indirect_dma source(%dma_start3A_1530 : memref<1000000x32xf16, #tpu.memory_space<hbm>>) target(%dma_start3A_1525 : memref<128x32xf16, #tpu.memory_space<vmem>>) offsets(%dma_start3A_1527 : memref<128xi32, #tpu.memory_space<vmem>>) semaphore(%arg11 : memref<!tpu.dma_semaphore, #tpu.memory_space<semaphore_mem>>)
    %dma_start3A_1531 = arith.constant 896 : i32
    %dma_start3A_1532 = arith.constant 0 : i32
    %dma_start3A_1533 = tpu.memref_slice %arg7[%dma_start3A_1531, %dma_start3A_1532] : memref<1024x32xf16, #tpu.memory_space<vmem>> -> memref<128x32xf16, #tpu.memory_space<vmem>>
    %dma_start3A_1534 = arith.constant 12160 : i32
    %dma_start3A_1535 = tpu.memref_slice %arg5[%dma_start3A_1534] : memref<13312xi32, #tpu.memory_space<vmem>> -> memref<128xi32, #tpu.memory_space<vmem>>
    %dma_start3A_1536 = arith.constant 0 : i32
    %dma_start3A_1537 = arith.constant 0 : i32
    %dma_start3A_1538 = tpu.memref_slice %arg3[%dma_start3A_1536, %dma_start3A_1537] : memref<1000000x32xf16, #tpu.memory_space<hbm>> -> memref<1000000x32xf16, #tpu.memory_space<hbm>>
    tpu.enqueue_indirect_dma source(%dma_start3A_1538 : memref<1000000x32xf16, #tpu.memory_space<hbm>>) target(%dma_start3A_1533 : memref<128x32xf16, #tpu.memory_space<vmem>>) offsets(%dma_start3A_1535 : memref<128xi32, #tpu.memory_space<vmem>>) semaphore(%arg11 : memref<!tpu.dma_semaphore, #tpu.memory_space<semaphore_mem>>)
    %dma_wait3A_1539 = arith.constant 0 : i32
    %dma_wait3A_1540 = arith.constant 0 : i32
    %dma_wait3A_1541 = tpu.memref_slice %arg6[%dma_wait3A_1539, %dma_wait3A_1540] : memref<1024x32xf16, #tpu.memory_space<vmem>> -> memref<128x32xf16, #tpu.memory_space<vmem>>
    %dma_wait3A_1542 = arith.constant 10240 : i32
    %dma_wait3A_1543 = tpu.memref_slice %arg5[%dma_wait3A_1542] : memref<13312xi32, #tpu.memory_space<vmem>> -> memref<128xi32, #tpu.memory_space<vmem>>
    %dma_wait3A_1544 = arith.constant 0 : i32
    %dma_wait3A_1545 = arith.constant 0 : i32
    %dma_wait3A_1546 = tpu.memref_slice %arg3[%dma_wait3A_1544, %dma_wait3A_1545] : memref<1000000x32xf16, #tpu.memory_space<hbm>> -> memref<1000000x32xf16, #tpu.memory_space<hbm>>
    tpu.wait_indirect_dma semaphore(%arg10 : memref<!tpu.dma_semaphore, #tpu.memory_space<semaphore_mem>>) src(%dma_wait3A_1546 : memref<1000000x32xf16, #tpu.memory_space<hbm>>) dst(%dma_wait3A_1541 : memref<128x32xf16, #tpu.memory_space<vmem>>)
    %dma_wait3A_1547 = arith.constant 128 : i32
    %dma_wait3A_1548 = arith.constant 0 : i32
    %dma_wait3A_1549 = tpu.memref_slice %arg6[%dma_wait3A_1547, %dma_wait3A_1548] : memref<1024x32xf16, #tpu.memory_space<vmem>> -> memref<128x32xf16, #tpu.memory_space<vmem>>
    %dma_wait3A_1550 = arith.constant 10368 : i32
    %dma_wait3A_1551 = tpu.memref_slice %arg5[%dma_wait3A_1550] : memref<13312xi32, #tpu.memory_space<vmem>> -> memref<128xi32, #tpu.memory_space<vmem>>
    %dma_wait3A_1552 = arith.constant 0 : i32
    %dma_wait3A_1553 = arith.constant 0 : i32
    %dma_wait3A_1554 = tpu.memref_slice %arg3[%dma_wait3A_1552, %dma_wait3A_1553] : memref<1000000x32xf16, #tpu.memory_space<hbm>> -> memref<1000000x32xf16, #tpu.memory_space<hbm>>
    tpu.wait_indirect_dma semaphore(%arg10 : memref<!tpu.dma_semaphore, #tpu.memory_space<semaphore_mem>>) src(%dma_wait3A_1554 : memref<1000000x32xf16, #tpu.memory_space<hbm>>) dst(%dma_wait3A_1549 : memref<128x32xf16, #tpu.memory_space<vmem>>)
    %dma_wait3A_1555 = arith.constant 256 : i32
    %dma_wait3A_1556 = arith.constant 0 : i32
    %dma_wait3A_1557 = tpu.memref_slice %arg6[%dma_wait3A_1555, %dma_wait3A_1556] : memref<1024x32xf16, #tpu.memory_space<vmem>> -> memref<128x32xf16, #tpu.memory_space<vmem>>
    %dma_wait3A_1558 = arith.constant 10496 : i32
    %dma_wait3A_1559 = tpu.memref_slice %arg5[%dma_wait3A_1558] : memref<13312xi32, #tpu.memory_space<vmem>> -> memref<128xi32, #tpu.memory_space<vmem>>
    %dma_wait3A_1560 = arith.constant 0 : i32
    %dma_wait3A_1561 = arith.constant 0 : i32
    %dma_wait3A_1562 = tpu.memref_slice %arg3[%dma_wait3A_1560, %dma_wait3A_1561] : memref<1000000x32xf16, #tpu.memory_space<hbm>> -> memref<1000000x32xf16, #tpu.memory_space<hbm>>
    tpu.wait_indirect_dma semaphore(%arg10 : memref<!tpu.dma_semaphore, #tpu.memory_space<semaphore_mem>>) src(%dma_wait3A_1562 : memref<1000000x32xf16, #tpu.memory_space<hbm>>) dst(%dma_wait3A_1557 : memref<128x32xf16, #tpu.memory_space<vmem>>)
    %dma_wait3A_1563 = arith.constant 384 : i32
    %dma_wait3A_1564 = arith.constant 0 : i32
    %dma_wait3A_1565 = tpu.memref_slice %arg6[%dma_wait3A_1563, %dma_wait3A_1564] : memref<1024x32xf16, #tpu.memory_space<vmem>> -> memref<128x32xf16, #tpu.memory_space<vmem>>
    %dma_wait3A_1566 = arith.constant 10624 : i32
    %dma_wait3A_1567 = tpu.memref_slice %arg5[%dma_wait3A_1566] : memref<13312xi32, #tpu.memory_space<vmem>> -> memref<128xi32, #tpu.memory_space<vmem>>
    %dma_wait3A_1568 = arith.constant 0 : i32
    %dma_wait3A_1569 = arith.constant 0 : i32
    %dma_wait3A_1570 = tpu.memref_slice %arg3[%dma_wait3A_1568, %dma_wait3A_1569] : memref<1000000x32xf16, #tpu.memory_space<hbm>> -> memref<1000000x32xf16, #tpu.memory_space<hbm>>
    tpu.wait_indirect_dma semaphore(%arg10 : memref<!tpu.dma_semaphore, #tpu.memory_space<semaphore_mem>>) src(%dma_wait3A_1570 : memref<1000000x32xf16, #tpu.memory_space<hbm>>) dst(%dma_wait3A_1565 : memref<128x32xf16, #tpu.memory_space<vmem>>)
    %dma_wait3A_1571 = arith.constant 512 : i32
    %dma_wait3A_1572 = arith.constant 0 : i32
    %dma_wait3A_1573 = tpu.memref_slice %arg6[%dma_wait3A_1571, %dma_wait3A_1572] : memref<1024x32xf16, #tpu.memory_space<vmem>> -> memref<128x32xf16, #tpu.memory_space<vmem>>
    %dma_wait3A_1574 = arith.constant 10752 : i32
    %dma_wait3A_1575 = tpu.memref_slice %arg5[%dma_wait3A_1574] : memref<13312xi32, #tpu.memory_space<vmem>> -> memref<128xi32, #tpu.memory_space<vmem>>
    %dma_wait3A_1576 = arith.constant 0 : i32
    %dma_wait3A_1577 = arith.constant 0 : i32
    %dma_wait3A_1578 = tpu.memref_slice %arg3[%dma_wait3A_1576, %dma_wait3A_1577] : memref<1000000x32xf16, #tpu.memory_space<hbm>> -> memref<1000000x32xf16, #tpu.memory_space<hbm>>
    tpu.wait_indirect_dma semaphore(%arg10 : memref<!tpu.dma_semaphore, #tpu.memory_space<semaphore_mem>>) src(%dma_wait3A_1578 : memref<1000000x32xf16, #tpu.memory_space<hbm>>) dst(%dma_wait3A_1573 : memref<128x32xf16, #tpu.memory_space<vmem>>)
    %dma_wait3A_1579 = arith.constant 640 : i32
    %dma_wait3A_1580 = arith.constant 0 : i32
    %dma_wait3A_1581 = tpu.memref_slice %arg6[%dma_wait3A_1579, %dma_wait3A_1580] : memref<1024x32xf16, #tpu.memory_space<vmem>> -> memref<128x32xf16, #tpu.memory_space<vmem>>
    %dma_wait3A_1582 = arith.constant 10880 : i32
    %dma_wait3A_1583 = tpu.memref_slice %arg5[%dma_wait3A_1582] : memref<13312xi32, #tpu.memory_space<vmem>> -> memref<128xi32, #tpu.memory_space<vmem>>
    %dma_wait3A_1584 = arith.constant 0 : i32
    %dma_wait3A_1585 = arith.constant 0 : i32
    %dma_wait3A_1586 = tpu.memref_slice %arg3[%dma_wait3A_1584, %dma_wait3A_1585] : memref<1000000x32xf16, #tpu.memory_space<hbm>> -> memref<1000000x32xf16, #tpu.memory_space<hbm>>
    tpu.wait_indirect_dma semaphore(%arg10 : memref<!tpu.dma_semaphore, #tpu.memory_space<semaphore_mem>>) src(%dma_wait3A_1586 : memref<1000000x32xf16, #tpu.memory_space<hbm>>) dst(%dma_wait3A_1581 : memref<128x32xf16, #tpu.memory_space<vmem>>)
    %dma_wait3A_1587 = arith.constant 768 : i32
    %dma_wait3A_1588 = arith.constant 0 : i32
    %dma_wait3A_1589 = tpu.memref_slice %arg6[%dma_wait3A_1587, %dma_wait3A_1588] : memref<1024x32xf16, #tpu.memory_space<vmem>> -> memref<128x32xf16, #tpu.memory_space<vmem>>
    %dma_wait3A_1590 = arith.constant 11008 : i32
    %dma_wait3A_1591 = tpu.memref_slice %arg5[%dma_wait3A_1590] : memref<13312xi32, #tpu.memory_space<vmem>> -> memref<128xi32, #tpu.memory_space<vmem>>
    %dma_wait3A_1592 = arith.constant 0 : i32
    %dma_wait3A_1593 = arith.constant 0 : i32
    %dma_wait3A_1594 = tpu.memref_slice %arg3[%dma_wait3A_1592, %dma_wait3A_1593] : memref<1000000x32xf16, #tpu.memory_space<hbm>> -> memref<1000000x32xf16, #tpu.memory_space<hbm>>
    tpu.wait_indirect_dma semaphore(%arg10 : memref<!tpu.dma_semaphore, #tpu.memory_space<semaphore_mem>>) src(%dma_wait3A_1594 : memref<1000000x32xf16, #tpu.memory_space<hbm>>) dst(%dma_wait3A_1589 : memref<128x32xf16, #tpu.memory_space<vmem>>)
    %dma_wait3A_1595 = arith.constant 896 : i32
    %dma_wait3A_1596 = arith.constant 0 : i32
    %dma_wait3A_1597 = tpu.memref_slice %arg6[%dma_wait3A_1595, %dma_wait3A_1596] : memref<1024x32xf16, #tpu.memory_space<vmem>> -> memref<128x32xf16, #tpu.memory_space<vmem>>
    %dma_wait3A_1598 = arith.constant 11136 : i32
    %dma_wait3A_1599 = tpu.memref_slice %arg5[%dma_wait3A_1598] : memref<13312xi32, #tpu.memory_space<vmem>> -> memref<128xi32, #tpu.memory_space<vmem>>
    %dma_wait3A_1600 = arith.constant 0 : i32
    %dma_wait3A_1601 = arith.constant 0 : i32
    %dma_wait3A_1602 = tpu.memref_slice %arg3[%dma_wait3A_1600, %dma_wait3A_1601] : memref<1000000x32xf16, #tpu.memory_space<hbm>> -> memref<1000000x32xf16, #tpu.memory_space<hbm>>
    tpu.wait_indirect_dma semaphore(%arg10 : memref<!tpu.dma_semaphore, #tpu.memory_space<semaphore_mem>>) src(%dma_wait3A_1602 : memref<1000000x32xf16, #tpu.memory_space<hbm>>) dst(%dma_wait3A_1597 : memref<128x32xf16, #tpu.memory_space<vmem>>)
    %dma_wait3A_1603 = arith.constant 0 : i32
    %dma_wait3A_1604 = tpu.memref_slice %arg4[%add3A_1329, %dma_wait3A_1603] : memref<425984x32xf32, #tpu.memory_space<hbm>> -> memref<1024x32xf32, #tpu.memory_space<hbm>>
    %dma_wait3A_1605 = arith.constant 0 : i32
    %dma_wait3A_1606 = tpu.memref_slice %arg4[%add3A_1329, %dma_wait3A_1605] : memref<425984x32xf32, #tpu.memory_space<hbm>> -> memref<1024x32xf32, #tpu.memory_space<hbm>>
    tpu.wait_dma2 semaphore(%arg12 : memref<!tpu.dma_semaphore, #tpu.memory_space<semaphore_mem>>) src(%arg8 : memref<1024x32xf32, #tpu.memory_space<vmem>>) dst(%dma_wait3A_1606 : memref<1024x32xf32, #tpu.memory_space<hbm>>)
    %parallel_loop3A_1607 = arith.constant 0 : i32
    %parallel_loop3A_1608 = arith.constant 1024 : i32
    %parallel_loop3A_1609 = arith.constant 1 : i32
    scf.for %parallel_loop3A_1842 = %parallel_loop3A_1607 to %parallel_loop3A_1608 step %parallel_loop3A_1609  : i32 {
      %parallel_loop3A_1843 = arith.index_cast %parallel_loop3A_1842 : i32 to index
      %parallel_loop3A_1844 = arith.constant 0 : index
      %parallel_loop3A_1845 = tpu.vector_load %arg6[%parallel_loop3A_1843, %parallel_loop3A_1844] {strides = array<i32>} : memref<1024x32xf16, #tpu.memory_space<vmem>>, vector<32xf16>,
      %parallel_loop3A_1846 = tpu.bitcast %parallel_loop3A_1845 : vector<32xf16> -> vector<32xi16>
      %parallel_loop3A_1847 = tpu.unpack_subelements %parallel_loop3A_1846, 0 {pack_format = #tpu.pack_format<interleaved>} : vector<32xi16> -> vector<16xi32>
      %parallel_loop3A_1848 = tpu.unpack_subelements %parallel_loop3A_1846, 1 {pack_format = #tpu.pack_format<interleaved>} : vector<32xi16> -> vector<16xi32>
      %parallel_loop3A_1849 = arith.constant 16 : i32
      %parallel_loop3A_1850 = vector.broadcast %parallel_loop3A_1849 : i32 to vector<16xi32>
      %parallel_loop3A_1851 = arith.shli %parallel_loop3A_1847, %parallel_loop3A_1850 : vector<16xi32>
      %parallel_loop3A_1852 = arith.constant 3 : i32
      %parallel_loop3A_1853 = vector.broadcast %parallel_loop3A_1852 : i32 to vector<16xi32>
      %parallel_loop3A_1854 = arith.shrsi %parallel_loop3A_1851, %parallel_loop3A_1853 : vector<16xi32>
      %parallel_loop3A_1855 = arith.constant -1879056384 : i32
      %parallel_loop3A_1856 = vector.broadcast %parallel_loop3A_1855 : i32 to vector<16xi32>
      %parallel_loop3A_1857 = arith.andi %parallel_loop3A_1854, %parallel_loop3A_1856 : vector<16xi32>
      %parallel_loop3A_1858 = tpu.bitcast %parallel_loop3A_1857 : vector<16xi32> -> vector<16xf32>
      %parallel_loop3A_1859 = arith.constant 5.19229686E+33 : f32
      %parallel_loop3A_1860 = vector.broadcast %parallel_loop3A_1859 : f32 to vector<16xf32>
      %parallel_loop3A_1861 = arith.mulf %parallel_loop3A_1858, %parallel_loop3A_1860 : vector<16xf32>
      %parallel_loop3A_1862 = arith.constant 16 : i32
      %parallel_loop3A_1863 = vector.broadcast %parallel_loop3A_1862 : i32 to vector<16xi32>
      %parallel_loop3A_1864 = arith.shli %parallel_loop3A_1848, %parallel_loop3A_1863 : vector<16xi32>
      %parallel_loop3A_1865 = arith.constant 3 : i32
      %parallel_loop3A_1866 = vector.broadcast %parallel_loop3A_1865 : i32 to vector<16xi32>
      %parallel_loop3A_1867 = arith.shrsi %parallel_loop3A_1864, %parallel_loop3A_1866 : vector<16xi32>
      %parallel_loop3A_1868 = arith.constant -1879056384 : i32
      %parallel_loop3A_1869 = vector.broadcast %parallel_loop3A_1868 : i32 to vector<16xi32>
      %parallel_loop3A_1870 = arith.andi %parallel_loop3A_1867, %parallel_loop3A_1869 : vector<16xi32>
      %parallel_loop3A_1871 = tpu.bitcast %parallel_loop3A_1870 : vector<16xi32> -> vector<16xf32>
      %parallel_loop3A_1872 = arith.constant 5.19229686E+33 : f32
      %parallel_loop3A_1873 = vector.broadcast %parallel_loop3A_1872 : f32 to vector<16xf32>
      %parallel_loop3A_1874 = arith.mulf %parallel_loop3A_1871, %parallel_loop3A_1873 : vector<16xf32>
      %parallel_loop3A_1875 = vector.shape_cast %shift_right_arithmetic3A_8 : vector<16xi32> to vector<16x1xi32>
      %parallel_loop3A_1876 = vector.shape_cast %parallel_loop3A_1875 : vector<16x1xi32> to vector<16xi32>
      %parallel_loop3A_1877 = tpu.dynamic_gather %parallel_loop3A_1861[%parallel_loop3A_1876] in [0] : vector<16xf32>, vector<16xi32> -> vector<16xf32>
      %parallel_loop3A_1878 = vector.shape_cast %shift_right_arithmetic3A_8 : vector<16xi32> to vector<16x1xi32>
      %parallel_loop3A_1879 = vector.shape_cast %parallel_loop3A_1878 : vector<16x1xi32> to vector<16xi32>
      %parallel_loop3A_1880 = tpu.dynamic_gather %parallel_loop3A_1874[%parallel_loop3A_1879] in [0] : vector<16xf32>, vector<16xi32> -> vector<16xf32>
      %parallel_loop3A_1881 = arith.select %eq3A_6, %parallel_loop3A_1877, %parallel_loop3A_1880 : vector<16xi1>, vector<16xf32>
      %parallel_loop3A_1882 = arith.index_cast %parallel_loop3A_1842 : i32 to index
      %parallel_loop3A_1883 = arith.constant 0 : index
      %parallel_loop3A_1884 = tpu.vector_load %arg8[%parallel_loop3A_1882, %parallel_loop3A_1883] {strides = array<i32>} : memref<1024x32xf32, #tpu.memory_space<vmem>>, vector<16xf32>,
      tpu.vector_store %arg8[%parallel_loop3A_1882, %parallel_loop3A_1883], %parallel_loop3A_1881 {strides = array<i32>} : memref<1024x32xf32, #tpu.memory_space<vmem>>, vector<16xf32>,
      %parallel_loop3A_1885 = vector.shape_cast %add3A_11 : vector<16xi32> to vector<16x1xi32>
      %parallel_loop3A_1886 = vector.shape_cast %parallel_loop3A_1885 : vector<16x1xi32> to vector<16xi32>
      %parallel_loop3A_1887 = tpu.dynamic_gather %parallel_loop3A_1861[%parallel_loop3A_1886] in [0] : vector<16xf32>, vector<16xi32> -> vector<16xf32>
      %parallel_loop3A_1888 = vector.shape_cast %add3A_11 : vector<16xi32> to vector<16x1xi32>
      %parallel_loop3A_1889 = vector.shape_cast %parallel_loop3A_1888 : vector<16x1xi32> to vector<16xi32>
      %parallel_loop3A_1890 = tpu.dynamic_gather %parallel_loop3A_1874[%parallel_loop3A_1889] in [0] : vector<16xf32>, vector<16xi32> -> vector<16xf32>
      %parallel_loop3A_1891 = arith.select %eq3A_6, %parallel_loop3A_1887, %parallel_loop3A_1890 : vector<16xi1>, vector<16xf32>
      %parallel_loop3A_1892 = arith.index_cast %parallel_loop3A_1842 : i32 to index
      %parallel_loop3A_1893 = arith.constant 16 : index
      %parallel_loop3A_1894 = tpu.vector_load %arg8[%parallel_loop3A_1892, %parallel_loop3A_1893] {strides = array<i32>} : memref<1024x32xf32, #tpu.memory_space<vmem>>, vector<16xf32>,
      tpu.vector_store %arg8[%parallel_loop3A_1892, %parallel_loop3A_1893], %parallel_loop3A_1891 {strides = array<i32>} : memref<1024x32xf32, #tpu.memory_space<vmem>>, vector<16xf32>,
    } {sc.loop_unroll_factor = 4 : i64, sc.parallel_access}
    %add3A_1610 = arith.constant 10240 : i32
    %add3A_1611 = arith.addi %mul3A_2, %add3A_1610 : i32
    %dma_start3A_1612 = arith.constant 0 : i32
    %dma_start3A_1613 = tpu.memref_slice %arg4[%add3A_1611, %dma_start3A_1612] : memref<425984x32xf32, #tpu.memory_space<hbm>> -> memref<1024x32xf32, #tpu.memory_space<hbm>>
    %dma_start3A_1614 = arith.constant 0 : i32
    %dma_start3A_1615 = tpu.memref_slice %arg4[%add3A_1611, %dma_start3A_1614] : memref<425984x32xf32, #tpu.memory_space<hbm>> -> memref<1024x32xf32, #tpu.memory_space<hbm>>
    tpu.enqueue_dma source(%arg8 : memref<1024x32xf32, #tpu.memory_space<vmem>>) target(%dma_start3A_1615 : memref<1024x32xf32, #tpu.memory_space<hbm>>) target_semaphore(%arg12 : memref<!tpu.dma_semaphore, #tpu.memory_space<semaphore_mem>>)
    %dma_start3A_1616 = arith.constant 0 : i32
    %dma_start3A_1617 = arith.constant 0 : i32
    %dma_start3A_1618 = tpu.memref_slice %arg6[%dma_start3A_1616, %dma_start3A_1617] : memref<1024x32xf16, #tpu.memory_space<vmem>> -> memref<128x32xf16, #tpu.memory_space<vmem>>
    %dma_start3A_1619 = arith.constant 12288 : i32
    %dma_start3A_1620 = tpu.memref_slice %arg5[%dma_start3A_1619] : memref<13312xi32, #tpu.memory_space<vmem>> -> memref<128xi32, #tpu.memory_space<vmem>>
    %dma_start3A_1621 = arith.constant 0 : i32
    %dma_start3A_1622 = arith.constant 0 : i32
    %dma_start3A_1623 = tpu.memref_slice %arg3[%dma_start3A_1621, %dma_start3A_1622] : memref<1000000x32xf16, #tpu.memory_space<hbm>> -> memref<1000000x32xf16, #tpu.memory_space<hbm>>
    tpu.enqueue_indirect_dma source(%dma_start3A_1623 : memref<1000000x32xf16, #tpu.memory_space<hbm>>) target(%dma_start3A_1618 : memref<128x32xf16, #tpu.memory_space<vmem>>) offsets(%dma_start3A_1620 : memref<128xi32, #tpu.memory_space<vmem>>) semaphore(%arg10 : memref<!tpu.dma_semaphore, #tpu.memory_space<semaphore_mem>>)
    %dma_start3A_1624 = arith.constant 128 : i32
    %dma_start3A_1625 = arith.constant 0 : i32
    %dma_start3A_1626 = tpu.memref_slice %arg6[%dma_start3A_1624, %dma_start3A_1625] : memref<1024x32xf16, #tpu.memory_space<vmem>> -> memref<128x32xf16, #tpu.memory_space<vmem>>
    %dma_start3A_1627 = arith.constant 12416 : i32
    %dma_start3A_1628 = tpu.memref_slice %arg5[%dma_start3A_1627] : memref<13312xi32, #tpu.memory_space<vmem>> -> memref<128xi32, #tpu.memory_space<vmem>>
    %dma_start3A_1629 = arith.constant 0 : i32
    %dma_start3A_1630 = arith.constant 0 : i32
    %dma_start3A_1631 = tpu.memref_slice %arg3[%dma_start3A_1629, %dma_start3A_1630] : memref<1000000x32xf16, #tpu.memory_space<hbm>> -> memref<1000000x32xf16, #tpu.memory_space<hbm>>
    tpu.enqueue_indirect_dma source(%dma_start3A_1631 : memref<1000000x32xf16, #tpu.memory_space<hbm>>) target(%dma_start3A_1626 : memref<128x32xf16, #tpu.memory_space<vmem>>) offsets(%dma_start3A_1628 : memref<128xi32, #tpu.memory_space<vmem>>) semaphore(%arg10 : memref<!tpu.dma_semaphore, #tpu.memory_space<semaphore_mem>>)
    %dma_start3A_1632 = arith.constant 256 : i32
    %dma_start3A_1633 = arith.constant 0 : i32
    %dma_start3A_1634 = tpu.memref_slice %arg6[%dma_start3A_1632, %dma_start3A_1633] : memref<1024x32xf16, #tpu.memory_space<vmem>> -> memref<128x32xf16, #tpu.memory_space<vmem>>
    %dma_start3A_1635 = arith.constant 12544 : i32
    %dma_start3A_1636 = tpu.memref_slice %arg5[%dma_start3A_1635] : memref<13312xi32, #tpu.memory_space<vmem>> -> memref<128xi32, #tpu.memory_space<vmem>>
    %dma_start3A_1637 = arith.constant 0 : i32
    %dma_start3A_1638 = arith.constant 0 : i32
    %dma_start3A_1639 = tpu.memref_slice %arg3[%dma_start3A_1637, %dma_start3A_1638] : memref<1000000x32xf16, #tpu.memory_space<hbm>> -> memref<1000000x32xf16, #tpu.memory_space<hbm>>
    tpu.enqueue_indirect_dma source(%dma_start3A_1639 : memref<1000000x32xf16, #tpu.memory_space<hbm>>) target(%dma_start3A_1634 : memref<128x32xf16, #tpu.memory_space<vmem>>) offsets(%dma_start3A_1636 : memref<128xi32, #tpu.memory_space<vmem>>) semaphore(%arg10 : memref<!tpu.dma_semaphore, #tpu.memory_space<semaphore_mem>>)
    %dma_start3A_1640 = arith.constant 384 : i32
    %dma_start3A_1641 = arith.constant 0 : i32
    %dma_start3A_1642 = tpu.memref_slice %arg6[%dma_start3A_1640, %dma_start3A_1641] : memref<1024x32xf16, #tpu.memory_space<vmem>> -> memref<128x32xf16, #tpu.memory_space<vmem>>
    %dma_start3A_1643 = arith.constant 12672 : i32
    %dma_start3A_1644 = tpu.memref_slice %arg5[%dma_start3A_1643] : memref<13312xi32, #tpu.memory_space<vmem>> -> memref<128xi32, #tpu.memory_space<vmem>>
    %dma_start3A_1645 = arith.constant 0 : i32
    %dma_start3A_1646 = arith.constant 0 : i32
    %dma_start3A_1647 = tpu.memref_slice %arg3[%dma_start3A_1645, %dma_start3A_1646] : memref<1000000x32xf16, #tpu.memory_space<hbm>> -> memref<1000000x32xf16, #tpu.memory_space<hbm>>
    tpu.enqueue_indirect_dma source(%dma_start3A_1647 : memref<1000000x32xf16, #tpu.memory_space<hbm>>) target(%dma_start3A_1642 : memref<128x32xf16, #tpu.memory_space<vmem>>) offsets(%dma_start3A_1644 : memref<128xi32, #tpu.memory_space<vmem>>) semaphore(%arg10 : memref<!tpu.dma_semaphore, #tpu.memory_space<semaphore_mem>>)
    %dma_start3A_1648 = arith.constant 512 : i32
    %dma_start3A_1649 = arith.constant 0 : i32
    %dma_start3A_1650 = tpu.memref_slice %arg6[%dma_start3A_1648, %dma_start3A_1649] : memref<1024x32xf16, #tpu.memory_space<vmem>> -> memref<128x32xf16, #tpu.memory_space<vmem>>
    %dma_start3A_1651 = arith.constant 12800 : i32
    %dma_start3A_1652 = tpu.memref_slice %arg5[%dma_start3A_1651] : memref<13312xi32, #tpu.memory_space<vmem>> -> memref<128xi32, #tpu.memory_space<vmem>>
    %dma_start3A_1653 = arith.constant 0 : i32
    %dma_start3A_1654 = arith.constant 0 : i32
    %dma_start3A_1655 = tpu.memref_slice %arg3[%dma_start3A_1653, %dma_start3A_1654] : memref<1000000x32xf16, #tpu.memory_space<hbm>> -> memref<1000000x32xf16, #tpu.memory_space<hbm>>
    tpu.enqueue_indirect_dma source(%dma_start3A_1655 : memref<1000000x32xf16, #tpu.memory_space<hbm>>) target(%dma_start3A_1650 : memref<128x32xf16, #tpu.memory_space<vmem>>) offsets(%dma_start3A_1652 : memref<128xi32, #tpu.memory_space<vmem>>) semaphore(%arg10 : memref<!tpu.dma_semaphore, #tpu.memory_space<semaphore_mem>>)
    %dma_start3A_1656 = arith.constant 640 : i32
    %dma_start3A_1657 = arith.constant 0 : i32
    %dma_start3A_1658 = tpu.memref_slice %arg6[%dma_start3A_1656, %dma_start3A_1657] : memref<1024x32xf16, #tpu.memory_space<vmem>> -> memref<128x32xf16, #tpu.memory_space<vmem>>
    %dma_start3A_1659 = arith.constant 12928 : i32
    %dma_start3A_1660 = tpu.memref_slice %arg5[%dma_start3A_1659] : memref<13312xi32, #tpu.memory_space<vmem>> -> memref<128xi32, #tpu.memory_space<vmem>>
    %dma_start3A_1661 = arith.constant 0 : i32
    %dma_start3A_1662 = arith.constant 0 : i32
    %dma_start3A_1663 = tpu.memref_slice %arg3[%dma_start3A_1661, %dma_start3A_1662] : memref<1000000x32xf16, #tpu.memory_space<hbm>> -> memref<1000000x32xf16, #tpu.memory_space<hbm>>
    tpu.enqueue_indirect_dma source(%dma_start3A_1663 : memref<1000000x32xf16, #tpu.memory_space<hbm>>) target(%dma_start3A_1658 : memref<128x32xf16, #tpu.memory_space<vmem>>) offsets(%dma_start3A_1660 : memref<128xi32, #tpu.memory_space<vmem>>) semaphore(%arg10 : memref<!tpu.dma_semaphore, #tpu.memory_space<semaphore_mem>>)
    %dma_start3A_1664 = arith.constant 768 : i32
    %dma_start3A_1665 = arith.constant 0 : i32
    %dma_start3A_1666 = tpu.memref_slice %arg6[%dma_start3A_1664, %dma_start3A_1665] : memref<1024x32xf16, #tpu.memory_space<vmem>> -> memref<128x32xf16, #tpu.memory_space<vmem>>
    %dma_start3A_1667 = arith.constant 13056 : i32
    %dma_start3A_1668 = tpu.memref_slice %arg5[%dma_start3A_1667] : memref<13312xi32, #tpu.memory_space<vmem>> -> memref<128xi32, #tpu.memory_space<vmem>>
    %dma_start3A_1669 = arith.constant 0 : i32
    %dma_start3A_1670 = arith.constant 0 : i32
    %dma_start3A_1671 = tpu.memref_slice %arg3[%dma_start3A_1669, %dma_start3A_1670] : memref<1000000x32xf16, #tpu.memory_space<hbm>> -> memref<1000000x32xf16, #tpu.memory_space<hbm>>
    tpu.enqueue_indirect_dma source(%dma_start3A_1671 : memref<1000000x32xf16, #tpu.memory_space<hbm>>) target(%dma_start3A_1666 : memref<128x32xf16, #tpu.memory_space<vmem>>) offsets(%dma_start3A_1668 : memref<128xi32, #tpu.memory_space<vmem>>) semaphore(%arg10 : memref<!tpu.dma_semaphore, #tpu.memory_space<semaphore_mem>>)
    %dma_start3A_1672 = arith.constant 896 : i32
    %dma_start3A_1673 = arith.constant 0 : i32
    %dma_start3A_1674 = tpu.memref_slice %arg6[%dma_start3A_1672, %dma_start3A_1673] : memref<1024x32xf16, #tpu.memory_space<vmem>> -> memref<128x32xf16, #tpu.memory_space<vmem>>
    %dma_start3A_1675 = arith.constant 13184 : i32
    %dma_start3A_1676 = tpu.memref_slice %arg5[%dma_start3A_1675] : memref<13312xi32, #tpu.memory_space<vmem>> -> memref<128xi32, #tpu.memory_space<vmem>>
    %dma_start3A_1677 = arith.constant 0 : i32
    %dma_start3A_1678 = arith.constant 0 : i32
    %dma_start3A_1679 = tpu.memref_slice %arg3[%dma_start3A_1677, %dma_start3A_1678] : memref<1000000x32xf16, #tpu.memory_space<hbm>> -> memref<1000000x32xf16, #tpu.memory_space<hbm>>
    tpu.enqueue_indirect_dma source(%dma_start3A_1679 : memref<1000000x32xf16, #tpu.memory_space<hbm>>) target(%dma_start3A_1674 : memref<128x32xf16, #tpu.memory_space<vmem>>) offsets(%dma_start3A_1676 : memref<128xi32, #tpu.memory_space<vmem>>) semaphore(%arg10 : memref<!tpu.dma_semaphore, #tpu.memory_space<semaphore_mem>>)
    %dma_wait3A_1680 = arith.constant 0 : i32
    %dma_wait3A_1681 = arith.constant 0 : i32
    %dma_wait3A_1682 = tpu.memref_slice %arg7[%dma_wait3A_1680, %dma_wait3A_1681] : memref<1024x32xf16, #tpu.memory_space<vmem>> -> memref<128x32xf16, #tpu.memory_space<vmem>>
    %dma_wait3A_1683 = arith.constant 11264 : i32
    %dma_wait3A_1684 = tpu.memref_slice %arg5[%dma_wait3A_1683] : memref<13312xi32, #tpu.memory_space<vmem>> -> memref<128xi32, #tpu.memory_space<vmem>>
    %dma_wait3A_1685 = arith.constant 0 : i32
    %dma_wait3A_1686 = arith.constant 0 : i32
    %dma_wait3A_1687 = tpu.memref_slice %arg3[%dma_wait3A_1685, %dma_wait3A_1686] : memref<1000000x32xf16, #tpu.memory_space<hbm>> -> memref<1000000x32xf16, #tpu.memory_space<hbm>>
    tpu.wait_indirect_dma semaphore(%arg11 : memref<!tpu.dma_semaphore, #tpu.memory_space<semaphore_mem>>) src(%dma_wait3A_1687 : memref<1000000x32xf16, #tpu.memory_space<hbm>>) dst(%dma_wait3A_1682 : memref<128x32xf16, #tpu.memory_space<vmem>>)
    %dma_wait3A_1688 = arith.constant 128 : i32
    %dma_wait3A_1689 = arith.constant 0 : i32
    %dma_wait3A_1690 = tpu.memref_slice %arg7[%dma_wait3A_1688, %dma_wait3A_1689] : memref<1024x32xf16, #tpu.memory_space<vmem>> -> memref<128x32xf16, #tpu.memory_space<vmem>>
    %dma_wait3A_1691 = arith.constant 11392 : i32
    %dma_wait3A_1692 = tpu.memref_slice %arg5[%dma_wait3A_1691] : memref<13312xi32, #tpu.memory_space<vmem>> -> memref<128xi32, #tpu.memory_space<vmem>>
    %dma_wait3A_1693 = arith.constant 0 : i32
    %dma_wait3A_1694 = arith.constant 0 : i32
    %dma_wait3A_1695 = tpu.memref_slice %arg3[%dma_wait3A_1693, %dma_wait3A_1694] : memref<1000000x32xf16, #tpu.memory_space<hbm>> -> memref<1000000x32xf16, #tpu.memory_space<hbm>>
    tpu.wait_indirect_dma semaphore(%arg11 : memref<!tpu.dma_semaphore, #tpu.memory_space<semaphore_mem>>) src(%dma_wait3A_1695 : memref<1000000x32xf16, #tpu.memory_space<hbm>>) dst(%dma_wait3A_1690 : memref<128x32xf16, #tpu.memory_space<vmem>>)
    %dma_wait3A_1696 = arith.constant 256 : i32
    %dma_wait3A_1697 = arith.constant 0 : i32
    %dma_wait3A_1698 = tpu.memref_slice %arg7[%dma_wait3A_1696, %dma_wait3A_1697] : memref<1024x32xf16, #tpu.memory_space<vmem>> -> memref<128x32xf16, #tpu.memory_space<vmem>>
    %dma_wait3A_1699 = arith.constant 11520 : i32
    %dma_wait3A_1700 = tpu.memref_slice %arg5[%dma_wait3A_1699] : memref<13312xi32, #tpu.memory_space<vmem>> -> memref<128xi32, #tpu.memory_space<vmem>>
    %dma_wait3A_1701 = arith.constant 0 : i32
    %dma_wait3A_1702 = arith.constant 0 : i32
    %dma_wait3A_1703 = tpu.memref_slice %arg3[%dma_wait3A_1701, %dma_wait3A_1702] : memref<1000000x32xf16, #tpu.memory_space<hbm>> -> memref<1000000x32xf16, #tpu.memory_space<hbm>>
    tpu.wait_indirect_dma semaphore(%arg11 : memref<!tpu.dma_semaphore, #tpu.memory_space<semaphore_mem>>) src(%dma_wait3A_1703 : memref<1000000x32xf16, #tpu.memory_space<hbm>>) dst(%dma_wait3A_1698 : memref<128x32xf16, #tpu.memory_space<vmem>>)
    %dma_wait3A_1704 = arith.constant 384 : i32
    %dma_wait3A_1705 = arith.constant 0 : i32
    %dma_wait3A_1706 = tpu.memref_slice %arg7[%dma_wait3A_1704, %dma_wait3A_1705] : memref<1024x32xf16, #tpu.memory_space<vmem>> -> memref<128x32xf16, #tpu.memory_space<vmem>>
    %dma_wait3A_1707 = arith.constant 11648 : i32
    %dma_wait3A_1708 = tpu.memref_slice %arg5[%dma_wait3A_1707] : memref<13312xi32, #tpu.memory_space<vmem>> -> memref<128xi32, #tpu.memory_space<vmem>>
    %dma_wait3A_1709 = arith.constant 0 : i32
    %dma_wait3A_1710 = arith.constant 0 : i32
    %dma_wait3A_1711 = tpu.memref_slice %arg3[%dma_wait3A_1709, %dma_wait3A_1710] : memref<1000000x32xf16, #tpu.memory_space<hbm>> -> memref<1000000x32xf16, #tpu.memory_space<hbm>>
    tpu.wait_indirect_dma semaphore(%arg11 : memref<!tpu.dma_semaphore, #tpu.memory_space<semaphore_mem>>) src(%dma_wait3A_1711 : memref<1000000x32xf16, #tpu.memory_space<hbm>>) dst(%dma_wait3A_1706 : memref<128x32xf16, #tpu.memory_space<vmem>>)
    %dma_wait3A_1712 = arith.constant 512 : i32
    %dma_wait3A_1713 = arith.constant 0 : i32
    %dma_wait3A_1714 = tpu.memref_slice %arg7[%dma_wait3A_1712, %dma_wait3A_1713] : memref<1024x32xf16, #tpu.memory_space<vmem>> -> memref<128x32xf16, #tpu.memory_space<vmem>>
    %dma_wait3A_1715 = arith.constant 11776 : i32
    %dma_wait3A_1716 = tpu.memref_slice %arg5[%dma_wait3A_1715] : memref<13312xi32, #tpu.memory_space<vmem>> -> memref<128xi32, #tpu.memory_space<vmem>>
    %dma_wait3A_1717 = arith.constant 0 : i32
    %dma_wait3A_1718 = arith.constant 0 : i32
    %dma_wait3A_1719 = tpu.memref_slice %arg3[%dma_wait3A_1717, %dma_wait3A_1718] : memref<1000000x32xf16, #tpu.memory_space<hbm>> -> memref<1000000x32xf16, #tpu.memory_space<hbm>>
    tpu.wait_indirect_dma semaphore(%arg11 : memref<!tpu.dma_semaphore, #tpu.memory_space<semaphore_mem>>) src(%dma_wait3A_1719 : memref<1000000x32xf16, #tpu.memory_space<hbm>>) dst(%dma_wait3A_1714 : memref<128x32xf16, #tpu.memory_space<vmem>>)
    %dma_wait3A_1720 = arith.constant 640 : i32
    %dma_wait3A_1721 = arith.constant 0 : i32
    %dma_wait3A_1722 = tpu.memref_slice %arg7[%dma_wait3A_1720, %dma_wait3A_1721] : memref<1024x32xf16, #tpu.memory_space<vmem>> -> memref<128x32xf16, #tpu.memory_space<vmem>>
    %dma_wait3A_1723 = arith.constant 11904 : i32
    %dma_wait3A_1724 = tpu.memref_slice %arg5[%dma_wait3A_1723] : memref<13312xi32, #tpu.memory_space<vmem>> -> memref<128xi32, #tpu.memory_space<vmem>>
    %dma_wait3A_1725 = arith.constant 0 : i32
    %dma_wait3A_1726 = arith.constant 0 : i32
    %dma_wait3A_1727 = tpu.memref_slice %arg3[%dma_wait3A_1725, %dma_wait3A_1726] : memref<1000000x32xf16, #tpu.memory_space<hbm>> -> memref<1000000x32xf16, #tpu.memory_space<hbm>>
    tpu.wait_indirect_dma semaphore(%arg11 : memref<!tpu.dma_semaphore, #tpu.memory_space<semaphore_mem>>) src(%dma_wait3A_1727 : memref<1000000x32xf16, #tpu.memory_space<hbm>>) dst(%dma_wait3A_1722 : memref<128x32xf16, #tpu.memory_space<vmem>>)
    %dma_wait3A_1728 = arith.constant 768 : i32
    %dma_wait3A_1729 = arith.constant 0 : i32
    %dma_wait3A_1730 = tpu.memref_slice %arg7[%dma_wait3A_1728, %dma_wait3A_1729] : memref<1024x32xf16, #tpu.memory_space<vmem>> -> memref<128x32xf16, #tpu.memory_space<vmem>>
    %dma_wait3A_1731 = arith.constant 12032 : i32
    %dma_wait3A_1732 = tpu.memref_slice %arg5[%dma_wait3A_1731] : memref<13312xi32, #tpu.memory_space<vmem>> -> memref<128xi32, #tpu.memory_space<vmem>>
    %dma_wait3A_1733 = arith.constant 0 : i32
    %dma_wait3A_1734 = arith.constant 0 : i32
    %dma_wait3A_1735 = tpu.memref_slice %arg3[%dma_wait3A_1733, %dma_wait3A_1734] : memref<1000000x32xf16, #tpu.memory_space<hbm>> -> memref<1000000x32xf16, #tpu.memory_space<hbm>>
    tpu.wait_indirect_dma semaphore(%arg11 : memref<!tpu.dma_semaphore, #tpu.memory_space<semaphore_mem>>) src(%dma_wait3A_1735 : memref<1000000x32xf16, #tpu.memory_space<hbm>>) dst(%dma_wait3A_1730 : memref<128x32xf16, #tpu.memory_space<vmem>>)
    %dma_wait3A_1736 = arith.constant 896 : i32
    %dma_wait3A_1737 = arith.constant 0 : i32
    %dma_wait3A_1738 = tpu.memref_slice %arg7[%dma_wait3A_1736, %dma_wait3A_1737] : memref<1024x32xf16, #tpu.memory_space<vmem>> -> memref<128x32xf16, #tpu.memory_space<vmem>>
    %dma_wait3A_1739 = arith.constant 12160 : i32
    %dma_wait3A_1740 = tpu.memref_slice %arg5[%dma_wait3A_1739] : memref<13312xi32, #tpu.memory_space<vmem>> -> memref<128xi32, #tpu.memory_space<vmem>>
    %dma_wait3A_1741 = arith.constant 0 : i32
    %dma_wait3A_1742 = arith.constant 0 : i32
    %dma_wait3A_1743 = tpu.memref_slice %arg3[%dma_wait3A_1741, %dma_wait3A_1742] : memref<1000000x32xf16, #tpu.memory_space<hbm>> -> memref<1000000x32xf16, #tpu.memory_space<hbm>>
    tpu.wait_indirect_dma semaphore(%arg11 : memref<!tpu.dma_semaphore, #tpu.memory_space<semaphore_mem>>) src(%dma_wait3A_1743 : memref<1000000x32xf16, #tpu.memory_space<hbm>>) dst(%dma_wait3A_1738 : memref<128x32xf16, #tpu.memory_space<vmem>>)
    %dma_wait3A_1744 = arith.constant 0 : i32
    %dma_wait3A_1745 = tpu.memref_slice %arg4[%add3A_1470, %dma_wait3A_1744] : memref<425984x32xf32, #tpu.memory_space<hbm>> -> memref<1024x32xf32, #tpu.memory_space<hbm>>
    %dma_wait3A_1746 = arith.constant 0 : i32
    %dma_wait3A_1747 = tpu.memref_slice %arg4[%add3A_1470, %dma_wait3A_1746] : memref<425984x32xf32, #tpu.memory_space<hbm>> -> memref<1024x32xf32, #tpu.memory_space<hbm>>
    tpu.wait_dma2 semaphore(%arg13 : memref<!tpu.dma_semaphore, #tpu.memory_space<semaphore_mem>>) src(%arg9 : memref<1024x32xf32, #tpu.memory_space<vmem>>) dst(%dma_wait3A_1747 : memref<1024x32xf32, #tpu.memory_space<hbm>>)
    %parallel_loop3A_1748 = arith.constant 0 : i32
    %parallel_loop3A_1749 = arith.constant 1024 : i32
    %parallel_loop3A_1750 = arith.constant 1 : i32
    scf.for %parallel_loop3A_1842 = %parallel_loop3A_1748 to %parallel_loop3A_1749 step %parallel_loop3A_1750  : i32 {
      %parallel_loop3A_1843 = arith.index_cast %parallel_loop3A_1842 : i32 to index
      %parallel_loop3A_1844 = arith.constant 0 : index
      %parallel_loop3A_1845 = tpu.vector_load %arg7[%parallel_loop3A_1843, %parallel_loop3A_1844] {strides = array<i32>} : memref<1024x32xf16, #tpu.memory_space<vmem>>, vector<32xf16>,
      %parallel_loop3A_1846 = tpu.bitcast %parallel_loop3A_1845 : vector<32xf16> -> vector<32xi16>
      %parallel_loop3A_1847 = tpu.unpack_subelements %parallel_loop3A_1846, 0 {pack_format = #tpu.pack_format<interleaved>} : vector<32xi16> -> vector<16xi32>
      %parallel_loop3A_1848 = tpu.unpack_subelements %parallel_loop3A_1846, 1 {pack_format = #tpu.pack_format<interleaved>} : vector<32xi16> -> vector<16xi32>
      %parallel_loop3A_1849 = arith.constant 16 : i32
      %parallel_loop3A_1850 = vector.broadcast %parallel_loop3A_1849 : i32 to vector<16xi32>
      %parallel_loop3A_1851 = arith.shli %parallel_loop3A_1847, %parallel_loop3A_1850 : vector<16xi32>
      %parallel_loop3A_1852 = arith.constant 3 : i32
      %parallel_loop3A_1853 = vector.broadcast %parallel_loop3A_1852 : i32 to vector<16xi32>
      %parallel_loop3A_1854 = arith.shrsi %parallel_loop3A_1851, %parallel_loop3A_1853 : vector<16xi32>
      %parallel_loop3A_1855 = arith.constant -1879056384 : i32
      %parallel_loop3A_1856 = vector.broadcast %parallel_loop3A_1855 : i32 to vector<16xi32>
      %parallel_loop3A_1857 = arith.andi %parallel_loop3A_1854, %parallel_loop3A_1856 : vector<16xi32>
      %parallel_loop3A_1858 = tpu.bitcast %parallel_loop3A_1857 : vector<16xi32> -> vector<16xf32>
      %parallel_loop3A_1859 = arith.constant 5.19229686E+33 : f32
      %parallel_loop3A_1860 = vector.broadcast %parallel_loop3A_1859 : f32 to vector<16xf32>
      %parallel_loop3A_1861 = arith.mulf %parallel_loop3A_1858, %parallel_loop3A_1860 : vector<16xf32>
      %parallel_loop3A_1862 = arith.constant 16 : i32
      %parallel_loop3A_1863 = vector.broadcast %parallel_loop3A_1862 : i32 to vector<16xi32>
      %parallel_loop3A_1864 = arith.shli %parallel_loop3A_1848, %parallel_loop3A_1863 : vector<16xi32>
      %parallel_loop3A_1865 = arith.constant 3 : i32
      %parallel_loop3A_1866 = vector.broadcast %parallel_loop3A_1865 : i32 to vector<16xi32>
      %parallel_loop3A_1867 = arith.shrsi %parallel_loop3A_1864, %parallel_loop3A_1866 : vector<16xi32>
      %parallel_loop3A_1868 = arith.constant -1879056384 : i32
      %parallel_loop3A_1869 = vector.broadcast %parallel_loop3A_1868 : i32 to vector<16xi32>
      %parallel_loop3A_1870 = arith.andi %parallel_loop3A_1867, %parallel_loop3A_1869 : vector<16xi32>
      %parallel_loop3A_1871 = tpu.bitcast %parallel_loop3A_1870 : vector<16xi32> -> vector<16xf32>
      %parallel_loop3A_1872 = arith.constant 5.19229686E+33 : f32
      %parallel_loop3A_1873 = vector.broadcast %parallel_loop3A_1872 : f32 to vector<16xf32>
      %parallel_loop3A_1874 = arith.mulf %parallel_loop3A_1871, %parallel_loop3A_1873 : vector<16xf32>
      %parallel_loop3A_1875 = vector.shape_cast %shift_right_arithmetic3A_8 : vector<16xi32> to vector<16x1xi32>
      %parallel_loop3A_1876 = vector.shape_cast %parallel_loop3A_1875 : vector<16x1xi32> to vector<16xi32>
      %parallel_loop3A_1877 = tpu.dynamic_gather %parallel_loop3A_1861[%parallel_loop3A_1876] in [0] : vector<16xf32>, vector<16xi32> -> vector<16xf32>
      %parallel_loop3A_1878 = vector.shape_cast %shift_right_arithmetic3A_8 : vector<16xi32> to vector<16x1xi32>
      %parallel_loop3A_1879 = vector.shape_cast %parallel_loop3A_1878 : vector<16x1xi32> to vector<16xi32>
      %parallel_loop3A_1880 = tpu.dynamic_gather %parallel_loop3A_1874[%parallel_loop3A_1879] in [0] : vector<16xf32>, vector<16xi32> -> vector<16xf32>
      %parallel_loop3A_1881 = arith.select %eq3A_6, %parallel_loop3A_1877, %parallel_loop3A_1880 : vector<16xi1>, vector<16xf32>
      %parallel_loop3A_1882 = arith.index_cast %parallel_loop3A_1842 : i32 to index
      %parallel_loop3A_1883 = arith.constant 0 : index
      %parallel_loop3A_1884 = tpu.vector_load %arg9[%parallel_loop3A_1882, %parallel_loop3A_1883] {strides = array<i32>} : memref<1024x32xf32, #tpu.memory_space<vmem>>, vector<16xf32>,
      tpu.vector_store %arg9[%parallel_loop3A_1882, %parallel_loop3A_1883], %parallel_loop3A_1881 {strides = array<i32>} : memref<1024x32xf32, #tpu.memory_space<vmem>>, vector<16xf32>,
      %parallel_loop3A_1885 = vector.shape_cast %add3A_11 : vector<16xi32> to vector<16x1xi32>
      %parallel_loop3A_1886 = vector.shape_cast %parallel_loop3A_1885 : vector<16x1xi32> to vector<16xi32>
      %parallel_loop3A_1887 = tpu.dynamic_gather %parallel_loop3A_1861[%parallel_loop3A_1886] in [0] : vector<16xf32>, vector<16xi32> -> vector<16xf32>
      %parallel_loop3A_1888 = vector.shape_cast %add3A_11 : vector<16xi32> to vector<16x1xi32>
      %parallel_loop3A_1889 = vector.shape_cast %parallel_loop3A_1888 : vector<16x1xi32> to vector<16xi32>
      %parallel_loop3A_1890 = tpu.dynamic_gather %parallel_loop3A_1874[%parallel_loop3A_1889] in [0] : vector<16xf32>, vector<16xi32> -> vector<16xf32>
      %parallel_loop3A_1891 = arith.select %eq3A_6, %parallel_loop3A_1887, %parallel_loop3A_1890 : vector<16xi1>, vector<16xf32>
      %parallel_loop3A_1892 = arith.index_cast %parallel_loop3A_1842 : i32 to index
      %parallel_loop3A_1893 = arith.constant 16 : index
      %parallel_loop3A_1894 = tpu.vector_load %arg9[%parallel_loop3A_1892, %parallel_loop3A_1893] {strides = array<i32>} : memref<1024x32xf32, #tpu.memory_space<vmem>>, vector<16xf32>,
      tpu.vector_store %arg9[%parallel_loop3A_1892, %parallel_loop3A_1893], %parallel_loop3A_1891 {strides = array<i32>} : memref<1024x32xf32, #tpu.memory_space<vmem>>, vector<16xf32>,
    } {sc.loop_unroll_factor = 4 : i64, sc.parallel_access}
    %add3A_1751 = arith.constant 11264 : i32
    %add3A_1752 = arith.addi %mul3A_2, %add3A_1751 : i32
    %dma_start3A_1753 = arith.constant 0 : i32
    %dma_start3A_1754 = tpu.memref_slice %arg4[%add3A_1752, %dma_start3A_1753] : memref<425984x32xf32, #tpu.memory_space<hbm>> -> memref<1024x32xf32, #tpu.memory_space<hbm>>
    %dma_start3A_1755 = arith.constant 0 : i32
    %dma_start3A_1756 = tpu.memref_slice %arg4[%add3A_1752, %dma_start3A_1755] : memref<425984x32xf32, #tpu.memory_space<hbm>> -> memref<1024x32xf32, #tpu.memory_space<hbm>>
    tpu.enqueue_dma source(%arg9 : memref<1024x32xf32, #tpu.memory_space<vmem>>) target(%dma_start3A_1756 : memref<1024x32xf32, #tpu.memory_space<hbm>>) target_semaphore(%arg13 : memref<!tpu.dma_semaphore, #tpu.memory_space<semaphore_mem>>)
    %dma_wait3A_1757 = arith.constant 0 : i32
    %dma_wait3A_1758 = arith.constant 0 : i32
    %dma_wait3A_1759 = tpu.memref_slice %arg6[%dma_wait3A_1757, %dma_wait3A_1758] : memref<1024x32xf16, #tpu.memory_space<vmem>> -> memref<128x32xf16, #tpu.memory_space<vmem>>
    %dma_wait3A_1760 = arith.constant 12288 : i32
    %dma_wait3A_1761 = tpu.memref_slice %arg5[%dma_wait3A_1760] : memref<13312xi32, #tpu.memory_space<vmem>> -> memref<128xi32, #tpu.memory_space<vmem>>
    %dma_wait3A_1762 = arith.constant 0 : i32
    %dma_wait3A_1763 = arith.constant 0 : i32
    %dma_wait3A_1764 = tpu.memref_slice %arg3[%dma_wait3A_1762, %dma_wait3A_1763] : memref<1000000x32xf16, #tpu.memory_space<hbm>> -> memref<1000000x32xf16, #tpu.memory_space<hbm>>
    tpu.wait_indirect_dma semaphore(%arg10 : memref<!tpu.dma_semaphore, #tpu.memory_space<semaphore_mem>>) src(%dma_wait3A_1764 : memref<1000000x32xf16, #tpu.memory_space<hbm>>) dst(%dma_wait3A_1759 : memref<128x32xf16, #tpu.memory_space<vmem>>)
    %dma_wait3A_1765 = arith.constant 128 : i32
    %dma_wait3A_1766 = arith.constant 0 : i32
    %dma_wait3A_1767 = tpu.memref_slice %arg6[%dma_wait3A_1765, %dma_wait3A_1766] : memref<1024x32xf16, #tpu.memory_space<vmem>> -> memref<128x32xf16, #tpu.memory_space<vmem>>
    %dma_wait3A_1768 = arith.constant 12416 : i32
    %dma_wait3A_1769 = tpu.memref_slice %arg5[%dma_wait3A_1768] : memref<13312xi32, #tpu.memory_space<vmem>> -> memref<128xi32, #tpu.memory_space<vmem>>
    %dma_wait3A_1770 = arith.constant 0 : i32
    %dma_wait3A_1771 = arith.constant 0 : i32
    %dma_wait3A_1772 = tpu.memref_slice %arg3[%dma_wait3A_1770, %dma_wait3A_1771] : memref<1000000x32xf16, #tpu.memory_space<hbm>> -> memref<1000000x32xf16, #tpu.memory_space<hbm>>
    tpu.wait_indirect_dma semaphore(%arg10 : memref<!tpu.dma_semaphore, #tpu.memory_space<semaphore_mem>>) src(%dma_wait3A_1772 : memref<1000000x32xf16, #tpu.memory_space<hbm>>) dst(%dma_wait3A_1767 : memref<128x32xf16, #tpu.memory_space<vmem>>)
    %dma_wait3A_1773 = arith.constant 256 : i32
    %dma_wait3A_1774 = arith.constant 0 : i32
    %dma_wait3A_1775 = tpu.memref_slice %arg6[%dma_wait3A_1773, %dma_wait3A_1774] : memref<1024x32xf16, #tpu.memory_space<vmem>> -> memref<128x32xf16, #tpu.memory_space<vmem>>
    %dma_wait3A_1776 = arith.constant 12544 : i32
    %dma_wait3A_1777 = tpu.memref_slice %arg5[%dma_wait3A_1776] : memref<13312xi32, #tpu.memory_space<vmem>> -> memref<128xi32, #tpu.memory_space<vmem>>
    %dma_wait3A_1778 = arith.constant 0 : i32
    %dma_wait3A_1779 = arith.constant 0 : i32
    %dma_wait3A_1780 = tpu.memref_slice %arg3[%dma_wait3A_1778, %dma_wait3A_1779] : memref<1000000x32xf16, #tpu.memory_space<hbm>> -> memref<1000000x32xf16, #tpu.memory_space<hbm>>
    tpu.wait_indirect_dma semaphore(%arg10 : memref<!tpu.dma_semaphore, #tpu.memory_space<semaphore_mem>>) src(%dma_wait3A_1780 : memref<1000000x32xf16, #tpu.memory_space<hbm>>) dst(%dma_wait3A_1775 : memref<128x32xf16, #tpu.memory_space<vmem>>)
    %dma_wait3A_1781 = arith.constant 384 : i32
    %dma_wait3A_1782 = arith.constant 0 : i32
    %dma_wait3A_1783 = tpu.memref_slice %arg6[%dma_wait3A_1781, %dma_wait3A_1782] : memref<1024x32xf16, #tpu.memory_space<vmem>> -> memref<128x32xf16, #tpu.memory_space<vmem>>
    %dma_wait3A_1784 = arith.constant 12672 : i32
    %dma_wait3A_1785 = tpu.memref_slice %arg5[%dma_wait3A_1784] : memref<13312xi32, #tpu.memory_space<vmem>> -> memref<128xi32, #tpu.memory_space<vmem>>
    %dma_wait3A_1786 = arith.constant 0 : i32
    %dma_wait3A_1787 = arith.constant 0 : i32
    %dma_wait3A_1788 = tpu.memref_slice %arg3[%dma_wait3A_1786, %dma_wait3A_1787] : memref<1000000x32xf16, #tpu.memory_space<hbm>> -> memref<1000000x32xf16, #tpu.memory_space<hbm>>
    tpu.wait_indirect_dma semaphore(%arg10 : memref<!tpu.dma_semaphore, #tpu.memory_space<semaphore_mem>>) src(%dma_wait3A_1788 : memref<1000000x32xf16, #tpu.memory_space<hbm>>) dst(%dma_wait3A_1783 : memref<128x32xf16, #tpu.memory_space<vmem>>)
    %dma_wait3A_1789 = arith.constant 512 : i32
    %dma_wait3A_1790 = arith.constant 0 : i32
    %dma_wait3A_1791 = tpu.memref_slice %arg6[%dma_wait3A_1789, %dma_wait3A_1790] : memref<1024x32xf16, #tpu.memory_space<vmem>> -> memref<128x32xf16, #tpu.memory_space<vmem>>
    %dma_wait3A_1792 = arith.constant 12800 : i32
    %dma_wait3A_1793 = tpu.memref_slice %arg5[%dma_wait3A_1792] : memref<13312xi32, #tpu.memory_space<vmem>> -> memref<128xi32, #tpu.memory_space<vmem>>
    %dma_wait3A_1794 = arith.constant 0 : i32
    %dma_wait3A_1795 = arith.constant 0 : i32
    %dma_wait3A_1796 = tpu.memref_slice %arg3[%dma_wait3A_1794, %dma_wait3A_1795] : memref<1000000x32xf16, #tpu.memory_space<hbm>> -> memref<1000000x32xf16, #tpu.memory_space<hbm>>
    tpu.wait_indirect_dma semaphore(%arg10 : memref<!tpu.dma_semaphore, #tpu.memory_space<semaphore_mem>>) src(%dma_wait3A_1796 : memref<1000000x32xf16, #tpu.memory_space<hbm>>) dst(%dma_wait3A_1791 : memref<128x32xf16, #tpu.memory_space<vmem>>)
    %dma_wait3A_1797 = arith.constant 640 : i32
    %dma_wait3A_1798 = arith.constant 0 : i32
    %dma_wait3A_1799 = tpu.memref_slice %arg6[%dma_wait3A_1797, %dma_wait3A_1798] : memref<1024x32xf16, #tpu.memory_space<vmem>> -> memref<128x32xf16, #tpu.memory_space<vmem>>
    %dma_wait3A_1800 = arith.constant 12928 : i32
    %dma_wait3A_1801 = tpu.memref_slice %arg5[%dma_wait3A_1800] : memref<13312xi32, #tpu.memory_space<vmem>> -> memref<128xi32, #tpu.memory_space<vmem>>
    %dma_wait3A_1802 = arith.constant 0 : i32
    %dma_wait3A_1803 = arith.constant 0 : i32
    %dma_wait3A_1804 = tpu.memref_slice %arg3[%dma_wait3A_1802, %dma_wait3A_1803] : memref<1000000x32xf16, #tpu.memory_space<hbm>> -> memref<1000000x32xf16, #tpu.memory_space<hbm>>
    tpu.wait_indirect_dma semaphore(%arg10 : memref<!tpu.dma_semaphore, #tpu.memory_space<semaphore_mem>>) src(%dma_wait3A_1804 : memref<1000000x32xf16, #tpu.memory_space<hbm>>) dst(%dma_wait3A_1799 : memref<128x32xf16, #tpu.memory_space<vmem>>)
    %dma_wait3A_1805 = arith.constant 768 : i32
    %dma_wait3A_1806 = arith.constant 0 : i32
    %dma_wait3A_1807 = tpu.memref_slice %arg6[%dma_wait3A_1805, %dma_wait3A_1806] : memref<1024x32xf16, #tpu.memory_space<vmem>> -> memref<128x32xf16, #tpu.memory_space<vmem>>
    %dma_wait3A_1808 = arith.constant 13056 : i32
    %dma_wait3A_1809 = tpu.memref_slice %arg5[%dma_wait3A_1808] : memref<13312xi32, #tpu.memory_space<vmem>> -> memref<128xi32, #tpu.memory_space<vmem>>
    %dma_wait3A_1810 = arith.constant 0 : i32
    %dma_wait3A_1811 = arith.constant 0 : i32
    %dma_wait3A_1812 = tpu.memref_slice %arg3[%dma_wait3A_1810, %dma_wait3A_1811] : memref<1000000x32xf16, #tpu.memory_space<hbm>> -> memref<1000000x32xf16, #tpu.memory_space<hbm>>
    tpu.wait_indirect_dma semaphore(%arg10 : memref<!tpu.dma_semaphore, #tpu.memory_space<semaphore_mem>>) src(%dma_wait3A_1812 : memref<1000000x32xf16, #tpu.memory_space<hbm>>) dst(%dma_wait3A_1807 : memref<128x32xf16, #tpu.memory_space<vmem>>)
    %dma_wait3A_1813 = arith.constant 896 : i32
    %dma_wait3A_1814 = arith.constant 0 : i32
    %dma_wait3A_1815 = tpu.memref_slice %arg6[%dma_wait3A_1813, %dma_wait3A_1814] : memref<1024x32xf16, #tpu.memory_space<vmem>> -> memref<128x32xf16, #tpu.memory_space<vmem>>
    %dma_wait3A_1816 = arith.constant 13184 : i32
    %dma_wait3A_1817 = tpu.memref_slice %arg5[%dma_wait3A_1816] : memref<13312xi32, #tpu.memory_space<vmem>> -> memref<128xi32, #tpu.memory_space<vmem>>
    %dma_wait3A_1818 = arith.constant 0 : i32
    %dma_wait3A_1819 = arith.constant 0 : i32
    %dma_wait3A_1820 = tpu.memref_slice %arg3[%dma_wait3A_1818, %dma_wait3A_1819] : memref<1000000x32xf16, #tpu.memory_space<hbm>> -> memref<1000000x32xf16, #tpu.memory_space<hbm>>
    tpu.wait_indirect_dma semaphore(%arg10 : memref<!tpu.dma_semaphore, #tpu.memory_space<semaphore_mem>>) src(%dma_wait3A_1820 : memref<1000000x32xf16, #tpu.memory_space<hbm>>) dst(%dma_wait3A_1815 : memref<128x32xf16, #tpu.memory_space<vmem>>)
    %dma_wait3A_1821 = arith.constant 0 : i32
    %dma_wait3A_1822 = tpu.memref_slice %arg4[%add3A_1611, %dma_wait3A_1821] : memref<425984x32xf32, #tpu.memory_space<hbm>> -> memref<1024x32xf32, #tpu.memory_space<hbm>>
    %dma_wait3A_1823 = arith.constant 0 : i32
    %dma_wait3A_1824 = tpu.memref_slice %arg4[%add3A_1611, %dma_wait3A_1823] : memref<425984x32xf32, #tpu.memory_space<hbm>> -> memref<1024x32xf32, #tpu.memory_space<hbm>>
    tpu.wait_dma2 semaphore(%arg12 : memref<!tpu.dma_semaphore, #tpu.memory_space<semaphore_mem>>) src(%arg8 : memref<1024x32xf32, #tpu.memory_space<vmem>>) dst(%dma_wait3A_1824 : memref<1024x32xf32, #tpu.memory_space<hbm>>)
    %parallel_loop3A_1825 = arith.constant 0 : i32
    %parallel_loop3A_1826 = arith.constant 1024 : i32
    %parallel_loop3A_1827 = arith.constant 1 : i32
    scf.for %parallel_loop3A_1842 = %parallel_loop3A_1825 to %parallel_loop3A_1826 step %parallel_loop3A_1827  : i32 {
      %parallel_loop3A_1843 = arith.index_cast %parallel_loop3A_1842 : i32 to index
      %parallel_loop3A_1844 = arith.constant 0 : index
      %parallel_loop3A_1845 = tpu.vector_load %arg6[%parallel_loop3A_1843, %parallel_loop3A_1844] {strides = array<i32>} : memref<1024x32xf16, #tpu.memory_space<vmem>>, vector<32xf16>,
      %parallel_loop3A_1846 = tpu.bitcast %parallel_loop3A_1845 : vector<32xf16> -> vector<32xi16>
      %parallel_loop3A_1847 = tpu.unpack_subelements %parallel_loop3A_1846, 0 {pack_format = #tpu.pack_format<interleaved>} : vector<32xi16> -> vector<16xi32>
      %parallel_loop3A_1848 = tpu.unpack_subelements %parallel_loop3A_1846, 1 {pack_format = #tpu.pack_format<interleaved>} : vector<32xi16> -> vector<16xi32>
      %parallel_loop3A_1849 = arith.constant 16 : i32
      %parallel_loop3A_1850 = vector.broadcast %parallel_loop3A_1849 : i32 to vector<16xi32>
      %parallel_loop3A_1851 = arith.shli %parallel_loop3A_1847, %parallel_loop3A_1850 : vector<16xi32>
      %parallel_loop3A_1852 = arith.constant 3 : i32
      %parallel_loop3A_1853 = vector.broadcast %parallel_loop3A_1852 : i32 to vector<16xi32>
      %parallel_loop3A_1854 = arith.shrsi %parallel_loop3A_1851, %parallel_loop3A_1853 : vector<16xi32>
      %parallel_loop3A_1855 = arith.constant -1879056384 : i32
      %parallel_loop3A_1856 = vector.broadcast %parallel_loop3A_1855 : i32 to vector<16xi32>
      %parallel_loop3A_1857 = arith.andi %parallel_loop3A_1854, %parallel_loop3A_1856 : vector<16xi32>
      %parallel_loop3A_1858 = tpu.bitcast %parallel_loop3A_1857 : vector<16xi32> -> vector<16xf32>
      %parallel_loop3A_1859 = arith.constant 5.19229686E+33 : f32
      %parallel_loop3A_1860 = vector.broadcast %parallel_loop3A_1859 : f32 to vector<16xf32>
      %parallel_loop3A_1861 = arith.mulf %parallel_loop3A_1858, %parallel_loop3A_1860 : vector<16xf32>
      %parallel_loop3A_1862 = arith.constant 16 : i32
      %parallel_loop3A_1863 = vector.broadcast %parallel_loop3A_1862 : i32 to vector<16xi32>
      %parallel_loop3A_1864 = arith.shli %parallel_loop3A_1848, %parallel_loop3A_1863 : vector<16xi32>
      %parallel_loop3A_1865 = arith.constant 3 : i32
      %parallel_loop3A_1866 = vector.broadcast %parallel_loop3A_1865 : i32 to vector<16xi32>
      %parallel_loop3A_1867 = arith.shrsi %parallel_loop3A_1864, %parallel_loop3A_1866 : vector<16xi32>
      %parallel_loop3A_1868 = arith.constant -1879056384 : i32
      %parallel_loop3A_1869 = vector.broadcast %parallel_loop3A_1868 : i32 to vector<16xi32>
      %parallel_loop3A_1870 = arith.andi %parallel_loop3A_1867, %parallel_loop3A_1869 : vector<16xi32>
      %parallel_loop3A_1871 = tpu.bitcast %parallel_loop3A_1870 : vector<16xi32> -> vector<16xf32>
      %parallel_loop3A_1872 = arith.constant 5.19229686E+33 : f32
      %parallel_loop3A_1873 = vector.broadcast %parallel_loop3A_1872 : f32 to vector<16xf32>
      %parallel_loop3A_1874 = arith.mulf %parallel_loop3A_1871, %parallel_loop3A_1873 : vector<16xf32>
      %parallel_loop3A_1875 = vector.shape_cast %shift_right_arithmetic3A_8 : vector<16xi32> to vector<16x1xi32>
      %parallel_loop3A_1876 = vector.shape_cast %parallel_loop3A_1875 : vector<16x1xi32> to vector<16xi32>
      %parallel_loop3A_1877 = tpu.dynamic_gather %parallel_loop3A_1861[%parallel_loop3A_1876] in [0] : vector<16xf32>, vector<16xi32> -> vector<16xf32>
      %parallel_loop3A_1878 = vector.shape_cast %shift_right_arithmetic3A_8 : vector<16xi32> to vector<16x1xi32>
      %parallel_loop3A_1879 = vector.shape_cast %parallel_loop3A_1878 : vector<16x1xi32> to vector<16xi32>
      %parallel_loop3A_1880 = tpu.dynamic_gather %parallel_loop3A_1874[%parallel_loop3A_1879] in [0] : vector<16xf32>, vector<16xi32> -> vector<16xf32>
      %parallel_loop3A_1881 = arith.select %eq3A_6, %parallel_loop3A_1877, %parallel_loop3A_1880 : vector<16xi1>, vector<16xf32>
      %parallel_loop3A_1882 = arith.index_cast %parallel_loop3A_1842 : i32 to index
      %parallel_loop3A_1883 = arith.constant 0 : index
      %parallel_loop3A_1884 = tpu.vector_load %arg8[%parallel_loop3A_1882, %parallel_loop3A_1883] {strides = array<i32>} : memref<1024x32xf32, #tpu.memory_space<vmem>>, vector<16xf32>,
      tpu.vector_store %arg8[%parallel_loop3A_1882, %parallel_loop3A_1883], %parallel_loop3A_1881 {strides = array<i32>} : memref<1024x32xf32, #tpu.memory_space<vmem>>, vector<16xf32>,
      %parallel_loop3A_1885 = vector.shape_cast %add3A_11 : vector<16xi32> to vector<16x1xi32>
      %parallel_loop3A_1886 = vector.shape_cast %parallel_loop3A_1885 : vector<16x1xi32> to vector<16xi32>
      %parallel_loop3A_1887 = tpu.dynamic_gather %parallel_loop3A_1861[%parallel_loop3A_1886] in [0] : vector<16xf32>, vector<16xi32> -> vector<16xf32>
      %parallel_loop3A_1888 = vector.shape_cast %add3A_11 : vector<16xi32> to vector<16x1xi32>
      %parallel_loop3A_1889 = vector.shape_cast %parallel_loop3A_1888 : vector<16x1xi32> to vector<16xi32>
      %parallel_loop3A_1890 = tpu.dynamic_gather %parallel_loop3A_1874[%parallel_loop3A_1889] in [0] : vector<16xf32>, vector<16xi32> -> vector<16xf32>
      %parallel_loop3A_1891 = arith.select %eq3A_6, %parallel_loop3A_1887, %parallel_loop3A_1890 : vector<16xi1>, vector<16xf32>
      %parallel_loop3A_1892 = arith.index_cast %parallel_loop3A_1842 : i32 to index
      %parallel_loop3A_1893 = arith.constant 16 : index
      %parallel_loop3A_1894 = tpu.vector_load %arg8[%parallel_loop3A_1892, %parallel_loop3A_1893] {strides = array<i32>} : memref<1024x32xf32, #tpu.memory_space<vmem>>, vector<16xf32>,
      tpu.vector_store %arg8[%parallel_loop3A_1892, %parallel_loop3A_1893], %parallel_loop3A_1891 {strides = array<i32>} : memref<1024x32xf32, #tpu.memory_space<vmem>>, vector<16xf32>,
    } {sc.loop_unroll_factor = 4 : i64, sc.parallel_access}
    %add3A_1828 = arith.constant 12288 : i32
    %add3A_1829 = arith.addi %mul3A_2, %add3A_1828 : i32
    %dma_start3A_1830 = arith.constant 0 : i32
    %dma_start3A_1831 = tpu.memref_slice %arg4[%add3A_1829, %dma_start3A_1830] : memref<425984x32xf32, #tpu.memory_space<hbm>> -> memref<1024x32xf32, #tpu.memory_space<hbm>>
    %dma_start3A_1832 = arith.constant 0 : i32
    %dma_start3A_1833 = tpu.memref_slice %arg4[%add3A_1829, %dma_start3A_1832] : memref<425984x32xf32, #tpu.memory_space<hbm>> -> memref<1024x32xf32, #tpu.memory_space<hbm>>
    tpu.enqueue_dma source(%arg8 : memref<1024x32xf32, #tpu.memory_space<vmem>>) target(%dma_start3A_1833 : memref<1024x32xf32, #tpu.memory_space<hbm>>) target_semaphore(%arg12 : memref<!tpu.dma_semaphore, #tpu.memory_space<semaphore_mem>>)
    %dma_wait3A_1834 = arith.constant 0 : i32
    %dma_wait3A_1835 = tpu.memref_slice %arg4[%add3A_1829, %dma_wait3A_1834] : memref<425984x32xf32, #tpu.memory_space<hbm>> -> memref<1024x32xf32, #tpu.memory_space<hbm>>
    %dma_wait3A_1836 = arith.constant 0 : i32
    %dma_wait3A_1837 = tpu.memref_slice %arg4[%add3A_1829, %dma_wait3A_1836] : memref<425984x32xf32, #tpu.memory_space<hbm>> -> memref<1024x32xf32, #tpu.memory_space<hbm>>
    tpu.wait_dma2 semaphore(%arg12 : memref<!tpu.dma_semaphore, #tpu.memory_space<semaphore_mem>>) src(%arg8 : memref<1024x32xf32, #tpu.memory_space<vmem>>) dst(%dma_wait3A_1837 : memref<1024x32xf32, #tpu.memory_space<hbm>>)
    %dma_wait3A_1838 = arith.constant 0 : i32
    %dma_wait3A_1839 = tpu.memref_slice %arg4[%add3A_1752, %dma_wait3A_1838] : memref<425984x32xf32, #tpu.memory_space<hbm>> -> memref<1024x32xf32, #tpu.memory_space<hbm>>
    %dma_wait3A_1840 = arith.constant 0 : i32
    %dma_wait3A_1841 = tpu.memref_slice %arg4[%add3A_1752, %dma_wait3A_1840] : memref<425984x32xf32, #tpu.memory_space<hbm>> -> memref<1024x32xf32, #tpu.memory_space<hbm>>
    tpu.wait_dma2 semaphore(%arg13 : memref<!tpu.dma_semaphore, #tpu.memory_space<semaphore_mem>>) src(%arg9 : memref<1024x32xf32, #tpu.memory_space<vmem>>) dst(%dma_wait3A_1841 : memref<1024x32xf32, #tpu.memory_space<hbm>>)
    return
  }
}

</mosaic_0001>

<sc_bundles>
// kernel: kernel.3.cloned.1.call-start
scs
__scs_entry_jumppad:
0x0: {  	(pc) =	sbr.rel $0x88, $3  }
0x1: {  	(tag) =	ssettag $0x0;
	lr =	simm.s32 $0x1  }
0x2: {  	[smem:$0x3F9F] =	sst lr;
	_ =	strace $0xD0000000  }
0x3: {  	_ = 	snop  }
0x4: {  	_ = 	snop  }
0x5: {  	_ = 	snop  }
0x6: {  	_ = 	snop  }
0x7: {  	_ = 	snop  }
__scs_overlays_trampoline_lowered:
0x8: {  	[smem:$0x3FAE] =	sst s0  }
0x9: {  	[smem:$0x3FAF] =	sst s1  }
0xa: {  	[smem:$0x3FB0] =	sst s2  }
0xb: {  	[smem:$0x3FB1] =	sst s3  }
0xc: {  	[smem:$0x3FB2] =	sst s4  }
0xd: {  	[smem:$0x3FB3] =	sst s5  }
0xe: {  	[smem:$0x3FB4] =	sst s6  }
0xf: {  	[smem:$0x3FB5] =	sst s7  }
0x10: {  	[smem:$0x3FB6] =	sst s8  }
0x11: {  	[smem:$0x3FB7] =	sst s9;
	s0 =	simm.s32 @!p0 $0x0  }
0x12: {  	s1 =	sld [smem:$0x3F9D];
	s0 =	simm.s32 @p0 $0x1  }
0x13: {  	[smem:$0x3FB8] =	sst s0;
	s0 =	simm.s32 @!p1 $0x0  }
0x14: {  	s2 =	sld [smem:$0x3F9C];
	s0 =	simm.s32 @p1 $0x1  }
0x15: {  	[smem:$0x3FB9] =	sst s0;
	s0 =	simm.s32 @!p2 $0x0  }
0x16: {  	s3 =	sld [smem:$0x3FDB];
	s0 =	simm.s32 @p2 $0x1  }
0x17: {  	s4 =	simm.s32 $0x1BF5;
	[smem:$0x3FBB] =	sst s0  }
0x18: {  	s0 =	sld [smem:$0x3F9E];
	_ =	swait.ge [sflag:s4], $0x0  }
0x19: {  	s7 =	sld [smem:$0x3F9F]  }
0x1a: {  	s8 =	sadd.s32 $0xFFFFE003, lr  }
0x1b: {  	s9 =	sadd.s32 $0xFFFFFEF7, lr;
	s5 =	simm.s32 $0xFFFFFFFF;
	p2 =	slt.u32 s8, $0xFFFFF086  }
0x1c: {  	p1 =	slt.u32 s9, $0xF7A;
	s5 =	simm.s32 @!p2 $0x0  }
0x1d: {  	s5 =	simm.s32 @p1 $0x1;
	p0 =	seq.s32 s7, s2  }
0x1e: {  	s7 =	smul.u32 @!p0 $0xF7A, s2;
	p2 =	seq.s32 @!p0 s5, $0x0  }
0x1f: {  	s9 =	smul.u32 $0xF7A, s1;
	s8 =	simm.s32 @!p0 $0x1BF5;
	p2 =	por !p2, p0  }
0x20: {  	[sflag:s8] =	ssyncset.s32 @!p0 $0xFFFFF086;
	s6 =	sadd.s32 @!p0 s3, s7;
	s7 =	simm.s32 @!p0 $0x108  }
0x21: {  	s3 =	sadd.s32 s3, s9;
	s6 =	sadd.s32 @!p0 $0x88, s6;
	s7 =	simm.s32 @p2 $0x1082  }
0x22: {  	[simem:s7], [sflag:s8] =	dma.local @!p0 [hbm:s6], $0xF7A  }
0x23: {  	s9 =	sor.u32 $0xD0000000, s2;
	s6 =	simm.s32 $0x108;
	_ =	swait.ge @!p0 [sflag:s8], $0x0  }
0x24: {  	s3 =	sadd.s32 $0x88, s3;
	s6 =	simm.s32 @!p1 $0x1082;
	[sflag:s4] =	ssyncset.s32 $0xFFFFF086  }
0x25: {  	[simem:s6], [sflag:s4] =	dma.local [hbm:s3], $0xF7A  }
0x26: {  	[smem:$0x3F9F] =	sst s1;
	(tag) =	ssettag s2;
	_ =	strace s9  }
0x27: {  	s1 =	sld [smem:$0x3FAF]  }
0x28: {  	s2 =	sld [smem:$0x3FB0]  }
0x29: {  	s4 =	sld [smem:$0x3FB2]  }
0x2a: {  	p0 =	seq.s32 s5, $0x0;
	s5 =	sld [smem:$0x3FB3]  }
0x2b: {  	s6 =	sld [smem:$0x3FB4]  }
0x2c: {  	s7 =	sld [smem:$0x3FB5]  }
0x2d: {  	s3 =	simm.s32 $0x108;
	s8 =	sld [smem:$0x3FB6]  }
0x2e: {  	s3 =	simm.s32 @!p0 $0x1082;
	s9 =	sld [smem:$0x3FB7]  }
0x2f: {  	lr =	sadd.s32 s0, s3;
	s0 =	sld [smem:$0x3FAE]  }
0x30: {  	s3 =	sld [smem:$0x3FB1]  }
0x31: {  	[smem:$0x3FBA] =	sst s10  }
0x32: {  	s10 =	sld [smem:$0x3FB8];
	_ =	sdelay $0x3  }
0x33: {  	p0 =	seq.s32 s10, $0x1;
	s10 =	sld [smem:$0x3FBA];
	_ =	sdelay $0x3  }
0x34: {  	[smem:$0x3FBA] =	sst s10  }
0x35: {  	s10 =	sld [smem:$0x3FB9];
	_ =	sdelay $0x3  }
0x36: {  	p1 =	seq.s32 s10, $0x1;
	s10 =	sld [smem:$0x3FBA];
	_ =	sdelay $0x3  }
0x37: {  	[smem:$0x3FBA] =	sst s10  }
0x38: {  	s10 =	sld [smem:$0x3FBB]  }
0x39: {  	_ = 	snop;
	(pc) =	sbr.ind lr, $3  }
0x3a: {  	_ = 	snop  }
0x3b: {  	_ = 	snop  }
0x3c: {  	p2 =	seq.s32 s10, $0x1;
	s10 =	sld [smem:$0x3FBA]  }
0x3d: {  	_ =	shalt  }
0x3e: {  	_ =	shalt  }
0x3f: {  	_ =	shalt  }
0x40: {  	_ =	shalt  }
0x41: {  	_ =	shalt  }
0x42: {  	_ =	shalt  }
0x43: {  	_ =	shalt  }
0x44: {  	_ =	shalt  }
0x45: {  	_ =	shalt  }
0x46: {  	_ =	shalt  }
0x47: {  	_ =	shalt  }
0x48: {  	_ =	shalt  }
0x49: {  	_ =	shalt  }
0x4a: {  	_ =	shalt  }
0x4b: {  	_ =	shalt  }
0x4c: {  	_ =	shalt  }
0x4d: {  	_ =	shalt  }
0x4e: {  	_ =	shalt  }
0x4f: {  	_ =	shalt  }
0x50: {  	_ =	shalt  }
0x51: {  	_ =	shalt  }
0x52: {  	_ =	shalt  }
0x53: {  	_ =	shalt  }
0x54: {  	_ =	shalt  }
0x55: {  	_ =	shalt  }
0x56: {  	_ =	shalt  }
0x57: {  	_ =	shalt  }
0x58: {  	_ =	shalt  }
0x59: {  	_ =	shalt  }
0x5a: {  	_ =	shalt  }
0x5b: {  	_ =	shalt  }
0x5c: {  	_ =	shalt  }
0x5d: {  	_ =	shalt  }
0x5e: {  	_ =	shalt  }
0x5f: {  	_ =	shalt  }
0x60: {  	_ =	shalt  }
0x61: {  	_ =	shalt  }
0x62: {  	_ =	shalt  }
0x63: {  	_ =	shalt  }
0x64: {  	_ =	shalt  }
0x65: {  	_ =	shalt  }
0x66: {  	_ =	shalt  }
0x67: {  	_ =	shalt  }
0x68: {  	_ =	shalt  }
0x69: {  	_ =	shalt  }
0x6a: {  	_ =	shalt  }
0x6b: {  	_ =	shalt  }
0x6c: {  	_ =	shalt  }
0x6d: {  	_ =	shalt  }
0x6e: {  	_ =	shalt  }
0x6f: {  	_ =	shalt  }
0x70: {  	_ =	shalt  }
0x71: {  	_ =	shalt  }
0x72: {  	_ =	shalt  }
0x73: {  	_ =	shalt  }
0x74: {  	_ =	shalt  }
0x75: {  	_ =	shalt  }
0x76: {  	_ =	shalt  }
0x77: {  	_ =	shalt  }
0x78: {  	_ =	shalt  }
0x79: {  	_ =	shalt  }
0x7a: {  	_ =	shalt  }
0x7b: {  	_ =	shalt  }
0x7c: {  	_ =	shalt  }
0x7d: {  	_ =	shalt  }
0x7e: {  	_ =	shalt  }
0x7f: {  	_ =	shalt  }
0x80: {  	_ =	shalt  }
0x81: {  	_ =	shalt  }
0x82: {  	_ =	shalt  }
0x83: {  	_ =	shalt  }
0x84: {  	_ =	shalt  }
0x85: {  	_ =	shalt  }
0x86: {  	_ =	shalt  }
0x87: {  	_ =	shalt  }
.Lfunc_end0:
.L_simem_size_0:
called_computation.2_lowered:
.L_overlay_start_0:
0x88: {  	s2 =	sld [smem:$0x3FD9]  }
0x89: {  	s3 =	sld [smem:$0x3FFE];
	_ =	sdelay $0x1  }
0x8a: {  	s1 =	srdreg.scid  }
0x8b: {  	s0 =	sand.u32 $0x1, s1  }
0x8c: {  	s17 =	sshll.u32 s0, $0xA;
	s2 =	sadd.s32 s3, s2  }
0x8d: {  	s2 =	sadd.s32 s2, s17  }
0x8e: {  	[smem:$0x3FC6] =	sst s2  }
0x8f: {  	_ = 	snop  }
0x90: {  	s2 =	sld [smem:$0x3FD0];
	(tm) =	ssettm $0x1  }
0x91: {  	s18 =	sld [smem:$0x3FFB];
	_ =	sdelay $0x3  }
0x92: {  	_ =	strace s18  }
0x93: {  	s3 =	sld [smem:$0x3FFC];
	_ =	sdelay $0x3  }
0x94: {  	_ =	strace s3  }
0x95: {  	s3 =	sld [smem:$0x3FFD];
	_ =	sdelay $0x3  }
0x96: {  	_ =	strace s3  }
0x97: {  	_ =	strace $0x8FFFFFFF  }
0x98: {  	s19 =	sld [smem:$0x3FDB];
	_ =	sdelay $0x1  }
0x99: {  	s4 =	simm.s32 $_scs_section_size  }
0x9a: {  	s5 =	simm.s32 $_size__tile_overlayer_lowered;
	s6 =	simm.s32 $_tile_overlayer_lowered  }
0x9b: {  	s22 =	simm.s32 $0x1BFF;
	s21 =	sshll.u32 s6, $0x1;
	s3 =	sadd.s32 s4, s19  }
0x9c: {  	s7 =	simm.s32 $0x0;
	s20 =	sshll.u32 s5, $0x1;
	s5 =	sadd.s32 s21, s3  }
0x9d: {  	[timem:s7], [sflag:s22] =	dma.local [hbm:s5], s20  }
0x9e: {  	_ =	swait.ge [sflag:s22], s20  }
0x9f: {  	s4 =	ssub.s32 $0x0, s20;
	[sflag:s22] =	ssyncset.done $0x0  }
0xa0: {  	[sflag:s22] =	ssyncadd.s32 s4;
	_ =	sdelay $0x1  }
0xa1: {  	s23 =	simm.s32 $0x1B8B  }
0xa2: {  	_ =	swait.ge [sflag:s23], $0x1  }
0xa3: {  	[sflag:s23] =	ssyncset.done $0x0  }
0xa4: {  	s25 =	simm.s32 $0x1B8E;
	s24 =	sld [smem:$0x3FFE];
	[sflag:s23] =	ssyncadd.s32 $0xFFFFFFFF  }
0xa5: {  	s26 =	simm.s32 $execute0_lowered;
	[smem:$0x3FD2] =	sst s25  }
0xa6: {  	s5 =	sshll.u32 s26, $0x1;
	_ =	strace $0x80000049;
	[dreg:$0x1] =	wrdreg $0xFFFFFFFF  }
0xa7: {  	s28 =	simm.s32 $_size_execute0_lowered;
	s3 =	sadd.s32 s3, s5;
	[dreg:$0x0] =	wrdreg $0x0  }
0xa8: {  	s5 =	sshll.u32 s28, $0x1;
	[dreg:$0x2] =	wrdreg s3  }
0xa9: {  	[dreg:$0x3] =	wrdreg s5  }
0xaa: {  	[dreg:$0x4] =	wrdreg $0xC0  }
0xab: {  	_ =	task [dreg:s7], $0x5FFFF  }
0xac: {  	[dreg:$0x1] =	wrdreg $0xFFFFFFFF  }
0xad: {  	[dreg:$0x0] =	wrdreg $0x60  }
0xae: {  	[dreg:$0x2] =	wrdreg s24  }
0xaf: {  	[dreg:$0x3] =	wrdreg s2  }
0xb0: {  	[dreg:$0x4] =	wrdreg $0x9  }
0xb1: {  	_ =	task.clear_ibuf [dreg:s7], $0x5FFFF;
	_ =	strace $0x90000049  }
0xb2: {  	s29 =	simm.s32 $0x9;
	_ =	strace $0x8000004B  }
0xb3: {  	_ =	swait.ge [sflag:s29], $0x1  }
0xb4: {  	[sflag:s29] =	ssyncadd.s32 $0xFFFFFFFF  }
0xb5: {  	_ =	strace $0x9000004B  }
0xb6: {  	_ =	sfence  }
0xb7: {  	s30 =	sld [smem:$0x0];
	_ =	sdelay $0x2  }
0xb8: {  	s31 =	sshll.u32 s1, $0xD;
	s1 =	sshrl.u32 s1, $0x2  }
0xb9: {  	s3 =	sand.u32 $0x4000, s31;
	s1 =	sadd.s32 s1, s30  }
0xba: {  	s0 =	sor.u32 s3, s0;
	s1 =	sshll.u32 s1, $0x11  }
0xbb: {  	s0 =	sor.u32 s1, s0  }
0xbc: {  	s0 =	sadd.s32 $0x8F2B, s0  }
0xbd: {  	[sflag:s0] =	ssyncadd.remote.s32 $0x1  }
0xbe: {  	_ =	sfence.sel $0xFFFF  }
0xbf: {  	[dreg:$0x0] =	wrdreg $0xFFFFFFFF;
	(pc) =	sbr.abs _section_cstart, $3  }
0xc0: {  	[dreg:$0x1] =	wrdreg $0xFFFFFFFF  }
0xc1: {  	_ =	task.clear_ibuf [dreg:s7], $0x2FFFF;
	_ =	strace $0x9FFFFFFF  }
0xc2: {  	(tm) =	ssettm $0x7FFFFFFF  }
0xc3: {  	_ =	shalt  }
tec
execute0_lowered:
.L_overlay_start_1:
0x0: {  	(tag) =	ssettag $0x1  }
0x1: {  	s0 =	rddreg [dreg:$0x0]  }
0x2: {  	s1 =	srdreg.scid;
	s2 =	stileid.u32  }
0x3: {  	s4 =	rddreg [dreg:$0x1];
	s1 =	sand.u32 $0x1, s1;
	s3 =	sshll.u32 s2, $0x1  }
0x4: {  	s29 =	simm.s32 $0x5400;
	s2 =	simm.s32 $0x0;
	s5 =	sor.u32 s1, s3  }
0x5: {  	[smem:$0x7FF] =	sst s2;
	s13 =	ssub.s32 $0x2, s1;
	s3 =	smul.u32 $0x680, s5  }
0x6: {  	_ =	strace $0x8000004A;
	s6 =	smul.u32 $0x68000, s5;
	s1 =	sshrl.u32 s13, $0x1  }
0x7: {  	s5 =	smul.u32 $0xD000, s5;
	s7 =	sadd.s32 s3, s0;
	s3 =	sadd.s32 $0x1E9400, s0  }
0x8: {  	s6 =	sshrl.u32 s6, $0x3;
	s0 =	ssub.s32 s13, s1;
	s14 =	sadd.s32 $0x3D1A00, s7  }
0x9: {  	s15 =	sadd.s32 s4, s6;
	s4 =	sadd.s32 s4, s5;
	[dreg:$0x3] =	wrdreg s14  }
0xa: {  	s31 =	simm.s32 $0x5C00;
	s0 =	smax.u32 s0, $0x1;
	[dreg:$0x4] =	wrdreg s4  }
0xb: {  	s30 =	simm.s32 $0x7400;
	s16 =	sadd.s32 $0x1000, s15;
	[dreg:$0x11] =	wrdreg s0  }
0xc: {  	s28 =	simm.s32 $0x8C00;
	s17 =	sadd.s32 $0x2000, s15;
	[dreg:$0x5] =	wrdreg s16  }
0xd: {  	s8 =	simm.s32 $0x1;
	s18 =	sadd.s32 $0x3000, s15;
	[dreg:$0x6] =	wrdreg s17  }
0xe: {  	s9 =	simm.s32 $0xB400;
	s19 =	sadd.s32 $0x4000, s15;
	[dreg:$0x7] =	wrdreg s18  }
0xf: {  	s10 =	simm.s32 $0x2;
	s20 =	sadd.s32 $0x5000, s15;
	[dreg:$0x8] =	wrdreg s19  }
0x10: {  	s11 =	simm.s32 $0x13400;
	s21 =	sadd.s32 $0x6000, s15;
	[dreg:$0x9] =	wrdreg s20  }
0x11: {  	s12 =	simm.s32 $0x3;
	s22 =	sadd.s32 $0x7000, s15;
	[dreg:$0xa] =	wrdreg s21  }
0x12: {  	s13 =	simm.s32 $0x4;
	s23 =	sadd.s32 $0x8000, s15;
	[dreg:$0xb] =	wrdreg s22  }
0x13: {  	vm0 =	vcmask $0xB08;
	vm1 =	vcmask $0x300;
	s5 =	simm.s32 $0x9C00;
	s24 =	sadd.s32 $0x9000, s15;
	[dreg:$0xc] =	wrdreg s23  }
0x14: {  	vm0 =	vmor vm1, vm0;
	vm1 =	vcmask $0x1310;
	s6 =	simm.s32 $0xA400;
	s25 =	sadd.s32 $0xA000, s15;
	[dreg:$0xd] =	wrdreg s24  }
0x15: {  	vm0 =	vmor vm0, vm1;
	vm1 =	vcmask $0x1B18;
	s7 =	simm.s32 $0xAC00;
	s26 =	sadd.s32 $0xB000, s15;
	[dreg:$0xe] =	wrdreg s25  }
0x16: {  	vm0 =	vmor vm0, vm1;
	vm1 =	vcmask $0x2320;
	s1 =	sadd.s32 $0xC000, s15;
	s0 =	simm.s32 $0x6400;
	[dreg:$0xf] =	wrdreg s26  }
0x17: {  	vm0 =	vmor vm0, vm1;
	vm1 =	vcmask $0x2B28;
	s4 =	simm.s32 $0x9400;
	s14 =	simm.s32 $0x0;
	[dreg:$0x10] =	wrdreg s1  }
0x18: {  	v0 =	vlaneseq.u32;
	vm0 =	vmor vm0, vm1;
	vm1 =	vcmask $0x3330;
	s19 =	simm.s32 $0x5;
	s20 =	simm.s32 $0x80;
	s21 =	simm.s32 $0x3400  }
0x19: {  	v0 =	vshrl.u32 v0, $0x1;
	vm0 =	vmor vm0, vm1;
	vm1 =	vcmask $0x3B38;
	s22 =	simm.s32 $0x3C00;
	s24 =	simm.s32 $0x4400;
	s26 =	simm.s32 $0x4C00  }
0x1a: {  	v1 =	vor.u32 $0x8, v0;
	vm0 =	vmor vm0, vm1;
	s25 =	simm.s32 $0x6C00;
	s23 =	simm.s32 $0x7C00;
	s1 =	simm.s32 $0x8400  }
.LBB2_1:
0x1b: {  	s15 =	rddreg [dreg:$0x3]  }
0x1c: {  	[tilespmem:s2], [sflag:$0x5] =	stream.linear.gather [hbm4b:s15+s2], $0x3400, $0x38;
	[tilespmem:$0x1B400] =	vst v63  }
0x1d: {  	_ =	swait.ge [sflag:s19], $0x3400  }
0x1e: {  	[sflag:s19] =	ssyncset.done $0x0  }
0x1f: {  	[sflag:s19] =	ssyncadd.s32 $0xFFFFCC00  }
0x20: {  	[tilespmem:s21], [sflag:$0x1] =	stream.indirect.gather [hbm4b:s3+s20], $0x10, s2, s20, $0xb8;
	[tilespmem:$0x1B400] =	vst v63  }
0x21: {  	_ = 	snop  }
0x22: {  	[tilespmem:s22], [sflag:$0x1] =	stream.indirect.gather [hbm4b:s3+s20], $0x10, s20, s20, $0xb8;
	[tilespmem:$0x1B400] =	vst v63  }
0x23: {  	s16 =	simm.s32 $0x100  }
0x24: {  	[tilespmem:s24], [sflag:$0x1] =	stream.indirect.gather [hbm4b:s3+s20], $0x10, s16, s20, $0xb8;
	[tilespmem:$0x1B400] =	vst v63  }
0x25: {  	s17 =	simm.s32 $0x180  }
0x26: {  	[tilespmem:s26], [sflag:$0x1] =	stream.indirect.gather [hbm4b:s3+s20], $0x10, s17, s20, $0xb8;
	[tilespmem:$0x1B400] =	vst v63  }
0x27: {  	s18 =	simm.s32 $0x200  }
0x28: {  	[tilespmem:s29], [sflag:$0x1] =	stream.indirect.gather [hbm4b:s3+s20], $0x10, s18, s20, $0xb8;
	[tilespmem:$0x1B400] =	vst v63  }
0x29: {  	s16 =	simm.s32 $0x280  }
0x2a: {  	[tilespmem:s31], [sflag:$0x1] =	stream.indirect.gather [hbm4b:s3+s20], $0x10, s16, s20, $0xb8;
	[tilespmem:$0x1B400] =	vst v63  }
0x2b: {  	s17 =	simm.s32 $0x300  }
0x2c: {  	[tilespmem:s0], [sflag:$0x1] =	stream.indirect.gather [hbm4b:s3+s20], $0x10, s17, s20, $0xb8;
	[tilespmem:$0x1B400] =	vst v63  }
0x2d: {  	s18 =	simm.s32 $0x380  }
0x2e: {  	[tilespmem:s25], [sflag:$0x1] =	stream.indirect.gather [hbm4b:s3+s20], $0x10, s18, s20, $0xb8;
	[tilespmem:$0x1B400] =	vst v63  }
0x2f: {  	s16 =	simm.s32 $0x400  }
0x30: {  	[tilespmem:s30], [sflag:$0x2] =	stream.indirect.gather [hbm4b:s3+s20], $0x10, s16, s20, $0xb8;
	[tilespmem:$0x1B400] =	vst v63  }
0x31: {  	s17 =	simm.s32 $0x480  }
0x32: {  	[tilespmem:s23], [sflag:$0x2] =	stream.indirect.gather [hbm4b:s3+s20], $0x10, s17, s20, $0xb8;
	[tilespmem:$0x1B400] =	vst v63  }
0x33: {  	s18 =	simm.s32 $0x500  }
0x34: {  	[tilespmem:s1], [sflag:$0x2] =	stream.indirect.gather [hbm4b:s3+s20], $0x10, s18, s20, $0xb8;
	[tilespmem:$0x1B400] =	vst v63  }
0x35: {  	s16 =	simm.s32 $0x580  }
0x36: {  	[tilespmem:s28], [sflag:$0x2] =	stream.indirect.gather [hbm4b:s3+s20], $0x10, s16, s20, $0xb8;
	[tilespmem:$0x1B400] =	vst v63  }
0x37: {  	s17 =	simm.s32 $0x600  }
0x38: {  	[tilespmem:s4], [sflag:$0x2] =	stream.indirect.gather [hbm4b:s3+s20], $0x10, s17, s20, $0xb8;
	[tilespmem:$0x1B400] =	vst v63  }
0x39: {  	s18 =	simm.s32 $0x680  }
0x3a: {  	[tilespmem:s5], [sflag:$0x2] =	stream.indirect.gather [hbm4b:s3+s20], $0x10, s18, s20, $0xb8;
	[tilespmem:$0x1B400] =	vst v63  }
0x3b: {  	s16 =	simm.s32 $0x700  }
0x3c: {  	[tilespmem:s6], [sflag:$0x2] =	stream.indirect.gather [hbm4b:s3+s20], $0x10, s16, s20, $0xb8;
	[tilespmem:$0x1B400] =	vst v63  }
0x3d: {  	s17 =	simm.s32 $0x780  }
0x3e: {  	[tilespmem:s7], [sflag:$0x2] =	stream.indirect.gather [hbm4b:s3+s20], $0x10, s17, s20, $0xb8;
	[tilespmem:$0x1B400] =	vst v63  }
0x3f: {  	_ =	swait.ge [sflag:s8], $0x800  }
0x40: {  	[sflag:s8] =	ssyncset.done $0x0  }
0x41: {  	[sflag:s8] =	ssyncadd.s32 $0xFFFFF800  }
0x42: {  	_ =	swait.ge [sflag:s8], $0x800  }
0x43: {  	[sflag:s8] =	ssyncset.done $0x0  }
0x44: {  	[sflag:s8] =	ssyncadd.s32 $0xFFFFF800  }
0x45: {  	_ =	swait.ge [sflag:s8], $0x800  }
0x46: {  	[sflag:s8] =	ssyncset.done $0x0  }
0x47: {  	[sflag:s8] =	ssyncadd.s32 $0xFFFFF800  }
0x48: {  	_ =	swait.ge [sflag:s8], $0x800  }
0x49: {  	[sflag:s8] =	ssyncset.done $0x0  }
0x4a: {  	[sflag:s8] =	ssyncadd.s32 $0xFFFFF800  }
0x4b: {  	_ =	swait.ge [sflag:s8], $0x800  }
0x4c: {  	[sflag:s8] =	ssyncset.done $0x0  }
0x4d: {  	[sflag:s8] =	ssyncadd.s32 $0xFFFFF800  }
0x4e: {  	_ =	swait.ge [sflag:s8], $0x800  }
0x4f: {  	[sflag:s8] =	ssyncset.done $0x0  }
0x50: {  	[sflag:s8] =	ssyncadd.s32 $0xFFFFF800  }
0x51: {  	_ =	swait.ge [sflag:s8], $0x800  }
0x52: {  	[sflag:s8] =	ssyncset.done $0x0  }
0x53: {  	[sflag:s8] =	ssyncadd.s32 $0xFFFFF800  }
0x54: {  	_ =	swait.ge [sflag:s8], $0x800  }
0x55: {  	[sflag:s8] =	ssyncset.done $0x0  }
0x56: {  	s18 =	simm.s32 $0x3420;
	[sflag:s8] =	ssyncadd.s32 $0xFFFFF800  }
0x57: {  	v2 =	vld [tilespmem:s18+$0x10]  }
0x58: {  	v3 =	vld [tilespmem:s18+$0xFFFFFFF0];
	_ =	sdelay $0x1  }
0x59: {  	v4 =	vld [tilespmem:s18+$0xFFFFFFE0];
	_ =	sdelay $0x1  }
0x5a: {  	v6 =	vunpack.i.u.s16.s32 v2;
	v2 =	vunpack.i.l.s16.s32 v2  }
0x5b: {  	v7 =	vunpack.i.u.s16.s32 v3;
	v8 =	vunpack.i.l.s16.s32 v3;
	v2 =	vshll.u32 v2, $0x10  }
0x5c: {  	v5 =	vld [tilespmem:s18+$0x0];
	v6 =	vshll.u32 v6, $0x10;
	v8 =	vshll.u32 v8, $0x10;
	v7 =	vshll.u32 v7, $0x10  }
0x5d: {  	v2 =	vshra.s32 v2, $0x3;
	v3 =	vshra.s32 v6, $0x3;
	v6 =	vunpack.i.u.s16.s32 v4  }
0x5e: {  	v4 =	vunpack.i.l.s16.s32 v4;
	v8 =	vshra.s32 v8, $0x3;
	v7 =	vshra.s32 v7, $0x3  }
0x5f: {  	v2 =	vand.u32 $0x8FFFE000, v2;
	v9 =	vand.u32 $0x8FFFE000, v3;
	v4 =	vshll.u32 v4, $0x10  }
0x60: {  	v6 =	vshll.u32 v6, $0x10;
	v12 =	vand.u32 $0x8FFFE000, v8;
	v13 =	vand.u32 $0x8FFFE000, v7  }
0x61: {  	v3 =	vmul.f32 $5.192296860e+33, v2;
	v2 =	vmul.f32 $5.192296860e+33, v9;
	v9 =	vunpack.i.u.s16.s32 v5  }
0x62: {  	v5 =	vunpack.i.l.s16.s32 v5;
	v4 =	vshra.s32 v4, $0x3;
	v6 =	vshra.s32 v6, $0x3  }
0x63: {  	v7 =	vmul.f32 $5.192296860e+33, v12;
	v5 =	vshll.u32 v5, $0x10;
	v9 =	vshll.u32 v9, $0x10  }
0x64: {  	v4 =	vand.u32 $0x8FFFE000, v4;
	v6 =	vand.u32 $0x8FFFE000, v6;
	v10 =	vperm.xlane v3, v1  }
0x65: {  	v11 =	vperm.xlane v2, v1;
	v5 =	vshra.s32 v5, $0x3;
	v9 =	vshra.s32 v9, $0x3  }
0x66: {  	v14 =	vmul.f32 $5.192296860e+33, v4;
	v8 =	vmul.f32 $5.192296860e+33, v6;
	v4 =	vand.u32 $0x8FFFE000, v5  }
0x67: {  	v6 =	vmul.f32 $5.192296860e+33, v13;
	v5 =	vand.u32 $0x8FFFE000, v9;
	v4 =	vmul.f32 $5.192296860e+33, v4  }
0x68: {  	s15 =	simm.s32 $0xB440;
	v10 =	vsel vm0, v10, v11;
	v9 =	vperm.xlane v14, v0;
	v5 =	vmul.f32 $5.192296860e+33, v5  }
0x69: {  	s16 =	simm.s32 $0xB440;
	s17 =	simm.s32 $0x0;
	s18 =	simm.s32 $0x3460;
	v11 =	vperm.xlane v8, v0;
	[tilespmem:s15+$0x30] =	vst v10;
	v10 =	vperm.xlane v14, v1  }
.LBB2_2:
0x6a: {  	v12 =	vld [tilespmem:s18+$0x10];
	s17 =	sadd.s32 $0x4, s17;
	v8 =	vperm.xlane v8, v1;
	v13 =	vperm.xlane v7, v0  }
0x6b: {  	v7 =	vperm.xlane v7, v1;
	v14 =	vld [tilespmem:s18+$0xFFFFFFF0];
	p0 =	slt.u32 s17, $0x3FC;
	v9 =	vsel vm0, v9, v11;
	v11 =	vperm.xlane v6, v0  }
0x6c: {  	v6 =	vperm.xlane v6, v1;
	v15 =	vld [tilespmem:s18+$0x0];
	[tilespmem:s15+$0xFFFFFFC0] =	vst v9;
	v8 =	vsel vm0, v10, v8;
	v9 =	vperm.xlane v4, v0  }
0x6d: {  	v10 =	vld [tilespmem:s18+$0xFFFFFFE0];
	[tilespmem:s15+$0xFFFFFFD0] =	vst v8;
	v8 =	vsel vm0, v13, v11;
	v11 =	vperm.xlane v5, v0;
	v13 =	vperm.xlane v4, v1  }
0x6e: {  	v16 =	vperm.xlane v3, v0;
	v4 =	vsel vm0, v7, v6;
	v5 =	vperm.xlane v5, v1;
	[tilespmem:s15+$0xFFFFFFE0] =	vst v8  }
0x6f: {  	v3 =	vunpack.i.u.s16.s32 v12;
	v6 =	vunpack.i.l.s16.s32 v12;
	[tilespmem:s15+$0xFFFFFFF0] =	vst v4;
	v12 =	vperm.xlane v2, v0  }
0x70: {  	v4 =	vunpack.i.u.s16.s32 v14;
	v2 =	vshll.u32 v6, $0x10;
	v3 =	vshll.u32 v3, $0x10  }
0x71: {  	v6 =	vunpack.i.l.s16.s32 v14;
	v2 =	vshra.s32 v2, $0x3;
	v3 =	vshra.s32 v3, $0x3  }
0x72: {  	v7 =	vunpack.i.u.s16.s32 v10;
	v2 =	vand.u32 $0x8FFFE000, v2;
	v8 =	vand.u32 $0x8FFFE000, v3  }
0x73: {  	v10 =	vunpack.i.l.s16.s32 v10;
	v3 =	vmul.f32 $5.192296860e+33, v2;
	v2 =	vmul.f32 $5.192296860e+33, v8  }
0x74: {  	v14 =	vunpack.i.l.s16.s32 v15;
	v8 =	vshll.u32 v10, $0x10;
	v10 =	vunpack.i.u.s16.s32 v15  }
0x75: {  	v7 =	vshll.u32 v7, $0x10;
	v15 =	vperm.xlane v3, v1;
	v17 =	vperm.xlane v2, v1  }
0x76: {  	v6 =	vshll.u32 v6, $0x10;
	v4 =	vshll.u32 v4, $0x10;
	v14 =	vshll.u32 v14, $0x10  }
0x77: {  	s15 =	sadd.s32 $0x80, s15;
	v8 =	vshra.s32 v8, $0x3;
	v10 =	vshll.u32 v10, $0x10;
	v15 =	vsel vm0, v15, v17  }
0x78: {  	v6 =	vshra.s32 v6, $0x3;
	v4 =	vshra.s32 v4, $0x3;
	v7 =	vshra.s32 v7, $0x3;
	[tilespmem:s15+$0x30] =	vst v15  }
0x79: {  	v14 =	vshra.s32 v14, $0x3;
	v8 =	vand.u32 $0x8FFFE000, v8;
	v10 =	vshra.s32 v10, $0x3  }
0x7a: {  	v6 =	vand.u32 $0x8FFFE000, v6;
	v4 =	vand.u32 $0x8FFFE000, v4;
	v7 =	vand.u32 $0x8FFFE000, v7  }
.Ltmp0:
0x7b: {  	v14 =	vand.u32 $0x8FFFE000, v14;
	v10 =	vand.u32 $0x8FFFE000, v10;
	v15 =	vmul.f32 $5.192296860e+33, v8;
	(pc) =	sbr.rel @p0 .LBB2_2-.Ltmp0, $4  }
0x7c: {  	v9 =	vsel vm0, v9, v11;
	v8 =	vmul.f32 $5.192296860e+33, v7;
	v7 =	vmul.f32 $5.192296860e+33, v6  }
0x7d: {  	v11 =	vsel vm0, v13, v5;
	v6 =	vmul.f32 $5.192296860e+33, v4;
	v4 =	vmul.f32 $5.192296860e+33, v14;
	[tilespmem:s16+$0x0] =	vst v9  }
0x7e: {  	v12 =	vsel vm0, v16, v12;
	v5 =	vmul.f32 $5.192296860e+33, v10;
	v9 =	vperm.xlane v15, v0;
	[tilespmem:s16+$0x10] =	vst v11  }
0x7f: {  	s18 =	sadd.s32 $0x40, s18;
	v10 =	vperm.xlane v15, v1;
	v11 =	vperm.xlane v8, v0;
	[tilespmem:s16+$0x20] =	vst v12;
	s16 =	smov.u32 s15  }
0x80: {  	v8 =	vperm.xlane v8, v1  }
0x81: {  	v3 =	vperm.xlane v3, v0;
	v2 =	vperm.xlane v2, v0;
	v9 =	vsel vm0, v9, v11  }
0x82: {  	v12 =	vperm.xlane v7, v0;
	v11 =	vperm.xlane v6, v0;
	[tilespmem:s15+$0xFFFFFFC0] =	vst v9;
	v8 =	vsel vm0, v10, v8  }
0x83: {  	v7 =	vperm.xlane v7, v1;
	v6 =	vperm.xlane v6, v1;
	v2 =	vsel vm0, v3, v2;
	[tilespmem:s15+$0xFFFFFFD0] =	vst v8  }
0x84: {  	v9 =	vperm.xlane v4, v0;
	v10 =	vperm.xlane v5, v0;
	v8 =	vsel vm0, v12, v11;
	[tilespmem:s16+$0x20] =	vst v2  }
0x85: {  	v4 =	vperm.xlane v4, v1;
	v5 =	vperm.xlane v5, v1;
	v6 =	vsel vm0, v7, v6;
	[tilespmem:s15+$0xFFFFFFE0] =	vst v8  }
0x86: {  	[tilespmem:s15+$0xFFFFFFF0] =	vst v6;
	v6 =	vsel vm0, v9, v10  }
0x87: {  	v4 =	vsel vm0, v4, v5;
	[tilespmem:s16+$0x0] =	vst v6  }
0x88: {  	[tilespmem:s16+$0x10] =	vst v4  }
0x89: {  	s15 =	rddreg [dreg:$0x4]  }
0x8a: {  	[hbm4b:s15+s2] =	stream.linear.scatter [tilespmem:s9], [sflag:$0x3], $0x8000, $0x38;
	[tilespmem:$0x1B400] =	vst v63  }
0x8b: {  	s16 =	simm.s32 $0x800  }
0x8c: {  	[tilespmem:s21], [sflag:$0x1] =	stream.indirect.gather [hbm4b:s3+s20], $0x10, s16, s20, $0xb8;
	[tilespmem:$0x1B400] =	vst v63  }
0x8d: {  	s17 =	simm.s32 $0x880  }
0x8e: {  	[tilespmem:s22], [sflag:$0x1] =	stream.indirect.gather [hbm4b:s3+s20], $0x10, s17, s20, $0xb8;
	[tilespmem:$0x1B400] =	vst v63  }
0x8f: {  	s18 =	simm.s32 $0x900  }
0x90: {  	[tilespmem:s24], [sflag:$0x1] =	stream.indirect.gather [hbm4b:s3+s20], $0x10, s18, s20, $0xb8;
	[tilespmem:$0x1B400] =	vst v63  }
0x91: {  	s16 =	simm.s32 $0x980  }
0x92: {  	[tilespmem:s26], [sflag:$0x1] =	stream.indirect.gather [hbm4b:s3+s20], $0x10, s16, s20, $0xb8;
	[tilespmem:$0x1B400] =	vst v63  }
0x93: {  	s17 =	simm.s32 $0xA00  }
0x94: {  	[tilespmem:s29], [sflag:$0x1] =	stream.indirect.gather [hbm4b:s3+s20], $0x10, s17, s20, $0xb8;
	[tilespmem:$0x1B400] =	vst v63  }
0x95: {  	s18 =	simm.s32 $0xA80  }
0x96: {  	[tilespmem:s31], [sflag:$0x1] =	stream.indirect.gather [hbm4b:s3+s20], $0x10, s18, s20, $0xb8;
	[tilespmem:$0x1B400] =	vst v63  }
0x97: {  	s16 =	simm.s32 $0xB00  }
0x98: {  	[tilespmem:s0], [sflag:$0x1] =	stream.indirect.gather [hbm4b:s3+s20], $0x10, s16, s20, $0xb8;
	[tilespmem:$0x1B400] =	vst v63  }
0x99: {  	s17 =	simm.s32 $0xB80  }
0x9a: {  	[tilespmem:s25], [sflag:$0x1] =	stream.indirect.gather [hbm4b:s3+s20], $0x10, s17, s20, $0xb8;
	[tilespmem:$0x1B400] =	vst v63  }
0x9b: {  	_ =	swait.ge [sflag:s10], $0x800  }
0x9c: {  	[sflag:s10] =	ssyncset.done $0x0  }
0x9d: {  	[sflag:s10] =	ssyncadd.s32 $0xFFFFF800  }
0x9e: {  	_ =	swait.ge [sflag:s10], $0x800  }
0x9f: {  	[sflag:s10] =	ssyncset.done $0x0  }
0xa0: {  	[sflag:s10] =	ssyncadd.s32 $0xFFFFF800  }
0xa1: {  	_ =	swait.ge [sflag:s10], $0x800  }
0xa2: {  	[sflag:s10] =	ssyncset.done $0x0  }
0xa3: {  	[sflag:s10] =	ssyncadd.s32 $0xFFFFF800  }
0xa4: {  	_ =	swait.ge [sflag:s10], $0x800  }
0xa5: {  	[sflag:s10] =	ssyncset.done $0x0  }
0xa6: {  	[sflag:s10] =	ssyncadd.s32 $0xFFFFF800  }
0xa7: {  	_ =	swait.ge [sflag:s10], $0x800  }
0xa8: {  	[sflag:s10] =	ssyncset.done $0x0  }
0xa9: {  	[sflag:s10] =	ssyncadd.s32 $0xFFFFF800  }
0xaa: {  	_ =	swait.ge [sflag:s10], $0x800  }
0xab: {  	[sflag:s10] =	ssyncset.done $0x0  }
0xac: {  	[sflag:s10] =	ssyncadd.s32 $0xFFFFF800  }
0xad: {  	_ =	swait.ge [sflag:s10], $0x800  }
0xae: {  	[sflag:s10] =	ssyncset.done $0x0  }
0xaf: {  	[sflag:s10] =	ssyncadd.s32 $0xFFFFF800  }
0xb0: {  	_ =	swait.ge [sflag:s10], $0x800  }
0xb1: {  	[sflag:s10] =	ssyncset.done $0x0  }
0xb2: {  	s18 =	simm.s32 $0x7420;
	[sflag:s10] =	ssyncadd.s32 $0xFFFFF800  }
0xb3: {  	v2 =	vld [tilespmem:s18+$0x10]  }
0xb4: {  	v3 =	vld [tilespmem:s18+$0xFFFFFFF0];
	_ =	sdelay $0x1  }
0xb5: {  	v4 =	vld [tilespmem:s18+$0xFFFFFFE0];
	_ =	sdelay $0x1  }
0xb6: {  	v6 =	vunpack.i.u.s16.s32 v2;
	v2 =	vunpack.i.l.s16.s32 v2  }
0xb7: {  	v7 =	vunpack.i.u.s16.s32 v3;
	v8 =	vunpack.i.l.s16.s32 v3;
	v2 =	vshll.u32 v2, $0x10  }
0xb8: {  	v5 =	vld [tilespmem:s18+$0x0];
	v6 =	vshll.u32 v6, $0x10;
	v8 =	vshll.u32 v8, $0x10;
	v7 =	vshll.u32 v7, $0x10  }
0xb9: {  	v2 =	vshra.s32 v2, $0x3;
	v3 =	vshra.s32 v6, $0x3;
	v6 =	vunpack.i.u.s16.s32 v4  }
0xba: {  	v4 =	vunpack.i.l.s16.s32 v4;
	v8 =	vshra.s32 v8, $0x3;
	v7 =	vshra.s32 v7, $0x3  }
0xbb: {  	v2 =	vand.u32 $0x8FFFE000, v2;
	v9 =	vand.u32 $0x8FFFE000, v3;
	v4 =	vshll.u32 v4, $0x10  }
0xbc: {  	v6 =	vshll.u32 v6, $0x10;
	v63 =	vand.u32 $0x8FFFE000, v8;
	v13 =	vand.u32 $0x8FFFE000, v7  }
0xbd: {  	v3 =	vmul.f32 $5.192296860e+33, v2;
	v2 =	vmul.f32 $5.192296860e+33, v9;
	v9 =	vunpack.i.u.s16.s32 v5  }
0xbe: {  	v5 =	vunpack.i.l.s16.s32 v5;
	v4 =	vshra.s32 v4, $0x3;
	v6 =	vshra.s32 v6, $0x3  }
0xbf: {  	v7 =	vmul.f32 $5.192296860e+33, v63;
	v5 =	vshll.u32 v5, $0x10;
	v9 =	vshll.u32 v9, $0x10  }
0xc0: {  	v4 =	vand.u32 $0x8FFFE000, v4;
	v6 =	vand.u32 $0x8FFFE000, v6;
	v10 =	vperm.xlane v3, v1  }
0xc1: {  	v11 =	vperm.xlane v2, v1;
	v5 =	vshra.s32 v5, $0x3;
	v9 =	vshra.s32 v9, $0x3  }
0xc2: {  	v14 =	vmul.f32 $5.192296860e+33, v4;
	v8 =	vmul.f32 $5.192296860e+33, v6;
	v4 =	vand.u32 $0x8FFFE000, v5  }
0xc3: {  	v6 =	vmul.f32 $5.192296860e+33, v13;
	v5 =	vand.u32 $0x8FFFE000, v9;
	v4 =	vmul.f32 $5.192296860e+33, v4  }
0xc4: {  	s15 =	simm.s32 $0x13440;
	v10 =	vsel vm0, v10, v11;
	v9 =	vperm.xlane v14, v0;
	v5 =	vmul.f32 $5.192296860e+33, v5  }
0xc5: {  	s16 =	simm.s32 $0x13440;
	s17 =	simm.s32 $0x0;
	s18 =	simm.s32 $0x7460;
	v11 =	vperm.xlane v8, v0;
	[tilespmem:s15+$0x30] =	vst v10;
	v10 =	vperm.xlane v14, v1  }
.LBB2_4:
0xc6: {  	v12 =	vld [tilespmem:s18+$0x10];
	s17 =	sadd.s32 $0x4, s17;
	v8 =	vperm.xlane v8, v1;
	v13 =	vperm.xlane v7, v0  }
0xc7: {  	v7 =	vperm.xlane v7, v1;
	v14 =	vld [tilespmem:s18+$0xFFFFFFF0];
	p0 =	slt.u32 s17, $0x3FC;
	v9 =	vsel vm0, v9, v11;
	v11 =	vperm.xlane v6, v0  }
0xc8: {  	v6 =	vperm.xlane v6, v1;
	v15 =	vld [tilespmem:s18+$0x0];
	[tilespmem:s15+$0xFFFFFFC0] =	vst v9;
	v8 =	vsel vm0, v10, v8;
	v9 =	vperm.xlane v4, v0  }
0xc9: {  	v10 =	vld [tilespmem:s18+$0xFFFFFFE0];
	[tilespmem:s15+$0xFFFFFFD0] =	vst v8;
	v8 =	vsel vm0, v13, v11;
	v11 =	vperm.xlane v5, v0;
	v13 =	vperm.xlane v4, v1  }
0xca: {  	v16 =	vperm.xlane v3, v0;
	v4 =	vsel vm0, v7, v6;
	v5 =	vperm.xlane v5, v1;
	[tilespmem:s15+$0xFFFFFFE0] =	vst v8  }
0xcb: {  	v3 =	vunpack.i.u.s16.s32 v12;
	v6 =	vunpack.i.l.s16.s32 v12;
	[tilespmem:s15+$0xFFFFFFF0] =	vst v4;
	v12 =	vperm.xlane v2, v0  }
0xcc: {  	v4 =	vunpack.i.u.s16.s32 v14;
	v2 =	vshll.u32 v6, $0x10;
	v3 =	vshll.u32 v3, $0x10  }
0xcd: {  	v6 =	vunpack.i.l.s16.s32 v14;
	v2 =	vshra.s32 v2, $0x3;
	v3 =	vshra.s32 v3, $0x3  }
0xce: {  	v7 =	vunpack.i.u.s16.s32 v10;
	v2 =	vand.u32 $0x8FFFE000, v2;
	v8 =	vand.u32 $0x8FFFE000, v3  }
0xcf: {  	v10 =	vunpack.i.l.s16.s32 v10;
	v3 =	vmul.f32 $5.192296860e+33, v2;
	v2 =	vmul.f32 $5.192296860e+33, v8  }
0xd0: {  	v14 =	vunpack.i.l.s16.s32 v15;
	v8 =	vshll.u32 v10, $0x10;
	v10 =	vunpack.i.u.s16.s32 v15  }
0xd1: {  	v7 =	vshll.u32 v7, $0x10;
	v15 =	vperm.xlane v3, v1;
	v17 =	vperm.xlane v2, v1  }
0xd2: {  	v6 =	vshll.u32 v6, $0x10;
	v4 =	vshll.u32 v4, $0x10;
	v14 =	vshll.u32 v14, $0x10  }
0xd3: {  	s15 =	sadd.s32 $0x80, s15;
	v8 =	vshra.s32 v8, $0x3;
	v10 =	vshll.u32 v10, $0x10;
	v15 =	vsel vm0, v15, v17  }
0xd4: {  	v6 =	vshra.s32 v6, $0x3;
	v4 =	vshra.s32 v4, $0x3;
	v7 =	vshra.s32 v7, $0x3;
	[tilespmem:s15+$0x30] =	vst v15  }
0xd5: {  	v14 =	vshra.s32 v14, $0x3;
	v8 =	vand.u32 $0x8FFFE000, v8;
	v10 =	vshra.s32 v10, $0x3  }
0xd6: {  	v6 =	vand.u32 $0x8FFFE000, v6;
	v4 =	vand.u32 $0x8FFFE000, v4;
	v7 =	vand.u32 $0x8FFFE000, v7  }
.Ltmp1:
0xd7: {  	v14 =	vand.u32 $0x8FFFE000, v14;
	v10 =	vand.u32 $0x8FFFE000, v10;
	v15 =	vmul.f32 $5.192296860e+33, v8;
	(pc) =	sbr.rel @p0 .LBB2_4-.Ltmp1, $4  }
0xd8: {  	v9 =	vsel vm0, v9, v11;
	v8 =	vmul.f32 $5.192296860e+33, v7;
	v7 =	vmul.f32 $5.192296860e+33, v6  }
0xd9: {  	v11 =	vsel vm0, v13, v5;
	v6 =	vmul.f32 $5.192296860e+33, v4;
	v4 =	vmul.f32 $5.192296860e+33, v14;
	[tilespmem:s16+$0x0] =	vst v9  }
0xda: {  	v12 =	vsel vm0, v16, v12;
	v5 =	vmul.f32 $5.192296860e+33, v10;
	v9 =	vperm.xlane v15, v0;
	[tilespmem:s16+$0x10] =	vst v11  }
0xdb: {  	s18 =	sadd.s32 $0x40, s18;
	v10 =	vperm.xlane v15, v1;
	v11 =	vperm.xlane v8, v0;
	[tilespmem:s16+$0x20] =	vst v12;
	s16 =	smov.u32 s15  }
0xdc: {  	v8 =	vperm.xlane v8, v1  }
0xdd: {  	v3 =	vperm.xlane v3, v0;
	v2 =	vperm.xlane v2, v0;
	v9 =	vsel vm0, v9, v11  }
0xde: {  	v12 =	vperm.xlane v7, v0;
	v11 =	vperm.xlane v6, v0;
	[tilespmem:s15+$0xFFFFFFC0] =	vst v9;
	v8 =	vsel vm0, v10, v8  }
0xdf: {  	v7 =	vperm.xlane v7, v1;
	v6 =	vperm.xlane v6, v1;
	v2 =	vsel vm0, v3, v2;
	[tilespmem:s15+$0xFFFFFFD0] =	vst v8  }
0xe0: {  	v9 =	vperm.xlane v4, v0;
	v10 =	vperm.xlane v5, v0;
	v8 =	vsel vm0, v12, v11;
	[tilespmem:s16+$0x20] =	vst v2  }
0xe1: {  	v4 =	vperm.xlane v4, v1;
	v5 =	vperm.xlane v5, v1;
	v6 =	vsel vm0, v7, v6;
	[tilespmem:s15+$0xFFFFFFE0] =	vst v8  }
0xe2: {  	[tilespmem:s15+$0xFFFFFFF0] =	vst v6;
	v6 =	vsel vm0, v9, v10  }
0xe3: {  	v4 =	vsel vm0, v4, v5;
	[tilespmem:s16+$0x0] =	vst v6  }
0xe4: {  	[tilespmem:s16+$0x10] =	vst v4  }
0xe5: {  	s15 =	rddreg [dreg:$0x5]  }
0xe6: {  	[hbm4b:s15+s2] =	stream.linear.scatter [tilespmem:s11], [sflag:$0x4], $0x8000, $0x38;
	[tilespmem:$0x1B400] =	vst v63  }
0xe7: {  	s16 =	simm.s32 $0xC00  }
0xe8: {  	[tilespmem:s30], [sflag:$0x2] =	stream.indirect.gather [hbm4b:s3+s20], $0x10, s16, s20, $0xb8;
	[tilespmem:$0x1B400] =	vst v63  }
0xe9: {  	s17 =	simm.s32 $0xC80  }
0xea: {  	[tilespmem:s23], [sflag:$0x2] =	stream.indirect.gather [hbm4b:s3+s20], $0x10, s17, s20, $0xb8;
	[tilespmem:$0x1B400] =	vst v63  }
0xeb: {  	s18 =	simm.s32 $0xD00  }
0xec: {  	[tilespmem:s1], [sflag:$0x2] =	stream.indirect.gather [hbm4b:s3+s20], $0x10, s18, s20, $0xb8;
	[tilespmem:$0x1B400] =	vst v63  }
0xed: {  	s16 =	simm.s32 $0xD80  }
0xee: {  	[tilespmem:s28], [sflag:$0x2] =	stream.indirect.gather [hbm4b:s3+s20], $0x10, s16, s20, $0xb8;
	[tilespmem:$0x1B400] =	vst v63  }
0xef: {  	s17 =	simm.s32 $0xE00  }
0xf0: {  	[tilespmem:s4], [sflag:$0x2] =	stream.indirect.gather [hbm4b:s3+s20], $0x10, s17, s20, $0xb8;
	[tilespmem:$0x1B400] =	vst v63  }
0xf1: {  	s18 =	simm.s32 $0xE80  }
0xf2: {  	[tilespmem:s5], [sflag:$0x2] =	stream.indirect.gather [hbm4b:s3+s20], $0x10, s18, s20, $0xb8;
	[tilespmem:$0x1B400] =	vst v63  }
0xf3: {  	s16 =	simm.s32 $0xF00  }
0xf4: {  	[tilespmem:s6], [sflag:$0x2] =	stream.indirect.gather [hbm4b:s3+s20], $0x10, s16, s20, $0xb8;
	[tilespmem:$0x1B400] =	vst v63  }
0xf5: {  	s17 =	simm.s32 $0xF80  }
0xf6: {  	[tilespmem:s7], [sflag:$0x2] =	stream.indirect.gather [hbm4b:s3+s20], $0x10, s17, s20, $0xb8;
	[tilespmem:$0x1B400] =	vst v63  }
0xf7: {  	_ =	swait.ge [sflag:s8], $0x800  }
0xf8: {  	[sflag:s8] =	ssyncset.done $0x0  }
0xf9: {  	[sflag:s8] =	ssyncadd.s32 $0xFFFFF800  }
0xfa: {  	_ =	swait.ge [sflag:s8], $0x800  }
0xfb: {  	[sflag:s8] =	ssyncset.done $0x0  }
0xfc: {  	[sflag:s8] =	ssyncadd.s32 $0xFFFFF800  }
0xfd: {  	_ =	swait.ge [sflag:s8], $0x800  }
0xfe: {  	[sflag:s8] =	ssyncset.done $0x0  }
0xff: {  	[sflag:s8] =	ssyncadd.s32 $0xFFFFF800  }
0x100: {  	_ =	swait.ge [sflag:s8], $0x800  }
0x101: {  	[sflag:s8] =	ssyncset.done $0x0  }
0x102: {  	[sflag:s8] =	ssyncadd.s32 $0xFFFFF800  }
0x103: {  	_ =	swait.ge [sflag:s8], $0x800  }
0x104: {  	[sflag:s8] =	ssyncset.done $0x0  }
0x105: {  	[sflag:s8] =	ssyncadd.s32 $0xFFFFF800  }
0x106: {  	_ =	swait.ge [sflag:s8], $0x800  }
0x107: {  	[sflag:s8] =	ssyncset.done $0x0  }
0x108: {  	[sflag:s8] =	ssyncadd.s32 $0xFFFFF800  }
0x109: {  	_ =	swait.ge [sflag:s8], $0x800  }
0x10a: {  	[sflag:s8] =	ssyncset.done $0x0  }
0x10b: {  	[sflag:s8] =	ssyncadd.s32 $0xFFFFF800  }
0x10c: {  	_ =	swait.ge [sflag:s8], $0x800  }
0x10d: {  	[sflag:s8] =	ssyncset.done $0x0  }
0x10e: {  	[sflag:s8] =	ssyncadd.s32 $0xFFFFF800  }
0x10f: {  	_ =	swait.ge [sflag:s12], $0x8000  }
0x110: {  	[sflag:s12] =	ssyncset.done $0x0  }
0x111: {  	s18 =	simm.s32 $0x3420;
	[sflag:s12] =	ssyncadd.s32 $0xFFFF8000  }
0x112: {  	v2 =	vld [tilespmem:s18+$0x10]  }
0x113: {  	v3 =	vld [tilespmem:s18+$0xFFFFFFF0];
	_ =	sdelay $0x1  }
0x114: {  	v4 =	vld [tilespmem:s18+$0xFFFFFFE0];
	_ =	sdelay $0x1  }
0x115: {  	v6 =	vunpack.i.u.s16.s32 v2;
	v2 =	vunpack.i.l.s16.s32 v2  }
0x116: {  	v7 =	vunpack.i.u.s16.s32 v3;
	v8 =	vunpack.i.l.s16.s32 v3;
	v2 =	vshll.u32 v2, $0x10  }
0x117: {  	v5 =	vld [tilespmem:s18+$0x0];
	v6 =	vshll.u32 v6, $0x10;
	v8 =	vshll.u32 v8, $0x10;
	v7 =	vshll.u32 v7, $0x10  }
0x118: {  	v2 =	vshra.s32 v2, $0x3;
	v3 =	vshra.s32 v6, $0x3;
	v6 =	vunpack.i.u.s16.s32 v4  }
0x119: {  	v4 =	vunpack.i.l.s16.s32 v4;
	v8 =	vshra.s32 v8, $0x3;
	v7 =	vshra.s32 v7, $0x3  }
0x11a: {  	v2 =	vand.u32 $0x8FFFE000, v2;
	v9 =	vand.u32 $0x8FFFE000, v3;
	v4 =	vshll.u32 v4, $0x10  }
0x11b: {  	v6 =	vshll.u32 v6, $0x10;
	v63 =	vand.u32 $0x8FFFE000, v8;
	v13 =	vand.u32 $0x8FFFE000, v7  }
0x11c: {  	v3 =	vmul.f32 $5.192296860e+33, v2;
	v2 =	vmul.f32 $5.192296860e+33, v9;
	v9 =	vunpack.i.u.s16.s32 v5  }
0x11d: {  	v5 =	vunpack.i.l.s16.s32 v5;
	v4 =	vshra.s32 v4, $0x3;
	v6 =	vshra.s32 v6, $0x3  }
0x11e: {  	v7 =	vmul.f32 $5.192296860e+33, v63;
	v5 =	vshll.u32 v5, $0x10;
	v9 =	vshll.u32 v9, $0x10  }
0x11f: {  	v4 =	vand.u32 $0x8FFFE000, v4;
	v6 =	vand.u32 $0x8FFFE000, v6;
	v10 =	vperm.xlane v3, v1  }
0x120: {  	v11 =	vperm.xlane v2, v1;
	v5 =	vshra.s32 v5, $0x3;
	v9 =	vshra.s32 v9, $0x3  }
0x121: {  	v14 =	vmul.f32 $5.192296860e+33, v4;
	v8 =	vmul.f32 $5.192296860e+33, v6;
	v4 =	vand.u32 $0x8FFFE000, v5  }
0x122: {  	v6 =	vmul.f32 $5.192296860e+33, v13;
	v5 =	vand.u32 $0x8FFFE000, v9;
	v4 =	vmul.f32 $5.192296860e+33, v4  }
0x123: {  	s15 =	simm.s32 $0xB440;
	v10 =	vsel vm0, v10, v11;
	v9 =	vperm.xlane v14, v0;
	v5 =	vmul.f32 $5.192296860e+33, v5  }
0x124: {  	s16 =	simm.s32 $0xB440;
	s17 =	simm.s32 $0x0;
	s18 =	simm.s32 $0x3460;
	v11 =	vperm.xlane v8, v0;
	[tilespmem:s15+$0x30] =	vst v10;
	v10 =	vperm.xlane v14, v1  }
.LBB2_6:
0x125: {  	v12 =	vld [tilespmem:s18+$0x10];
	s17 =	sadd.s32 $0x4, s17;
	v8 =	vperm.xlane v8, v1;
	v13 =	vperm.xlane v7, v0  }
0x126: {  	v7 =	vperm.xlane v7, v1;
	v14 =	vld [tilespmem:s18+$0xFFFFFFF0];
	p0 =	slt.u32 s17, $0x3FC;
	v9 =	vsel vm0, v9, v11;
	v11 =	vperm.xlane v6, v0  }
0x127: {  	v6 =	vperm.xlane v6, v1;
	v15 =	vld [tilespmem:s18+$0x0];
	[tilespmem:s15+$0xFFFFFFC0] =	vst v9;
	v8 =	vsel vm0, v10, v8;
	v9 =	vperm.xlane v4, v0  }
0x128: {  	v10 =	vld [tilespmem:s18+$0xFFFFFFE0];
	[tilespmem:s15+$0xFFFFFFD0] =	vst v8;
	v8 =	vsel vm0, v13, v11;
	v11 =	vperm.xlane v5, v0;
	v13 =	vperm.xlane v4, v1  }
0x129: {  	v16 =	vperm.xlane v3, v0;
	v4 =	vsel vm0, v7, v6;
	v5 =	vperm.xlane v5, v1;
	[tilespmem:s15+$0xFFFFFFE0] =	vst v8  }
0x12a: {  	v3 =	vunpack.i.u.s16.s32 v12;
	v6 =	vunpack.i.l.s16.s32 v12;
	[tilespmem:s15+$0xFFFFFFF0] =	vst v4;
	v12 =	vperm.xlane v2, v0  }
0x12b: {  	v4 =	vunpack.i.u.s16.s32 v14;
	v2 =	vshll.u32 v6, $0x10;
	v3 =	vshll.u32 v3, $0x10  }
0x12c: {  	v6 =	vunpack.i.l.s16.s32 v14;
	v2 =	vshra.s32 v2, $0x3;
	v3 =	vshra.s32 v3, $0x3  }
0x12d: {  	v7 =	vunpack.i.u.s16.s32 v10;
	v2 =	vand.u32 $0x8FFFE000, v2;
	v8 =	vand.u32 $0x8FFFE000, v3  }
0x12e: {  	v10 =	vunpack.i.l.s16.s32 v10;
	v3 =	vmul.f32 $5.192296860e+33, v2;
	v2 =	vmul.f32 $5.192296860e+33, v8  }
0x12f: {  	v14 =	vunpack.i.l.s16.s32 v15;
	v8 =	vshll.u32 v10, $0x10;
	v10 =	vunpack.i.u.s16.s32 v15  }
0x130: {  	v7 =	vshll.u32 v7, $0x10;
	v15 =	vperm.xlane v3, v1;
	v17 =	vperm.xlane v2, v1  }
0x131: {  	v6 =	vshll.u32 v6, $0x10;
	v4 =	vshll.u32 v4, $0x10;
	v14 =	vshll.u32 v14, $0x10  }
0x132: {  	s15 =	sadd.s32 $0x80, s15;
	v8 =	vshra.s32 v8, $0x3;
	v10 =	vshll.u32 v10, $0x10;
	v15 =	vsel vm0, v15, v17  }
0x133: {  	v6 =	vshra.s32 v6, $0x3;
	v4 =	vshra.s32 v4, $0x3;
	v7 =	vshra.s32 v7, $0x3;
	[tilespmem:s15+$0x30] =	vst v15  }
0x134: {  	v14 =	vshra.s32 v14, $0x3;
	v8 =	vand.u32 $0x8FFFE000, v8;
	v10 =	vshra.s32 v10, $0x3  }
0x135: {  	v6 =	vand.u32 $0x8FFFE000, v6;
	v4 =	vand.u32 $0x8FFFE000, v4;
	v7 =	vand.u32 $0x8FFFE000, v7  }
.Ltmp2:
0x136: {  	v14 =	vand.u32 $0x8FFFE000, v14;
	v10 =	vand.u32 $0x8FFFE000, v10;
	v15 =	vmul.f32 $5.192296860e+33, v8;
	(pc) =	sbr.rel @p0 .LBB2_6-.Ltmp2, $4  }
0x137: {  	v9 =	vsel vm0, v9, v11;
	v8 =	vmul.f32 $5.192296860e+33, v7;
	v7 =	vmul.f32 $5.192296860e+33, v6  }
0x138: {  	v11 =	vsel vm0, v13, v5;
	v6 =	vmul.f32 $5.192296860e+33, v4;
	v4 =	vmul.f32 $5.192296860e+33, v14;
	[tilespmem:s16+$0x0] =	vst v9  }
0x139: {  	v12 =	vsel vm0, v16, v12;
	v5 =	vmul.f32 $5.192296860e+33, v10;
	v9 =	vperm.xlane v15, v0;
	[tilespmem:s16+$0x10] =	vst v11  }
0x13a: {  	s18 =	sadd.s32 $0x40, s18;
	v10 =	vperm.xlane v15, v1;
	v11 =	vperm.xlane v8, v0;
	[tilespmem:s16+$0x20] =	vst v12;
	s16 =	smov.u32 s15  }
0x13b: {  	v8 =	vperm.xlane v8, v1  }
0x13c: {  	v3 =	vperm.xlane v3, v0;
	v2 =	vperm.xlane v2, v0;
	v9 =	vsel vm0, v9, v11  }
0x13d: {  	v12 =	vperm.xlane v7, v0;
	v11 =	vperm.xlane v6, v0;
	[tilespmem:s15+$0xFFFFFFC0] =	vst v9;
	v8 =	vsel vm0, v10, v8  }
0x13e: {  	v7 =	vperm.xlane v7, v1;
	v6 =	vperm.xlane v6, v1;
	v2 =	vsel vm0, v3, v2;
	[tilespmem:s15+$0xFFFFFFD0] =	vst v8  }
0x13f: {  	v9 =	vperm.xlane v4, v0;
	v10 =	vperm.xlane v5, v0;
	v8 =	vsel vm0, v12, v11;
	[tilespmem:s16+$0x20] =	vst v2  }
0x140: {  	v4 =	vperm.xlane v4, v1;
	v5 =	vperm.xlane v5, v1;
	v6 =	vsel vm0, v7, v6;
	[tilespmem:s15+$0xFFFFFFE0] =	vst v8  }
0x141: {  	[tilespmem:s15+$0xFFFFFFF0] =	vst v6;
	v6 =	vsel vm0, v9, v10  }
0x142: {  	v4 =	vsel vm0, v4, v5;
	[tilespmem:s16+$0x0] =	vst v6  }
0x143: {  	[tilespmem:s16+$0x10] =	vst v4  }
0x144: {  	s15 =	rddreg [dreg:$0x6]  }
0x145: {  	[hbm4b:s15+s2] =	stream.linear.scatter [tilespmem:s9], [sflag:$0x3], $0x8000, $0x38;
	[tilespmem:$0x1B400] =	vst v63  }
0x146: {  	s16 =	simm.s32 $0x1000  }
0x147: {  	[tilespmem:s21], [sflag:$0x1] =	stream.indirect.gather [hbm4b:s3+s20], $0x10, s16, s20, $0xb8;
	[tilespmem:$0x1B400] =	vst v63  }
0x148: {  	s17 =	simm.s32 $0x1080  }
0x149: {  	[tilespmem:s22], [sflag:$0x1] =	stream.indirect.gather [hbm4b:s3+s20], $0x10, s17, s20, $0xb8;
	[tilespmem:$0x1B400] =	vst v63  }
0x14a: {  	s18 =	simm.s32 $0x1100  }
0x14b: {  	[tilespmem:s24], [sflag:$0x1] =	stream.indirect.gather [hbm4b:s3+s20], $0x10, s18, s20, $0xb8;
	[tilespmem:$0x1B400] =	vst v63  }
0x14c: {  	s16 =	simm.s32 $0x1180  }
0x14d: {  	[tilespmem:s26], [sflag:$0x1] =	stream.indirect.gather [hbm4b:s3+s20], $0x10, s16, s20, $0xb8;
	[tilespmem:$0x1B400] =	vst v63  }
0x14e: {  	s17 =	simm.s32 $0x1200  }
0x14f: {  	[tilespmem:s29], [sflag:$0x1] =	stream.indirect.gather [hbm4b:s3+s20], $0x10, s17, s20, $0xb8;
	[tilespmem:$0x1B400] =	vst v63  }
0x150: {  	s18 =	simm.s32 $0x1280  }
0x151: {  	[tilespmem:s31], [sflag:$0x1] =	stream.indirect.gather [hbm4b:s3+s20], $0x10, s18, s20, $0xb8;
	[tilespmem:$0x1B400] =	vst v63  }
0x152: {  	s16 =	simm.s32 $0x1300  }
0x153: {  	[tilespmem:s0], [sflag:$0x1] =	stream.indirect.gather [hbm4b:s3+s20], $0x10, s16, s20, $0xb8;
	[tilespmem:$0x1B400] =	vst v63  }
0x154: {  	s17 =	simm.s32 $0x1380  }
0x155: {  	[tilespmem:s25], [sflag:$0x1] =	stream.indirect.gather [hbm4b:s3+s20], $0x10, s17, s20, $0xb8;
	[tilespmem:$0x1B400] =	vst v63  }
0x156: {  	_ =	swait.ge [sflag:s10], $0x800  }
0x157: {  	[sflag:s10] =	ssyncset.done $0x0  }
0x158: {  	[sflag:s10] =	ssyncadd.s32 $0xFFFFF800  }
0x159: {  	_ =	swait.ge [sflag:s10], $0x800  }
0x15a: {  	[sflag:s10] =	ssyncset.done $0x0  }
0x15b: {  	[sflag:s10] =	ssyncadd.s32 $0xFFFFF800  }
0x15c: {  	_ =	swait.ge [sflag:s10], $0x800  }
0x15d: {  	[sflag:s10] =	ssyncset.done $0x0  }
0x15e: {  	[sflag:s10] =	ssyncadd.s32 $0xFFFFF800  }
0x15f: {  	_ =	swait.ge [sflag:s10], $0x800  }
0x160: {  	[sflag:s10] =	ssyncset.done $0x0  }
0x161: {  	[sflag:s10] =	ssyncadd.s32 $0xFFFFF800  }
0x162: {  	_ =	swait.ge [sflag:s10], $0x800  }
0x163: {  	[sflag:s10] =	ssyncset.done $0x0  }
0x164: {  	[sflag:s10] =	ssyncadd.s32 $0xFFFFF800  }
0x165: {  	_ =	swait.ge [sflag:s10], $0x800  }
0x166: {  	[sflag:s10] =	ssyncset.done $0x0  }
0x167: {  	[sflag:s10] =	ssyncadd.s32 $0xFFFFF800  }
0x168: {  	_ =	swait.ge [sflag:s10], $0x800  }
0x169: {  	[sflag:s10] =	ssyncset.done $0x0  }
0x16a: {  	[sflag:s10] =	ssyncadd.s32 $0xFFFFF800  }
0x16b: {  	_ =	swait.ge [sflag:s10], $0x800  }
0x16c: {  	[sflag:s10] =	ssyncset.done $0x0  }
0x16d: {  	[sflag:s10] =	ssyncadd.s32 $0xFFFFF800  }
0x16e: {  	_ =	swait.ge [sflag:s13], $0x8000  }
0x16f: {  	[sflag:s13] =	ssyncset.done $0x0  }
0x170: {  	s18 =	simm.s32 $0x7420;
	[sflag:s13] =	ssyncadd.s32 $0xFFFF8000  }
0x171: {  	v2 =	vld [tilespmem:s18+$0x10]  }
0x172: {  	v3 =	vld [tilespmem:s18+$0xFFFFFFF0];
	_ =	sdelay $0x1  }
0x173: {  	v4 =	vld [tilespmem:s18+$0xFFFFFFE0];
	_ =	sdelay $0x1  }
0x174: {  	v6 =	vunpack.i.u.s16.s32 v2;
	v2 =	vunpack.i.l.s16.s32 v2  }
0x175: {  	v7 =	vunpack.i.u.s16.s32 v3;
	v8 =	vunpack.i.l.s16.s32 v3;
	v2 =	vshll.u32 v2, $0x10  }
0x176: {  	v5 =	vld [tilespmem:s18+$0x0];
	v6 =	vshll.u32 v6, $0x10;
	v8 =	vshll.u32 v8, $0x10;
	v7 =	vshll.u32 v7, $0x10  }
0x177: {  	v2 =	vshra.s32 v2, $0x3;
	v3 =	vshra.s32 v6, $0x3;
	v6 =	vunpack.i.u.s16.s32 v4  }
0x178: {  	v4 =	vunpack.i.l.s16.s32 v4;
	v8 =	vshra.s32 v8, $0x3;
	v7 =	vshra.s32 v7, $0x3  }
0x179: {  	v2 =	vand.u32 $0x8FFFE000, v2;
	v9 =	vand.u32 $0x8FFFE000, v3;
	v4 =	vshll.u32 v4, $0x10  }
0x17a: {  	v6 =	vshll.u32 v6, $0x10;
	v63 =	vand.u32 $0x8FFFE000, v8;
	v13 =	vand.u32 $0x8FFFE000, v7  }
0x17b: {  	v3 =	vmul.f32 $5.192296860e+33, v2;
	v2 =	vmul.f32 $5.192296860e+33, v9;
	v9 =	vunpack.i.u.s16.s32 v5  }
0x17c: {  	v5 =	vunpack.i.l.s16.s32 v5;
	v4 =	vshra.s32 v4, $0x3;
	v6 =	vshra.s32 v6, $0x3  }
0x17d: {  	v7 =	vmul.f32 $5.192296860e+33, v63;
	v5 =	vshll.u32 v5, $0x10;
	v9 =	vshll.u32 v9, $0x10  }
0x17e: {  	v4 =	vand.u32 $0x8FFFE000, v4;
	v6 =	vand.u32 $0x8FFFE000, v6;
	v10 =	vperm.xlane v3, v1  }
0x17f: {  	v11 =	vperm.xlane v2, v1;
	v5 =	vshra.s32 v5, $0x3;
	v9 =	vshra.s32 v9, $0x3  }
0x180: {  	v14 =	vmul.f32 $5.192296860e+33, v4;
	v8 =	vmul.f32 $5.192296860e+33, v6;
	v4 =	vand.u32 $0x8FFFE000, v5  }
0x181: {  	v6 =	vmul.f32 $5.192296860e+33, v13;
	v5 =	vand.u32 $0x8FFFE000, v9;
	v4 =	vmul.f32 $5.192296860e+33, v4  }
0x182: {  	s15 =	simm.s32 $0x13440;
	v10 =	vsel vm0, v10, v11;
	v9 =	vperm.xlane v14, v0;
	v5 =	vmul.f32 $5.192296860e+33, v5  }
0x183: {  	s16 =	simm.s32 $0x13440;
	s17 =	simm.s32 $0x0;
	s18 =	simm.s32 $0x7460;
	v11 =	vperm.xlane v8, v0;
	[tilespmem:s15+$0x30] =	vst v10;
	v10 =	vperm.xlane v14, v1  }
.LBB2_8:
0x184: {  	v12 =	vld [tilespmem:s18+$0x10];
	s17 =	sadd.s32 $0x4, s17;
	v8 =	vperm.xlane v8, v1;
	v13 =	vperm.xlane v7, v0  }
0x185: {  	v7 =	vperm.xlane v7, v1;
	v14 =	vld [tilespmem:s18+$0xFFFFFFF0];
	p0 =	slt.u32 s17, $0x3FC;
	v9 =	vsel vm0, v9, v11;
	v11 =	vperm.xlane v6, v0  }
0x186: {  	v6 =	vperm.xlane v6, v1;
	v15 =	vld [tilespmem:s18+$0x0];
	[tilespmem:s15+$0xFFFFFFC0] =	vst v9;
	v8 =	vsel vm0, v10, v8;
	v9 =	vperm.xlane v4, v0  }
0x187: {  	v10 =	vld [tilespmem:s18+$0xFFFFFFE0];
	[tilespmem:s15+$0xFFFFFFD0] =	vst v8;
	v8 =	vsel vm0, v13, v11;
	v11 =	vperm.xlane v5, v0;
	v13 =	vperm.xlane v4, v1  }
0x188: {  	v16 =	vperm.xlane v3, v0;
	v4 =	vsel vm0, v7, v6;
	v5 =	vperm.xlane v5, v1;
	[tilespmem:s15+$0xFFFFFFE0] =	vst v8  }
0x189: {  	v3 =	vunpack.i.u.s16.s32 v12;
	v6 =	vunpack.i.l.s16.s32 v12;
	[tilespmem:s15+$0xFFFFFFF0] =	vst v4;
	v12 =	vperm.xlane v2, v0  }
0x18a: {  	v4 =	vunpack.i.u.s16.s32 v14;
	v2 =	vshll.u32 v6, $0x10;
	v3 =	vshll.u32 v3, $0x10  }
0x18b: {  	v6 =	vunpack.i.l.s16.s32 v14;
	v2 =	vshra.s32 v2, $0x3;
	v3 =	vshra.s32 v3, $0x3  }
0x18c: {  	v7 =	vunpack.i.u.s16.s32 v10;
	v2 =	vand.u32 $0x8FFFE000, v2;
	v8 =	vand.u32 $0x8FFFE000, v3  }
0x18d: {  	v10 =	vunpack.i.l.s16.s32 v10;
	v3 =	vmul.f32 $5.192296860e+33, v2;
	v2 =	vmul.f32 $5.192296860e+33, v8  }
0x18e: {  	v14 =	vunpack.i.l.s16.s32 v15;
	v8 =	vshll.u32 v10, $0x10;
	v10 =	vunpack.i.u.s16.s32 v15  }
0x18f: {  	v7 =	vshll.u32 v7, $0x10;
	v15 =	vperm.xlane v3, v1;
	v17 =	vperm.xlane v2, v1  }
0x190: {  	v6 =	vshll.u32 v6, $0x10;
	v4 =	vshll.u32 v4, $0x10;
	v14 =	vshll.u32 v14, $0x10  }
0x191: {  	s15 =	sadd.s32 $0x80, s15;
	v8 =	vshra.s32 v8, $0x3;
	v10 =	vshll.u32 v10, $0x10;
	v15 =	vsel vm0, v15, v17  }
0x192: {  	v6 =	vshra.s32 v6, $0x3;
	v4 =	vshra.s32 v4, $0x3;
	v7 =	vshra.s32 v7, $0x3;
	[tilespmem:s15+$0x30] =	vst v15  }
0x193: {  	v14 =	vshra.s32 v14, $0x3;
	v8 =	vand.u32 $0x8FFFE000, v8;
	v10 =	vshra.s32 v10, $0x3  }
0x194: {  	v6 =	vand.u32 $0x8FFFE000, v6;
	v4 =	vand.u32 $0x8FFFE000, v4;
	v7 =	vand.u32 $0x8FFFE000, v7  }
.Ltmp3:
0x195: {  	v14 =	vand.u32 $0x8FFFE000, v14;
	v10 =	vand.u32 $0x8FFFE000, v10;
	v15 =	vmul.f32 $5.192296860e+33, v8;
	(pc) =	sbr.rel @p0 .LBB2_8-.Ltmp3, $4  }
0x196: {  	v9 =	vsel vm0, v9, v11;
	v8 =	vmul.f32 $5.192296860e+33, v7;
	v7 =	vmul.f32 $5.192296860e+33, v6  }
0x197: {  	v11 =	vsel vm0, v13, v5;
	v6 =	vmul.f32 $5.192296860e+33, v4;
	v4 =	vmul.f32 $5.192296860e+33, v14;
	[tilespmem:s16+$0x0] =	vst v9  }
0x198: {  	v12 =	vsel vm0, v16, v12;
	v5 =	vmul.f32 $5.192296860e+33, v10;
	v9 =	vperm.xlane v15, v0;
	[tilespmem:s16+$0x10] =	vst v11  }
0x199: {  	s18 =	sadd.s32 $0x40, s18;
	v10 =	vperm.xlane v15, v1;
	v11 =	vperm.xlane v8, v0;
	[tilespmem:s16+$0x20] =	vst v12;
	s16 =	smov.u32 s15  }
0x19a: {  	v8 =	vperm.xlane v8, v1  }
0x19b: {  	v3 =	vperm.xlane v3, v0;
	v2 =	vperm.xlane v2, v0;
	v9 =	vsel vm0, v9, v11  }
0x19c: {  	v12 =	vperm.xlane v7, v0;
	v11 =	vperm.xlane v6, v0;
	[tilespmem:s15+$0xFFFFFFC0] =	vst v9;
	v8 =	vsel vm0, v10, v8  }
0x19d: {  	v7 =	vperm.xlane v7, v1;
	v6 =	vperm.xlane v6, v1;
	v2 =	vsel vm0, v3, v2;
	[tilespmem:s15+$0xFFFFFFD0] =	vst v8  }
0x19e: {  	v9 =	vperm.xlane v4, v0;
	v10 =	vperm.xlane v5, v0;
	v8 =	vsel vm0, v12, v11;
	[tilespmem:s16+$0x20] =	vst v2  }
0x19f: {  	v4 =	vperm.xlane v4, v1;
	v5 =	vperm.xlane v5, v1;
	v6 =	vsel vm0, v7, v6;
	[tilespmem:s15+$0xFFFFFFE0] =	vst v8  }
0x1a0: {  	[tilespmem:s15+$0xFFFFFFF0] =	vst v6;
	v6 =	vsel vm0, v9, v10  }
0x1a1: {  	v4 =	vsel vm0, v4, v5;
	[tilespmem:s16+$0x0] =	vst v6  }
0x1a2: {  	[tilespmem:s16+$0x10] =	vst v4  }
0x1a3: {  	s15 =	rddreg [dreg:$0x7]  }
0x1a4: {  	[hbm4b:s15+s2] =	stream.linear.scatter [tilespmem:s11], [sflag:$0x4], $0x8000, $0x38;
	[tilespmem:$0x1B400] =	vst v63  }
0x1a5: {  	s16 =	simm.s32 $0x1400  }
0x1a6: {  	[tilespmem:s30], [sflag:$0x2] =	stream.indirect.gather [hbm4b:s3+s20], $0x10, s16, s20, $0xb8;
	[tilespmem:$0x1B400] =	vst v63  }
0x1a7: {  	s17 =	simm.s32 $0x1480  }
0x1a8: {  	[tilespmem:s23], [sflag:$0x2] =	stream.indirect.gather [hbm4b:s3+s20], $0x10, s17, s20, $0xb8;
	[tilespmem:$0x1B400] =	vst v63  }
0x1a9: {  	s18 =	simm.s32 $0x1500  }
0x1aa: {  	[tilespmem:s1], [sflag:$0x2] =	stream.indirect.gather [hbm4b:s3+s20], $0x10, s18, s20, $0xb8;
	[tilespmem:$0x1B400] =	vst v63  }
0x1ab: {  	s16 =	simm.s32 $0x1580  }
0x1ac: {  	[tilespmem:s28], [sflag:$0x2] =	stream.indirect.gather [hbm4b:s3+s20], $0x10, s16, s20, $0xb8;
	[tilespmem:$0x1B400] =	vst v63  }
0x1ad: {  	s17 =	simm.s32 $0x1600  }
0x1ae: {  	[tilespmem:s4], [sflag:$0x2] =	stream.indirect.gather [hbm4b:s3+s20], $0x10, s17, s20, $0xb8;
	[tilespmem:$0x1B400] =	vst v63  }
0x1af: {  	s18 =	simm.s32 $0x1680  }
0x1b0: {  	[tilespmem:s5], [sflag:$0x2] =	stream.indirect.gather [hbm4b:s3+s20], $0x10, s18, s20, $0xb8;
	[tilespmem:$0x1B400] =	vst v63  }
0x1b1: {  	s16 =	simm.s32 $0x1700  }
0x1b2: {  	[tilespmem:s6], [sflag:$0x2] =	stream.indirect.gather [hbm4b:s3+s20], $0x10, s16, s20, $0xb8;
	[tilespmem:$0x1B400] =	vst v63  }
0x1b3: {  	s17 =	simm.s32 $0x1780  }
0x1b4: {  	[tilespmem:s7], [sflag:$0x2] =	stream.indirect.gather [hbm4b:s3+s20], $0x10, s17, s20, $0xb8;
	[tilespmem:$0x1B400] =	vst v63  }
0x1b5: {  	_ =	swait.ge [sflag:s8], $0x800  }
0x1b6: {  	[sflag:s8] =	ssyncset.done $0x0  }
0x1b7: {  	[sflag:s8] =	ssyncadd.s32 $0xFFFFF800  }
0x1b8: {  	_ =	swait.ge [sflag:s8], $0x800  }
0x1b9: {  	[sflag:s8] =	ssyncset.done $0x0  }
0x1ba: {  	[sflag:s8] =	ssyncadd.s32 $0xFFFFF800  }
0x1bb: {  	_ =	swait.ge [sflag:s8], $0x800  }
0x1bc: {  	[sflag:s8] =	ssyncset.done $0x0  }
0x1bd: {  	[sflag:s8] =	ssyncadd.s32 $0xFFFFF800  }
0x1be: {  	_ =	swait.ge [sflag:s8], $0x800  }
0x1bf: {  	[sflag:s8] =	ssyncset.done $0x0  }
0x1c0: {  	[sflag:s8] =	ssyncadd.s32 $0xFFFFF800  }
0x1c1: {  	_ =	swait.ge [sflag:s8], $0x800  }
0x1c2: {  	[sflag:s8] =	ssyncset.done $0x0  }
0x1c3: {  	[sflag:s8] =	ssyncadd.s32 $0xFFFFF800  }
0x1c4: {  	_ =	swait.ge [sflag:s8], $0x800  }
0x1c5: {  	[sflag:s8] =	ssyncset.done $0x0  }
0x1c6: {  	[sflag:s8] =	ssyncadd.s32 $0xFFFFF800  }
0x1c7: {  	_ =	swait.ge [sflag:s8], $0x800  }
0x1c8: {  	[sflag:s8] =	ssyncset.done $0x0  }
0x1c9: {  	[sflag:s8] =	ssyncadd.s32 $0xFFFFF800  }
0x1ca: {  	_ =	swait.ge [sflag:s8], $0x800  }
0x1cb: {  	[sflag:s8] =	ssyncset.done $0x0  }
0x1cc: {  	[sflag:s8] =	ssyncadd.s32 $0xFFFFF800  }
0x1cd: {  	_ =	swait.ge [sflag:s12], $0x8000  }
0x1ce: {  	[sflag:s12] =	ssyncset.done $0x0  }
0x1cf: {  	s18 =	simm.s32 $0x3420;
	[sflag:s12] =	ssyncadd.s32 $0xFFFF8000  }
0x1d0: {  	v2 =	vld [tilespmem:s18+$0x10]  }
0x1d1: {  	v3 =	vld [tilespmem:s18+$0xFFFFFFF0];
	_ =	sdelay $0x1  }
0x1d2: {  	v4 =	vld [tilespmem:s18+$0xFFFFFFE0];
	_ =	sdelay $0x1  }
0x1d3: {  	v6 =	vunpack.i.u.s16.s32 v2;
	v2 =	vunpack.i.l.s16.s32 v2  }
0x1d4: {  	v7 =	vunpack.i.u.s16.s32 v3;
	v8 =	vunpack.i.l.s16.s32 v3;
	v2 =	vshll.u32 v2, $0x10  }
0x1d5: {  	v5 =	vld [tilespmem:s18+$0x0];
	v6 =	vshll.u32 v6, $0x10;
	v8 =	vshll.u32 v8, $0x10;
	v7 =	vshll.u32 v7, $0x10  }
0x1d6: {  	v2 =	vshra.s32 v2, $0x3;
	v3 =	vshra.s32 v6, $0x3;
	v6 =	vunpack.i.u.s16.s32 v4  }
0x1d7: {  	v4 =	vunpack.i.l.s16.s32 v4;
	v8 =	vshra.s32 v8, $0x3;
	v7 =	vshra.s32 v7, $0x3  }
0x1d8: {  	v2 =	vand.u32 $0x8FFFE000, v2;
	v9 =	vand.u32 $0x8FFFE000, v3;
	v4 =	vshll.u32 v4, $0x10  }
0x1d9: {  	v6 =	vshll.u32 v6, $0x10;
	v63 =	vand.u32 $0x8FFFE000, v8;
	v13 =	vand.u32 $0x8FFFE000, v7  }
0x1da: {  	v3 =	vmul.f32 $5.192296860e+33, v2;
	v2 =	vmul.f32 $5.192296860e+33, v9;
	v9 =	vunpack.i.u.s16.s32 v5  }
0x1db: {  	v5 =	vunpack.i.l.s16.s32 v5;
	v4 =	vshra.s32 v4, $0x3;
	v6 =	vshra.s32 v6, $0x3  }
0x1dc: {  	v7 =	vmul.f32 $5.192296860e+33, v63;
	v5 =	vshll.u32 v5, $0x10;
	v9 =	vshll.u32 v9, $0x10  }
0x1dd: {  	v4 =	vand.u32 $0x8FFFE000, v4;
	v6 =	vand.u32 $0x8FFFE000, v6;
	v10 =	vperm.xlane v3, v1  }
0x1de: {  	v11 =	vperm.xlane v2, v1;
	v5 =	vshra.s32 v5, $0x3;
	v9 =	vshra.s32 v9, $0x3  }
0x1df: {  	v14 =	vmul.f32 $5.192296860e+33, v4;
	v8 =	vmul.f32 $5.192296860e+33, v6;
	v4 =	vand.u32 $0x8FFFE000, v5  }
0x1e0: {  	v6 =	vmul.f32 $5.192296860e+33, v13;
	v5 =	vand.u32 $0x8FFFE000, v9;
	v4 =	vmul.f32 $5.192296860e+33, v4  }
0x1e1: {  	s15 =	simm.s32 $0xB440;
	v10 =	vsel vm0, v10, v11;
	v9 =	vperm.xlane v14, v0;
	v5 =	vmul.f32 $5.192296860e+33, v5  }
0x1e2: {  	s16 =	simm.s32 $0xB440;
	s17 =	simm.s32 $0x0;
	s18 =	simm.s32 $0x3460;
	v11 =	vperm.xlane v8, v0;
	[tilespmem:s15+$0x30] =	vst v10;
	v10 =	vperm.xlane v14, v1  }
.LBB2_10:
0x1e3: {  	v12 =	vld [tilespmem:s18+$0x10];
	s17 =	sadd.s32 $0x4, s17;
	v8 =	vperm.xlane v8, v1;
	v13 =	vperm.xlane v7, v0  }
0x1e4: {  	v7 =	vperm.xlane v7, v1;
	v14 =	vld [tilespmem:s18+$0xFFFFFFF0];
	p0 =	slt.u32 s17, $0x3FC;
	v9 =	vsel vm0, v9, v11;
	v11 =	vperm.xlane v6, v0  }
0x1e5: {  	v6 =	vperm.xlane v6, v1;
	v15 =	vld [tilespmem:s18+$0x0];
	[tilespmem:s15+$0xFFFFFFC0] =	vst v9;
	v8 =	vsel vm0, v10, v8;
	v9 =	vperm.xlane v4, v0  }
0x1e6: {  	v10 =	vld [tilespmem:s18+$0xFFFFFFE0];
	[tilespmem:s15+$0xFFFFFFD0] =	vst v8;
	v8 =	vsel vm0, v13, v11;
	v11 =	vperm.xlane v5, v0;
	v13 =	vperm.xlane v4, v1  }
0x1e7: {  	v16 =	vperm.xlane v3, v0;
	v4 =	vsel vm0, v7, v6;
	v5 =	vperm.xlane v5, v1;
	[tilespmem:s15+$0xFFFFFFE0] =	vst v8  }
0x1e8: {  	v3 =	vunpack.i.u.s16.s32 v12;
	v6 =	vunpack.i.l.s16.s32 v12;
	[tilespmem:s15+$0xFFFFFFF0] =	vst v4;
	v12 =	vperm.xlane v2, v0  }
0x1e9: {  	v4 =	vunpack.i.u.s16.s32 v14;
	v2 =	vshll.u32 v6, $0x10;
	v3 =	vshll.u32 v3, $0x10  }
0x1ea: {  	v6 =	vunpack.i.l.s16.s32 v14;
	v2 =	vshra.s32 v2, $0x3;
	v3 =	vshra.s32 v3, $0x3  }
0x1eb: {  	v7 =	vunpack.i.u.s16.s32 v10;
	v2 =	vand.u32 $0x8FFFE000, v2;
	v8 =	vand.u32 $0x8FFFE000, v3  }
0x1ec: {  	v10 =	vunpack.i.l.s16.s32 v10;
	v3 =	vmul.f32 $5.192296860e+33, v2;
	v2 =	vmul.f32 $5.192296860e+33, v8  }
0x1ed: {  	v14 =	vunpack.i.l.s16.s32 v15;
	v8 =	vshll.u32 v10, $0x10;
	v10 =	vunpack.i.u.s16.s32 v15  }
0x1ee: {  	v7 =	vshll.u32 v7, $0x10;
	v15 =	vperm.xlane v3, v1;
	v17 =	vperm.xlane v2, v1  }
0x1ef: {  	v6 =	vshll.u32 v6, $0x10;
	v4 =	vshll.u32 v4, $0x10;
	v14 =	vshll.u32 v14, $0x10  }
0x1f0: {  	s15 =	sadd.s32 $0x80, s15;
	v8 =	vshra.s32 v8, $0x3;
	v10 =	vshll.u32 v10, $0x10;
	v15 =	vsel vm0, v15, v17  }
0x1f1: {  	v6 =	vshra.s32 v6, $0x3;
	v4 =	vshra.s32 v4, $0x3;
	v7 =	vshra.s32 v7, $0x3;
	[tilespmem:s15+$0x30] =	vst v15  }
0x1f2: {  	v14 =	vshra.s32 v14, $0x3;
	v8 =	vand.u32 $0x8FFFE000, v8;
	v10 =	vshra.s32 v10, $0x3  }
0x1f3: {  	v6 =	vand.u32 $0x8FFFE000, v6;
	v4 =	vand.u32 $0x8FFFE000, v4;
	v7 =	vand.u32 $0x8FFFE000, v7  }
.Ltmp4:
0x1f4: {  	v14 =	vand.u32 $0x8FFFE000, v14;
	v10 =	vand.u32 $0x8FFFE000, v10;
	v15 =	vmul.f32 $5.192296860e+33, v8;
	(pc) =	sbr.rel @p0 .LBB2_10-.Ltmp4, $4  }
0x1f5: {  	v9 =	vsel vm0, v9, v11;
	v8 =	vmul.f32 $5.192296860e+33, v7;
	v7 =	vmul.f32 $5.192296860e+33, v6  }
0x1f6: {  	v11 =	vsel vm0, v13, v5;
	v6 =	vmul.f32 $5.192296860e+33, v4;
	v4 =	vmul.f32 $5.192296860e+33, v14;
	[tilespmem:s16+$0x0] =	vst v9  }
0x1f7: {  	v12 =	vsel vm0, v16, v12;
	v5 =	vmul.f32 $5.192296860e+33, v10;
	v9 =	vperm.xlane v15, v0;
	[tilespmem:s16+$0x10] =	vst v11  }
0x1f8: {  	s18 =	sadd.s32 $0x40, s18;
	v10 =	vperm.xlane v15, v1;
	v11 =	vperm.xlane v8, v0;
	[tilespmem:s16+$0x20] =	vst v12;
	s16 =	smov.u32 s15  }
0x1f9: {  	v8 =	vperm.xlane v8, v1  }
0x1fa: {  	v3 =	vperm.xlane v3, v0;
	v2 =	vperm.xlane v2, v0;
	v9 =	vsel vm0, v9, v11  }
0x1fb: {  	v12 =	vperm.xlane v7, v0;
	v11 =	vperm.xlane v6, v0;
	[tilespmem:s15+$0xFFFFFFC0] =	vst v9;
	v8 =	vsel vm0, v10, v8  }
0x1fc: {  	v7 =	vperm.xlane v7, v1;
	v6 =	vperm.xlane v6, v1;
	v2 =	vsel vm0, v3, v2;
	[tilespmem:s15+$0xFFFFFFD0] =	vst v8  }
0x1fd: {  	v9 =	vperm.xlane v4, v0;
	v10 =	vperm.xlane v5, v0;
	v8 =	vsel vm0, v12, v11;
	[tilespmem:s16+$0x20] =	vst v2  }
0x1fe: {  	v4 =	vperm.xlane v4, v1;
	v5 =	vperm.xlane v5, v1;
	v6 =	vsel vm0, v7, v6;
	[tilespmem:s15+$0xFFFFFFE0] =	vst v8  }
0x1ff: {  	[tilespmem:s15+$0xFFFFFFF0] =	vst v6;
	v6 =	vsel vm0, v9, v10  }
0x200: {  	v4 =	vsel vm0, v4, v5;
	[tilespmem:s16+$0x0] =	vst v6  }
0x201: {  	[tilespmem:s16+$0x10] =	vst v4  }
0x202: {  	s15 =	rddreg [dreg:$0x8]  }
0x203: {  	[hbm4b:s15+s2] =	stream.linear.scatter [tilespmem:s9], [sflag:$0x3], $0x8000, $0x38;
	[tilespmem:$0x1B400] =	vst v63  }
0x204: {  	s16 =	simm.s32 $0x1800  }
0x205: {  	[tilespmem:s21], [sflag:$0x1] =	stream.indirect.gather [hbm4b:s3+s20], $0x10, s16, s20, $0xb8;
	[tilespmem:$0x1B400] =	vst v63  }
0x206: {  	s17 =	simm.s32 $0x1880  }
0x207: {  	[tilespmem:s22], [sflag:$0x1] =	stream.indirect.gather [hbm4b:s3+s20], $0x10, s17, s20, $0xb8;
	[tilespmem:$0x1B400] =	vst v63  }
0x208: {  	s18 =	simm.s32 $0x1900  }
0x209: {  	[tilespmem:s24], [sflag:$0x1] =	stream.indirect.gather [hbm4b:s3+s20], $0x10, s18, s20, $0xb8;
	[tilespmem:$0x1B400] =	vst v63  }
0x20a: {  	s16 =	simm.s32 $0x1980  }
0x20b: {  	[tilespmem:s26], [sflag:$0x1] =	stream.indirect.gather [hbm4b:s3+s20], $0x10, s16, s20, $0xb8;
	[tilespmem:$0x1B400] =	vst v63  }
0x20c: {  	s17 =	simm.s32 $0x1A00  }
0x20d: {  	[tilespmem:s29], [sflag:$0x1] =	stream.indirect.gather [hbm4b:s3+s20], $0x10, s17, s20, $0xb8;
	[tilespmem:$0x1B400] =	vst v63  }
0x20e: {  	s18 =	simm.s32 $0x1A80  }
0x20f: {  	[tilespmem:s31], [sflag:$0x1] =	stream.indirect.gather [hbm4b:s3+s20], $0x10, s18, s20, $0xb8;
	[tilespmem:$0x1B400] =	vst v63  }
0x210: {  	s16 =	simm.s32 $0x1B00  }
0x211: {  	[tilespmem:s0], [sflag:$0x1] =	stream.indirect.gather [hbm4b:s3+s20], $0x10, s16, s20, $0xb8;
	[tilespmem:$0x1B400] =	vst v63  }
0x212: {  	s17 =	simm.s32 $0x1B80  }
0x213: {  	[tilespmem:s25], [sflag:$0x1] =	stream.indirect.gather [hbm4b:s3+s20], $0x10, s17, s20, $0xb8;
	[tilespmem:$0x1B400] =	vst v63  }
0x214: {  	_ =	swait.ge [sflag:s10], $0x800  }
0x215: {  	[sflag:s10] =	ssyncset.done $0x0  }
0x216: {  	[sflag:s10] =	ssyncadd.s32 $0xFFFFF800  }
0x217: {  	_ =	swait.ge [sflag:s10], $0x800  }
0x218: {  	[sflag:s10] =	ssyncset.done $0x0  }
0x219: {  	[sflag:s10] =	ssyncadd.s32 $0xFFFFF800  }
0x21a: {  	_ =	swait.ge [sflag:s10], $0x800  }
0x21b: {  	[sflag:s10] =	ssyncset.done $0x0  }
0x21c: {  	[sflag:s10] =	ssyncadd.s32 $0xFFFFF800  }
0x21d: {  	_ =	swait.ge [sflag:s10], $0x800  }
0x21e: {  	[sflag:s10] =	ssyncset.done $0x0  }
0x21f: {  	[sflag:s10] =	ssyncadd.s32 $0xFFFFF800  }
0x220: {  	_ =	swait.ge [sflag:s10], $0x800  }
0x221: {  	[sflag:s10] =	ssyncset.done $0x0  }
0x222: {  	[sflag:s10] =	ssyncadd.s32 $0xFFFFF800  }
0x223: {  	_ =	swait.ge [sflag:s10], $0x800  }
0x224: {  	[sflag:s10] =	ssyncset.done $0x0  }
0x225: {  	[sflag:s10] =	ssyncadd.s32 $0xFFFFF800  }
0x226: {  	_ =	swait.ge [sflag:s10], $0x800  }
0x227: {  	[sflag:s10] =	ssyncset.done $0x0  }
0x228: {  	[sflag:s10] =	ssyncadd.s32 $0xFFFFF800  }
0x229: {  	_ =	swait.ge [sflag:s10], $0x800  }
0x22a: {  	[sflag:s10] =	ssyncset.done $0x0  }
0x22b: {  	[sflag:s10] =	ssyncadd.s32 $0xFFFFF800  }
0x22c: {  	_ =	swait.ge [sflag:s13], $0x8000  }
0x22d: {  	[sflag:s13] =	ssyncset.done $0x0  }
0x22e: {  	s18 =	simm.s32 $0x7420;
	[sflag:s13] =	ssyncadd.s32 $0xFFFF8000  }
0x22f: {  	v2 =	vld [tilespmem:s18+$0x10]  }
0x230: {  	v3 =	vld [tilespmem:s18+$0xFFFFFFF0];
	_ =	sdelay $0x1  }
0x231: {  	v4 =	vld [tilespmem:s18+$0xFFFFFFE0];
	_ =	sdelay $0x1  }
0x232: {  	v6 =	vunpack.i.u.s16.s32 v2;
	v2 =	vunpack.i.l.s16.s32 v2  }
0x233: {  	v7 =	vunpack.i.u.s16.s32 v3;
	v8 =	vunpack.i.l.s16.s32 v3;
	v2 =	vshll.u32 v2, $0x10  }
0x234: {  	v5 =	vld [tilespmem:s18+$0x0];
	v6 =	vshll.u32 v6, $0x10;
	v8 =	vshll.u32 v8, $0x10;
	v7 =	vshll.u32 v7, $0x10  }
0x235: {  	v2 =	vshra.s32 v2, $0x3;
	v3 =	vshra.s32 v6, $0x3;
	v6 =	vunpack.i.u.s16.s32 v4  }
0x236: {  	v4 =	vunpack.i.l.s16.s32 v4;
	v8 =	vshra.s32 v8, $0x3;
	v7 =	vshra.s32 v7, $0x3  }
0x237: {  	v2 =	vand.u32 $0x8FFFE000, v2;
	v9 =	vand.u32 $0x8FFFE000, v3;
	v4 =	vshll.u32 v4, $0x10  }
0x238: {  	v6 =	vshll.u32 v6, $0x10;
	v63 =	vand.u32 $0x8FFFE000, v8;
	v13 =	vand.u32 $0x8FFFE000, v7  }
0x239: {  	v3 =	vmul.f32 $5.192296860e+33, v2;
	v2 =	vmul.f32 $5.192296860e+33, v9;
	v9 =	vunpack.i.u.s16.s32 v5  }
0x23a: {  	v5 =	vunpack.i.l.s16.s32 v5;
	v4 =	vshra.s32 v4, $0x3;
	v6 =	vshra.s32 v6, $0x3  }
0x23b: {  	v7 =	vmul.f32 $5.192296860e+33, v63;
	v5 =	vshll.u32 v5, $0x10;
	v9 =	vshll.u32 v9, $0x10  }
0x23c: {  	v4 =	vand.u32 $0x8FFFE000, v4;
	v6 =	vand.u32 $0x8FFFE000, v6;
	v10 =	vperm.xlane v3, v1  }
0x23d: {  	v11 =	vperm.xlane v2, v1;
	v5 =	vshra.s32 v5, $0x3;
	v9 =	vshra.s32 v9, $0x3  }
0x23e: {  	v14 =	vmul.f32 $5.192296860e+33, v4;
	v8 =	vmul.f32 $5.192296860e+33, v6;
	v4 =	vand.u32 $0x8FFFE000, v5  }
0x23f: {  	v6 =	vmul.f32 $5.192296860e+33, v13;
	v5 =	vand.u32 $0x8FFFE000, v9;
	v4 =	vmul.f32 $5.192296860e+33, v4  }
0x240: {  	s15 =	simm.s32 $0x13440;
	v10 =	vsel vm0, v10, v11;
	v9 =	vperm.xlane v14, v0;
	v5 =	vmul.f32 $5.192296860e+33, v5  }
0x241: {  	s16 =	simm.s32 $0x13440;
	s17 =	simm.s32 $0x0;
	s18 =	simm.s32 $0x7460;
	v11 =	vperm.xlane v8, v0;
	[tilespmem:s15+$0x30] =	vst v10;
	v10 =	vperm.xlane v14, v1  }
.LBB2_12:
0x242: {  	v12 =	vld [tilespmem:s18+$0x10];
	s17 =	sadd.s32 $0x4, s17;
	v8 =	vperm.xlane v8, v1;
	v13 =	vperm.xlane v7, v0  }
0x243: {  	v7 =	vperm.xlane v7, v1;
	v14 =	vld [tilespmem:s18+$0xFFFFFFF0];
	p0 =	slt.u32 s17, $0x3FC;
	v9 =	vsel vm0, v9, v11;
	v11 =	vperm.xlane v6, v0  }
0x244: {  	v6 =	vperm.xlane v6, v1;
	v15 =	vld [tilespmem:s18+$0x0];
	[tilespmem:s15+$0xFFFFFFC0] =	vst v9;
	v8 =	vsel vm0, v10, v8;
	v9 =	vperm.xlane v4, v0  }
0x245: {  	v10 =	vld [tilespmem:s18+$0xFFFFFFE0];
	[tilespmem:s15+$0xFFFFFFD0] =	vst v8;
	v8 =	vsel vm0, v13, v11;
	v11 =	vperm.xlane v5, v0;
	v13 =	vperm.xlane v4, v1  }
0x246: {  	v16 =	vperm.xlane v3, v0;
	v4 =	vsel vm0, v7, v6;
	v5 =	vperm.xlane v5, v1;
	[tilespmem:s15+$0xFFFFFFE0] =	vst v8  }
0x247: {  	v3 =	vunpack.i.u.s16.s32 v12;
	v6 =	vunpack.i.l.s16.s32 v12;
	[tilespmem:s15+$0xFFFFFFF0] =	vst v4;
	v12 =	vperm.xlane v2, v0  }
0x248: {  	v4 =	vunpack.i.u.s16.s32 v14;
	v2 =	vshll.u32 v6, $0x10;
	v3 =	vshll.u32 v3, $0x10  }
0x249: {  	v6 =	vunpack.i.l.s16.s32 v14;
	v2 =	vshra.s32 v2, $0x3;
	v3 =	vshra.s32 v3, $0x3  }
0x24a: {  	v7 =	vunpack.i.u.s16.s32 v10;
	v2 =	vand.u32 $0x8FFFE000, v2;
	v8 =	vand.u32 $0x8FFFE000, v3  }
0x24b: {  	v10 =	vunpack.i.l.s16.s32 v10;
	v3 =	vmul.f32 $5.192296860e+33, v2;
	v2 =	vmul.f32 $5.192296860e+33, v8  }
0x24c: {  	v14 =	vunpack.i.l.s16.s32 v15;
	v8 =	vshll.u32 v10, $0x10;
	v10 =	vunpack.i.u.s16.s32 v15  }
0x24d: {  	v7 =	vshll.u32 v7, $0x10;
	v15 =	vperm.xlane v3, v1;
	v17 =	vperm.xlane v2, v1  }
0x24e: {  	v6 =	vshll.u32 v6, $0x10;
	v4 =	vshll.u32 v4, $0x10;
	v14 =	vshll.u32 v14, $0x10  }
0x24f: {  	s15 =	sadd.s32 $0x80, s15;
	v8 =	vshra.s32 v8, $0x3;
	v10 =	vshll.u32 v10, $0x10;
	v15 =	vsel vm0, v15, v17  }
0x250: {  	v6 =	vshra.s32 v6, $0x3;
	v4 =	vshra.s32 v4, $0x3;
	v7 =	vshra.s32 v7, $0x3;
	[tilespmem:s15+$0x30] =	vst v15  }
0x251: {  	v14 =	vshra.s32 v14, $0x3;
	v8 =	vand.u32 $0x8FFFE000, v8;
	v10 =	vshra.s32 v10, $0x3  }
0x252: {  	v6 =	vand.u32 $0x8FFFE000, v6;
	v4 =	vand.u32 $0x8FFFE000, v4;
	v7 =	vand.u32 $0x8FFFE000, v7  }
.Ltmp5:
0x253: {  	v14 =	vand.u32 $0x8FFFE000, v14;
	v10 =	vand.u32 $0x8FFFE000, v10;
	v15 =	vmul.f32 $5.192296860e+33, v8;
	(pc) =	sbr.rel @p0 .LBB2_12-.Ltmp5, $4  }
0x254: {  	v9 =	vsel vm0, v9, v11;
	v8 =	vmul.f32 $5.192296860e+33, v7;
	v7 =	vmul.f32 $5.192296860e+33, v6  }
0x255: {  	v11 =	vsel vm0, v13, v5;
	v6 =	vmul.f32 $5.192296860e+33, v4;
	v4 =	vmul.f32 $5.192296860e+33, v14;
	[tilespmem:s16+$0x0] =	vst v9  }
0x256: {  	v12 =	vsel vm0, v16, v12;
	v5 =	vmul.f32 $5.192296860e+33, v10;
	v9 =	vperm.xlane v15, v0;
	[tilespmem:s16+$0x10] =	vst v11  }
0x257: {  	s18 =	sadd.s32 $0x40, s18;
	v10 =	vperm.xlane v15, v1;
	v11 =	vperm.xlane v8, v0;
	[tilespmem:s16+$0x20] =	vst v12;
	s16 =	smov.u32 s15  }
0x258: {  	v8 =	vperm.xlane v8, v1  }
0x259: {  	v3 =	vperm.xlane v3, v0;
	v2 =	vperm.xlane v2, v0;
	v9 =	vsel vm0, v9, v11  }
0x25a: {  	v12 =	vperm.xlane v7, v0;
	v11 =	vperm.xlane v6, v0;
	[tilespmem:s15+$0xFFFFFFC0] =	vst v9;
	v8 =	vsel vm0, v10, v8  }
0x25b: {  	v7 =	vperm.xlane v7, v1;
	v6 =	vperm.xlane v6, v1;
	v2 =	vsel vm0, v3, v2;
	[tilespmem:s15+$0xFFFFFFD0] =	vst v8  }
0x25c: {  	v9 =	vperm.xlane v4, v0;
	v10 =	vperm.xlane v5, v0;
	v8 =	vsel vm0, v12, v11;
	[tilespmem:s16+$0x20] =	vst v2  }
0x25d: {  	v4 =	vperm.xlane v4, v1;
	v5 =	vperm.xlane v5, v1;
	v6 =	vsel vm0, v7, v6;
	[tilespmem:s15+$0xFFFFFFE0] =	vst v8  }
0x25e: {  	[tilespmem:s15+$0xFFFFFFF0] =	vst v6;
	v6 =	vsel vm0, v9, v10  }
0x25f: {  	v4 =	vsel vm0, v4, v5;
	[tilespmem:s16+$0x0] =	vst v6  }
0x260: {  	[tilespmem:s16+$0x10] =	vst v4  }
0x261: {  	s15 =	rddreg [dreg:$0x9]  }
0x262: {  	[hbm4b:s15+s2] =	stream.linear.scatter [tilespmem:s11], [sflag:$0x4], $0x8000, $0x38;
	[tilespmem:$0x1B400] =	vst v63  }
0x263: {  	s16 =	simm.s32 $0x1C00  }
0x264: {  	[tilespmem:s30], [sflag:$0x2] =	stream.indirect.gather [hbm4b:s3+s20], $0x10, s16, s20, $0xb8;
	[tilespmem:$0x1B400] =	vst v63  }
0x265: {  	s17 =	simm.s32 $0x1C80  }
0x266: {  	[tilespmem:s23], [sflag:$0x2] =	stream.indirect.gather [hbm4b:s3+s20], $0x10, s17, s20, $0xb8;
	[tilespmem:$0x1B400] =	vst v63  }
0x267: {  	s18 =	simm.s32 $0x1D00  }
0x268: {  	[tilespmem:s1], [sflag:$0x2] =	stream.indirect.gather [hbm4b:s3+s20], $0x10, s18, s20, $0xb8;
	[tilespmem:$0x1B400] =	vst v63  }
0x269: {  	s16 =	simm.s32 $0x1D80  }
0x26a: {  	[tilespmem:s28], [sflag:$0x2] =	stream.indirect.gather [hbm4b:s3+s20], $0x10, s16, s20, $0xb8;
	[tilespmem:$0x1B400] =	vst v63  }
0x26b: {  	s17 =	simm.s32 $0x1E00  }
0x26c: {  	[tilespmem:s4], [sflag:$0x2] =	stream.indirect.gather [hbm4b:s3+s20], $0x10, s17, s20, $0xb8;
	[tilespmem:$0x1B400] =	vst v63  }
0x26d: {  	s18 =	simm.s32 $0x1E80  }
0x26e: {  	[tilespmem:s5], [sflag:$0x2] =	stream.indirect.gather [hbm4b:s3+s20], $0x10, s18, s20, $0xb8;
	[tilespmem:$0x1B400] =	vst v63  }
0x26f: {  	s16 =	simm.s32 $0x1F00  }
0x270: {  	[tilespmem:s6], [sflag:$0x2] =	stream.indirect.gather [hbm4b:s3+s20], $0x10, s16, s20, $0xb8;
	[tilespmem:$0x1B400] =	vst v63  }
0x271: {  	s17 =	simm.s32 $0x1F80  }
0x272: {  	[tilespmem:s7], [sflag:$0x2] =	stream.indirect.gather [hbm4b:s3+s20], $0x10, s17, s20, $0xb8;
	[tilespmem:$0x1B400] =	vst v63  }
0x273: {  	_ =	swait.ge [sflag:s8], $0x800  }
0x274: {  	[sflag:s8] =	ssyncset.done $0x0  }
0x275: {  	[sflag:s8] =	ssyncadd.s32 $0xFFFFF800  }
0x276: {  	_ =	swait.ge [sflag:s8], $0x800  }
0x277: {  	[sflag:s8] =	ssyncset.done $0x0  }
0x278: {  	[sflag:s8] =	ssyncadd.s32 $0xFFFFF800  }
0x279: {  	_ =	swait.ge [sflag:s8], $0x800  }
0x27a: {  	[sflag:s8] =	ssyncset.done $0x0  }
0x27b: {  	[sflag:s8] =	ssyncadd.s32 $0xFFFFF800  }
0x27c: {  	_ =	swait.ge [sflag:s8], $0x800  }
0x27d: {  	[sflag:s8] =	ssyncset.done $0x0  }
0x27e: {  	[sflag:s8] =	ssyncadd.s32 $0xFFFFF800  }
0x27f: {  	_ =	swait.ge [sflag:s8], $0x800  }
0x280: {  	[sflag:s8] =	ssyncset.done $0x0  }
0x281: {  	[sflag:s8] =	ssyncadd.s32 $0xFFFFF800  }
0x282: {  	_ =	swait.ge [sflag:s8], $0x800  }
0x283: {  	[sflag:s8] =	ssyncset.done $0x0  }
0x284: {  	[sflag:s8] =	ssyncadd.s32 $0xFFFFF800  }
0x285: {  	_ =	swait.ge [sflag:s8], $0x800  }
0x286: {  	[sflag:s8] =	ssyncset.done $0x0  }
0x287: {  	[sflag:s8] =	ssyncadd.s32 $0xFFFFF800  }
0x288: {  	_ =	swait.ge [sflag:s8], $0x800  }
0x289: {  	[sflag:s8] =	ssyncset.done $0x0  }
0x28a: {  	[sflag:s8] =	ssyncadd.s32 $0xFFFFF800  }
0x28b: {  	_ =	swait.ge [sflag:s12], $0x8000  }
0x28c: {  	[sflag:s12] =	ssyncset.done $0x0  }
0x28d: {  	s18 =	simm.s32 $0x3420;
	[sflag:s12] =	ssyncadd.s32 $0xFFFF8000  }
0x28e: {  	v2 =	vld [tilespmem:s18+$0x10]  }
0x28f: {  	v3 =	vld [tilespmem:s18+$0xFFFFFFF0];
	_ =	sdelay $0x1  }
0x290: {  	v4 =	vld [tilespmem:s18+$0xFFFFFFE0];
	_ =	sdelay $0x1  }
0x291: {  	v6 =	vunpack.i.u.s16.s32 v2;
	v2 =	vunpack.i.l.s16.s32 v2  }
0x292: {  	v7 =	vunpack.i.u.s16.s32 v3;
	v8 =	vunpack.i.l.s16.s32 v3;
	v2 =	vshll.u32 v2, $0x10  }
0x293: {  	v5 =	vld [tilespmem:s18+$0x0];
	v6 =	vshll.u32 v6, $0x10;
	v8 =	vshll.u32 v8, $0x10;
	v7 =	vshll.u32 v7, $0x10  }
0x294: {  	v2 =	vshra.s32 v2, $0x3;
	v3 =	vshra.s32 v6, $0x3;
	v6 =	vunpack.i.u.s16.s32 v4  }
0x295: {  	v4 =	vunpack.i.l.s16.s32 v4;
	v8 =	vshra.s32 v8, $0x3;
	v7 =	vshra.s32 v7, $0x3  }
0x296: {  	v2 =	vand.u32 $0x8FFFE000, v2;
	v9 =	vand.u32 $0x8FFFE000, v3;
	v4 =	vshll.u32 v4, $0x10  }
0x297: {  	v6 =	vshll.u32 v6, $0x10;
	v63 =	vand.u32 $0x8FFFE000, v8;
	v13 =	vand.u32 $0x8FFFE000, v7  }
0x298: {  	v3 =	vmul.f32 $5.192296860e+33, v2;
	v2 =	vmul.f32 $5.192296860e+33, v9;
	v9 =	vunpack.i.u.s16.s32 v5  }
0x299: {  	v5 =	vunpack.i.l.s16.s32 v5;
	v4 =	vshra.s32 v4, $0x3;
	v6 =	vshra.s32 v6, $0x3  }
0x29a: {  	v7 =	vmul.f32 $5.192296860e+33, v63;
	v5 =	vshll.u32 v5, $0x10;
	v9 =	vshll.u32 v9, $0x10  }
0x29b: {  	v4 =	vand.u32 $0x8FFFE000, v4;
	v6 =	vand.u32 $0x8FFFE000, v6;
	v10 =	vperm.xlane v3, v1  }
0x29c: {  	v11 =	vperm.xlane v2, v1;
	v5 =	vshra.s32 v5, $0x3;
	v9 =	vshra.s32 v9, $0x3  }
0x29d: {  	v14 =	vmul.f32 $5.192296860e+33, v4;
	v8 =	vmul.f32 $5.192296860e+33, v6;
	v4 =	vand.u32 $0x8FFFE000, v5  }
0x29e: {  	v6 =	vmul.f32 $5.192296860e+33, v13;
	v5 =	vand.u32 $0x8FFFE000, v9;
	v4 =	vmul.f32 $5.192296860e+33, v4  }
0x29f: {  	s15 =	simm.s32 $0xB440;
	v10 =	vsel vm0, v10, v11;
	v9 =	vperm.xlane v14, v0;
	v5 =	vmul.f32 $5.192296860e+33, v5  }
0x2a0: {  	s16 =	simm.s32 $0xB440;
	s17 =	simm.s32 $0x0;
	s18 =	simm.s32 $0x3460;
	v11 =	vperm.xlane v8, v0;
	[tilespmem:s15+$0x30] =	vst v10;
	v10 =	vperm.xlane v14, v1  }
.LBB2_14:
0x2a1: {  	v12 =	vld [tilespmem:s18+$0x10];
	s17 =	sadd.s32 $0x4, s17;
	v8 =	vperm.xlane v8, v1;
	v13 =	vperm.xlane v7, v0  }
0x2a2: {  	v7 =	vperm.xlane v7, v1;
	v14 =	vld [tilespmem:s18+$0xFFFFFFF0];
	p0 =	slt.u32 s17, $0x3FC;
	v9 =	vsel vm0, v9, v11;
	v11 =	vperm.xlane v6, v0  }
0x2a3: {  	v6 =	vperm.xlane v6, v1;
	v15 =	vld [tilespmem:s18+$0x0];
	[tilespmem:s15+$0xFFFFFFC0] =	vst v9;
	v8 =	vsel vm0, v10, v8;
	v9 =	vperm.xlane v4, v0  }
0x2a4: {  	v10 =	vld [tilespmem:s18+$0xFFFFFFE0];
	[tilespmem:s15+$0xFFFFFFD0] =	vst v8;
	v8 =	vsel vm0, v13, v11;
	v11 =	vperm.xlane v5, v0;
	v13 =	vperm.xlane v4, v1  }
0x2a5: {  	v16 =	vperm.xlane v3, v0;
	v4 =	vsel vm0, v7, v6;
	v5 =	vperm.xlane v5, v1;
	[tilespmem:s15+$0xFFFFFFE0] =	vst v8  }
0x2a6: {  	v3 =	vunpack.i.u.s16.s32 v12;
	v6 =	vunpack.i.l.s16.s32 v12;
	[tilespmem:s15+$0xFFFFFFF0] =	vst v4;
	v12 =	vperm.xlane v2, v0  }
0x2a7: {  	v4 =	vunpack.i.u.s16.s32 v14;
	v2 =	vshll.u32 v6, $0x10;
	v3 =	vshll.u32 v3, $0x10  }
0x2a8: {  	v6 =	vunpack.i.l.s16.s32 v14;
	v2 =	vshra.s32 v2, $0x3;
	v3 =	vshra.s32 v3, $0x3  }
0x2a9: {  	v7 =	vunpack.i.u.s16.s32 v10;
	v2 =	vand.u32 $0x8FFFE000, v2;
	v8 =	vand.u32 $0x8FFFE000, v3  }
0x2aa: {  	v10 =	vunpack.i.l.s16.s32 v10;
	v3 =	vmul.f32 $5.192296860e+33, v2;
	v2 =	vmul.f32 $5.192296860e+33, v8  }
0x2ab: {  	v14 =	vunpack.i.l.s16.s32 v15;
	v8 =	vshll.u32 v10, $0x10;
	v10 =	vunpack.i.u.s16.s32 v15  }
0x2ac: {  	v7 =	vshll.u32 v7, $0x10;
	v15 =	vperm.xlane v3, v1;
	v17 =	vperm.xlane v2, v1  }
0x2ad: {  	v6 =	vshll.u32 v6, $0x10;
	v4 =	vshll.u32 v4, $0x10;
	v14 =	vshll.u32 v14, $0x10  }
0x2ae: {  	s15 =	sadd.s32 $0x80, s15;
	v8 =	vshra.s32 v8, $0x3;
	v10 =	vshll.u32 v10, $0x10;
	v15 =	vsel vm0, v15, v17  }
0x2af: {  	v6 =	vshra.s32 v6, $0x3;
	v4 =	vshra.s32 v4, $0x3;
	v7 =	vshra.s32 v7, $0x3;
	[tilespmem:s15+$0x30] =	vst v15  }
0x2b0: {  	v14 =	vshra.s32 v14, $0x3;
	v8 =	vand.u32 $0x8FFFE000, v8;
	v10 =	vshra.s32 v10, $0x3  }
0x2b1: {  	v6 =	vand.u32 $0x8FFFE000, v6;
	v4 =	vand.u32 $0x8FFFE000, v4;
	v7 =	vand.u32 $0x8FFFE000, v7  }
.Ltmp6:
0x2b2: {  	v14 =	vand.u32 $0x8FFFE000, v14;
	v10 =	vand.u32 $0x8FFFE000, v10;
	v15 =	vmul.f32 $5.192296860e+33, v8;
	(pc) =	sbr.rel @p0 .LBB2_14-.Ltmp6, $4  }
0x2b3: {  	v9 =	vsel vm0, v9, v11;
	v8 =	vmul.f32 $5.192296860e+33, v7;
	v7 =	vmul.f32 $5.192296860e+33, v6  }
0x2b4: {  	v11 =	vsel vm0, v13, v5;
	v6 =	vmul.f32 $5.192296860e+33, v4;
	v4 =	vmul.f32 $5.192296860e+33, v14;
	[tilespmem:s16+$0x0] =	vst v9  }
0x2b5: {  	v12 =	vsel vm0, v16, v12;
	v5 =	vmul.f32 $5.192296860e+33, v10;
	v9 =	vperm.xlane v15, v0;
	[tilespmem:s16+$0x10] =	vst v11  }
0x2b6: {  	s18 =	sadd.s32 $0x40, s18;
	v10 =	vperm.xlane v15, v1;
	v11 =	vperm.xlane v8, v0;
	[tilespmem:s16+$0x20] =	vst v12;
	s16 =	smov.u32 s15  }
0x2b7: {  	v8 =	vperm.xlane v8, v1  }
0x2b8: {  	v3 =	vperm.xlane v3, v0;
	v2 =	vperm.xlane v2, v0;
	v9 =	vsel vm0, v9, v11  }
0x2b9: {  	v12 =	vperm.xlane v7, v0;
	v11 =	vperm.xlane v6, v0;
	[tilespmem:s15+$0xFFFFFFC0] =	vst v9;
	v8 =	vsel vm0, v10, v8  }
0x2ba: {  	v7 =	vperm.xlane v7, v1;
	v6 =	vperm.xlane v6, v1;
	v2 =	vsel vm0, v3, v2;
	[tilespmem:s15+$0xFFFFFFD0] =	vst v8  }
0x2bb: {  	v9 =	vperm.xlane v4, v0;
	v10 =	vperm.xlane v5, v0;
	v8 =	vsel vm0, v12, v11;
	[tilespmem:s16+$0x20] =	vst v2  }
0x2bc: {  	v4 =	vperm.xlane v4, v1;
	v5 =	vperm.xlane v5, v1;
	v6 =	vsel vm0, v7, v6;
	[tilespmem:s15+$0xFFFFFFE0] =	vst v8  }
0x2bd: {  	[tilespmem:s15+$0xFFFFFFF0] =	vst v6;
	v6 =	vsel vm0, v9, v10  }
0x2be: {  	v4 =	vsel vm0, v4, v5;
	[tilespmem:s16+$0x0] =	vst v6  }
0x2bf: {  	[tilespmem:s16+$0x10] =	vst v4  }
0x2c0: {  	s15 =	rddreg [dreg:$0xa]  }
0x2c1: {  	[hbm4b:s15+s2] =	stream.linear.scatter [tilespmem:s9], [sflag:$0x3], $0x8000, $0x38;
	[tilespmem:$0x1B400] =	vst v63  }
0x2c2: {  	s16 =	simm.s32 $0x2000  }
0x2c3: {  	[tilespmem:s21], [sflag:$0x1] =	stream.indirect.gather [hbm4b:s3+s20], $0x10, s16, s20, $0xb8;
	[tilespmem:$0x1B400] =	vst v63  }
0x2c4: {  	s17 =	simm.s32 $0x2080  }
0x2c5: {  	[tilespmem:s22], [sflag:$0x1] =	stream.indirect.gather [hbm4b:s3+s20], $0x10, s17, s20, $0xb8;
	[tilespmem:$0x1B400] =	vst v63  }
0x2c6: {  	s18 =	simm.s32 $0x2100  }
0x2c7: {  	[tilespmem:s24], [sflag:$0x1] =	stream.indirect.gather [hbm4b:s3+s20], $0x10, s18, s20, $0xb8;
	[tilespmem:$0x1B400] =	vst v63  }
0x2c8: {  	s16 =	simm.s32 $0x2180  }
0x2c9: {  	[tilespmem:s26], [sflag:$0x1] =	stream.indirect.gather [hbm4b:s3+s20], $0x10, s16, s20, $0xb8;
	[tilespmem:$0x1B400] =	vst v63  }
0x2ca: {  	s17 =	simm.s32 $0x2200  }
0x2cb: {  	[tilespmem:s29], [sflag:$0x1] =	stream.indirect.gather [hbm4b:s3+s20], $0x10, s17, s20, $0xb8;
	[tilespmem:$0x1B400] =	vst v63  }
0x2cc: {  	s18 =	simm.s32 $0x2280  }
0x2cd: {  	[tilespmem:s31], [sflag:$0x1] =	stream.indirect.gather [hbm4b:s3+s20], $0x10, s18, s20, $0xb8;
	[tilespmem:$0x1B400] =	vst v63  }
0x2ce: {  	s16 =	simm.s32 $0x2300  }
0x2cf: {  	[tilespmem:s0], [sflag:$0x1] =	stream.indirect.gather [hbm4b:s3+s20], $0x10, s16, s20, $0xb8;
	[tilespmem:$0x1B400] =	vst v63  }
0x2d0: {  	s17 =	simm.s32 $0x2380  }
0x2d1: {  	[tilespmem:s25], [sflag:$0x1] =	stream.indirect.gather [hbm4b:s3+s20], $0x10, s17, s20, $0xb8;
	[tilespmem:$0x1B400] =	vst v63  }
0x2d2: {  	_ =	swait.ge [sflag:s10], $0x800  }
0x2d3: {  	[sflag:s10] =	ssyncset.done $0x0  }
0x2d4: {  	[sflag:s10] =	ssyncadd.s32 $0xFFFFF800  }
0x2d5: {  	_ =	swait.ge [sflag:s10], $0x800  }
0x2d6: {  	[sflag:s10] =	ssyncset.done $0x0  }
0x2d7: {  	[sflag:s10] =	ssyncadd.s32 $0xFFFFF800  }
0x2d8: {  	_ =	swait.ge [sflag:s10], $0x800  }
0x2d9: {  	[sflag:s10] =	ssyncset.done $0x0  }
0x2da: {  	[sflag:s10] =	ssyncadd.s32 $0xFFFFF800  }
0x2db: {  	_ =	swait.ge [sflag:s10], $0x800  }
0x2dc: {  	[sflag:s10] =	ssyncset.done $0x0  }
0x2dd: {  	[sflag:s10] =	ssyncadd.s32 $0xFFFFF800  }
0x2de: {  	_ =	swait.ge [sflag:s10], $0x800  }
0x2df: {  	[sflag:s10] =	ssyncset.done $0x0  }
0x2e0: {  	[sflag:s10] =	ssyncadd.s32 $0xFFFFF800  }
0x2e1: {  	_ =	swait.ge [sflag:s10], $0x800  }
0x2e2: {  	[sflag:s10] =	ssyncset.done $0x0  }
0x2e3: {  	[sflag:s10] =	ssyncadd.s32 $0xFFFFF800  }
0x2e4: {  	_ =	swait.ge [sflag:s10], $0x800  }
0x2e5: {  	[sflag:s10] =	ssyncset.done $0x0  }
0x2e6: {  	[sflag:s10] =	ssyncadd.s32 $0xFFFFF800  }
0x2e7: {  	_ =	swait.ge [sflag:s10], $0x800  }
0x2e8: {  	[sflag:s10] =	ssyncset.done $0x0  }
0x2e9: {  	[sflag:s10] =	ssyncadd.s32 $0xFFFFF800  }
0x2ea: {  	_ =	swait.ge [sflag:s13], $0x8000  }
0x2eb: {  	[sflag:s13] =	ssyncset.done $0x0  }
0x2ec: {  	s18 =	simm.s32 $0x7420;
	[sflag:s13] =	ssyncadd.s32 $0xFFFF8000  }
0x2ed: {  	v2 =	vld [tilespmem:s18+$0x10]  }
0x2ee: {  	v3 =	vld [tilespmem:s18+$0xFFFFFFF0];
	_ =	sdelay $0x1  }
0x2ef: {  	v4 =	vld [tilespmem:s18+$0xFFFFFFE0];
	_ =	sdelay $0x1  }
0x2f0: {  	v6 =	vunpack.i.u.s16.s32 v2;
	v2 =	vunpack.i.l.s16.s32 v2  }
0x2f1: {  	v7 =	vunpack.i.u.s16.s32 v3;
	v8 =	vunpack.i.l.s16.s32 v3;
	v2 =	vshll.u32 v2, $0x10  }
0x2f2: {  	v5 =	vld [tilespmem:s18+$0x0];
	v6 =	vshll.u32 v6, $0x10;
	v8 =	vshll.u32 v8, $0x10;
	v7 =	vshll.u32 v7, $0x10  }
0x2f3: {  	v2 =	vshra.s32 v2, $0x3;
	v3 =	vshra.s32 v6, $0x3;
	v6 =	vunpack.i.u.s16.s32 v4  }
0x2f4: {  	v4 =	vunpack.i.l.s16.s32 v4;
	v8 =	vshra.s32 v8, $0x3;
	v7 =	vshra.s32 v7, $0x3  }
0x2f5: {  	v2 =	vand.u32 $0x8FFFE000, v2;
	v9 =	vand.u32 $0x8FFFE000, v3;
	v4 =	vshll.u32 v4, $0x10  }
0x2f6: {  	v6 =	vshll.u32 v6, $0x10;
	v63 =	vand.u32 $0x8FFFE000, v8;
	v13 =	vand.u32 $0x8FFFE000, v7  }
0x2f7: {  	v3 =	vmul.f32 $5.192296860e+33, v2;
	v2 =	vmul.f32 $5.192296860e+33, v9;
	v9 =	vunpack.i.u.s16.s32 v5  }
0x2f8: {  	v5 =	vunpack.i.l.s16.s32 v5;
	v4 =	vshra.s32 v4, $0x3;
	v6 =	vshra.s32 v6, $0x3  }
0x2f9: {  	v7 =	vmul.f32 $5.192296860e+33, v63;
	v5 =	vshll.u32 v5, $0x10;
	v9 =	vshll.u32 v9, $0x10  }
0x2fa: {  	v4 =	vand.u32 $0x8FFFE000, v4;
	v6 =	vand.u32 $0x8FFFE000, v6;
	v10 =	vperm.xlane v3, v1  }
0x2fb: {  	v11 =	vperm.xlane v2, v1;
	v5 =	vshra.s32 v5, $0x3;
	v9 =	vshra.s32 v9, $0x3  }
0x2fc: {  	v14 =	vmul.f32 $5.192296860e+33, v4;
	v8 =	vmul.f32 $5.192296860e+33, v6;
	v4 =	vand.u32 $0x8FFFE000, v5  }
0x2fd: {  	v6 =	vmul.f32 $5.192296860e+33, v13;
	v5 =	vand.u32 $0x8FFFE000, v9;
	v4 =	vmul.f32 $5.192296860e+33, v4  }
0x2fe: {  	s15 =	simm.s32 $0x13440;
	v10 =	vsel vm0, v10, v11;
	v9 =	vperm.xlane v14, v0;
	v5 =	vmul.f32 $5.192296860e+33, v5  }
0x2ff: {  	s16 =	simm.s32 $0x13440;
	s17 =	simm.s32 $0x0;
	s18 =	simm.s32 $0x7460;
	v11 =	vperm.xlane v8, v0;
	[tilespmem:s15+$0x30] =	vst v10;
	v10 =	vperm.xlane v14, v1  }
.LBB2_16:
0x300: {  	v12 =	vld [tilespmem:s18+$0x10];
	s17 =	sadd.s32 $0x4, s17;
	v8 =	vperm.xlane v8, v1;
	v13 =	vperm.xlane v7, v0  }
0x301: {  	v7 =	vperm.xlane v7, v1;
	v14 =	vld [tilespmem:s18+$0xFFFFFFF0];
	p0 =	slt.u32 s17, $0x3FC;
	v9 =	vsel vm0, v9, v11;
	v11 =	vperm.xlane v6, v0  }
0x302: {  	v6 =	vperm.xlane v6, v1;
	v15 =	vld [tilespmem:s18+$0x0];
	[tilespmem:s15+$0xFFFFFFC0] =	vst v9;
	v8 =	vsel vm0, v10, v8;
	v9 =	vperm.xlane v4, v0  }
0x303: {  	v10 =	vld [tilespmem:s18+$0xFFFFFFE0];
	[tilespmem:s15+$0xFFFFFFD0] =	vst v8;
	v8 =	vsel vm0, v13, v11;
	v11 =	vperm.xlane v5, v0;
	v13 =	vperm.xlane v4, v1  }
0x304: {  	v16 =	vperm.xlane v3, v0;
	v4 =	vsel vm0, v7, v6;
	v5 =	vperm.xlane v5, v1;
	[tilespmem:s15+$0xFFFFFFE0] =	vst v8  }
0x305: {  	v3 =	vunpack.i.u.s16.s32 v12;
	v6 =	vunpack.i.l.s16.s32 v12;
	[tilespmem:s15+$0xFFFFFFF0] =	vst v4;
	v12 =	vperm.xlane v2, v0  }
0x306: {  	v4 =	vunpack.i.u.s16.s32 v14;
	v2 =	vshll.u32 v6, $0x10;
	v3 =	vshll.u32 v3, $0x10  }
0x307: {  	v6 =	vunpack.i.l.s16.s32 v14;
	v2 =	vshra.s32 v2, $0x3;
	v3 =	vshra.s32 v3, $0x3  }
0x308: {  	v7 =	vunpack.i.u.s16.s32 v10;
	v2 =	vand.u32 $0x8FFFE000, v2;
	v8 =	vand.u32 $0x8FFFE000, v3  }
0x309: {  	v10 =	vunpack.i.l.s16.s32 v10;
	v3 =	vmul.f32 $5.192296860e+33, v2;
	v2 =	vmul.f32 $5.192296860e+33, v8  }
0x30a: {  	v14 =	vunpack.i.l.s16.s32 v15;
	v8 =	vshll.u32 v10, $0x10;
	v10 =	vunpack.i.u.s16.s32 v15  }
0x30b: {  	v7 =	vshll.u32 v7, $0x10;
	v15 =	vperm.xlane v3, v1;
	v17 =	vperm.xlane v2, v1  }
0x30c: {  	v6 =	vshll.u32 v6, $0x10;
	v4 =	vshll.u32 v4, $0x10;
	v14 =	vshll.u32 v14, $0x10  }
0x30d: {  	s15 =	sadd.s32 $0x80, s15;
	v8 =	vshra.s32 v8, $0x3;
	v10 =	vshll.u32 v10, $0x10;
	v15 =	vsel vm0, v15, v17  }
0x30e: {  	v6 =	vshra.s32 v6, $0x3;
	v4 =	vshra.s32 v4, $0x3;
	v7 =	vshra.s32 v7, $0x3;
	[tilespmem:s15+$0x30] =	vst v15  }
0x30f: {  	v14 =	vshra.s32 v14, $0x3;
	v8 =	vand.u32 $0x8FFFE000, v8;
	v10 =	vshra.s32 v10, $0x3  }
0x310: {  	v6 =	vand.u32 $0x8FFFE000, v6;
	v4 =	vand.u32 $0x8FFFE000, v4;
	v7 =	vand.u32 $0x8FFFE000, v7  }
.Ltmp7:
0x311: {  	v14 =	vand.u32 $0x8FFFE000, v14;
	v10 =	vand.u32 $0x8FFFE000, v10;
	v15 =	vmul.f32 $5.192296860e+33, v8;
	(pc) =	sbr.rel @p0 .LBB2_16-.Ltmp7, $4  }
0x312: {  	v9 =	vsel vm0, v9, v11;
	v8 =	vmul.f32 $5.192296860e+33, v7;
	v7 =	vmul.f32 $5.192296860e+33, v6  }
0x313: {  	v11 =	vsel vm0, v13, v5;
	v6 =	vmul.f32 $5.192296860e+33, v4;
	v4 =	vmul.f32 $5.192296860e+33, v14;
	[tilespmem:s16+$0x0] =	vst v9  }
0x314: {  	v12 =	vsel vm0, v16, v12;
	v5 =	vmul.f32 $5.192296860e+33, v10;
	v9 =	vperm.xlane v15, v0;
	[tilespmem:s16+$0x10] =	vst v11  }
0x315: {  	s18 =	sadd.s32 $0x40, s18;
	v10 =	vperm.xlane v15, v1;
	v11 =	vperm.xlane v8, v0;
	[tilespmem:s16+$0x20] =	vst v12;
	s16 =	smov.u32 s15  }
0x316: {  	v8 =	vperm.xlane v8, v1  }
0x317: {  	v3 =	vperm.xlane v3, v0;
	v2 =	vperm.xlane v2, v0;
	v9 =	vsel vm0, v9, v11  }
0x318: {  	v12 =	vperm.xlane v7, v0;
	v11 =	vperm.xlane v6, v0;
	[tilespmem:s15+$0xFFFFFFC0] =	vst v9;
	v8 =	vsel vm0, v10, v8  }
0x319: {  	v7 =	vperm.xlane v7, v1;
	v6 =	vperm.xlane v6, v1;
	v2 =	vsel vm0, v3, v2;
	[tilespmem:s15+$0xFFFFFFD0] =	vst v8  }
0x31a: {  	v9 =	vperm.xlane v4, v0;
	v10 =	vperm.xlane v5, v0;
	v8 =	vsel vm0, v12, v11;
	[tilespmem:s16+$0x20] =	vst v2  }
0x31b: {  	v4 =	vperm.xlane v4, v1;
	v5 =	vperm.xlane v5, v1;
	v6 =	vsel vm0, v7, v6;
	[tilespmem:s15+$0xFFFFFFE0] =	vst v8  }
0x31c: {  	[tilespmem:s15+$0xFFFFFFF0] =	vst v6;
	v6 =	vsel vm0, v9, v10  }
0x31d: {  	v4 =	vsel vm0, v4, v5;
	[tilespmem:s16+$0x0] =	vst v6  }
0x31e: {  	[tilespmem:s16+$0x10] =	vst v4  }
0x31f: {  	s15 =	rddreg [dreg:$0xb]  }
0x320: {  	[hbm4b:s15+s2] =	stream.linear.scatter [tilespmem:s11], [sflag:$0x4], $0x8000, $0x38;
	[tilespmem:$0x1B400] =	vst v63  }
0x321: {  	s16 =	simm.s32 $0x2400  }
0x322: {  	[tilespmem:s30], [sflag:$0x2] =	stream.indirect.gather [hbm4b:s3+s20], $0x10, s16, s20, $0xb8;
	[tilespmem:$0x1B400] =	vst v63  }
0x323: {  	s17 =	simm.s32 $0x2480  }
0x324: {  	[tilespmem:s23], [sflag:$0x2] =	stream.indirect.gather [hbm4b:s3+s20], $0x10, s17, s20, $0xb8;
	[tilespmem:$0x1B400] =	vst v63  }
0x325: {  	s18 =	simm.s32 $0x2500  }
0x326: {  	[tilespmem:s1], [sflag:$0x2] =	stream.indirect.gather [hbm4b:s3+s20], $0x10, s18, s20, $0xb8;
	[tilespmem:$0x1B400] =	vst v63  }
0x327: {  	s16 =	simm.s32 $0x2580  }
0x328: {  	[tilespmem:s28], [sflag:$0x2] =	stream.indirect.gather [hbm4b:s3+s20], $0x10, s16, s20, $0xb8;
	[tilespmem:$0x1B400] =	vst v63  }
0x329: {  	s17 =	simm.s32 $0x2600  }
0x32a: {  	[tilespmem:s4], [sflag:$0x2] =	stream.indirect.gather [hbm4b:s3+s20], $0x10, s17, s20, $0xb8;
	[tilespmem:$0x1B400] =	vst v63  }
0x32b: {  	s18 =	simm.s32 $0x2680  }
0x32c: {  	[tilespmem:s5], [sflag:$0x2] =	stream.indirect.gather [hbm4b:s3+s20], $0x10, s18, s20, $0xb8;
	[tilespmem:$0x1B400] =	vst v63  }
0x32d: {  	s16 =	simm.s32 $0x2700  }
0x32e: {  	[tilespmem:s6], [sflag:$0x2] =	stream.indirect.gather [hbm4b:s3+s20], $0x10, s16, s20, $0xb8;
	[tilespmem:$0x1B400] =	vst v63  }
0x32f: {  	s17 =	simm.s32 $0x2780  }
0x330: {  	[tilespmem:s7], [sflag:$0x2] =	stream.indirect.gather [hbm4b:s3+s20], $0x10, s17, s20, $0xb8;
	[tilespmem:$0x1B400] =	vst v63  }
0x331: {  	_ =	swait.ge [sflag:s8], $0x800  }
0x332: {  	[sflag:s8] =	ssyncset.done $0x0  }
0x333: {  	[sflag:s8] =	ssyncadd.s32 $0xFFFFF800  }
0x334: {  	_ =	swait.ge [sflag:s8], $0x800  }
0x335: {  	[sflag:s8] =	ssyncset.done $0x0  }
0x336: {  	[sflag:s8] =	ssyncadd.s32 $0xFFFFF800  }
0x337: {  	_ =	swait.ge [sflag:s8], $0x800  }
0x338: {  	[sflag:s8] =	ssyncset.done $0x0  }
0x339: {  	[sflag:s8] =	ssyncadd.s32 $0xFFFFF800  }
0x33a: {  	_ =	swait.ge [sflag:s8], $0x800  }
0x33b: {  	[sflag:s8] =	ssyncset.done $0x0  }
0x33c: {  	[sflag:s8] =	ssyncadd.s32 $0xFFFFF800  }
0x33d: {  	_ =	swait.ge [sflag:s8], $0x800  }
0x33e: {  	[sflag:s8] =	ssyncset.done $0x0  }
0x33f: {  	[sflag:s8] =	ssyncadd.s32 $0xFFFFF800  }
0x340: {  	_ =	swait.ge [sflag:s8], $0x800  }
0x341: {  	[sflag:s8] =	ssyncset.done $0x0  }
0x342: {  	[sflag:s8] =	ssyncadd.s32 $0xFFFFF800  }
0x343: {  	_ =	swait.ge [sflag:s8], $0x800  }
0x344: {  	[sflag:s8] =	ssyncset.done $0x0  }
0x345: {  	[sflag:s8] =	ssyncadd.s32 $0xFFFFF800  }
0x346: {  	_ =	swait.ge [sflag:s8], $0x800  }
0x347: {  	[sflag:s8] =	ssyncset.done $0x0  }
0x348: {  	[sflag:s8] =	ssyncadd.s32 $0xFFFFF800  }
0x349: {  	_ =	swait.ge [sflag:s12], $0x8000  }
0x34a: {  	[sflag:s12] =	ssyncset.done $0x0  }
0x34b: {  	s18 =	simm.s32 $0x3420;
	[sflag:s12] =	ssyncadd.s32 $0xFFFF8000  }
0x34c: {  	v2 =	vld [tilespmem:s18+$0x10]  }
0x34d: {  	v3 =	vld [tilespmem:s18+$0xFFFFFFF0];
	_ =	sdelay $0x1  }
0x34e: {  	v4 =	vld [tilespmem:s18+$0xFFFFFFE0];
	_ =	sdelay $0x1  }
0x34f: {  	v6 =	vunpack.i.u.s16.s32 v2;
	v2 =	vunpack.i.l.s16.s32 v2  }
0x350: {  	v7 =	vunpack.i.u.s16.s32 v3;
	v8 =	vunpack.i.l.s16.s32 v3;
	v2 =	vshll.u32 v2, $0x10  }
0x351: {  	v5 =	vld [tilespmem:s18+$0x0];
	v6 =	vshll.u32 v6, $0x10;
	v8 =	vshll.u32 v8, $0x10;
	v7 =	vshll.u32 v7, $0x10  }
0x352: {  	v2 =	vshra.s32 v2, $0x3;
	v3 =	vshra.s32 v6, $0x3;
	v6 =	vunpack.i.u.s16.s32 v4  }
0x353: {  	v4 =	vunpack.i.l.s16.s32 v4;
	v8 =	vshra.s32 v8, $0x3;
	v7 =	vshra.s32 v7, $0x3  }
0x354: {  	v2 =	vand.u32 $0x8FFFE000, v2;
	v9 =	vand.u32 $0x8FFFE000, v3;
	v4 =	vshll.u32 v4, $0x10  }
0x355: {  	v6 =	vshll.u32 v6, $0x10;
	v63 =	vand.u32 $0x8FFFE000, v8;
	v13 =	vand.u32 $0x8FFFE000, v7  }
0x356: {  	v3 =	vmul.f32 $5.192296860e+33, v2;
	v2 =	vmul.f32 $5.192296860e+33, v9;
	v9 =	vunpack.i.u.s16.s32 v5  }
0x357: {  	v5 =	vunpack.i.l.s16.s32 v5;
	v4 =	vshra.s32 v4, $0x3;
	v6 =	vshra.s32 v6, $0x3  }
0x358: {  	v7 =	vmul.f32 $5.192296860e+33, v63;
	v5 =	vshll.u32 v5, $0x10;
	v9 =	vshll.u32 v9, $0x10  }
0x359: {  	v4 =	vand.u32 $0x8FFFE000, v4;
	v6 =	vand.u32 $0x8FFFE000, v6;
	v10 =	vperm.xlane v3, v1  }
0x35a: {  	v11 =	vperm.xlane v2, v1;
	v5 =	vshra.s32 v5, $0x3;
	v9 =	vshra.s32 v9, $0x3  }
0x35b: {  	v14 =	vmul.f32 $5.192296860e+33, v4;
	v8 =	vmul.f32 $5.192296860e+33, v6;
	v4 =	vand.u32 $0x8FFFE000, v5  }
0x35c: {  	v6 =	vmul.f32 $5.192296860e+33, v13;
	v5 =	vand.u32 $0x8FFFE000, v9;
	v4 =	vmul.f32 $5.192296860e+33, v4  }
0x35d: {  	s15 =	simm.s32 $0xB440;
	v10 =	vsel vm0, v10, v11;
	v9 =	vperm.xlane v14, v0;
	v5 =	vmul.f32 $5.192296860e+33, v5  }
0x35e: {  	s16 =	simm.s32 $0xB440;
	s17 =	simm.s32 $0x0;
	s18 =	simm.s32 $0x3460;
	v11 =	vperm.xlane v8, v0;
	[tilespmem:s15+$0x30] =	vst v10;
	v10 =	vperm.xlane v14, v1  }
.LBB2_18:
0x35f: {  	v12 =	vld [tilespmem:s18+$0x10];
	s17 =	sadd.s32 $0x4, s17;
	v8 =	vperm.xlane v8, v1;
	v13 =	vperm.xlane v7, v0  }
0x360: {  	v7 =	vperm.xlane v7, v1;
	v14 =	vld [tilespmem:s18+$0xFFFFFFF0];
	p0 =	slt.u32 s17, $0x3FC;
	v9 =	vsel vm0, v9, v11;
	v11 =	vperm.xlane v6, v0  }
0x361: {  	v6 =	vperm.xlane v6, v1;
	v15 =	vld [tilespmem:s18+$0x0];
	[tilespmem:s15+$0xFFFFFFC0] =	vst v9;
	v8 =	vsel vm0, v10, v8;
	v9 =	vperm.xlane v4, v0  }
0x362: {  	v10 =	vld [tilespmem:s18+$0xFFFFFFE0];
	[tilespmem:s15+$0xFFFFFFD0] =	vst v8;
	v8 =	vsel vm0, v13, v11;
	v11 =	vperm.xlane v5, v0;
	v13 =	vperm.xlane v4, v1  }
0x363: {  	v16 =	vperm.xlane v3, v0;
	v4 =	vsel vm0, v7, v6;
	v5 =	vperm.xlane v5, v1;
	[tilespmem:s15+$0xFFFFFFE0] =	vst v8  }
0x364: {  	v3 =	vunpack.i.u.s16.s32 v12;
	v6 =	vunpack.i.l.s16.s32 v12;
	[tilespmem:s15+$0xFFFFFFF0] =	vst v4;
	v12 =	vperm.xlane v2, v0  }
0x365: {  	v4 =	vunpack.i.u.s16.s32 v14;
	v2 =	vshll.u32 v6, $0x10;
	v3 =	vshll.u32 v3, $0x10  }
0x366: {  	v6 =	vunpack.i.l.s16.s32 v14;
	v2 =	vshra.s32 v2, $0x3;
	v3 =	vshra.s32 v3, $0x3  }
0x367: {  	v7 =	vunpack.i.u.s16.s32 v10;
	v2 =	vand.u32 $0x8FFFE000, v2;
	v8 =	vand.u32 $0x8FFFE000, v3  }
0x368: {  	v10 =	vunpack.i.l.s16.s32 v10;
	v3 =	vmul.f32 $5.192296860e+33, v2;
	v2 =	vmul.f32 $5.192296860e+33, v8  }
0x369: {  	v14 =	vunpack.i.l.s16.s32 v15;
	v8 =	vshll.u32 v10, $0x10;
	v10 =	vunpack.i.u.s16.s32 v15  }
0x36a: {  	v7 =	vshll.u32 v7, $0x10;
	v15 =	vperm.xlane v3, v1;
	v17 =	vperm.xlane v2, v1  }
0x36b: {  	v6 =	vshll.u32 v6, $0x10;
	v4 =	vshll.u32 v4, $0x10;
	v14 =	vshll.u32 v14, $0x10  }
0x36c: {  	s15 =	sadd.s32 $0x80, s15;
	v8 =	vshra.s32 v8, $0x3;
	v10 =	vshll.u32 v10, $0x10;
	v15 =	vsel vm0, v15, v17  }
0x36d: {  	v6 =	vshra.s32 v6, $0x3;
	v4 =	vshra.s32 v4, $0x3;
	v7 =	vshra.s32 v7, $0x3;
	[tilespmem:s15+$0x30] =	vst v15  }
0x36e: {  	v14 =	vshra.s32 v14, $0x3;
	v8 =	vand.u32 $0x8FFFE000, v8;
	v10 =	vshra.s32 v10, $0x3  }
0x36f: {  	v6 =	vand.u32 $0x8FFFE000, v6;
	v4 =	vand.u32 $0x8FFFE000, v4;
	v7 =	vand.u32 $0x8FFFE000, v7  }
.Ltmp8:
0x370: {  	v14 =	vand.u32 $0x8FFFE000, v14;
	v10 =	vand.u32 $0x8FFFE000, v10;
	v15 =	vmul.f32 $5.192296860e+33, v8;
	(pc) =	sbr.rel @p0 .LBB2_18-.Ltmp8, $4  }
0x371: {  	v9 =	vsel vm0, v9, v11;
	v8 =	vmul.f32 $5.192296860e+33, v7;
	v7 =	vmul.f32 $5.192296860e+33, v6  }
0x372: {  	v11 =	vsel vm0, v13, v5;
	v6 =	vmul.f32 $5.192296860e+33, v4;
	v4 =	vmul.f32 $5.192296860e+33, v14;
	[tilespmem:s16+$0x0] =	vst v9  }
0x373: {  	v12 =	vsel vm0, v16, v12;
	v5 =	vmul.f32 $5.192296860e+33, v10;
	v9 =	vperm.xlane v15, v0;
	[tilespmem:s16+$0x10] =	vst v11  }
0x374: {  	s18 =	sadd.s32 $0x40, s18;
	v10 =	vperm.xlane v15, v1;
	v11 =	vperm.xlane v8, v0;
	[tilespmem:s16+$0x20] =	vst v12;
	s16 =	smov.u32 s15  }
0x375: {  	v8 =	vperm.xlane v8, v1  }
0x376: {  	v3 =	vperm.xlane v3, v0;
	v2 =	vperm.xlane v2, v0;
	v9 =	vsel vm0, v9, v11  }
0x377: {  	v12 =	vperm.xlane v7, v0;
	v11 =	vperm.xlane v6, v0;
	[tilespmem:s15+$0xFFFFFFC0] =	vst v9;
	v8 =	vsel vm0, v10, v8  }
0x378: {  	v7 =	vperm.xlane v7, v1;
	v6 =	vperm.xlane v6, v1;
	v2 =	vsel vm0, v3, v2;
	[tilespmem:s15+$0xFFFFFFD0] =	vst v8  }
0x379: {  	v9 =	vperm.xlane v4, v0;
	v10 =	vperm.xlane v5, v0;
	v8 =	vsel vm0, v12, v11;
	[tilespmem:s16+$0x20] =	vst v2  }
0x37a: {  	v4 =	vperm.xlane v4, v1;
	v5 =	vperm.xlane v5, v1;
	v6 =	vsel vm0, v7, v6;
	[tilespmem:s15+$0xFFFFFFE0] =	vst v8  }
0x37b: {  	[tilespmem:s15+$0xFFFFFFF0] =	vst v6;
	v6 =	vsel vm0, v9, v10  }
0x37c: {  	v4 =	vsel vm0, v4, v5;
	[tilespmem:s16+$0x0] =	vst v6  }
0x37d: {  	[tilespmem:s16+$0x10] =	vst v4  }
0x37e: {  	s15 =	rddreg [dreg:$0xc]  }
0x37f: {  	[hbm4b:s15+s2] =	stream.linear.scatter [tilespmem:s9], [sflag:$0x3], $0x8000, $0x38;
	[tilespmem:$0x1B400] =	vst v63  }
0x380: {  	s16 =	simm.s32 $0x2800  }
0x381: {  	[tilespmem:s21], [sflag:$0x1] =	stream.indirect.gather [hbm4b:s3+s20], $0x10, s16, s20, $0xb8;
	[tilespmem:$0x1B400] =	vst v63  }
0x382: {  	s17 =	simm.s32 $0x2880  }
0x383: {  	[tilespmem:s22], [sflag:$0x1] =	stream.indirect.gather [hbm4b:s3+s20], $0x10, s17, s20, $0xb8;
	[tilespmem:$0x1B400] =	vst v63  }
0x384: {  	s18 =	simm.s32 $0x2900  }
0x385: {  	[tilespmem:s24], [sflag:$0x1] =	stream.indirect.gather [hbm4b:s3+s20], $0x10, s18, s20, $0xb8;
	[tilespmem:$0x1B400] =	vst v63  }
0x386: {  	s16 =	simm.s32 $0x2980  }
0x387: {  	[tilespmem:s26], [sflag:$0x1] =	stream.indirect.gather [hbm4b:s3+s20], $0x10, s16, s20, $0xb8;
	[tilespmem:$0x1B400] =	vst v63  }
0x388: {  	s17 =	simm.s32 $0x2A00  }
0x389: {  	[tilespmem:s29], [sflag:$0x1] =	stream.indirect.gather [hbm4b:s3+s20], $0x10, s17, s20, $0xb8;
	[tilespmem:$0x1B400] =	vst v63  }
0x38a: {  	s18 =	simm.s32 $0x2A80  }
0x38b: {  	[tilespmem:s31], [sflag:$0x1] =	stream.indirect.gather [hbm4b:s3+s20], $0x10, s18, s20, $0xb8;
	[tilespmem:$0x1B400] =	vst v63  }
0x38c: {  	s16 =	simm.s32 $0x2B00  }
0x38d: {  	[tilespmem:s0], [sflag:$0x1] =	stream.indirect.gather [hbm4b:s3+s20], $0x10, s16, s20, $0xb8;
	[tilespmem:$0x1B400] =	vst v63  }
0x38e: {  	s17 =	simm.s32 $0x2B80  }
0x38f: {  	[tilespmem:s25], [sflag:$0x1] =	stream.indirect.gather [hbm4b:s3+s20], $0x10, s17, s20, $0xb8;
	[tilespmem:$0x1B400] =	vst v63  }
0x390: {  	_ =	swait.ge [sflag:s10], $0x800  }
0x391: {  	[sflag:s10] =	ssyncset.done $0x0  }
0x392: {  	[sflag:s10] =	ssyncadd.s32 $0xFFFFF800  }
0x393: {  	_ =	swait.ge [sflag:s10], $0x800  }
0x394: {  	[sflag:s10] =	ssyncset.done $0x0  }
0x395: {  	[sflag:s10] =	ssyncadd.s32 $0xFFFFF800  }
0x396: {  	_ =	swait.ge [sflag:s10], $0x800  }
0x397: {  	[sflag:s10] =	ssyncset.done $0x0  }
0x398: {  	[sflag:s10] =	ssyncadd.s32 $0xFFFFF800  }
0x399: {  	_ =	swait.ge [sflag:s10], $0x800  }
0x39a: {  	[sflag:s10] =	ssyncset.done $0x0  }
0x39b: {  	[sflag:s10] =	ssyncadd.s32 $0xFFFFF800  }
0x39c: {  	_ =	swait.ge [sflag:s10], $0x800  }
0x39d: {  	[sflag:s10] =	ssyncset.done $0x0  }
0x39e: {  	[sflag:s10] =	ssyncadd.s32 $0xFFFFF800  }
0x39f: {  	_ =	swait.ge [sflag:s10], $0x800  }
0x3a0: {  	[sflag:s10] =	ssyncset.done $0x0  }
0x3a1: {  	[sflag:s10] =	ssyncadd.s32 $0xFFFFF800  }
0x3a2: {  	_ =	swait.ge [sflag:s10], $0x800  }
0x3a3: {  	[sflag:s10] =	ssyncset.done $0x0  }
0x3a4: {  	[sflag:s10] =	ssyncadd.s32 $0xFFFFF800  }
0x3a5: {  	_ =	swait.ge [sflag:s10], $0x800  }
0x3a6: {  	[sflag:s10] =	ssyncset.done $0x0  }
0x3a7: {  	[sflag:s10] =	ssyncadd.s32 $0xFFFFF800  }
0x3a8: {  	_ =	swait.ge [sflag:s13], $0x8000  }
0x3a9: {  	[sflag:s13] =	ssyncset.done $0x0  }
0x3aa: {  	s18 =	simm.s32 $0x7420;
	[sflag:s13] =	ssyncadd.s32 $0xFFFF8000  }
0x3ab: {  	v2 =	vld [tilespmem:s18+$0x10]  }
0x3ac: {  	v3 =	vld [tilespmem:s18+$0xFFFFFFF0];
	_ =	sdelay $0x1  }
0x3ad: {  	v4 =	vld [tilespmem:s18+$0xFFFFFFE0];
	_ =	sdelay $0x1  }
0x3ae: {  	v6 =	vunpack.i.u.s16.s32 v2;
	v2 =	vunpack.i.l.s16.s32 v2  }
0x3af: {  	v7 =	vunpack.i.u.s16.s32 v3;
	v8 =	vunpack.i.l.s16.s32 v3;
	v2 =	vshll.u32 v2, $0x10  }
0x3b0: {  	v5 =	vld [tilespmem:s18+$0x0];
	v6 =	vshll.u32 v6, $0x10;
	v8 =	vshll.u32 v8, $0x10;
	v7 =	vshll.u32 v7, $0x10  }
0x3b1: {  	v2 =	vshra.s32 v2, $0x3;
	v3 =	vshra.s32 v6, $0x3;
	v6 =	vunpack.i.u.s16.s32 v4  }
0x3b2: {  	v4 =	vunpack.i.l.s16.s32 v4;
	v8 =	vshra.s32 v8, $0x3;
	v7 =	vshra.s32 v7, $0x3  }
0x3b3: {  	v2 =	vand.u32 $0x8FFFE000, v2;
	v9 =	vand.u32 $0x8FFFE000, v3;
	v4 =	vshll.u32 v4, $0x10  }
0x3b4: {  	v6 =	vshll.u32 v6, $0x10;
	v63 =	vand.u32 $0x8FFFE000, v8;
	v13 =	vand.u32 $0x8FFFE000, v7  }
0x3b5: {  	v3 =	vmul.f32 $5.192296860e+33, v2;
	v2 =	vmul.f32 $5.192296860e+33, v9;
	v9 =	vunpack.i.u.s16.s32 v5  }
0x3b6: {  	v5 =	vunpack.i.l.s16.s32 v5;
	v4 =	vshra.s32 v4, $0x3;
	v6 =	vshra.s32 v6, $0x3  }
0x3b7: {  	v7 =	vmul.f32 $5.192296860e+33, v63;
	v5 =	vshll.u32 v5, $0x10;
	v9 =	vshll.u32 v9, $0x10  }
0x3b8: {  	v4 =	vand.u32 $0x8FFFE000, v4;
	v6 =	vand.u32 $0x8FFFE000, v6;
	v10 =	vperm.xlane v3, v1  }
0x3b9: {  	v11 =	vperm.xlane v2, v1;
	v5 =	vshra.s32 v5, $0x3;
	v9 =	vshra.s32 v9, $0x3  }
0x3ba: {  	v14 =	vmul.f32 $5.192296860e+33, v4;
	v8 =	vmul.f32 $5.192296860e+33, v6;
	v4 =	vand.u32 $0x8FFFE000, v5  }
0x3bb: {  	v6 =	vmul.f32 $5.192296860e+33, v13;
	v5 =	vand.u32 $0x8FFFE000, v9;
	v4 =	vmul.f32 $5.192296860e+33, v4  }
0x3bc: {  	s15 =	simm.s32 $0x13440;
	v10 =	vsel vm0, v10, v11;
	v9 =	vperm.xlane v14, v0;
	v5 =	vmul.f32 $5.192296860e+33, v5  }
0x3bd: {  	s16 =	simm.s32 $0x13440;
	s17 =	simm.s32 $0x0;
	s18 =	simm.s32 $0x7460;
	v11 =	vperm.xlane v8, v0;
	[tilespmem:s15+$0x30] =	vst v10;
	v10 =	vperm.xlane v14, v1  }
.LBB2_20:
0x3be: {  	v12 =	vld [tilespmem:s18+$0x10];
	s17 =	sadd.s32 $0x4, s17;
	v8 =	vperm.xlane v8, v1;
	v13 =	vperm.xlane v7, v0  }
0x3bf: {  	v7 =	vperm.xlane v7, v1;
	v14 =	vld [tilespmem:s18+$0xFFFFFFF0];
	p0 =	slt.u32 s17, $0x3FC;
	v9 =	vsel vm0, v9, v11;
	v11 =	vperm.xlane v6, v0  }
0x3c0: {  	v6 =	vperm.xlane v6, v1;
	v15 =	vld [tilespmem:s18+$0x0];
	[tilespmem:s15+$0xFFFFFFC0] =	vst v9;
	v8 =	vsel vm0, v10, v8;
	v9 =	vperm.xlane v4, v0  }
0x3c1: {  	v10 =	vld [tilespmem:s18+$0xFFFFFFE0];
	[tilespmem:s15+$0xFFFFFFD0] =	vst v8;
	v8 =	vsel vm0, v13, v11;
	v11 =	vperm.xlane v5, v0;
	v13 =	vperm.xlane v4, v1  }
0x3c2: {  	v16 =	vperm.xlane v3, v0;
	v4 =	vsel vm0, v7, v6;
	v5 =	vperm.xlane v5, v1;
	[tilespmem:s15+$0xFFFFFFE0] =	vst v8  }
0x3c3: {  	v3 =	vunpack.i.u.s16.s32 v12;
	v6 =	vunpack.i.l.s16.s32 v12;
	[tilespmem:s15+$0xFFFFFFF0] =	vst v4;
	v12 =	vperm.xlane v2, v0  }
0x3c4: {  	v4 =	vunpack.i.u.s16.s32 v14;
	v2 =	vshll.u32 v6, $0x10;
	v3 =	vshll.u32 v3, $0x10  }
0x3c5: {  	v6 =	vunpack.i.l.s16.s32 v14;
	v2 =	vshra.s32 v2, $0x3;
	v3 =	vshra.s32 v3, $0x3  }
0x3c6: {  	v7 =	vunpack.i.u.s16.s32 v10;
	v2 =	vand.u32 $0x8FFFE000, v2;
	v8 =	vand.u32 $0x8FFFE000, v3  }
0x3c7: {  	v10 =	vunpack.i.l.s16.s32 v10;
	v3 =	vmul.f32 $5.192296860e+33, v2;
	v2 =	vmul.f32 $5.192296860e+33, v8  }
0x3c8: {  	v14 =	vunpack.i.l.s16.s32 v15;
	v8 =	vshll.u32 v10, $0x10;
	v10 =	vunpack.i.u.s16.s32 v15  }
0x3c9: {  	v7 =	vshll.u32 v7, $0x10;
	v15 =	vperm.xlane v3, v1;
	v17 =	vperm.xlane v2, v1  }
0x3ca: {  	v6 =	vshll.u32 v6, $0x10;
	v4 =	vshll.u32 v4, $0x10;
	v14 =	vshll.u32 v14, $0x10  }
0x3cb: {  	s15 =	sadd.s32 $0x80, s15;
	v8 =	vshra.s32 v8, $0x3;
	v10 =	vshll.u32 v10, $0x10;
	v15 =	vsel vm0, v15, v17  }
0x3cc: {  	v6 =	vshra.s32 v6, $0x3;
	v4 =	vshra.s32 v4, $0x3;
	v7 =	vshra.s32 v7, $0x3;
	[tilespmem:s15+$0x30] =	vst v15  }
0x3cd: {  	v14 =	vshra.s32 v14, $0x3;
	v8 =	vand.u32 $0x8FFFE000, v8;
	v10 =	vshra.s32 v10, $0x3  }
0x3ce: {  	v6 =	vand.u32 $0x8FFFE000, v6;
	v4 =	vand.u32 $0x8FFFE000, v4;
	v7 =	vand.u32 $0x8FFFE000, v7  }
.Ltmp9:
0x3cf: {  	v14 =	vand.u32 $0x8FFFE000, v14;
	v10 =	vand.u32 $0x8FFFE000, v10;
	v15 =	vmul.f32 $5.192296860e+33, v8;
	(pc) =	sbr.rel @p0 .LBB2_20-.Ltmp9, $4  }
0x3d0: {  	v9 =	vsel vm0, v9, v11;
	v8 =	vmul.f32 $5.192296860e+33, v7;
	v7 =	vmul.f32 $5.192296860e+33, v6  }
0x3d1: {  	v11 =	vsel vm0, v13, v5;
	v6 =	vmul.f32 $5.192296860e+33, v4;
	v4 =	vmul.f32 $5.192296860e+33, v14;
	[tilespmem:s16+$0x0] =	vst v9  }
0x3d2: {  	v12 =	vsel vm0, v16, v12;
	v5 =	vmul.f32 $5.192296860e+33, v10;
	v9 =	vperm.xlane v15, v0;
	[tilespmem:s16+$0x10] =	vst v11  }
0x3d3: {  	s18 =	sadd.s32 $0x40, s18;
	v10 =	vperm.xlane v15, v1;
	v11 =	vperm.xlane v8, v0;
	[tilespmem:s16+$0x20] =	vst v12;
	s16 =	smov.u32 s15  }
0x3d4: {  	v8 =	vperm.xlane v8, v1  }
0x3d5: {  	v3 =	vperm.xlane v3, v0;
	v2 =	vperm.xlane v2, v0;
	v9 =	vsel vm0, v9, v11  }
0x3d6: {  	v12 =	vperm.xlane v7, v0;
	v11 =	vperm.xlane v6, v0;
	[tilespmem:s15+$0xFFFFFFC0] =	vst v9;
	v8 =	vsel vm0, v10, v8  }
0x3d7: {  	v7 =	vperm.xlane v7, v1;
	v6 =	vperm.xlane v6, v1;
	v2 =	vsel vm0, v3, v2;
	[tilespmem:s15+$0xFFFFFFD0] =	vst v8  }
0x3d8: {  	v9 =	vperm.xlane v4, v0;
	v10 =	vperm.xlane v5, v0;
	v8 =	vsel vm0, v12, v11;
	[tilespmem:s16+$0x20] =	vst v2  }
0x3d9: {  	v4 =	vperm.xlane v4, v1;
	v5 =	vperm.xlane v5, v1;
	v6 =	vsel vm0, v7, v6;
	[tilespmem:s15+$0xFFFFFFE0] =	vst v8  }
0x3da: {  	[tilespmem:s15+$0xFFFFFFF0] =	vst v6;
	v6 =	vsel vm0, v9, v10  }
0x3db: {  	v4 =	vsel vm0, v4, v5;
	[tilespmem:s16+$0x0] =	vst v6  }
0x3dc: {  	[tilespmem:s16+$0x10] =	vst v4  }
0x3dd: {  	s15 =	rddreg [dreg:$0xd]  }
0x3de: {  	[hbm4b:s15+s2] =	stream.linear.scatter [tilespmem:s11], [sflag:$0x4], $0x8000, $0x38;
	[tilespmem:$0x1B400] =	vst v63  }
0x3df: {  	s16 =	simm.s32 $0x2C00  }
0x3e0: {  	[tilespmem:s30], [sflag:$0x2] =	stream.indirect.gather [hbm4b:s3+s20], $0x10, s16, s20, $0xb8;
	[tilespmem:$0x1B400] =	vst v63  }
0x3e1: {  	s17 =	simm.s32 $0x2C80  }
0x3e2: {  	[tilespmem:s23], [sflag:$0x2] =	stream.indirect.gather [hbm4b:s3+s20], $0x10, s17, s20, $0xb8;
	[tilespmem:$0x1B400] =	vst v63  }
0x3e3: {  	s18 =	simm.s32 $0x2D00  }
0x3e4: {  	[tilespmem:s1], [sflag:$0x2] =	stream.indirect.gather [hbm4b:s3+s20], $0x10, s18, s20, $0xb8;
	[tilespmem:$0x1B400] =	vst v63  }
0x3e5: {  	s16 =	simm.s32 $0x2D80  }
0x3e6: {  	[tilespmem:s28], [sflag:$0x2] =	stream.indirect.gather [hbm4b:s3+s20], $0x10, s16, s20, $0xb8;
	[tilespmem:$0x1B400] =	vst v63  }
0x3e7: {  	s17 =	simm.s32 $0x2E00  }
0x3e8: {  	[tilespmem:s4], [sflag:$0x2] =	stream.indirect.gather [hbm4b:s3+s20], $0x10, s17, s20, $0xb8;
	[tilespmem:$0x1B400] =	vst v63  }
0x3e9: {  	s18 =	simm.s32 $0x2E80  }
0x3ea: {  	[tilespmem:s5], [sflag:$0x2] =	stream.indirect.gather [hbm4b:s3+s20], $0x10, s18, s20, $0xb8;
	[tilespmem:$0x1B400] =	vst v63  }
0x3eb: {  	s16 =	simm.s32 $0x2F00  }
0x3ec: {  	[tilespmem:s6], [sflag:$0x2] =	stream.indirect.gather [hbm4b:s3+s20], $0x10, s16, s20, $0xb8;
	[tilespmem:$0x1B400] =	vst v63  }
0x3ed: {  	s17 =	simm.s32 $0x2F80  }
0x3ee: {  	[tilespmem:s7], [sflag:$0x2] =	stream.indirect.gather [hbm4b:s3+s20], $0x10, s17, s20, $0xb8;
	[tilespmem:$0x1B400] =	vst v63  }
0x3ef: {  	_ =	swait.ge [sflag:s8], $0x800  }
0x3f0: {  	[sflag:s8] =	ssyncset.done $0x0  }
0x3f1: {  	[sflag:s8] =	ssyncadd.s32 $0xFFFFF800  }
0x3f2: {  	_ =	swait.ge [sflag:s8], $0x800  }
0x3f3: {  	[sflag:s8] =	ssyncset.done $0x0  }
0x3f4: {  	[sflag:s8] =	ssyncadd.s32 $0xFFFFF800  }
0x3f5: {  	_ =	swait.ge [sflag:s8], $0x800  }
0x3f6: {  	[sflag:s8] =	ssyncset.done $0x0  }
0x3f7: {  	[sflag:s8] =	ssyncadd.s32 $0xFFFFF800  }
0x3f8: {  	_ =	swait.ge [sflag:s8], $0x800  }
0x3f9: {  	[sflag:s8] =	ssyncset.done $0x0  }
0x3fa: {  	[sflag:s8] =	ssyncadd.s32 $0xFFFFF800  }
0x3fb: {  	_ =	swait.ge [sflag:s8], $0x800  }
0x3fc: {  	[sflag:s8] =	ssyncset.done $0x0  }
0x3fd: {  	[sflag:s8] =	ssyncadd.s32 $0xFFFFF800  }
0x3fe: {  	_ =	swait.ge [sflag:s8], $0x800  }
0x3ff: {  	[sflag:s8] =	ssyncset.done $0x0  }
0x400: {  	[sflag:s8] =	ssyncadd.s32 $0xFFFFF800  }
0x401: {  	_ =	swait.ge [sflag:s8], $0x800  }
0x402: {  	[sflag:s8] =	ssyncset.done $0x0  }
0x403: {  	[sflag:s8] =	ssyncadd.s32 $0xFFFFF800  }
0x404: {  	_ =	swait.ge [sflag:s8], $0x800  }
0x405: {  	[sflag:s8] =	ssyncset.done $0x0  }
0x406: {  	[sflag:s8] =	ssyncadd.s32 $0xFFFFF800  }
0x407: {  	_ =	swait.ge [sflag:s12], $0x8000  }
0x408: {  	[sflag:s12] =	ssyncset.done $0x0  }
0x409: {  	s18 =	simm.s32 $0x3420;
	[sflag:s12] =	ssyncadd.s32 $0xFFFF8000  }
0x40a: {  	v2 =	vld [tilespmem:s18+$0x10]  }
0x40b: {  	v3 =	vld [tilespmem:s18+$0xFFFFFFF0];
	_ =	sdelay $0x1  }
0x40c: {  	v4 =	vld [tilespmem:s18+$0xFFFFFFE0];
	_ =	sdelay $0x1  }
0x40d: {  	v6 =	vunpack.i.u.s16.s32 v2;
	v2 =	vunpack.i.l.s16.s32 v2  }
0x40e: {  	v7 =	vunpack.i.u.s16.s32 v3;
	v8 =	vunpack.i.l.s16.s32 v3;
	v2 =	vshll.u32 v2, $0x10  }
0x40f: {  	v5 =	vld [tilespmem:s18+$0x0];
	v6 =	vshll.u32 v6, $0x10;
	v8 =	vshll.u32 v8, $0x10;
	v7 =	vshll.u32 v7, $0x10  }
0x410: {  	v2 =	vshra.s32 v2, $0x3;
	v3 =	vshra.s32 v6, $0x3;
	v6 =	vunpack.i.u.s16.s32 v4  }
0x411: {  	v4 =	vunpack.i.l.s16.s32 v4;
	v8 =	vshra.s32 v8, $0x3;
	v7 =	vshra.s32 v7, $0x3  }
0x412: {  	v2 =	vand.u32 $0x8FFFE000, v2;
	v9 =	vand.u32 $0x8FFFE000, v3;
	v4 =	vshll.u32 v4, $0x10  }
0x413: {  	v6 =	vshll.u32 v6, $0x10;
	v63 =	vand.u32 $0x8FFFE000, v8;
	v13 =	vand.u32 $0x8FFFE000, v7  }
0x414: {  	v3 =	vmul.f32 $5.192296860e+33, v2;
	v2 =	vmul.f32 $5.192296860e+33, v9;
	v9 =	vunpack.i.u.s16.s32 v5  }
0x415: {  	v5 =	vunpack.i.l.s16.s32 v5;
	v4 =	vshra.s32 v4, $0x3;
	v6 =	vshra.s32 v6, $0x3  }
0x416: {  	v7 =	vmul.f32 $5.192296860e+33, v63;
	v5 =	vshll.u32 v5, $0x10;
	v9 =	vshll.u32 v9, $0x10  }
0x417: {  	v4 =	vand.u32 $0x8FFFE000, v4;
	v6 =	vand.u32 $0x8FFFE000, v6;
	v10 =	vperm.xlane v3, v1  }
0x418: {  	v11 =	vperm.xlane v2, v1;
	v5 =	vshra.s32 v5, $0x3;
	v9 =	vshra.s32 v9, $0x3  }
0x419: {  	v14 =	vmul.f32 $5.192296860e+33, v4;
	v8 =	vmul.f32 $5.192296860e+33, v6;
	v4 =	vand.u32 $0x8FFFE000, v5  }
0x41a: {  	v6 =	vmul.f32 $5.192296860e+33, v13;
	v5 =	vand.u32 $0x8FFFE000, v9;
	v4 =	vmul.f32 $5.192296860e+33, v4  }
0x41b: {  	s15 =	simm.s32 $0xB440;
	v10 =	vsel vm0, v10, v11;
	v9 =	vperm.xlane v14, v0;
	v5 =	vmul.f32 $5.192296860e+33, v5  }
0x41c: {  	s16 =	simm.s32 $0xB440;
	s17 =	simm.s32 $0x0;
	s18 =	simm.s32 $0x3460;
	v11 =	vperm.xlane v8, v0;
	[tilespmem:s15+$0x30] =	vst v10;
	v10 =	vperm.xlane v14, v1  }
.LBB2_22:
0x41d: {  	v12 =	vld [tilespmem:s18+$0x10];
	s17 =	sadd.s32 $0x4, s17;
	v8 =	vperm.xlane v8, v1;
	v13 =	vperm.xlane v7, v0  }
0x41e: {  	v7 =	vperm.xlane v7, v1;
	v14 =	vld [tilespmem:s18+$0xFFFFFFF0];
	p0 =	slt.u32 s17, $0x3FC;
	v9 =	vsel vm0, v9, v11;
	v11 =	vperm.xlane v6, v0  }
0x41f: {  	v6 =	vperm.xlane v6, v1;
	v15 =	vld [tilespmem:s18+$0x0];
	[tilespmem:s15+$0xFFFFFFC0] =	vst v9;
	v8 =	vsel vm0, v10, v8;
	v9 =	vperm.xlane v4, v0  }
0x420: {  	v10 =	vld [tilespmem:s18+$0xFFFFFFE0];
	[tilespmem:s15+$0xFFFFFFD0] =	vst v8;
	v8 =	vsel vm0, v13, v11;
	v11 =	vperm.xlane v5, v0;
	v13 =	vperm.xlane v4, v1  }
0x421: {  	v16 =	vperm.xlane v3, v0;
	v4 =	vsel vm0, v7, v6;
	v5 =	vperm.xlane v5, v1;
	[tilespmem:s15+$0xFFFFFFE0] =	vst v8  }
0x422: {  	v3 =	vunpack.i.u.s16.s32 v12;
	v6 =	vunpack.i.l.s16.s32 v12;
	[tilespmem:s15+$0xFFFFFFF0] =	vst v4;
	v12 =	vperm.xlane v2, v0  }
0x423: {  	v4 =	vunpack.i.u.s16.s32 v14;
	v2 =	vshll.u32 v6, $0x10;
	v3 =	vshll.u32 v3, $0x10  }
0x424: {  	v6 =	vunpack.i.l.s16.s32 v14;
	v2 =	vshra.s32 v2, $0x3;
	v3 =	vshra.s32 v3, $0x3  }
0x425: {  	v7 =	vunpack.i.u.s16.s32 v10;
	v2 =	vand.u32 $0x8FFFE000, v2;
	v8 =	vand.u32 $0x8FFFE000, v3  }
0x426: {  	v10 =	vunpack.i.l.s16.s32 v10;
	v3 =	vmul.f32 $5.192296860e+33, v2;
	v2 =	vmul.f32 $5.192296860e+33, v8  }
0x427: {  	v14 =	vunpack.i.l.s16.s32 v15;
	v8 =	vshll.u32 v10, $0x10;
	v10 =	vunpack.i.u.s16.s32 v15  }
0x428: {  	v7 =	vshll.u32 v7, $0x10;
	v15 =	vperm.xlane v3, v1;
	v17 =	vperm.xlane v2, v1  }
0x429: {  	v6 =	vshll.u32 v6, $0x10;
	v4 =	vshll.u32 v4, $0x10;
	v14 =	vshll.u32 v14, $0x10  }
0x42a: {  	s15 =	sadd.s32 $0x80, s15;
	v8 =	vshra.s32 v8, $0x3;
	v10 =	vshll.u32 v10, $0x10;
	v15 =	vsel vm0, v15, v17  }
0x42b: {  	v6 =	vshra.s32 v6, $0x3;
	v4 =	vshra.s32 v4, $0x3;
	v7 =	vshra.s32 v7, $0x3;
	[tilespmem:s15+$0x30] =	vst v15  }
0x42c: {  	v14 =	vshra.s32 v14, $0x3;
	v8 =	vand.u32 $0x8FFFE000, v8;
	v10 =	vshra.s32 v10, $0x3  }
0x42d: {  	v6 =	vand.u32 $0x8FFFE000, v6;
	v4 =	vand.u32 $0x8FFFE000, v4;
	v7 =	vand.u32 $0x8FFFE000, v7  }
.Ltmp10:
0x42e: {  	v14 =	vand.u32 $0x8FFFE000, v14;
	v10 =	vand.u32 $0x8FFFE000, v10;
	v15 =	vmul.f32 $5.192296860e+33, v8;
	(pc) =	sbr.rel @p0 .LBB2_22-.Ltmp10, $4  }
0x42f: {  	v9 =	vsel vm0, v9, v11;
	v8 =	vmul.f32 $5.192296860e+33, v7;
	v7 =	vmul.f32 $5.192296860e+33, v6  }
0x430: {  	v11 =	vsel vm0, v13, v5;
	v6 =	vmul.f32 $5.192296860e+33, v4;
	v4 =	vmul.f32 $5.192296860e+33, v14;
	[tilespmem:s16+$0x0] =	vst v9  }
0x431: {  	v12 =	vsel vm0, v16, v12;
	v5 =	vmul.f32 $5.192296860e+33, v10;
	v9 =	vperm.xlane v15, v0;
	[tilespmem:s16+$0x10] =	vst v11  }
0x432: {  	s18 =	sadd.s32 $0x40, s18;
	v10 =	vperm.xlane v15, v1;
	v11 =	vperm.xlane v8, v0;
	[tilespmem:s16+$0x20] =	vst v12;
	s16 =	smov.u32 s15  }
0x433: {  	v8 =	vperm.xlane v8, v1  }
0x434: {  	v3 =	vperm.xlane v3, v0;
	v2 =	vperm.xlane v2, v0;
	v9 =	vsel vm0, v9, v11  }
0x435: {  	v12 =	vperm.xlane v7, v0;
	v11 =	vperm.xlane v6, v0;
	[tilespmem:s15+$0xFFFFFFC0] =	vst v9;
	v8 =	vsel vm0, v10, v8  }
0x436: {  	v7 =	vperm.xlane v7, v1;
	v6 =	vperm.xlane v6, v1;
	v2 =	vsel vm0, v3, v2;
	[tilespmem:s15+$0xFFFFFFD0] =	vst v8  }
0x437: {  	v9 =	vperm.xlane v4, v0;
	v10 =	vperm.xlane v5, v0;
	v8 =	vsel vm0, v12, v11;
	[tilespmem:s16+$0x20] =	vst v2  }
0x438: {  	v4 =	vperm.xlane v4, v1;
	v5 =	vperm.xlane v5, v1;
	v6 =	vsel vm0, v7, v6;
	[tilespmem:s15+$0xFFFFFFE0] =	vst v8  }
0x439: {  	[tilespmem:s15+$0xFFFFFFF0] =	vst v6;
	v6 =	vsel vm0, v9, v10  }
0x43a: {  	v4 =	vsel vm0, v4, v5;
	[tilespmem:s16+$0x0] =	vst v6  }
0x43b: {  	[tilespmem:s16+$0x10] =	vst v4  }
0x43c: {  	s15 =	rddreg [dreg:$0xe]  }
0x43d: {  	[hbm4b:s15+s2] =	stream.linear.scatter [tilespmem:s9], [sflag:$0x3], $0x8000, $0x38;
	[tilespmem:$0x1B400] =	vst v63  }
0x43e: {  	s16 =	simm.s32 $0x3000  }
0x43f: {  	[tilespmem:s21], [sflag:$0x1] =	stream.indirect.gather [hbm4b:s3+s20], $0x10, s16, s20, $0xb8;
	[tilespmem:$0x1B400] =	vst v63  }
0x440: {  	s17 =	simm.s32 $0x3080  }
0x441: {  	[tilespmem:s22], [sflag:$0x1] =	stream.indirect.gather [hbm4b:s3+s20], $0x10, s17, s20, $0xb8;
	[tilespmem:$0x1B400] =	vst v63  }
0x442: {  	s18 =	simm.s32 $0x3100  }
0x443: {  	[tilespmem:s24], [sflag:$0x1] =	stream.indirect.gather [hbm4b:s3+s20], $0x10, s18, s20, $0xb8;
	[tilespmem:$0x1B400] =	vst v63  }
0x444: {  	s16 =	simm.s32 $0x3180  }
0x445: {  	[tilespmem:s26], [sflag:$0x1] =	stream.indirect.gather [hbm4b:s3+s20], $0x10, s16, s20, $0xb8;
	[tilespmem:$0x1B400] =	vst v63  }
0x446: {  	s17 =	simm.s32 $0x3200  }
0x447: {  	[tilespmem:s29], [sflag:$0x1] =	stream.indirect.gather [hbm4b:s3+s20], $0x10, s17, s20, $0xb8;
	[tilespmem:$0x1B400] =	vst v63  }
0x448: {  	s18 =	simm.s32 $0x3280  }
0x449: {  	[tilespmem:s31], [sflag:$0x1] =	stream.indirect.gather [hbm4b:s3+s20], $0x10, s18, s20, $0xb8;
	[tilespmem:$0x1B400] =	vst v63  }
0x44a: {  	s16 =	simm.s32 $0x3300  }
0x44b: {  	[tilespmem:s0], [sflag:$0x1] =	stream.indirect.gather [hbm4b:s3+s20], $0x10, s16, s20, $0xb8;
	[tilespmem:$0x1B400] =	vst v63  }
0x44c: {  	s17 =	simm.s32 $0x3380  }
0x44d: {  	[tilespmem:s25], [sflag:$0x1] =	stream.indirect.gather [hbm4b:s3+s20], $0x10, s17, s20, $0xb8;
	[tilespmem:$0x1B400] =	vst v63  }
0x44e: {  	_ =	swait.ge [sflag:s10], $0x800  }
0x44f: {  	[sflag:s10] =	ssyncset.done $0x0  }
0x450: {  	[sflag:s10] =	ssyncadd.s32 $0xFFFFF800  }
0x451: {  	_ =	swait.ge [sflag:s10], $0x800  }
0x452: {  	[sflag:s10] =	ssyncset.done $0x0  }
0x453: {  	[sflag:s10] =	ssyncadd.s32 $0xFFFFF800  }
0x454: {  	_ =	swait.ge [sflag:s10], $0x800  }
0x455: {  	[sflag:s10] =	ssyncset.done $0x0  }
0x456: {  	[sflag:s10] =	ssyncadd.s32 $0xFFFFF800  }
0x457: {  	_ =	swait.ge [sflag:s10], $0x800  }
0x458: {  	[sflag:s10] =	ssyncset.done $0x0  }
0x459: {  	[sflag:s10] =	ssyncadd.s32 $0xFFFFF800  }
0x45a: {  	_ =	swait.ge [sflag:s10], $0x800  }
0x45b: {  	[sflag:s10] =	ssyncset.done $0x0  }
0x45c: {  	[sflag:s10] =	ssyncadd.s32 $0xFFFFF800  }
0x45d: {  	_ =	swait.ge [sflag:s10], $0x800  }
0x45e: {  	[sflag:s10] =	ssyncset.done $0x0  }
0x45f: {  	[sflag:s10] =	ssyncadd.s32 $0xFFFFF800  }
0x460: {  	_ =	swait.ge [sflag:s10], $0x800  }
0x461: {  	[sflag:s10] =	ssyncset.done $0x0  }
0x462: {  	[sflag:s10] =	ssyncadd.s32 $0xFFFFF800  }
0x463: {  	_ =	swait.ge [sflag:s10], $0x800  }
0x464: {  	[sflag:s10] =	ssyncset.done $0x0  }
0x465: {  	[sflag:s10] =	ssyncadd.s32 $0xFFFFF800  }
0x466: {  	_ =	swait.ge [sflag:s13], $0x8000  }
0x467: {  	[sflag:s13] =	ssyncset.done $0x0  }
0x468: {  	s18 =	simm.s32 $0x7420;
	[sflag:s13] =	ssyncadd.s32 $0xFFFF8000  }
0x469: {  	v2 =	vld [tilespmem:s18+$0x10]  }
0x46a: {  	v3 =	vld [tilespmem:s18+$0xFFFFFFF0];
	_ =	sdelay $0x1  }
0x46b: {  	v4 =	vld [tilespmem:s18+$0xFFFFFFE0];
	_ =	sdelay $0x1  }
0x46c: {  	v6 =	vunpack.i.u.s16.s32 v2;
	v2 =	vunpack.i.l.s16.s32 v2  }
0x46d: {  	v7 =	vunpack.i.u.s16.s32 v3;
	v8 =	vunpack.i.l.s16.s32 v3;
	v2 =	vshll.u32 v2, $0x10  }
0x46e: {  	v5 =	vld [tilespmem:s18+$0x0];
	v6 =	vshll.u32 v6, $0x10;
	v8 =	vshll.u32 v8, $0x10;
	v7 =	vshll.u32 v7, $0x10  }
0x46f: {  	v2 =	vshra.s32 v2, $0x3;
	v3 =	vshra.s32 v6, $0x3;
	v6 =	vunpack.i.u.s16.s32 v4  }
0x470: {  	v4 =	vunpack.i.l.s16.s32 v4;
	v8 =	vshra.s32 v8, $0x3;
	v7 =	vshra.s32 v7, $0x3  }
0x471: {  	v2 =	vand.u32 $0x8FFFE000, v2;
	v9 =	vand.u32 $0x8FFFE000, v3;
	v4 =	vshll.u32 v4, $0x10  }
0x472: {  	v6 =	vshll.u32 v6, $0x10;
	v63 =	vand.u32 $0x8FFFE000, v8;
	v13 =	vand.u32 $0x8FFFE000, v7  }
0x473: {  	v3 =	vmul.f32 $5.192296860e+33, v2;
	v2 =	vmul.f32 $5.192296860e+33, v9;
	v9 =	vunpack.i.u.s16.s32 v5  }
0x474: {  	v5 =	vunpack.i.l.s16.s32 v5;
	v4 =	vshra.s32 v4, $0x3;
	v6 =	vshra.s32 v6, $0x3  }
0x475: {  	v7 =	vmul.f32 $5.192296860e+33, v63;
	v5 =	vshll.u32 v5, $0x10;
	v9 =	vshll.u32 v9, $0x10  }
0x476: {  	v4 =	vand.u32 $0x8FFFE000, v4;
	v6 =	vand.u32 $0x8FFFE000, v6;
	v10 =	vperm.xlane v3, v1  }
0x477: {  	v11 =	vperm.xlane v2, v1;
	v5 =	vshra.s32 v5, $0x3;
	v9 =	vshra.s32 v9, $0x3  }
0x478: {  	v14 =	vmul.f32 $5.192296860e+33, v4;
	v8 =	vmul.f32 $5.192296860e+33, v6;
	v4 =	vand.u32 $0x8FFFE000, v5  }
0x479: {  	v6 =	vmul.f32 $5.192296860e+33, v13;
	v5 =	vand.u32 $0x8FFFE000, v9;
	v4 =	vmul.f32 $5.192296860e+33, v4  }
0x47a: {  	s15 =	simm.s32 $0x13440;
	v10 =	vsel vm0, v10, v11;
	v9 =	vperm.xlane v14, v0;
	v5 =	vmul.f32 $5.192296860e+33, v5  }
0x47b: {  	s16 =	simm.s32 $0x13440;
	s17 =	simm.s32 $0x0;
	s18 =	simm.s32 $0x7460;
	v11 =	vperm.xlane v8, v0;
	[tilespmem:s15+$0x30] =	vst v10;
	v10 =	vperm.xlane v14, v1  }
.LBB2_24:
0x47c: {  	v12 =	vld [tilespmem:s18+$0x10];
	s17 =	sadd.s32 $0x4, s17;
	v8 =	vperm.xlane v8, v1;
	v13 =	vperm.xlane v7, v0  }
0x47d: {  	v7 =	vperm.xlane v7, v1;
	v14 =	vld [tilespmem:s18+$0xFFFFFFF0];
	p0 =	slt.u32 s17, $0x3FC;
	v9 =	vsel vm0, v9, v11;
	v11 =	vperm.xlane v6, v0  }
0x47e: {  	v6 =	vperm.xlane v6, v1;
	v15 =	vld [tilespmem:s18+$0x0];
	[tilespmem:s15+$0xFFFFFFC0] =	vst v9;
	v8 =	vsel vm0, v10, v8;
	v9 =	vperm.xlane v4, v0  }
0x47f: {  	v10 =	vld [tilespmem:s18+$0xFFFFFFE0];
	[tilespmem:s15+$0xFFFFFFD0] =	vst v8;
	v8 =	vsel vm0, v13, v11;
	v11 =	vperm.xlane v5, v0;
	v13 =	vperm.xlane v4, v1  }
0x480: {  	v16 =	vperm.xlane v3, v0;
	v4 =	vsel vm0, v7, v6;
	v5 =	vperm.xlane v5, v1;
	[tilespmem:s15+$0xFFFFFFE0] =	vst v8  }
0x481: {  	v3 =	vunpack.i.u.s16.s32 v12;
	v6 =	vunpack.i.l.s16.s32 v12;
	[tilespmem:s15+$0xFFFFFFF0] =	vst v4;
	v12 =	vperm.xlane v2, v0  }
0x482: {  	v4 =	vunpack.i.u.s16.s32 v14;
	v2 =	vshll.u32 v6, $0x10;
	v3 =	vshll.u32 v3, $0x10  }
0x483: {  	v6 =	vunpack.i.l.s16.s32 v14;
	v2 =	vshra.s32 v2, $0x3;
	v3 =	vshra.s32 v3, $0x3  }
0x484: {  	v7 =	vunpack.i.u.s16.s32 v10;
	v2 =	vand.u32 $0x8FFFE000, v2;
	v8 =	vand.u32 $0x8FFFE000, v3  }
0x485: {  	v10 =	vunpack.i.l.s16.s32 v10;
	v3 =	vmul.f32 $5.192296860e+33, v2;
	v2 =	vmul.f32 $5.192296860e+33, v8  }
0x486: {  	v14 =	vunpack.i.l.s16.s32 v15;
	v8 =	vshll.u32 v10, $0x10;
	v10 =	vunpack.i.u.s16.s32 v15  }
0x487: {  	v7 =	vshll.u32 v7, $0x10;
	v15 =	vperm.xlane v3, v1;
	v17 =	vperm.xlane v2, v1  }
0x488: {  	v6 =	vshll.u32 v6, $0x10;
	v4 =	vshll.u32 v4, $0x10;
	v14 =	vshll.u32 v14, $0x10  }
0x489: {  	s15 =	sadd.s32 $0x80, s15;
	v8 =	vshra.s32 v8, $0x3;
	v10 =	vshll.u32 v10, $0x10;
	v15 =	vsel vm0, v15, v17  }
0x48a: {  	v6 =	vshra.s32 v6, $0x3;
	v4 =	vshra.s32 v4, $0x3;
	v7 =	vshra.s32 v7, $0x3;
	[tilespmem:s15+$0x30] =	vst v15  }
0x48b: {  	v14 =	vshra.s32 v14, $0x3;
	v8 =	vand.u32 $0x8FFFE000, v8;
	v10 =	vshra.s32 v10, $0x3  }
0x48c: {  	v6 =	vand.u32 $0x8FFFE000, v6;
	v4 =	vand.u32 $0x8FFFE000, v4;
	v7 =	vand.u32 $0x8FFFE000, v7  }
.Ltmp11:
0x48d: {  	v14 =	vand.u32 $0x8FFFE000, v14;
	v10 =	vand.u32 $0x8FFFE000, v10;
	v15 =	vmul.f32 $5.192296860e+33, v8;
	(pc) =	sbr.rel @p0 .LBB2_24-.Ltmp11, $4  }
0x48e: {  	v9 =	vsel vm0, v9, v11;
	v8 =	vmul.f32 $5.192296860e+33, v7;
	v7 =	vmul.f32 $5.192296860e+33, v6  }
0x48f: {  	v11 =	vsel vm0, v13, v5;
	v6 =	vmul.f32 $5.192296860e+33, v4;
	v4 =	vmul.f32 $5.192296860e+33, v14;
	[tilespmem:s16+$0x0] =	vst v9  }
0x490: {  	v12 =	vsel vm0, v16, v12;
	v5 =	vmul.f32 $5.192296860e+33, v10;
	v9 =	vperm.xlane v15, v0;
	[tilespmem:s16+$0x10] =	vst v11  }
0x491: {  	s18 =	sadd.s32 $0x40, s18;
	v10 =	vperm.xlane v15, v1;
	v11 =	vperm.xlane v8, v0;
	[tilespmem:s16+$0x20] =	vst v12;
	s16 =	smov.u32 s15  }
0x492: {  	v8 =	vperm.xlane v8, v1  }
0x493: {  	v3 =	vperm.xlane v3, v0;
	v2 =	vperm.xlane v2, v0;
	v9 =	vsel vm0, v9, v11  }
0x494: {  	v12 =	vperm.xlane v7, v0;
	v11 =	vperm.xlane v6, v0;
	[tilespmem:s15+$0xFFFFFFC0] =	vst v9;
	v8 =	vsel vm0, v10, v8  }
0x495: {  	v7 =	vperm.xlane v7, v1;
	v6 =	vperm.xlane v6, v1;
	v2 =	vsel vm0, v3, v2;
	[tilespmem:s15+$0xFFFFFFD0] =	vst v8  }
0x496: {  	v9 =	vperm.xlane v4, v0;
	v10 =	vperm.xlane v5, v0;
	v8 =	vsel vm0, v12, v11;
	[tilespmem:s16+$0x20] =	vst v2  }
0x497: {  	v4 =	vperm.xlane v4, v1;
	v5 =	vperm.xlane v5, v1;
	v6 =	vsel vm0, v7, v6;
	[tilespmem:s15+$0xFFFFFFE0] =	vst v8  }
0x498: {  	[tilespmem:s15+$0xFFFFFFF0] =	vst v6;
	v6 =	vsel vm0, v9, v10  }
0x499: {  	v4 =	vsel vm0, v4, v5;
	[tilespmem:s16+$0x0] =	vst v6  }
0x49a: {  	[tilespmem:s16+$0x10] =	vst v4  }
0x49b: {  	s15 =	rddreg [dreg:$0xf]  }
0x49c: {  	[hbm4b:s15+s2] =	stream.linear.scatter [tilespmem:s11], [sflag:$0x4], $0x8000, $0x38;
	[tilespmem:$0x1B400] =	vst v63  }
0x49d: {  	_ =	swait.ge [sflag:s8], $0x800  }
0x49e: {  	[sflag:s8] =	ssyncset.done $0x0  }
0x49f: {  	[sflag:s8] =	ssyncadd.s32 $0xFFFFF800  }
0x4a0: {  	_ =	swait.ge [sflag:s8], $0x800  }
0x4a1: {  	[sflag:s8] =	ssyncset.done $0x0  }
0x4a2: {  	[sflag:s8] =	ssyncadd.s32 $0xFFFFF800  }
0x4a3: {  	_ =	swait.ge [sflag:s8], $0x800  }
0x4a4: {  	[sflag:s8] =	ssyncset.done $0x0  }
0x4a5: {  	[sflag:s8] =	ssyncadd.s32 $0xFFFFF800  }
0x4a6: {  	_ =	swait.ge [sflag:s8], $0x800  }
0x4a7: {  	[sflag:s8] =	ssyncset.done $0x0  }
0x4a8: {  	[sflag:s8] =	ssyncadd.s32 $0xFFFFF800  }
0x4a9: {  	_ =	swait.ge [sflag:s8], $0x800  }
0x4aa: {  	[sflag:s8] =	ssyncset.done $0x0  }
0x4ab: {  	[sflag:s8] =	ssyncadd.s32 $0xFFFFF800  }
0x4ac: {  	_ =	swait.ge [sflag:s8], $0x800  }
0x4ad: {  	[sflag:s8] =	ssyncset.done $0x0  }
0x4ae: {  	[sflag:s8] =	ssyncadd.s32 $0xFFFFF800  }
0x4af: {  	_ =	swait.ge [sflag:s8], $0x800  }
0x4b0: {  	[sflag:s8] =	ssyncset.done $0x0  }
0x4b1: {  	[sflag:s8] =	ssyncadd.s32 $0xFFFFF800  }
0x4b2: {  	_ =	swait.ge [sflag:s8], $0x800  }
0x4b3: {  	[sflag:s8] =	ssyncset.done $0x0  }
0x4b4: {  	[sflag:s8] =	ssyncadd.s32 $0xFFFFF800  }
0x4b5: {  	_ =	swait.ge [sflag:s12], $0x8000  }
0x4b6: {  	[sflag:s12] =	ssyncset.done $0x0  }
0x4b7: {  	s18 =	simm.s32 $0x3420;
	[sflag:s12] =	ssyncadd.s32 $0xFFFF8000  }
0x4b8: {  	v2 =	vld [tilespmem:s18+$0x10]  }
0x4b9: {  	v3 =	vld [tilespmem:s18+$0xFFFFFFF0];
	_ =	sdelay $0x1  }
0x4ba: {  	v4 =	vld [tilespmem:s18+$0xFFFFFFE0];
	_ =	sdelay $0x1  }
0x4bb: {  	v6 =	vunpack.i.u.s16.s32 v2;
	v2 =	vunpack.i.l.s16.s32 v2  }
0x4bc: {  	v7 =	vunpack.i.u.s16.s32 v3;
	v8 =	vunpack.i.l.s16.s32 v3;
	v2 =	vshll.u32 v2, $0x10  }
0x4bd: {  	v5 =	vld [tilespmem:s18+$0x0];
	v6 =	vshll.u32 v6, $0x10;
	v8 =	vshll.u32 v8, $0x10;
	v7 =	vshll.u32 v7, $0x10  }
0x4be: {  	v2 =	vshra.s32 v2, $0x3;
	v3 =	vshra.s32 v6, $0x3;
	v6 =	vunpack.i.u.s16.s32 v4  }
0x4bf: {  	v4 =	vunpack.i.l.s16.s32 v4;
	v8 =	vshra.s32 v8, $0x3;
	v7 =	vshra.s32 v7, $0x3  }
0x4c0: {  	v2 =	vand.u32 $0x8FFFE000, v2;
	v9 =	vand.u32 $0x8FFFE000, v3;
	v4 =	vshll.u32 v4, $0x10  }
0x4c1: {  	v6 =	vshll.u32 v6, $0x10;
	v63 =	vand.u32 $0x8FFFE000, v8;
	v13 =	vand.u32 $0x8FFFE000, v7  }
0x4c2: {  	v3 =	vmul.f32 $5.192296860e+33, v2;
	v2 =	vmul.f32 $5.192296860e+33, v9;
	v9 =	vunpack.i.u.s16.s32 v5  }
0x4c3: {  	v5 =	vunpack.i.l.s16.s32 v5;
	v4 =	vshra.s32 v4, $0x3;
	v6 =	vshra.s32 v6, $0x3  }
0x4c4: {  	v7 =	vmul.f32 $5.192296860e+33, v63;
	v5 =	vshll.u32 v5, $0x10;
	v9 =	vshll.u32 v9, $0x10  }
0x4c5: {  	v4 =	vand.u32 $0x8FFFE000, v4;
	v6 =	vand.u32 $0x8FFFE000, v6;
	v10 =	vperm.xlane v3, v1  }
0x4c6: {  	v11 =	vperm.xlane v2, v1;
	v5 =	vshra.s32 v5, $0x3;
	v9 =	vshra.s32 v9, $0x3  }
0x4c7: {  	v14 =	vmul.f32 $5.192296860e+33, v4;
	v8 =	vmul.f32 $5.192296860e+33, v6;
	v4 =	vand.u32 $0x8FFFE000, v5  }
0x4c8: {  	v6 =	vmul.f32 $5.192296860e+33, v13;
	v5 =	vand.u32 $0x8FFFE000, v9;
	v4 =	vmul.f32 $5.192296860e+33, v4  }
0x4c9: {  	s15 =	simm.s32 $0xB440;
	v10 =	vsel vm0, v10, v11;
	v9 =	vperm.xlane v14, v0;
	v5 =	vmul.f32 $5.192296860e+33, v5  }
0x4ca: {  	s17 =	simm.s32 $0x0;
	s16 =	simm.s32 $0xB440;
	s18 =	simm.s32 $0x3460;
	v11 =	vperm.xlane v8, v0;
	[tilespmem:s15+$0x30] =	vst v10;
	v10 =	vperm.xlane v14, v1  }
.LBB2_26:
0x4cb: {  	v12 =	vld [tilespmem:s18+$0x10];
	s17 =	sadd.s32 $0x4, s17;
	v8 =	vperm.xlane v8, v1;
	v13 =	vperm.xlane v7, v0  }
0x4cc: {  	v7 =	vperm.xlane v7, v1;
	v14 =	vld [tilespmem:s18+$0xFFFFFFF0];
	p0 =	slt.u32 s17, $0x3FC;
	v9 =	vsel vm0, v9, v11;
	v11 =	vperm.xlane v6, v0  }
0x4cd: {  	v6 =	vperm.xlane v6, v1;
	v15 =	vld [tilespmem:s18+$0x0];
	[tilespmem:s15+$0xFFFFFFC0] =	vst v9;
	v8 =	vsel vm0, v10, v8;
	v9 =	vperm.xlane v4, v0  }
0x4ce: {  	v10 =	vld [tilespmem:s18+$0xFFFFFFE0];
	[tilespmem:s15+$0xFFFFFFD0] =	vst v8;
	v8 =	vsel vm0, v13, v11;
	v11 =	vperm.xlane v5, v0;
	v13 =	vperm.xlane v4, v1  }
0x4cf: {  	v16 =	vperm.xlane v3, v0;
	v4 =	vsel vm0, v7, v6;
	v5 =	vperm.xlane v5, v1;
	[tilespmem:s15+$0xFFFFFFE0] =	vst v8  }
0x4d0: {  	v3 =	vunpack.i.u.s16.s32 v12;
	v6 =	vunpack.i.l.s16.s32 v12;
	[tilespmem:s15+$0xFFFFFFF0] =	vst v4;
	v12 =	vperm.xlane v2, v0  }
0x4d1: {  	v4 =	vunpack.i.u.s16.s32 v14;
	v2 =	vshll.u32 v6, $0x10;
	v3 =	vshll.u32 v3, $0x10  }
0x4d2: {  	v6 =	vunpack.i.l.s16.s32 v14;
	v2 =	vshra.s32 v2, $0x3;
	v3 =	vshra.s32 v3, $0x3  }
0x4d3: {  	v7 =	vunpack.i.u.s16.s32 v10;
	v2 =	vand.u32 $0x8FFFE000, v2;
	v8 =	vand.u32 $0x8FFFE000, v3  }
0x4d4: {  	v10 =	vunpack.i.l.s16.s32 v10;
	v3 =	vmul.f32 $5.192296860e+33, v2;
	v2 =	vmul.f32 $5.192296860e+33, v8  }
0x4d5: {  	v14 =	vunpack.i.l.s16.s32 v15;
	v8 =	vshll.u32 v10, $0x10;
	v10 =	vunpack.i.u.s16.s32 v15  }
0x4d6: {  	v7 =	vshll.u32 v7, $0x10;
	v15 =	vperm.xlane v3, v1;
	v17 =	vperm.xlane v2, v1  }
0x4d7: {  	v6 =	vshll.u32 v6, $0x10;
	v4 =	vshll.u32 v4, $0x10;
	v14 =	vshll.u32 v14, $0x10  }
0x4d8: {  	s15 =	sadd.s32 $0x80, s15;
	v8 =	vshra.s32 v8, $0x3;
	v10 =	vshll.u32 v10, $0x10;
	v15 =	vsel vm0, v15, v17  }
0x4d9: {  	v6 =	vshra.s32 v6, $0x3;
	v4 =	vshra.s32 v4, $0x3;
	v7 =	vshra.s32 v7, $0x3;
	[tilespmem:s15+$0x30] =	vst v15  }
0x4da: {  	v14 =	vshra.s32 v14, $0x3;
	v8 =	vand.u32 $0x8FFFE000, v8;
	v10 =	vshra.s32 v10, $0x3  }
0x4db: {  	v6 =	vand.u32 $0x8FFFE000, v6;
	v4 =	vand.u32 $0x8FFFE000, v4;
	v7 =	vand.u32 $0x8FFFE000, v7  }
.Ltmp12:
0x4dc: {  	v14 =	vand.u32 $0x8FFFE000, v14;
	v10 =	vand.u32 $0x8FFFE000, v10;
	v15 =	vmul.f32 $5.192296860e+33, v8;
	(pc) =	sbr.rel @p0 .LBB2_26-.Ltmp12, $4  }
0x4dd: {  	v9 =	vsel vm0, v9, v11;
	v8 =	vmul.f32 $5.192296860e+33, v7;
	v7 =	vmul.f32 $5.192296860e+33, v6  }
0x4de: {  	v11 =	vsel vm0, v13, v5;
	v6 =	vmul.f32 $5.192296860e+33, v4;
	v4 =	vmul.f32 $5.192296860e+33, v14;
	[tilespmem:s16+$0x0] =	vst v9  }
0x4df: {  	v12 =	vsel vm0, v16, v12;
	v5 =	vmul.f32 $5.192296860e+33, v10;
	v9 =	vperm.xlane v15, v0;
	[tilespmem:s16+$0x10] =	vst v11  }
0x4e0: {  	s18 =	sadd.s32 $0x40, s18;
	v10 =	vperm.xlane v15, v1;
	v11 =	vperm.xlane v8, v0;
	[tilespmem:s16+$0x20] =	vst v12;
	s16 =	smov.u32 s15  }
0x4e1: {  	v8 =	vperm.xlane v8, v1  }
0x4e2: {  	v12 =	vperm.xlane v7, v0;
	v55 =	vperm.xlane v6, v0;
	v9 =	vsel vm0, v9, v11  }
0x4e3: {  	v56 =	vperm.xlane v7, v1;
	v57 =	vperm.xlane v6, v1;
	[tilespmem:s15+$0xFFFFFFC0] =	vst v9;
	v8 =	vsel vm0, v10, v8  }
0x4e4: {  	v58 =	vperm.xlane v4, v0;
	v60 =	vperm.xlane v5, v0;
	v59 =	vsel vm0, v12, v55;
	[tilespmem:s15+$0xFFFFFFD0] =	vst v8  }
0x4e5: {  	v61 =	vperm.xlane v4, v1;
	v62 =	vperm.xlane v5, v1;
	v6 =	vsel vm0, v56, v57;
	[tilespmem:s15+$0xFFFFFFE0] =	vst v59  }
0x4e6: {  	v3 =	vperm.xlane v3, v0;
	v2 =	vperm.xlane v2, v0;
	v63 =	vsel vm0, v58, v60;
	[tilespmem:s15+$0xFFFFFFF0] =	vst v6  }
0x4e7: {  	v4 =	vsel vm0, v61, v62;
	[tilespmem:s16+$0x0] =	vst v63  }
0x4e8: {  	v2 =	vsel vm0, v3, v2;
	[tilespmem:s16+$0x10] =	vst v4  }
0x4e9: {  	[tilespmem:s16+$0x20] =	vst v2  }
0x4ea: {  	s15 =	rddreg [dreg:$0x10]  }
0x4eb: {  	[hbm4b:s15+s2] =	stream.linear.scatter [tilespmem:s9], [sflag:$0x3], $0x8000, $0x38;
	[tilespmem:$0x1B400] =	vst v63  }
0x4ec: {  	_ =	swait.ge [sflag:s12], $0x8000  }
0x4ed: {  	[sflag:s12] =	ssyncset.done $0x0  }
0x4ee: {  	[sflag:s12] =	ssyncadd.s32 $0xFFFF8000  }
0x4ef: {  	_ =	swait.ge [sflag:s13], $0x8000  }
0x4f0: {  	s14 =	sadd.s32 $0x1, s14;
	s18 =	rddreg [dreg:$0x11]  }
0x4f1: {  	p0 =	sne.s32 s14, s18  }
.Ltmp13:
0x4f2: {  	_ = 	snop;
	(pc) =	sbr.rel @p0 .LBB2_1-.Ltmp13, $3  }
0x4f3: {  	_ =	sdelay $0x1  }
0x4f4: {  	[sflag:s13] =	ssyncset.done $0x0  }
0x4f5: {  	[sflag:s13] =	ssyncadd.s32 $0xFFFF8000  }
0x4f6: {  	_ =	sfence.sel $0x180000  }
0x4f7: {  	[bflag:$0x0] =	sbarrier.arrive $0xFFFF  }
0x4f8: {  	_ =	strace $0x9000004A  }
0x4f9: {  	s0 =	stileid.u32;
	[bflag:$0x2] =	sbarrier.arrive $0xFFFF  }
0x4fa: {  	p0 =	sne.s32 s0, $0x0;
	s0 =	rddreg [dreg:$0x2]  }
0x4fb: {  	s0 =	sadd.s32 @!p0 $0x100000, s0  }
0x4fc: {  	[sflag:s0] =	ssyncadd.tile.s32 @!p0 $0x1;
	_ =	shalt  }
.Lfunc_end2:
_tile_overlayer_lowered:
.L_overlay_start_2:
0x4fd: {  	(tag) =	ssettag $0x2  }
0x4fe: {  	s0 =	rddreg [dreg:$0x0];
	s2 =	stileid.u32  }
0x4ff: {  	s1 =	rddreg [dreg:$0x1];
	p0 =	sne.s32 s2, $0x0  }
0x500: {  	s3 =	rddreg [dreg:$0x2];
	[bflag:$0x3] =	sbarrier.arrive $0xFFFF;
	s2 =	simm.s32 @!p0 $0x1C05  }
0x501: {  	[timem:s3], [sflag:s2] =	dma.local @!p0 [hbm:s0], s1  }
0x502: {  	s0 =	simm.s32 @!p0 $0x5  }
0x503: {  	_ =	swait.ge @!p0 [sflag:s0], s1  }
0x504: {  	s1 =	ssub.s32 @!p0 $0x0, s1;
	[sflag:s0] =	ssyncset.done @!p0 $0x0  }
0x505: {  	[sflag:s0] =	ssyncadd.s32 @!p0 s1  }
0x506: {  	[bflag:$0x3] =	sbarrier.arrive $0xFFFF  }
0x507: {  	_ =	shalt  }

// kernel: sparse-core-data-format-call.1.cloned.1.call-start
scs
called_computation.1_lowered:
.L_overlay_start_0:
0x0: {  	s1 =	sld [smem:$0x3FD9]  }
0x1: {  	s2 =	sld [smem:$0x3FFE];
	_ =	sdelay $0x1  }
0x2: {  	s3 =	srdreg.scid  }
0x3: {  	s0 =	sand.u32 $0x1, s3  }
0x4: {  	s17 =	sshll.u32 s0, $0xA;
	s1 =	sadd.s32 s2, s1  }
0x5: {  	s1 =	sadd.s32 s1, s17  }
0x6: {  	[smem:$0x3FC6] =	sst s1  }
0x7: {  	_ = 	snop  }
0x8: {  	(tm) =	ssettm $0x1  }
0x9: {  	s18 =	sld [smem:$0x3FFB];
	_ =	sdelay $0x3  }
0xa: {  	_ =	strace s18  }
0xb: {  	s1 =	sld [smem:$0x3FFC];
	_ =	sdelay $0x3  }
0xc: {  	_ =	strace s1  }
0xd: {  	s1 =	sld [smem:$0x3FFD];
	_ =	sdelay $0x3  }
0xe: {  	_ =	strace s1  }
0xf: {  	_ =	strace $0x8FFFFFFF  }
0x10: {  	s19 =	sld [smem:$0x3FDB];
	_ =	sdelay $0x1  }
0x11: {  	s20 =	simm.s32 $_scs_section_size  }
0x12: {  	s4 =	simm.s32 $_size__tile_overlayer_lowered;
	s5 =	simm.s32 $_tile_overlayer_lowered  }
0x13: {  	s23 =	simm.s32 $0x1BFF;
	s22 =	sshll.u32 s5, $0x1;
	s1 =	sadd.s32 s20, s19  }
0x14: {  	s6 =	simm.s32 $0x0;
	s21 =	sshll.u32 s4, $0x1;
	s4 =	sadd.s32 s22, s1  }
0x15: {  	[timem:s6], [sflag:s23] =	dma.local [hbm:s4], s21  }
0x16: {  	_ =	swait.ge [sflag:s23], s21  }
0x17: {  	s2 =	ssub.s32 $0x0, s21;
	[sflag:s23] =	ssyncset.done $0x0  }
0x18: {  	[sflag:s23] =	ssyncadd.s32 s2;
	_ =	sdelay $0x1  }
0x19: {  	s24 =	simm.s32 $0x1B8B  }
0x1a: {  	_ =	swait.ge [sflag:s24], $0x1  }
0x1b: {  	[sflag:s24] =	ssyncset.done $0x0  }
0x1c: {  	s26 =	simm.s32 $0x1B8E;
	s25 =	sld [smem:$0x3FFE];
	[sflag:s24] =	ssyncadd.s32 $0xFFFFFFFF  }
0x1d: {  	s27 =	simm.s32 $execute0_lowered;
	[smem:$0x3FD2] =	sst s26  }
0x1e: {  	s4 =	sshll.u32 s27, $0x1;
	_ =	strace $0x80000046;
	[dreg:$0x1] =	wrdreg $0xFFFFFFFF  }
0x1f: {  	s28 =	simm.s32 $_size_execute0_lowered;
	s1 =	sadd.s32 s1, s4;
	[dreg:$0x0] =	wrdreg $0x0  }
0x20: {  	s4 =	sshll.u32 s28, $0x1;
	[dreg:$0x2] =	wrdreg s1  }
0x21: {  	[dreg:$0x3] =	wrdreg s4  }
0x22: {  	[dreg:$0x4] =	wrdreg $0xC0  }
0x23: {  	_ =	task [dreg:s6], $0x5FFFF  }
0x24: {  	[dreg:$0x1] =	wrdreg $0xFFFFFFFF  }
0x25: {  	[dreg:$0x0] =	wrdreg $0x60  }
0x26: {  	[dreg:$0x2] =	wrdreg s25  }
0x27: {  	[dreg:$0x3] =	wrdreg $0x9  }
0x28: {  	_ =	task.clear_ibuf [dreg:s6], $0x4FFFF;
	_ =	strace $0x90000046  }
0x29: {  	s29 =	simm.s32 $0x9;
	_ =	strace $0x80000048  }
0x2a: {  	_ =	swait.ge [sflag:s29], $0x1  }
0x2b: {  	[sflag:s29] =	ssyncadd.s32 $0xFFFFFFFF  }
0x2c: {  	_ =	strace $0x90000048  }
0x2d: {  	_ =	sfence  }
0x2e: {  	s30 =	sld [smem:$0x0];
	_ =	sdelay $0x2  }
0x2f: {  	s31 =	sshll.u32 s3, $0xD;
	s3 =	sshrl.u32 s3, $0x2  }
0x30: {  	s2 =	sand.u32 $0x4000, s31;
	s1 =	sadd.s32 s3, s30  }
0x31: {  	s0 =	sor.u32 s2, s0;
	s1 =	sshll.u32 s1, $0x11  }
0x32: {  	s0 =	sor.u32 s1, s0  }
0x33: {  	s0 =	sadd.s32 $0x8F2B, s0  }
0x34: {  	[sflag:s0] =	ssyncadd.remote.s32 $0x1  }
0x35: {  	_ =	sfence.sel $0xFFFF  }
0x36: {  	[dreg:$0x0] =	wrdreg $0xFFFFFFFF;
	(pc) =	sbr.abs _section_cstart, $3  }
0x37: {  	[dreg:$0x1] =	wrdreg $0xFFFFFFFF  }
0x38: {  	_ =	task.clear_ibuf [dreg:s6], $0x2FFFF;
	_ =	strace $0x9FFFFFFF  }
0x39: {  	(tm) =	ssettm $0x7FFFFFFF  }
tec
execute0_lowered:
.L_overlay_start_1:
0x0: {  	(tag) =	ssettag $0x1  }
0x1: {  	s0 =	srdreg.scid  }
0x2: {  	s5 =	rddreg [dreg:$0x0];
	s1 =	stileid.u32;
	s4 =	simm.s32 $0x1  }
0x3: {  	s6 =	simm.s32 $0x2;
	s8 =	simm.s32 $0x0;
	s2 =	sshll.u32 s0, $0x4  }
0x4: {  	s9 =	simm.s32 $0x0;
	s13 =	simm.s32 $0x0;
	s2 =	sand.u32 $0x10, s2  }
.Ltmp0:
0x5: {  	s10 =	simm.s32 $0x0;
	s3 =	sor.u32 s1, s2;
	(pc) =	sbr.rel .LBB1_1-.Ltmp0, $4  }
0x6: {  	s0 =	rddreg [dreg:$0x1];
	_ =	strace $0x80000047;
	s3 =	sshll.u32 s3, $0x4  }
0x7: {  	s12 =	simm.s32 $0x0;
	[sflag:s4] =	ssyncpa.u1 $0x0;
	s7 =	ssub.s32 $0x3D00, s3  }
0x8: {  	s2 =	sadd.s32 $0xE00, s5;
	[sflag:s6] =	ssyncpa.u1 $0x0;
	s6 =	sshrl.u32 s7, $0x9  }
0x9: {  	s5 =	sadd.s32 $0x1E9400, s5;
	s11 =	smov.u32 s3;
	s7 =	sadd.s32 $0x2, s6  }
.LBB1_7:
0xa: {  	s15 =	sshll.u32 s12, $0xF  }
0xb: {  	s15 =	sand.u32 $0x8000, s15  }
0xc: {  	s16 =	sshll.u32 s10, $0x7;
	s15 =	sshrl.u32 s15, $0x1  }
0xd: {  	s16 =	sadd.s32 s5, s16;
	s15 =	sor.u32 $0x8000, s15  }
0xe: {  	[hbm4b:s16+s8] =	stream.linear.scatter [tilespmem:s15], [sflag:$0x2], s14, $0x38;
	[tilespmem:$0x10000] =	vst v63  }
.LBB1_8:
0xf: {  	p0 =	slt.u32 s12, $0x2  }
0x10: {  	p1 =	sgt.s32 @!p0 s13, $0x3CF9  }
0x11: {  	s14 =	smov.u32 s13;
	s15 =	sshra.s32 @!p0 s13, $0x1F;
	p1 =	por !p1, p0  }
0x12: {  	s13 =	sand.u32 @!p0 s15, s13;
	s14 =	simm.s32 @p1 $0x3CF9  }
0x13: {  	s13 =	ssub.s32 @!p0 s14, s13  }
0x14: {  	s13 =	sadd.s32 @!p0 $0xFFFFC307, s13  }
0x15: {  	s14 =	sshll.u32 @!p0 s13, $0xC  }
0x16: {  	p1 =	sgt.s32 @!p0 s13, $0xF;
	s13 =	ssub.s32 @!p0 $0x10000, s14  }
0x17: {  	s15 =	sadd.s32 $0x200, s11;
	p1 =	por !p1, p0;
	s13 =	sshrl.u32 @!p0 s13, $0x2  }
0x18: {  	s13 =	simm.s32 @!p1 $0x0;
	p1 =	sgt.s32 s15, $0x3D08  }
0x19: {  	s15 =	smov.u32 @p1 s3;
	p1 =	sne.s32 s12, s7  }
.Ltmp1:
0x1a: {  	_ = 	snop;
	(pc) =	sbr.rel @!p1 .LBB1_9-.Ltmp1, $4  }
0x1b: {  	s14 =	simm.s32 @!p0 $0x2  }
0x1c: {  	s9 =	sadd.s32 $0x8000, s9;
	_ =	swait.ge @!p0 [sflag:s14], s13;
	s16 =	ssub.s32 @!p0 $0x0, s13  }
0x1d: {  	s13 =	smov.u32 s10;
	s12 =	sadd.s32 $0x1, s12;
	[sflag:s14] =	ssyncset.done @!p0 $0x0  }
0x1e: {  	s10 =	smov.u32 s11;
	s11 =	smov.u32 s15;
	[sflag:s14] =	ssyncadd.s32 @!p0 s16  }
.LBB1_1:
0x1f: {  	p0 =	sgt.u32 s12, s6  }
0x20: {  	p1 =	sgt.s32 @!p0 s11, $0x3CF9  }
0x21: {  	s14 =	smov.u32 s11;
	s15 =	sshra.s32 @!p0 s11, $0x1F;
	p1 =	por !p1, p0  }
0x22: {  	s15 =	sand.u32 @!p0 s15, s11;
	s14 =	simm.s32 @p1 $0x3CF9  }
0x23: {  	s14 =	ssub.s32 @!p0 s14, s15  }
0x24: {  	s14 =	sadd.s32 @!p0 $0xFFFFC307, s14  }
0x25: {  	s16 =	sshll.u32 @!p0 s11, $0x7;
	s17 =	simm.s32 @!p0 $0x0;
	s15 =	sshll.u32 @!p0 s14, $0xC  }
0x26: {  	p1 =	sgt.s32 @!p0 s14, $0xF;
	s14 =	ssub.s32 @!p0 $0x10000, s15;
	s15 =	sxor.u32 @!p0 $0xFFFFFFFF, s12  }
0x27: {  	p1 =	por !p1, p0;
	s14 =	sshrl.u32 @!p0 s14, $0x2;
	s15 =	sshll.u32 @!p0 s15, $0xE  }
0x28: {  	s16 =	sadd.s32 @!p0 s2, s16;
	s14 =	simm.s32 @!p1 $0x0;
	s15 =	sand.u32 @!p0 $0x4000, s15  }
0x29: {  	[tilespmem:s15], [sflag:$0x1] =	stream.linear.gather @!p0 [hbm4b:s16+s17], s14, $0x38;
	[tilespmem:$0x10000] =	vst v63  }
0x2a: {  	p0 =	seq.s32 s12, $0x0  }
0x2b: {  	p1 =	sge.u32 @!p0 s12, s7  }
0x2c: {  	p0 =	por p0, p1  }
.Ltmp2:
0x2d: {  	_ = 	snop;
	(pc) =	sbr.rel @p0 .LBB1_8-.Ltmp2, $1  }
0x2e: {  	_ =	sdelay $0x3  }
0x2f: {  	p0 =	sgt.s32 s10, $0x3CF9;
	s14 =	smov.u32 s10;
	s15 =	sshra.s32 s10, $0x1F  }
0x30: {  	s14 =	simm.s32 @!p0 $0x3CF9;
	s15 =	sand.u32 s15, s10  }
0x31: {  	s14 =	ssub.s32 s14, s15  }
0x32: {  	s16 =	sadd.s32 $0x10, s10;
	s14 =	sadd.s32 $0xFFFFC307, s14  }
0x33: {  	p1 =	slt.s32 s16, $0x3D09;
	s30 =	sshll.u32 s14, $0xC  }
0x34: {  	s16 =	simm.s32 @!p1 $0x3D09;
	s15 =	ssub.s32 $0x10000, s30  }
0x35: {  	p0 =	sgt.s32 s14, $0xF;
	s14 =	sshrl.u32 s15, $0x2;
	s15 =	ssub.s32 s16, s10  }
0x36: {  	s14 =	simm.s32 @p0 $0x0;
	p0 =	slt.s32 s15, $0x1  }
.Ltmp3:
0x37: {  	_ = 	snop;
	(pc) =	sbr.rel @p0 .LBB1_7-.Ltmp3, $4  }
0x38: {  	_ = 	snop  }
0x39: {  	_ =	swait.ge [sflag:s4], s14  }
0x3a: {  	s31 =	ssub.s32 $0x0, s14;
	[sflag:s4] =	ssyncset.done $0x0  }
0x3b: {  	[sflag:s4] =	ssyncadd.s32 s31  }
0x3c: {  	s16 =	sshrl.u32 s9, $0x1  }
0x3d: {  	s17 =	sand.u32 $0x4000, s16  }
0x3e: {  	s18 =	simm.s32 $0x0;
	s16 =	sor.u32 $0x200, s17;
	s17 =	sor.u32 $0x8080, s17  }
.LBB1_4:
0x3f: {  	v0 =	vld [tilespmem:s16+$0xFFFFFE70]  }
0x40: {  	v1 =	vld [tilespmem:s16+$0x70]  }
0x41: {  	v2 =	vld [tilespmem:s16+$0x0]  }
0x42: {  	v3 =	vld [tilespmem:s16+$0xFFFFFE10]  }
0x43: {  	v4 =	vld [tilespmem:s16+$0x10]  }
0x44: {  	v5 =	vld [tilespmem:s16+$0xFFFFFE20]  }
0x45: {  	v7 =	vld [tilespmem:s16+$0x20]  }
0x46: {  	v11 =	vld [tilespmem:s16+$0x30];
	v6 =	vunpack.i.l.s16.s32 v0;
	v8 =	vunpack.i.u.s16.s32 v0;
	v9 =	vunpack.i.u.s16.s32 v1  }
0x47: {  	v10 =	vunpack.i.l.s16.s32 v1;
	v0 =	vunpack.i.u.s16.s32 v2;
	v1 =	vunpack.i.l.s16.s32 v2;
	v2 =	vld [tilespmem:s16+$0xFFFFFE30]  }
0x48: {  	v8 =	vpack.i.b32.b16 v9, v8;
	v9 =	vunpack.i.u.s16.s32 v3;
	v3 =	vunpack.i.l.s16.s32 v3  }
0x49: {  	v12 =	vld [tilespmem:s16+$0xFFFFFE40];
	v6 =	vpack.i.b32.b16 v10, v6;
	[tilespmem:s17+$0x70] =	vst v8;
	v8 =	vunpack.i.u.s16.s32 v4;
	v4 =	vunpack.i.l.s16.s32 v4  }
0x4a: {  	v13 =	vld [tilespmem:s16+$0x40];
	v10 =	vunpack.i.u.s16.s32 v5;
	v5 =	vunpack.i.l.s16.s32 v5;
	[tilespmem:s17+$0xFFFFFFF0] =	vst v6;
	v3 =	vpack.i.b32.b16 v4, v3  }
0x4b: {  	v6 =	vunpack.i.l.s16.s32 v7;
	v4 =	vld [tilespmem:s16+$0xFFFFFE50];
	[tilespmem:s17+$0xFFFFFF90] =	vst v3;
	v3 =	vpack.i.b32.b16 v8, v9;
	v8 =	vunpack.i.u.s16.s32 v7  }
0x4c: {  	v7 =	vunpack.i.l.s16.s32 v11;
	[tilespmem:s17+$0x10] =	vst v3;
	v3 =	vpack.i.b32.b16 v6, v5;
	v9 =	vunpack.i.u.s16.s32 v2;
	v6 =	vld [tilespmem:s16+$0x50]  }
0x4d: {  	v5 =	vunpack.i.l.s16.s32 v2;
	v2 =	vld [tilespmem:s16+$0xFFFFFE60];
	[tilespmem:s17+$0xFFFFFFA0] =	vst v3;
	v3 =	vpack.i.b32.b16 v8, v10;
	v10 =	vunpack.i.u.s16.s32 v11  }
0x4e: {  	s21 =	simm.s32 $0x0;
	v11 =	vpack.i.b32.b16 v7, v5;
	v7 =	vunpack.i.u.s16.s32 v12;
	v8 =	vunpack.i.l.s16.s32 v12;
	[tilespmem:s17+$0x20] =	vst v3;
	v3 =	vld [tilespmem:s16+$0x60]  }
0x4f: {  	s22 =	sadd.s32 $0x80, s16;
	s20 =	smov.u32 s17;
	s19 =	smov.u32 s17;
	v5 =	vld [tilespmem:s16+$0xFFFFFE00];
	[tilespmem:s17+$0xFFFFFFB0] =	vst v11;
	v10 =	vpack.i.b32.b16 v10, v9;
	v9 =	vunpack.i.u.s16.s32 v13;
	v11 =	vunpack.i.l.s16.s32 v13  }
.LBB1_5:
0x50: {  	v12 =	vld [tilespmem:s22+$0xFFFFFE70];
	[tilespmem:s20+$0x30] =	vst v10;
	v8 =	vpack.i.b32.b16 v11, v8;
	v10 =	vunpack.i.u.s16.s32 v4;
	v4 =	vunpack.i.l.s16.s32 v4  }
0x51: {  	s21 =	sadd.s32 $0x2, s21;
	v7 =	vpack.i.b32.b16 v9, v7;
	v11 =	vld [tilespmem:s22+$0x70];
	[tilespmem:s20+$0xFFFFFFC0] =	vst v8;
	v8 =	vunpack.i.u.s16.s32 v6;
	v6 =	vunpack.i.l.s16.s32 v6  }
0x52: {  	p0 =	slt.u32 s21, $0x6;
	v9 =	vld [tilespmem:s22+$0x0];
	[tilespmem:s20+$0x40] =	vst v7;
	v4 =	vpack.i.b32.b16 v6, v4;
	v6 =	vunpack.i.u.s16.s32 v2;
	v2 =	vunpack.i.l.s16.s32 v2  }
0x53: {  	v7 =	vld [tilespmem:s22+$0xFFFFFE10];
	[tilespmem:s20+$0xFFFFFFD0] =	vst v4;
	v4 =	vpack.i.b32.b16 v8, v10;
	v8 =	vunpack.i.u.s16.s32 v3;
	v3 =	vunpack.i.l.s16.s32 v3  }
0x54: {  	v10 =	vld [tilespmem:s22+$0x10];
	v13 =	vunpack.i.u.s16.s32 v5;
	v5 =	vunpack.i.l.s16.s32 v5;
	[tilespmem:s20+$0x50] =	vst v4;
	v2 =	vpack.i.b32.b16 v3, v2  }
0x55: {  	v3 =	vld [tilespmem:s22+$0xFFFFFE20];
	v4 =	vunpack.i.l.s16.s32 v12;
	v1 =	vpack.i.b32.b16 v1, v5;
	v5 =	vpack.i.b32.b16 v0, v13;
	[tilespmem:s20+$0xFFFFFFE0] =	vst v2  }
0x56: {  	v12 =	vunpack.i.u.s16.s32 v12;
	v2 =	vld [tilespmem:s22+$0x20];
	v13 =	vunpack.i.u.s16.s32 v11;
	v11 =	vunpack.i.l.s16.s32 v11;
	[tilespmem:s20+$0xFFFFFF80] =	vst v1  }
0x57: {  	s20 =	sadd.s32 $0x100, s20;
	v0 =	vunpack.i.u.s16.s32 v9;
	v1 =	vunpack.i.l.s16.s32 v9;
	v9 =	vld [tilespmem:s22+$0xFFFFFE30];
	v12 =	vpack.i.b32.b16 v13, v12;
	[tilespmem:s19+$0x0] =	vst v5  }
0x58: {  	v6 =	vpack.i.b32.b16 v8, v6;
	v5 =	vunpack.i.u.s16.s32 v7;
	v7 =	vunpack.i.l.s16.s32 v7;
	v13 =	vld [tilespmem:s22+$0x30];
	[tilespmem:s20+$0x70] =	vst v12  }
0x59: {  	v4 =	vpack.i.b32.b16 v11, v4;
	v8 =	vunpack.i.u.s16.s32 v10;
	v10 =	vunpack.i.l.s16.s32 v10;
	v12 =	vld [tilespmem:s22+$0xFFFFFE40];
	[tilespmem:s19+$0x60] =	vst v6;
	s19 =	smov.u32 s20  }
0x5a: {  	v6 =	vpack.i.b32.b16 v10, v7;
	v7 =	vunpack.i.u.s16.s32 v3;
	v3 =	vunpack.i.l.s16.s32 v3;
	v11 =	vld [tilespmem:s22+$0x40];
	[tilespmem:s20+$0xFFFFFFF0] =	vst v4  }
.Ltmp4:
0x5b: {  	v5 =	vpack.i.b32.b16 v8, v5;
	[tilespmem:s20+$0xFFFFFF90] =	vst v6;
	v8 =	vunpack.i.u.s16.s32 v2;
	v2 =	vunpack.i.l.s16.s32 v2;
	v4 =	vld [tilespmem:s22+$0xFFFFFE50];
	(pc) =	sbr.rel @p0 .LBB1_5-.Ltmp4, $4  }
0x5c: {  	[tilespmem:s20+$0x10] =	vst v5;
	v2 =	vpack.i.b32.b16 v2, v3;
	v10 =	vunpack.i.u.s16.s32 v9;
	v3 =	vunpack.i.l.s16.s32 v9;
	v6 =	vld [tilespmem:s22+$0x50]  }
0x5d: {  	v5 =	vpack.i.b32.b16 v8, v7;
	[tilespmem:s20+$0xFFFFFFA0] =	vst v2;
	v9 =	vunpack.i.u.s16.s32 v13;
	v7 =	vunpack.i.l.s16.s32 v13;
	v2 =	vld [tilespmem:s22+$0xFFFFFE60]  }
0x5e: {  	[tilespmem:s20+$0x20] =	vst v5;
	v13 =	vpack.i.b32.b16 v7, v3;
	v7 =	vunpack.i.u.s16.s32 v12;
	v8 =	vunpack.i.l.s16.s32 v12;
	v3 =	vld [tilespmem:s22+$0x60]  }
0x5f: {  	v10 =	vpack.i.b32.b16 v9, v10;
	v5 =	vld [tilespmem:s22+$0xFFFFFE00];
	[tilespmem:s20+$0xFFFFFFB0] =	vst v13;
	v9 =	vunpack.i.u.s16.s32 v11;
	v11 =	vunpack.i.l.s16.s32 v11;
	s22 =	sadd.s32 $0x80, s22  }
0x60: {  	[tilespmem:s20+$0x30] =	vst v10;
	v8 =	vpack.i.b32.b16 v11, v8  }
0x61: {  	v51 =	vunpack.i.l.s16.s32 v4;
	v7 =	vpack.i.b32.b16 v9, v7;
	[tilespmem:s20+$0xFFFFFFC0] =	vst v8;
	v52 =	vunpack.i.l.s16.s32 v6  }
0x62: {  	v53 =	vunpack.i.u.s16.s32 v4;
	s18 =	sadd.s32 $0x1, s18;
	v54 =	vunpack.i.u.s16.s32 v6;
	[tilespmem:s20+$0x40] =	vst v7;
	v55 =	vpack.i.b32.b16 v52, v51  }
0x63: {  	p0 =	sne.s32 s18, s15;
	v56 =	vunpack.i.l.s16.s32 v2;
	v4 =	vpack.i.b32.b16 v54, v53;
	[tilespmem:s20+$0xFFFFFFD0] =	vst v55;
	v57 =	vunpack.i.l.s16.s32 v3  }
.Ltmp5:
0x64: {  	[tilespmem:s20+$0x50] =	vst v4;
	v58 =	vunpack.i.l.s16.s32 v5;
	v59 =	vpack.i.b32.b16 v57, v56;
	(pc) =	sbr.rel @p0 .LBB1_4-.Ltmp5, $4  }
.Ltmp6:
0x65: {  	v61 =	vunpack.i.u.s16.s32 v2;
	v62 =	vunpack.i.u.s16.s32 v3;
	v1 =	vpack.i.b32.b16 v1, v58;
	[tilespmem:s20+$0xFFFFFFE0] =	vst v59;
	(pc) =	sbr.rel @!p0 .LBB1_7-.Ltmp6, $4  }
0x66: {  	v60 =	vunpack.i.u.s16.s32 v5;
	v63 =	vpack.i.b32.b16 v62, v61;
	[tilespmem:s20+$0xFFFFFF80] =	vst v1  }
0x67: {  	v0 =	vpack.i.b32.b16 v0, v60;
	[tilespmem:s19+$0x60] =	vst v63  }
0x68: {  	s16 =	sadd.s32 $0x400, s16;
	s17 =	sadd.s32 $0x400, s17;
	[tilespmem:s19+$0x0] =	vst v0  }
0x69: {  	_ = 	snop  }
.LBB1_9:
0x6a: {  	_ =	sfence.sel $0x180000  }
0x6b: {  	s2 =	simm.s32 $0x1;
	[bflag:$0x0] =	sbarrier.arrive $0xFFFF  }
0x6c: {  	s31 =	simm.s32 $0x2;
	[sflag:s2] =	ssyncpa.u1 $0x1  }
0x6d: {  	[sflag:s31] =	ssyncpa.u1 $0x1  }
0x6e: {  	p0 =	sne.s32 s1, $0x0;
	_ =	strace $0x90000047  }
0x6f: {  	s0 =	sadd.s32 @!p0 $0x100000, s0;
	[bflag:$0x2] =	sbarrier.arrive $0xFFFF  }
0x70: {  	[sflag:s0] =	ssyncadd.tile.s32 @!p0 $0x1;
	_ =	shalt  }
.Lfunc_end1:
_tile_overlayer_lowered:
.L_overlay_start_2:
0x71: {  	(tag) =	ssettag $0x2  }
0x72: {  	s0 =	rddreg [dreg:$0x0];
	s2 =	stileid.u32  }
0x73: {  	s1 =	rddreg [dreg:$0x1];
	p0 =	sne.s32 s2, $0x0  }
0x74: {  	s3 =	rddreg [dreg:$0x2];
	[bflag:$0x3] =	sbarrier.arrive $0xFFFF;
	s2 =	simm.s32 @!p0 $0x1C01  }
0x75: {  	[timem:s3], [sflag:s2] =	dma.local @!p0 [hbm:s0], s1  }
0x76: {  	s0 =	simm.s32 @!p0 $0x1  }
0x77: {  	_ =	swait.ge @!p0 [sflag:s0], s1  }
0x78: {  	s1 =	ssub.s32 @!p0 $0x0, s1;
	[sflag:s0] =	ssyncset.done @!p0 $0x0  }
0x79: {  	[sflag:s0] =	ssyncadd.s32 @!p0 s1  }
0x7a: {  	[bflag:$0x3] =	sbarrier.arrive $0xFFFF  }
0x7b: {  	_ =	shalt  }

// kernel: sparse-core-data-format-call.cloned.1.call-start
scs
called_computation_lowered:
.L_overlay_start_0:
0x0: {  	s2 =	sld [smem:$0x3FD9]  }
0x1: {  	s3 =	sld [smem:$0x3FFE];
	_ =	sdelay $0x1  }
0x2: {  	s1 =	srdreg.scid  }
0x3: {  	s0 =	sand.u32 $0x1, s1  }
0x4: {  	s18 =	sshll.u32 s0, $0xA;
	s2 =	sadd.s32 s3, s2  }
0x5: {  	s2 =	sadd.s32 s2, s18  }
0x6: {  	[smem:$0x3FC6] =	sst s2  }
0x7: {  	_ = 	snop  }
0x8: {  	s2 =	sld [smem:$0x3FD0];
	(tm) =	ssettm $0x1  }
0x9: {  	s19 =	sld [smem:$0x3FFB];
	_ =	sdelay $0x3  }
0xa: {  	_ =	strace s19  }
0xb: {  	s3 =	sld [smem:$0x3FFC];
	_ =	sdelay $0x3  }
0xc: {  	_ =	strace s3  }
0xd: {  	s3 =	sld [smem:$0x3FFD];
	_ =	sdelay $0x3  }
0xe: {  	_ =	strace s3  }
0xf: {  	_ =	strace $0x8FFFFFFF  }
0x10: {  	s20 =	sld [smem:$0x3FDB];
	_ =	sdelay $0x1  }
0x11: {  	s4 =	simm.s32 $_scs_section_size  }
0x12: {  	s5 =	simm.s32 $_size__tile_overlayer_lowered;
	s6 =	simm.s32 $_tile_overlayer_lowered  }
0x13: {  	s23 =	simm.s32 $0x1BFF;
	s22 =	sshll.u32 s6, $0x1;
	s3 =	sadd.s32 s4, s20  }
0x14: {  	s7 =	simm.s32 $0x0;
	s21 =	sshll.u32 s5, $0x1;
	s5 =	sadd.s32 s22, s3  }
0x15: {  	[timem:s7], [sflag:s23] =	dma.local [hbm:s5], s21  }
0x16: {  	_ =	swait.ge [sflag:s23], s21  }
0x17: {  	s4 =	ssub.s32 $0x0, s21;
	[sflag:s23] =	ssyncset.done $0x0  }
0x18: {  	[sflag:s23] =	ssyncadd.s32 s4;
	_ =	sdelay $0x1  }
0x19: {  	s24 =	simm.s32 $0x1B8B  }
0x1a: {  	_ =	swait.ge [sflag:s24], $0x1  }
0x1b: {  	[sflag:s24] =	ssyncset.done $0x0  }
0x1c: {  	s26 =	simm.s32 $0x1B8E;
	s25 =	sld [smem:$0x3FFE];
	[sflag:s24] =	ssyncadd.s32 $0xFFFFFFFF  }
0x1d: {  	s27 =	simm.s32 $execute0_lowered;
	[smem:$0x3FD2] =	sst s26  }
0x1e: {  	s5 =	sshll.u32 s27, $0x1;
	_ =	strace $0x8000004C;
	[dreg:$0x1] =	wrdreg $0xFFFFFFFF  }
0x1f: {  	s28 =	simm.s32 $_size_execute0_lowered;
	s3 =	sadd.s32 s3, s5;
	[dreg:$0x0] =	wrdreg $0x0  }
0x20: {  	s5 =	sshll.u32 s28, $0x1;
	[dreg:$0x2] =	wrdreg s3  }
0x21: {  	[dreg:$0x3] =	wrdreg s5  }
0x22: {  	[dreg:$0x4] =	wrdreg $0xC0  }
0x23: {  	_ =	task [dreg:s7], $0x5FFFF  }
0x24: {  	[dreg:$0x1] =	wrdreg $0xFFFFFFFF  }
0x25: {  	[dreg:$0x0] =	wrdreg $0x60  }
0x26: {  	[dreg:$0x2] =	wrdreg s25  }
0x27: {  	[dreg:$0x3] =	wrdreg s2  }
0x28: {  	[dreg:$0x4] =	wrdreg $0x9  }
0x29: {  	_ =	task.clear_ibuf [dreg:s7], $0x5FFFF;
	_ =	strace $0x9000004C  }
0x2a: {  	s29 =	simm.s32 $0x9;
	_ =	strace $0x8000004E  }
0x2b: {  	_ =	swait.ge [sflag:s29], $0x1  }
0x2c: {  	[sflag:s29] =	ssyncadd.s32 $0xFFFFFFFF  }
0x2d: {  	_ =	strace $0x9000004E  }
0x2e: {  	_ =	sfence  }
0x2f: {  	s30 =	sld [smem:$0x0];
	_ =	sdelay $0x2  }
0x30: {  	s31 =	sshll.u32 s1, $0xD;
	s1 =	sshrl.u32 s1, $0x2  }
0x31: {  	s3 =	sand.u32 $0x4000, s31;
	s1 =	sadd.s32 s1, s30  }
0x32: {  	s0 =	sor.u32 s3, s0;
	s1 =	sshll.u32 s1, $0x11  }
0x33: {  	s0 =	sor.u32 s1, s0  }
0x34: {  	s0 =	sadd.s32 $0x8F2B, s0  }
0x35: {  	[sflag:s0] =	ssyncadd.remote.s32 $0x1  }
0x36: {  	_ =	sfence.sel $0xFFFF  }
0x37: {  	[dreg:$0x0] =	wrdreg $0xFFFFFFFF;
	(pc) =	sbr.abs _section_cstart, $3  }
0x38: {  	[dreg:$0x1] =	wrdreg $0xFFFFFFFF  }
0x39: {  	_ =	task.clear_ibuf [dreg:s7], $0x2FFFF;
	_ =	strace $0x9FFFFFFF  }
0x3a: {  	(tm) =	ssettm $0x7FFFFFFF  }
0x3b: {  	_ =	shalt  }
tec
execute0_lowered:
.L_overlay_start_1:
0x0: {  	(tag) =	ssettag $0x1  }
0x1: {  	s0 =	srdreg.scid  }
0x2: {  	s1 =	sshll.u32 s0, $0x4  }
0x3: {  	s0 =	stileid.u32;
	s1 =	sand.u32 $0x10, s1  }
0x4: {  	s1 =	sor.u32 s0, s1  }
0x5: {  	s6 =	rddreg [dreg:$0x0];
	s4 =	simm.s32 $0x1;
	s2 =	sshll.u32 s1, $0x7  }
0x6: {  	s7 =	simm.s32 $0x2;
	s12 =	simm.s32 $0x0;
	s1 =	ssub.s32 $0x4000, s2  }
0x7: {  	s8 =	simm.s32 $0x20000;
	s13 =	simm.s32 $0x0;
	s3 =	sand.u32 $0xF80, s1  }
0x8: {  	s9 =	simm.s32 $0x0;
	s5 =	sshrl.u32 s1, $0xC;
	p0 =	sne.s32 s3, $0x0  }
.Ltmp0:
0x9: {  	s1 =	rddreg [dreg:$0x2];
	s4 =	simm.s32 @!p0 $0x0;
	(pc) =	sbr.rel .LBB1_1-.Ltmp0, $4  }
0xa: {  	s11 =	simm.s32 $0x0;
	s3 =	rddreg [dreg:$0x1];
	s5 =	sadd.s32 s4, s5  }
0xb: {  	_ =	strace $0x8000004D;
	s4 =	simm.s32 $0x1;
	s5 =	smul.u32 $0x1A, s5  }
0xc: {  	s6 =	sadd.s32 $0xE00, s6;
	s10 =	smov.u32 s2;
	[sflag:s4] =	ssyncpa.u1 $0x0  }
0xd: {  	p0 =	por $0x0, $0x0;
	[sflag:s7] =	ssyncpa.u1 $0x0;
	s7 =	sor.u32 $0x1, s5  }
.LBB1_4:
0xe: {  	s16 =	sshll.u32 s13, $0x3;
	s17 =	sand.u32 $0x78, s13  }
0xf: {  	s30 =	sand.u32 $0xF800, s13;
	s12 =	sshll.u32 s12, $0x10;
	s16 =	sand.u32 $0x3C00, s16  }
0x10: {  	s31 =	sand.u32 $0x7, s13;
	s16 =	sor.u32 s17, s16;
	s17 =	sadd.s32 s3, s30  }
0x11: {  	s13 =	sshll.u32 s31, $0x12;
	s16 =	sshrl.u32 s16, $0x3;
	s12 =	sadd.s32 s12, s17  }
0x12: {  	[tilespmem:s15+$0x0 ss:$0x81] =	vst.msk $0xffff, v0;
	s13 =	sor.u32 $0x400, s13;
	s12 =	sadd.s32 s16, s12  }
0x13: {  	[hbm4b:s12+s13] =	stream.strided.scatter [tilespmem:s14], [sflag:$0x2], $0x1000, s8, s13, $0x20;
	[tilespmem:$0x4040] =	vst v63  }
.LBB1_5:
0x14: {  	s14 =	sadd.s32 $0x1, s9  }
0x15: {  	s12 =	sadd.s32 $0x1000, s10;
	s16 =	smov.u32 s10;
	p2 =	sgt.s32 s14, $0x19  }
0x16: {  	s16 =	smov.u32 @p2 s12  }
0x17: {  	s14 =	simm.s32 @p2 $0x0;
	p2 =	sgt.s32 s16, $0x3FFF  }
0x18: {  	s16 =	smov.u32 @p2 s2;
	p2 =	sne.s32 s11, s7  }
.Ltmp1:
0x19: {  	p1 =	slt.u32 s11, $0x2;
	(pc) =	sbr.rel @!p2 .LBB1_6-.Ltmp1, $4  }
0x1a: {  	s15 =	simm.s32 @!p1 $0x2  }
0x1b: {  	s13 =	smov.u32 s10;
	p0 =	por !p0, !p0;
	_ =	swait.ge @!p1 [sflag:s15], $0x1000  }
0x1c: {  	s12 =	smov.u32 s9;
	[sflag:s15] =	ssyncset.done @!p1 $0x0;
	s9 =	smov.u32 s14  }
0x1d: {  	s11 =	sadd.s32 $0x1, s11;
	[sflag:s15] =	ssyncadd.s32 @!p1 $0xFFFFF000;
	s10 =	smov.u32 s16  }
.LBB1_1:
0x1e: {  	p1 =	sge.u32 s11, s5  }
0x1f: {  	s31 =	sadd.s32 $0xFFFFFFFF, s11;
	s14 =	sxor.u32 @!p1 $0xFFFFFFFF, s11  }
0x20: {  	s15 =	sshll.u32 @!p1 s10, $0x9;
	s16 =	sshll.u32 @!p1 s9, $0x4;
	s17 =	simm.s32 @!p1 $0x1000  }
0x21: {  	s14 =	sshll.u32 @!p1 s14, $0xC;
	s16 =	sand.u32 @!p1 $0x1F0, s16;
	s15 =	sadd.s32 @!p1 s6, s15  }
0x22: {  	s14 =	sand.u32 @!p1 $0x1000, s14;
	s15 =	sadd.s32 @!p1 s16, s15;
	s16 =	simm.s32 @!p1 $0x20  }
0x23: {  	[tilespmem:s14], [sflag:$0x1] =	stream.strided.gather @!p1 [hbm4b:s15+s16], $0x1000, s17, s16, $0x38;
	[tilespmem:$0x4040] =	vst v63  }
0x24: {  	p1 =	sge.u32 s31, s5  }
.Ltmp2:
0x25: {  	_ = 	snop;
	(pc) =	sbr.rel @p1 .LBB1_5-.Ltmp2, $1  }
0x26: {  	_ =	sdelay $0x3  }
0x27: {  	s14 =	simm.s32 $0x1  }
0x28: {  	_ =	swait.ge [sflag:s4], $0x1000;
	s14 =	simm.s32 @!p0 $0x0  }
0x29: {  	[sflag:s4] =	ssyncset.done $0x0;
	s15 =	sshll.u32 s14, $0xC  }
0x2a: {  	[sflag:s4] =	ssyncadd.s32 $0xFFFFF000;
	s18 =	sor.u32 $0x10, s15  }
0x2b: {  	s14 =	smul.u32 $0x4080, s14;
	v1 =	vld [tilespmem:s18+$0x0]  }
0x2c: {  	s30 =	sand.u32 $0x1, s11;
	v0 =	vld [tilespmem:s18+$0xFFFFFFF0]  }
0x2d: {  	s15 =	smul.u32 $0x4080, s30;
	s14 =	sshrl.u32 s14, $0x2  }
0x2e: {  	s16 =	sor.u32 $0x2000, s14  }
0x2f: {  	s31 =	sshrl.u32 s15, $0x2;
	s15 =	sadd.s32 $0x0, s16  }
0x30: {  	s17 =	simm.s32 $0x4;
	s18 =	sadd.s32 $0x20, s18;
	s14 =	sor.u32 $0x2000, s31;
	[tilespmem:s15+$0x810 ss:$0x81] =	vst.msk $0xffff, v1  }
.LBB1_3:
0x31: {  	v1 =	vld [tilespmem:s18+$0x0];
	p1 =	sne.s32 s17, $0x1FC;
	[tilespmem:s15+$0x0 ss:$0x81] =	vst.msk $0xffff, v0;
	s15 =	smov.u32 s17;
	s17 =	sadd.s32 $0x4, s17  }
.Ltmp3:
0x32: {  	v0 =	vld [tilespmem:s18+$0xFFFFFFF0];
	(pc) =	sbr.rel @p1 .LBB1_3-.Ltmp3, $4  }
0x33: {  	_ = 	snop  }
0x34: {  	s15 =	sshra.s32 s15, $0x2  }
0x35: {  	s15 =	sadd.s32 s15, s16  }
0x36: {  	s18 =	sadd.s32 $0x20, s18;
	[tilespmem:s15+$0x810 ss:$0x81] =	vst.msk $0xffff, v1  }
.Ltmp4:
0x37: {  	_ = 	snop;
	(pc) =	sbr.rel .LBB1_4-.Ltmp4, $1  }
0x38: {  	_ =	sdelay $0x3  }
.LBB1_6:
0x39: {  	_ =	sfence.sel $0x180000  }
0x3a: {  	s2 =	simm.s32 $0x1;
	[bflag:$0x0] =	sbarrier.arrive $0xFFFF  }
0x3b: {  	s31 =	simm.s32 $0x2;
	[sflag:s2] =	ssyncpa.u1 $0x1  }
0x3c: {  	[sflag:s31] =	ssyncpa.u1 $0x1  }
0x3d: {  	p0 =	sne.s32 s0, $0x0;
	_ =	strace $0x9000004D  }
0x3e: {  	s0 =	sadd.s32 @!p0 $0x100000, s1;
	[bflag:$0x2] =	sbarrier.arrive $0xFFFF  }
0x3f: {  	[sflag:s0] =	ssyncadd.tile.s32 @!p0 $0x1;
	_ =	shalt  }
.Lfunc_end1:
_tile_overlayer_lowered:
.L_overlay_start_2:
0x40: {  	(tag) =	ssettag $0x2  }
0x41: {  	s0 =	rddreg [dreg:$0x0];
	s2 =	stileid.u32  }
0x42: {  	s1 =	rddreg [dreg:$0x1];
	p0 =	sne.s32 s2, $0x0  }
0x43: {  	s3 =	rddreg [dreg:$0x2];
	[bflag:$0x3] =	sbarrier.arrive $0xFFFF;
	s2 =	simm.s32 @!p0 $0x1C01  }
0x44: {  	[timem:s3], [sflag:s2] =	dma.local @!p0 [hbm:s0], s1  }
0x45: {  	s0 =	simm.s32 @!p0 $0x1  }
0x46: {  	_ =	swait.ge @!p0 [sflag:s0], s1  }
0x47: {  	s1 =	ssub.s32 @!p0 $0x0, s1;
	[sflag:s0] =	ssyncset.done @!p0 $0x0  }
0x48: {  	[sflag:s0] =	ssyncadd.s32 @!p0 s1  }
0x49: {  	[bflag:$0x3] =	sbarrier.arrive $0xFFFF  }
0x4a: {  	_ =	shalt  }

</sc_bundles>
